<compile_context>
chip_gen: v7x
topology: tpu7x:2x2x1
jax: 0.10.2.dev20260603
libtpu: 0.0.44.dev20260713+nightly
codegen_flags: <defaults>
</compile_context>

<pallas_src>
import functools

import jax
import jax.numpy as jnp
from jax import lax
from jax.experimental import pallas as pl
from jax.experimental.pallas import tpu as pltpu
from jax.experimental.pallas import tpu_sc as plsc

N_NODES = 10000
N_EDGES = 320000
D = 128
DE = 16
N_SUP = 2048

NC = 2
NS = 16
NT = NC * NS
CHUNK = 128
NCH = 79
EPT = NCH * CHUNK
NE_PAD = NT * EPT
ACC = 10112
ACCD = 10240
ZROWS = ACC // NS
SUP_T = N_SUP // NT

_f32 = jnp.float32
_i32 = jnp.int32


def _mesh():
    return plsc.VectorSubcoreMesh(core_axis_name="c", subcore_axis_name="s",
                                  num_cores=NC, num_subcores=NS)



def _sc_deg(dstp, ones_v, zvec):
    @functools.partial(
        pl.kernel,
        out_type=jax.ShapeDtypeStruct((NC, ACCD), _f32),
        mesh=_mesh(),
        scratch_types=[
            pltpu.VMEM((NCH, CHUNK), _i32),
            pltpu.VMEM((CHUNK,), _f32),
            pltpu.VMEM((640,), _f32),
            pltpu.VMEM((640,), _f32),
            pltpu.VMEM_SHARED((ACCD,), _f32),
        ],
    )
    def body(dst_h, ones_h, z_h, out_h, dstv, onesv, zv, degv, deg_s):
        c = lax.axis_index("c")
        s = lax.axis_index("s")
        t = c * NS + s
        pltpu.sync_copy(dst_h.at[t], dstv)
        pltpu.sync_copy(ones_h, onesv)
        pltpu.sync_copy(z_h, zv)
        pltpu.sync_copy(zv, deg_s.at[pl.ds(s * 640, 640)])
        plsc.subcore_barrier()

        def step(j, carry):
            pltpu.sync_copy(onesv, deg_s.at[dstv.at[j]], add=True)
            return carry

        lax.fori_loop(0, NCH, step, 0)
        plsc.subcore_barrier()
        pltpu.sync_copy(deg_s.at[pl.ds(s * 640, 640)], degv)
        pltpu.sync_copy(degv, out_h.at[c, pl.ds(s * 640, 640)])

    return body(dstp, ones_v, zvec)



def _tc_emb(x, W_emb, degp):
    def body(x_ref, w_ref, degp_ref, h2_ref, isd_ref):
        deg = degp_ref[0, :] + degp_ref[1, :]
        isd = lax.rsqrt(jnp.maximum(deg, 1.0))
        isd_ref[...] = isd
        h = jnp.dot(x_ref[...], w_ref[...], preferred_element_type=_f32)
        h2_ref[...] = h * isd[:N_NODES][:, None]

    return pl.pallas_call(
        body,
        out_shape=[
            jax.ShapeDtypeStruct((N_NODES, D), _f32),
            jax.ShapeDtypeStruct((ACCD,), _f32),
        ],
    )(x, W_emb, degp)



def _sc_isdsrc(isd, srcp):
    @functools.partial(
        pl.kernel,
        out_type=jax.ShapeDtypeStruct((NT, NCH, CHUNK), _f32),
        mesh=_mesh(),
        scratch_types=[
            pltpu.VMEM((NCH, CHUNK), _i32),
            pltpu.VMEM((NCH, CHUNK), _f32),
            pltpu.VMEM((ACCD,), _f32),
            pltpu.VMEM_SHARED((ACCD,), _f32),
            pltpu.SemaphoreType.DMA,
        ],
    )
    def body(isd_h, src_h, out_h, srcv, isdall, isdv, isd_s, sem):
        c = lax.axis_index("c")
        s = lax.axis_index("s")
        t = c * NS + s
        pltpu.sync_copy(src_h.at[t], srcv)

        @pl.when(s == 0)
        def _():
            pltpu.sync_copy(isd_h, isdv)
            pltpu.sync_copy(isdv, isd_s)

        plsc.subcore_barrier()
        done = 0
        for b in range((NCH + 7) // 8):
            k = min(8, NCH - done)
            descs = [
                pltpu.async_copy(isd_s.at[srcv.at[done + i]],
                                 isdall.at[done + i], sem)
                for i in range(k)
            ]
            for d in descs:
                d.wait()
            done += k
        pltpu.sync_copy(isdall, out_h.at[t])

    return body(isd, srcp)


def _sc_aggH(h2, srcp, dstp, zH):
    @functools.partial(
        pl.kernel,
        out_type=jax.ShapeDtypeStruct((NC, ACC, D), _f32),
        mesh=_mesh(),
        scratch_types=[
            pltpu.VMEM((NCH, CHUNK), _i32),
            pltpu.VMEM((NCH, CHUNK), _i32),
            pltpu.VMEM((CHUNK, D), _f32),
            pltpu.VMEM_SHARED((ACC, D), _f32),
            pltpu.SemaphoreType.DMA,
        ],
    )
    def body(h2_h, src_h, dst_h, zH_h, aggH_o,
             srcv, dstv, hrows, aggH_s, sem):
        c = lax.axis_index("c")
        s = lax.axis_index("s")
        t = c * NS + s
        pltpu.sync_copy(src_h.at[t], srcv)
        pltpu.sync_copy(dst_h.at[t], dstv)
        pltpu.sync_copy(zH_h, aggH_s.at[pl.ds(s * ZROWS, ZROWS)])
        plsc.subcore_barrier()

        def step(j, carry):
            pltpu.async_copy(h2_h.at[srcv.at[j]], hrows, sem).wait()
            pltpu.sync_copy(hrows, aggH_s.at[dstv.at[j]], add=True)
            return carry

        lax.fori_loop(0, NCH, step, 0)
        plsc.subcore_barrier()
        pltpu.sync_copy(aggH_s.at[pl.ds(s * ZROWS, ZROWS)],
                        aggH_o.at[c, pl.ds(s * ZROWS, ZROWS)])

    return body(h2, srcp, dstp, zH)


def _tc_scale(eap, isdsrc):
    G = 64
    RB = NE_PAD // G

    def body(ea_ref, s_ref, out_ref):
        out_ref[...] = ea_ref[...] * s_ref[...]

    return pl.pallas_call(
        body,
        grid=(G,),
        in_specs=[
            pl.BlockSpec((RB, DE), lambda i: (i, 0)),
            pl.BlockSpec((RB, 1), lambda i: (i, 0)),
        ],
        out_specs=pl.BlockSpec((RB, DE), lambda i: (i, 0)),
        out_shape=jax.ShapeDtypeStruct((NE_PAD, DE), _f32),
    )(eap, isdsrc.reshape(NE_PAD, 1))


def _sc_agg16(ea2p, dstp, z16):
    @functools.partial(
        pl.kernel,
        out_type=jax.ShapeDtypeStruct((NC, ACC, DE), _f32),
        mesh=_mesh(),
        scratch_types=[
            pltpu.VMEM((NCH, CHUNK), _i32),
            pltpu.VMEM((CHUNK, DE), _f32),
            pltpu.VMEM_SHARED((ACC, DE), _f32),
            pltpu.SemaphoreType.DMA,
        ],
    )
    def body(ea2_h, dst_h, z16_h, agg16_o, dstv, eav, agg16_s, sem):
        c = lax.axis_index("c")
        s = lax.axis_index("s")
        t = c * NS + s
        pltpu.sync_copy(dst_h.at[t], dstv)
        pltpu.sync_copy(z16_h, agg16_s.at[pl.ds(s * ZROWS, ZROWS)])
        plsc.subcore_barrier()
        base = t * EPT

        def step(j, carry):
            pltpu.sync_copy(ea2_h.at[pl.ds(base + j * CHUNK, CHUNK)], eav)
            pltpu.sync_copy(eav, agg16_s.at[dstv.at[j]], add=True)
            return carry

        lax.fori_loop(0, NCH, step, 0)
        plsc.subcore_barrier()
        pltpu.sync_copy(agg16_s.at[pl.ds(s * ZROWS, ZROWS)],
                        agg16_o.at[c, pl.ds(s * ZROWS, ZROWS)])

    return body(ea2p, dstp, z16)



def _tc_node(aggHp, agg16p, isd, W_edge, W_gcn, b_gcn):
    def body(aggH_ref, agg16_ref, isd_ref, we_ref, wg_ref, b_ref, out_ref):
        aggH = aggH_ref[0, :N_NODES] + aggH_ref[1, :N_NODES]
        agg16 = agg16_ref[0, :N_NODES] + agg16_ref[1, :N_NODES]
        wg = wg_ref[...]
        wec = jnp.dot(we_ref[...], wg, preferred_element_type=_f32)
        tt = (jnp.dot(aggH, wg, preferred_element_type=_f32) +
              jnp.dot(agg16, wec, preferred_element_type=_f32))
        isd = isd_ref[...][:N_NODES]
        out_ref[...] = jnp.maximum(
            tt * isd[:, None] + b_ref[...][None, :], 0.0)

    return pl.pallas_call(
        body,
        out_shape=jax.ShapeDtypeStruct((N_NODES, D), _f32),
    )(aggHp, agg16p, isd, W_edge, W_gcn, b_gcn)



def _sc_sup(node_emb, sup4):
    @functools.partial(
        pl.kernel,
        out_type=jax.ShapeDtypeStruct((4, N_SUP, D), _f32),
        mesh=_mesh(),
        scratch_types=[
            pltpu.VMEM((SUP_T,), _i32),
            pltpu.VMEM((SUP_T, D), _f32),
            pltpu.SemaphoreType.DMA,
        ],
    )
    def body(ne_h, sup_h, out_h, idxv, rows, sem):
        c = lax.axis_index("c")
        s = lax.axis_index("s")
        t = c * NS + s
        for k in range(4):
            pltpu.sync_copy(sup_h.at[k, t], idxv)
            pltpu.async_copy(ne_h.at[idxv], rows, sem).wait()
            pltpu.sync_copy(rows, out_h.at[k, pl.ds(t * SUP_T, SUP_T)])

    return body(node_emb, sup4)



def _tc_loss(rows4):
    def body(r_ref, out_ref):
        ps = jnp.sum(r_ref[0] * r_ref[1], axis=1)
        ns = jnp.sum(r_ref[2] * r_ref[3], axis=1)

        def sp(v):
            return jnp.maximum(v, 0.0) + jnp.log1p(jnp.exp(-jnp.abs(v)))

        loss = jnp.mean(sp(-ps)) + jnp.mean(sp(ns))
        out_ref[...] = jnp.broadcast_to(loss, (1, D))

    return pl.pallas_call(
        body,
        out_shape=jax.ShapeDtypeStruct((1, D), _f32),
    )(rows4)


def kernel(x, edge_attr, W_emb, W_edge, W_gcn, b_gcn, edge_index,
           pos_sup_edge_index, neg_sup_edge_index):
    src = edge_index[0]
    dst = edge_index[1]
    npad = NE_PAD - N_EDGES
    dstp = jnp.concatenate([dst, jnp.full((npad,), N_NODES, _i32)]).reshape(NT, NCH, CHUNK)
    srcp = jnp.concatenate([src, jnp.zeros((npad,), _i32)]).reshape(NT, NCH, CHUNK)
    eap = jnp.concatenate([edge_attr, jnp.zeros((npad, DE), _f32)])
    sup4 = jnp.concatenate([pos_sup_edge_index, neg_sup_edge_index]).reshape(4, NT, SUP_T)
    ones_v = jnp.ones((CHUNK,), _f32)
    zvec = jnp.zeros((640,), _f32)
    zH = jnp.zeros((ZROWS, D), _f32)
    z16 = jnp.zeros((ZROWS, DE), _f32)

    degp = _sc_deg(dstp, ones_v, zvec)
    h2, isd = _tc_emb(x, W_emb, degp)
    isdsrc = _sc_isdsrc(isd, srcp)
    aggHp = _sc_aggH(h2, srcp, dstp, zH)
    ea2p = _tc_scale(eap, isdsrc.reshape(NE_PAD))
    agg16p = _sc_agg16(ea2p, dstp, z16)
    node_emb = _tc_node(aggHp, agg16p, isd, W_edge, W_gcn, b_gcn)
    rows4 = _sc_sup(node_emb, sup4)
    loss = _tc_loss(rows4)
    return loss[0, 0]

# --- scband reference (transcript-rebuilt; emitter-appended) ---
"""Pipeline reference for scband-meta-pre-43490838839343 (READ-ONLY COPY).

The authoritative reference and input builder live on the scoring server;
editing this copy changes nothing except your own understanding.
"""

import jax, jax.numpy as jnp
import numpy as np

N_NODES = 10000
N_EDGES = 320000
D_FEAT = 128
EMB_DIM = 128
D_EDGE = 16
N_SUP = 2048


def setup_inputs(seed: int = 0) -> dict:
    key = jax.random.key(seed)
    ks = jax.random.split(key, 10)
    x = jax.random.normal(ks[0], (N_NODES, D_FEAT), dtype=jnp.float32)
    edge_index = jax.random.randint(ks[1], (2, N_EDGES), 0, N_NODES, dtype=jnp.int32)
    edge_attr = jax.random.normal(ks[2], (N_EDGES, D_EDGE), dtype=jnp.float32)
    pos_sup_edge_index = jax.random.randint(ks[3], (2, N_SUP), 0, N_NODES, dtype=jnp.int32)
    neg_sup_edge_index = jax.random.randint(ks[4], (2, N_SUP), 0, N_NODES, dtype=jnp.int32)
    # learned parameters
    W_emb = jax.random.normal(ks[5], (D_FEAT, EMB_DIM), dtype=jnp.float32) * 0.05  # EmbInitial
    W_edge = jax.random.normal(ks[6], (D_EDGE, EMB_DIM), dtype=jnp.float32) * 0.05  # edge-attr encoder in MetaGCN
    W_gcn = jax.random.normal(ks[7], (EMB_DIM, EMB_DIM), dtype=jnp.float32) * 0.05  # GCN linear
    b_gcn = jnp.zeros((EMB_DIM,), dtype=jnp.float32)
    return {
        "x": x,
        "edge_attr": edge_attr,
        "W_emb": W_emb,
        "W_edge": W_edge,
        "W_gcn": W_gcn,
        "b_gcn": b_gcn,
        "edge_index": edge_index,
        "pos_sup_edge_index": pos_sup_edge_index,
        "neg_sup_edge_index": neg_sup_edge_index,
    }


def reference(x, edge_attr, W_emb, W_edge, W_gcn, b_gcn, edge_index,
              pos_sup_edge_index, neg_sup_edge_index):
    # emb_initial: project raw node features to emb_dim
    h = x @ W_emb
    src = edge_index[0]
    dst = edge_index[1]
    # symmetric GCN normalization
    deg = jax.ops.segment_sum(jnp.ones((N_EDGES,), dtype=jnp.float32), dst,
                              num_segments=N_NODES)
    inv_sqrt_deg = 1.0 / jnp.sqrt(jnp.clip(deg, 1.0, None))
    norm = inv_sqrt_deg[src] * inv_sqrt_deg[dst]
    # message = gathered src embedding + edge-attr embedding, normalized
    edge_emb = edge_attr @ W_edge
    msg = (jnp.take(h, src, axis=0) + edge_emb) * norm[:, None]
    # scatter-add aggregation over destination nodes
    agg = jax.ops.segment_sum(msg, dst, num_segments=N_NODES)
    node_emb = jax.nn.relu(agg @ W_gcn + b_gcn)
    # link-prediction scores on support edges (inner-loop objective)
    pos_score = jnp.sum(jnp.take(node_emb, pos_sup_edge_index[0], axis=0) *
                        jnp.take(node_emb, pos_sup_edge_index[1], axis=0), axis=1)
    neg_score = jnp.sum(jnp.take(node_emb, neg_sup_edge_index[0], axis=0) *
                        jnp.take(node_emb, neg_sup_edge_index[1], axis=0), axis=1)
    # BCEWithLogitsLoss(pos, 1) + BCEWithLogitsLoss(neg, 0)
    loss = jnp.mean(jax.nn.softplus(-pos_score)) + jnp.mean(jax.nn.softplus(neg_score))
    return loss

if __name__ == "__main__":
    import jax
    _d = setup_inputs()
    print(jax.jit(kernel)(*tuple(_d.values())))

</pallas_src>

<mosaic_0001>
#map = affine_map<(d0, d1) -> (0, 0)>
#map1 = affine_map<(d0, d1) -> (0, 0, 0)>
module attributes {stable_mosaic.version = 14 : i64} {
  func.func @body(%arg0: i32, %arg1: i32, %arg2: memref<10000x128xf32, #tpu.memory_space<hbm>>, %arg3: memref<32x79x128xi32, #tpu.memory_space<hbm>>, %arg4: memref<32x79x128xi32, #tpu.memory_space<hbm>>, %arg5: memref<632x128xf32, #tpu.memory_space<hbm>>, %arg6: memref<2x10112x128xf32, #tpu.memory_space<hbm>>, %arg7: memref<79x128xi32, #tpu.memory_space<vmem>>, %arg8: memref<79x128xi32, #tpu.memory_space<vmem>>, %arg9: memref<128x128xf32, #tpu.memory_space<vmem>>, %arg10: memref<10112x128xf32, #tpu.memory_space<vmem_shared>>, %arg11: memref<!tpu.dma_semaphore, #tpu.memory_space<semaphore_mem>>) attributes {dimension_semantics = [#tpu.dimension_semantics<core_parallel>, #tpu.dimension_semantics<subcore_parallel>], iteration_bounds = array<i64: 2, 16>, scalar_prefetch = 0 : i64, scratch_operands = 5 : i64, tpu.core_type = #tpu.core_type<sc_vector_subcore>, window_params = [{transform_indices = #map}, {transform_indices = #map1}, {transform_indices = #map1}, {transform_indices = #map}, {transform_indices = #map1}]} {
    %mul3A = arith.constant 16 : i32
    %mul3A_0 = arith.muli %arg0, %mul3A : i32
    %add3A = arith.addi %mul3A_0, %arg1 : i32
    "tpu.region"() ({
      %run_scoped3A = tpu.sem_alloc : memref<!tpu.dma_semaphore, #tpu.memory_space<semaphore_mem>>
      %dma_start3A = arith.constant 0 : i32
      %dma_start3A_13 = arith.constant 0 : i32
      %dma_start3A_14 = tpu.memref_slice %arg3[%add3A, %dma_start3A, %dma_start3A_13] : memref<32x79x128xi32, #tpu.memory_space<hbm>> -> memref<1x79x128xi32, #tpu.memory_space<hbm>>
      %dma_start3A_15 = tpu.memref_squeeze %dma_start3A_14 : memref<1x79x128xi32, #tpu.memory_space<hbm>> -> memref<79x128xi32, #tpu.memory_space<hbm>>
      %dma_start3A_16 = arith.constant 0 : i32
      %dma_start3A_17 = arith.constant 0 : i32
      %dma_start3A_18 = tpu.memref_slice %arg3[%add3A, %dma_start3A_16, %dma_start3A_17] : memref<32x79x128xi32, #tpu.memory_space<hbm>> -> memref<1x79x128xi32, #tpu.memory_space<hbm>>
      %dma_start3A_19 = tpu.memref_squeeze %dma_start3A_18 : memref<1x79x128xi32, #tpu.memory_space<hbm>> -> memref<79x128xi32, #tpu.memory_space<hbm>>
      tpu.enqueue_dma source(%dma_start3A_19 : memref<79x128xi32, #tpu.memory_space<hbm>>) target(%arg7 : memref<79x128xi32, #tpu.memory_space<vmem>>) target_semaphore(%run_scoped3A : memref<!tpu.dma_semaphore, #tpu.memory_space<semaphore_mem>>)
      %dma_wait3A = arith.constant 0 : i32
      %dma_wait3A_20 = arith.constant 0 : i32
      %dma_wait3A_21 = tpu.memref_slice %arg3[%add3A, %dma_wait3A, %dma_wait3A_20] : memref<32x79x128xi32, #tpu.memory_space<hbm>> -> memref<1x79x128xi32, #tpu.memory_space<hbm>>
      %dma_wait3A_22 = tpu.memref_squeeze %dma_wait3A_21 : memref<1x79x128xi32, #tpu.memory_space<hbm>> -> memref<79x128xi32, #tpu.memory_space<hbm>>
      %dma_wait3A_23 = arith.constant 0 : i32
      %dma_wait3A_24 = arith.constant 0 : i32
      %dma_wait3A_25 = tpu.memref_slice %arg3[%add3A, %dma_wait3A_23, %dma_wait3A_24] : memref<32x79x128xi32, #tpu.memory_space<hbm>> -> memref<1x79x128xi32, #tpu.memory_space<hbm>>
      %dma_wait3A_26 = tpu.memref_squeeze %dma_wait3A_25 : memref<1x79x128xi32, #tpu.memory_space<hbm>> -> memref<79x128xi32, #tpu.memory_space<hbm>>
      tpu.wait_dma2 semaphore(%run_scoped3A : memref<!tpu.dma_semaphore, #tpu.memory_space<semaphore_mem>>) src(%dma_wait3A_26 : memref<79x128xi32, #tpu.memory_space<hbm>>) dst(%arg7 : memref<79x128xi32, #tpu.memory_space<vmem>>)
      tpu.yield
    }) : () -> ()
    "tpu.region"() ({
      %run_scoped3A = tpu.sem_alloc : memref<!tpu.dma_semaphore, #tpu.memory_space<semaphore_mem>>
      %dma_start3A = arith.constant 0 : i32
      %dma_start3A_13 = arith.constant 0 : i32
      %dma_start3A_14 = tpu.memref_slice %arg4[%add3A, %dma_start3A, %dma_start3A_13] : memref<32x79x128xi32, #tpu.memory_space<hbm>> -> memref<1x79x128xi32, #tpu.memory_space<hbm>>
      %dma_start3A_15 = tpu.memref_squeeze %dma_start3A_14 : memref<1x79x128xi32, #tpu.memory_space<hbm>> -> memref<79x128xi32, #tpu.memory_space<hbm>>
      %dma_start3A_16 = arith.constant 0 : i32
      %dma_start3A_17 = arith.constant 0 : i32
      %dma_start3A_18 = tpu.memref_slice %arg4[%add3A, %dma_start3A_16, %dma_start3A_17] : memref<32x79x128xi32, #tpu.memory_space<hbm>> -> memref<1x79x128xi32, #tpu.memory_space<hbm>>
      %dma_start3A_19 = tpu.memref_squeeze %dma_start3A_18 : memref<1x79x128xi32, #tpu.memory_space<hbm>> -> memref<79x128xi32, #tpu.memory_space<hbm>>
      tpu.enqueue_dma source(%dma_start3A_19 : memref<79x128xi32, #tpu.memory_space<hbm>>) target(%arg8 : memref<79x128xi32, #tpu.memory_space<vmem>>) target_semaphore(%run_scoped3A : memref<!tpu.dma_semaphore, #tpu.memory_space<semaphore_mem>>)
      %dma_wait3A = arith.constant 0 : i32
      %dma_wait3A_20 = arith.constant 0 : i32
      %dma_wait3A_21 = tpu.memref_slice %arg4[%add3A, %dma_wait3A, %dma_wait3A_20] : memref<32x79x128xi32, #tpu.memory_space<hbm>> -> memref<1x79x128xi32, #tpu.memory_space<hbm>>
      %dma_wait3A_22 = tpu.memref_squeeze %dma_wait3A_21 : memref<1x79x128xi32, #tpu.memory_space<hbm>> -> memref<79x128xi32, #tpu.memory_space<hbm>>
      %dma_wait3A_23 = arith.constant 0 : i32
      %dma_wait3A_24 = arith.constant 0 : i32
      %dma_wait3A_25 = tpu.memref_slice %arg4[%add3A, %dma_wait3A_23, %dma_wait3A_24] : memref<32x79x128xi32, #tpu.memory_space<hbm>> -> memref<1x79x128xi32, #tpu.memory_space<hbm>>
      %dma_wait3A_26 = tpu.memref_squeeze %dma_wait3A_25 : memref<1x79x128xi32, #tpu.memory_space<hbm>> -> memref<79x128xi32, #tpu.memory_space<hbm>>
      tpu.wait_dma2 semaphore(%run_scoped3A : memref<!tpu.dma_semaphore, #tpu.memory_space<semaphore_mem>>) src(%dma_wait3A_26 : memref<79x128xi32, #tpu.memory_space<hbm>>) dst(%arg8 : memref<79x128xi32, #tpu.memory_space<vmem>>)
      tpu.yield
    }) : () -> ()
    %mul3A_1 = arith.constant 632 : i32
    %mul3A_2 = arith.muli %arg1, %mul3A_1 : i32
    "tpu.region"() ({
      %run_scoped3A = tpu.sem_alloc : memref<!tpu.dma_semaphore, #tpu.memory_space<semaphore_mem>>
      %dma_start3A = arith.constant 0 : i32
      %dma_start3A_13 = tpu.memref_slice %arg10[%mul3A_2, %dma_start3A] : memref<10112x128xf32, #tpu.memory_space<vmem_shared>> -> memref<632x128xf32, #tpu.memory_space<vmem_shared>>
      tpu.enqueue_dma source(%arg5 : memref<632x128xf32, #tpu.memory_space<hbm>>) target(%dma_start3A_13 : memref<632x128xf32, #tpu.memory_space<vmem_shared>>) target_semaphore(%run_scoped3A : memref<!tpu.dma_semaphore, #tpu.memory_space<semaphore_mem>>)
      %dma_wait3A = arith.constant 0 : i32
      %dma_wait3A_14 = tpu.memref_slice %arg10[%mul3A_2, %dma_wait3A] : memref<10112x128xf32, #tpu.memory_space<vmem_shared>> -> memref<632x128xf32, #tpu.memory_space<vmem_shared>>
      tpu.wait_dma2 semaphore(%run_scoped3A : memref<!tpu.dma_semaphore, #tpu.memory_space<semaphore_mem>>) src(%arg5 : memref<632x128xf32, #tpu.memory_space<hbm>>) dst(%dma_wait3A_14 : memref<632x128xf32, #tpu.memory_space<vmem_shared>>)
      tpu.yield
    }) : () -> ()
    %barrier3A = arith.constant 0 : index
    tpu.barrier barrier_id(%barrier3A)
    %scan3A = arith.constant 0 : i32
    %scan3A_3 = arith.constant 0 : i32
    %scan3A_4 = arith.constant 79 : i32
    %scan3A_5 = arith.addi %scan3A_3, %scan3A_4 : i32
    %scan3A_6 = arith.constant 1 : i32
    scf.for %scan3A_13 = %scan3A_3 to %scan3A_5 step %scan3A_6  : i32 {
      %dma_start3A = arith.constant 0 : i32
      %dma_start3A_14 = tpu.memref_slice %arg7[%scan3A_13, %dma_start3A] : memref<79x128xi32, #tpu.memory_space<vmem>> -> memref<1x128xi32, #tpu.memory_space<vmem>>
      %dma_start3A_15 = tpu.memref_squeeze %dma_start3A_14 : memref<1x128xi32, #tpu.memory_space<vmem>> -> memref<128xi32, #tpu.memory_space<vmem>>
      %dma_start3A_16 = arith.constant 0 : i32
      %dma_start3A_17 = arith.constant 0 : i32
      %dma_start3A_18 = tpu.memref_slice %arg2[%dma_start3A_16, %dma_start3A_17] : memref<10000x128xf32, #tpu.memory_space<hbm>> -> memref<10000x128xf32, #tpu.memory_space<hbm>>
      tpu.enqueue_indirect_dma source(%dma_start3A_18 : memref<10000x128xf32, #tpu.memory_space<hbm>>) target(%arg9 : memref<128x128xf32, #tpu.memory_space<vmem>>) offsets(%dma_start3A_15 : memref<128xi32, #tpu.memory_space<vmem>>) semaphore(%arg11 : memref<!tpu.dma_semaphore, #tpu.memory_space<semaphore_mem>>)
      %dma_wait3A = arith.constant 0 : i32
      %dma_wait3A_19 = tpu.memref_slice %arg7[%scan3A_13, %dma_wait3A] : memref<79x128xi32, #tpu.memory_space<vmem>> -> memref<1x128xi32, #tpu.memory_space<vmem>>
      %dma_wait3A_20 = tpu.memref_squeeze %dma_wait3A_19 : memref<1x128xi32, #tpu.memory_space<vmem>> -> memref<128xi32, #tpu.memory_space<vmem>>
      %dma_wait3A_21 = arith.constant 0 : i32
      %dma_wait3A_22 = arith.constant 0 : i32
      %dma_wait3A_23 = tpu.memref_slice %arg2[%dma_wait3A_21, %dma_wait3A_22] : memref<10000x128xf32, #tpu.memory_space<hbm>> -> memref<10000x128xf32, #tpu.memory_space<hbm>>
      tpu.wait_indirect_dma semaphore(%arg11 : memref<!tpu.dma_semaphore, #tpu.memory_space<semaphore_mem>>) src(%dma_wait3A_23 : memref<10000x128xf32, #tpu.memory_space<hbm>>) dst(%arg9 : memref<128x128xf32, #tpu.memory_space<vmem>>)
      "tpu.region"() ({
        %run_scoped3A = tpu.sem_alloc : memref<!tpu.dma_semaphore, #tpu.memory_space<semaphore_mem>>
        %dma_start3A_24 = arith.constant 0 : i32
        %dma_start3A_25 = tpu.memref_slice %arg8[%scan3A_13, %dma_start3A_24] : memref<79x128xi32, #tpu.memory_space<vmem>> -> memref<1x128xi32, #tpu.memory_space<vmem>>
        %dma_start3A_26 = tpu.memref_squeeze %dma_start3A_25 : memref<1x128xi32, #tpu.memory_space<vmem>> -> memref<128xi32, #tpu.memory_space<vmem>>
        %dma_start3A_27 = arith.constant 0 : i32
        %dma_start3A_28 = arith.constant 0 : i32
        %dma_start3A_29 = tpu.memref_slice %arg10[%dma_start3A_27, %dma_start3A_28] : memref<10112x128xf32, #tpu.memory_space<vmem_shared>> -> memref<10112x128xf32, #tpu.memory_space<vmem_shared>>
        tpu.enqueue_indirect_dma source(%arg9 : memref<128x128xf32, #tpu.memory_space<vmem>>) target(%dma_start3A_29 : memref<10112x128xf32, #tpu.memory_space<vmem_shared>>) offsets(%dma_start3A_26 : memref<128xi32, #tpu.memory_space<vmem>>) semaphore(%run_scoped3A : memref<!tpu.dma_semaphore, #tpu.memory_space<semaphore_mem>>) {add = true}
        %dma_wait3A_30 = arith.constant 0 : i32
        %dma_wait3A_31 = tpu.memref_slice %arg8[%scan3A_13, %dma_wait3A_30] : memref<79x128xi32, #tpu.memory_space<vmem>> -> memref<1x128xi32, #tpu.memory_space<vmem>>
        %dma_wait3A_32 = tpu.memref_squeeze %dma_wait3A_31 : memref<1x128xi32, #tpu.memory_space<vmem>> -> memref<128xi32, #tpu.memory_space<vmem>>
        %dma_wait3A_33 = arith.constant 0 : i32
        %dma_wait3A_34 = arith.constant 0 : i32
        %dma_wait3A_35 = tpu.memref_slice %arg10[%dma_wait3A_33, %dma_wait3A_34] : memref<10112x128xf32, #tpu.memory_space<vmem_shared>> -> memref<10112x128xf32, #tpu.memory_space<vmem_shared>>
        tpu.wait_indirect_dma semaphore(%run_scoped3A : memref<!tpu.dma_semaphore, #tpu.memory_space<semaphore_mem>>) src(%arg9 : memref<128x128xf32, #tpu.memory_space<vmem>>) dst(%dma_wait3A_35 : memref<10112x128xf32, #tpu.memory_space<vmem_shared>>)
        tpu.yield
      }) : () -> ()
    }
    %scan3A_7 = arith.constant 79 : i32
    %barrier3A_8 = arith.constant 0 : index
    tpu.barrier barrier_id(%barrier3A_8)
    %mul3A_9 = arith.constant 632 : i32
    %mul3A_10 = arith.muli %arg1, %mul3A_9 : i32
    %mul3A_11 = arith.constant 632 : i32
    %mul3A_12 = arith.muli %arg1, %mul3A_11 : i32
    "tpu.region"() ({
      %run_scoped3A = tpu.sem_alloc : memref<!tpu.dma_semaphore, #tpu.memory_space<semaphore_mem>>
      %dma_start3A = arith.constant 0 : i32
      %dma_start3A_13 = tpu.memref_slice %arg6[%arg0, %mul3A_12, %dma_start3A] : memref<2x10112x128xf32, #tpu.memory_space<hbm>> -> memref<1x632x128xf32, #tpu.memory_space<hbm>>
      %dma_start3A_14 = tpu.memref_squeeze %dma_start3A_13 : memref<1x632x128xf32, #tpu.memory_space<hbm>> -> memref<632x128xf32, #tpu.memory_space<hbm>>
      %dma_start3A_15 = arith.constant 0 : i32
      %dma_start3A_16 = tpu.memref_slice %arg10[%mul3A_10, %dma_start3A_15] : memref<10112x128xf32, #tpu.memory_space<vmem_shared>> -> memref<632x128xf32, #tpu.memory_space<vmem_shared>>
      tpu.enqueue_dma source(%dma_start3A_16 : memref<632x128xf32, #tpu.memory_space<vmem_shared>>) target(%dma_start3A_14 : memref<632x128xf32, #tpu.memory_space<hbm>>) target_semaphore(%run_scoped3A : memref<!tpu.dma_semaphore, #tpu.memory_space<semaphore_mem>>)
      %dma_wait3A = arith.constant 0 : i32
      %dma_wait3A_17 = tpu.memref_slice %arg6[%arg0, %mul3A_12, %dma_wait3A] : memref<2x10112x128xf32, #tpu.memory_space<hbm>> -> memref<1x632x128xf32, #tpu.memory_space<hbm>>
      %dma_wait3A_18 = tpu.memref_squeeze %dma_wait3A_17 : memref<1x632x128xf32, #tpu.memory_space<hbm>> -> memref<632x128xf32, #tpu.memory_space<hbm>>
      %dma_wait3A_19 = arith.constant 0 : i32
      %dma_wait3A_20 = tpu.memref_slice %arg10[%mul3A_10, %dma_wait3A_19] : memref<10112x128xf32, #tpu.memory_space<vmem_shared>> -> memref<632x128xf32, #tpu.memory_space<vmem_shared>>
      tpu.wait_dma2 semaphore(%run_scoped3A : memref<!tpu.dma_semaphore, #tpu.memory_space<semaphore_mem>>) src(%dma_wait3A_20 : memref<632x128xf32, #tpu.memory_space<vmem_shared>>) dst(%dma_wait3A_18 : memref<632x128xf32, #tpu.memory_space<hbm>>)
      tpu.yield
    }) : () -> ()
    return
  }
}

#map = affine_map<(d0, d1) -> (0, 0, 0)>
#map1 = affine_map<(d0, d1) -> (0)>
#map2 = affine_map<(d0, d1) -> (0, 0)>
module attributes {stable_mosaic.version = 14 : i64} {
  func.func @body(%arg0: i32, %arg1: i32, %arg2: memref<32x79x128xi32, #tpu.memory_space<hbm>>, %arg3: memref<128xf32, #tpu.memory_space<hbm>>, %arg4: memref<640xf32, #tpu.memory_space<hbm>>, %arg5: memref<2x10240xf32, #tpu.memory_space<hbm>>, %arg6: memref<79x128xi32, #tpu.memory_space<vmem>>, %arg7: memref<128xf32, #tpu.memory_space<vmem>>, %arg8: memref<640xf32, #tpu.memory_space<vmem>>, %arg9: memref<640xf32, #tpu.memory_space<vmem>>, %arg10: memref<10240xf32, #tpu.memory_space<vmem_shared>>) attributes {dimension_semantics = [#tpu.dimension_semantics<core_parallel>, #tpu.dimension_semantics<subcore_parallel>], iteration_bounds = array<i64: 2, 16>, scalar_prefetch = 0 : i64, scratch_operands = 5 : i64, tpu.core_type = #tpu.core_type<sc_vector_subcore>, window_params = [{transform_indices = #map}, {transform_indices = #map1}, {transform_indices = #map1}, {transform_indices = #map2}]} {
    %mul3A = arith.constant 16 : i32
    %mul3A_0 = arith.muli %arg0, %mul3A : i32
    %add3A = arith.addi %mul3A_0, %arg1 : i32
    "tpu.region"() ({
      %run_scoped3A = tpu.sem_alloc : memref<!tpu.dma_semaphore, #tpu.memory_space<semaphore_mem>>
      %dma_start3A = arith.constant 0 : i32
      %dma_start3A_13 = arith.constant 0 : i32
      %dma_start3A_14 = tpu.memref_slice %arg2[%add3A, %dma_start3A, %dma_start3A_13] : memref<32x79x128xi32, #tpu.memory_space<hbm>> -> memref<1x79x128xi32, #tpu.memory_space<hbm>>
      %dma_start3A_15 = tpu.memref_squeeze %dma_start3A_14 : memref<1x79x128xi32, #tpu.memory_space<hbm>> -> memref<79x128xi32, #tpu.memory_space<hbm>>
      %dma_start3A_16 = arith.constant 0 : i32
      %dma_start3A_17 = arith.constant 0 : i32
      %dma_start3A_18 = tpu.memref_slice %arg2[%add3A, %dma_start3A_16, %dma_start3A_17] : memref<32x79x128xi32, #tpu.memory_space<hbm>> -> memref<1x79x128xi32, #tpu.memory_space<hbm>>
      %dma_start3A_19 = tpu.memref_squeeze %dma_start3A_18 : memref<1x79x128xi32, #tpu.memory_space<hbm>> -> memref<79x128xi32, #tpu.memory_space<hbm>>
      tpu.enqueue_dma source(%dma_start3A_19 : memref<79x128xi32, #tpu.memory_space<hbm>>) target(%arg6 : memref<79x128xi32, #tpu.memory_space<vmem>>) target_semaphore(%run_scoped3A : memref<!tpu.dma_semaphore, #tpu.memory_space<semaphore_mem>>)
      %dma_wait3A = arith.constant 0 : i32
      %dma_wait3A_20 = arith.constant 0 : i32
      %dma_wait3A_21 = tpu.memref_slice %arg2[%add3A, %dma_wait3A, %dma_wait3A_20] : memref<32x79x128xi32, #tpu.memory_space<hbm>> -> memref<1x79x128xi32, #tpu.memory_space<hbm>>
      %dma_wait3A_22 = tpu.memref_squeeze %dma_wait3A_21 : memref<1x79x128xi32, #tpu.memory_space<hbm>> -> memref<79x128xi32, #tpu.memory_space<hbm>>
      %dma_wait3A_23 = arith.constant 0 : i32
      %dma_wait3A_24 = arith.constant 0 : i32
      %dma_wait3A_25 = tpu.memref_slice %arg2[%add3A, %dma_wait3A_23, %dma_wait3A_24] : memref<32x79x128xi32, #tpu.memory_space<hbm>> -> memref<1x79x128xi32, #tpu.memory_space<hbm>>
      %dma_wait3A_26 = tpu.memref_squeeze %dma_wait3A_25 : memref<1x79x128xi32, #tpu.memory_space<hbm>> -> memref<79x128xi32, #tpu.memory_space<hbm>>
      tpu.wait_dma2 semaphore(%run_scoped3A : memref<!tpu.dma_semaphore, #tpu.memory_space<semaphore_mem>>) src(%dma_wait3A_26 : memref<79x128xi32, #tpu.memory_space<hbm>>) dst(%arg6 : memref<79x128xi32, #tpu.memory_space<vmem>>)
      tpu.yield
    }) : () -> ()
    "tpu.region"() ({
      %run_scoped3A = tpu.sem_alloc : memref<!tpu.dma_semaphore, #tpu.memory_space<semaphore_mem>>
      tpu.enqueue_dma source(%arg3 : memref<128xf32, #tpu.memory_space<hbm>>) target(%arg7 : memref<128xf32, #tpu.memory_space<vmem>>) target_semaphore(%run_scoped3A : memref<!tpu.dma_semaphore, #tpu.memory_space<semaphore_mem>>)
      tpu.wait_dma2 semaphore(%run_scoped3A : memref<!tpu.dma_semaphore, #tpu.memory_space<semaphore_mem>>) src(%arg3 : memref<128xf32, #tpu.memory_space<hbm>>) dst(%arg7 : memref<128xf32, #tpu.memory_space<vmem>>)
      tpu.yield
    }) : () -> ()
    "tpu.region"() ({
      %run_scoped3A = tpu.sem_alloc : memref<!tpu.dma_semaphore, #tpu.memory_space<semaphore_mem>>
      tpu.enqueue_dma source(%arg4 : memref<640xf32, #tpu.memory_space<hbm>>) target(%arg8 : memref<640xf32, #tpu.memory_space<vmem>>) target_semaphore(%run_scoped3A : memref<!tpu.dma_semaphore, #tpu.memory_space<semaphore_mem>>)
      tpu.wait_dma2 semaphore(%run_scoped3A : memref<!tpu.dma_semaphore, #tpu.memory_space<semaphore_mem>>) src(%arg4 : memref<640xf32, #tpu.memory_space<hbm>>) dst(%arg8 : memref<640xf32, #tpu.memory_space<vmem>>)
      tpu.yield
    }) : () -> ()
    %mul3A_1 = arith.constant 640 : i32
    %mul3A_2 = arith.muli %arg1, %mul3A_1 : i32
    "tpu.region"() ({
      %run_scoped3A = tpu.sem_alloc : memref<!tpu.dma_semaphore, #tpu.memory_space<semaphore_mem>>
      %dma_start3A = tpu.memref_slice %arg10[%mul3A_2] : memref<10240xf32, #tpu.memory_space<vmem_shared>> -> memref<640xf32, #tpu.memory_space<vmem_shared>>
      %dma_start3A_13 = tpu.memref_slice %arg10[%mul3A_2] : memref<10240xf32, #tpu.memory_space<vmem_shared>> -> memref<640xf32, #tpu.memory_space<vmem_shared>>
      tpu.enqueue_dma source(%arg8 : memref<640xf32, #tpu.memory_space<vmem>>) target(%dma_start3A_13 : memref<640xf32, #tpu.memory_space<vmem_shared>>) target_semaphore(%run_scoped3A : memref<!tpu.dma_semaphore, #tpu.memory_space<semaphore_mem>>)
      %dma_wait3A = tpu.memref_slice %arg10[%mul3A_2] : memref<10240xf32, #tpu.memory_space<vmem_shared>> -> memref<640xf32, #tpu.memory_space<vmem_shared>>
      %dma_wait3A_14 = tpu.memref_slice %arg10[%mul3A_2] : memref<10240xf32, #tpu.memory_space<vmem_shared>> -> memref<640xf32, #tpu.memory_space<vmem_shared>>
      tpu.wait_dma2 semaphore(%run_scoped3A : memref<!tpu.dma_semaphore, #tpu.memory_space<semaphore_mem>>) src(%arg8 : memref<640xf32, #tpu.memory_space<vmem>>) dst(%dma_wait3A_14 : memref<640xf32, #tpu.memory_space<vmem_shared>>)
      tpu.yield
    }) : () -> ()
    %barrier3A = arith.constant 0 : index
    tpu.barrier barrier_id(%barrier3A)
    %scan3A = arith.constant 0 : i32
    %scan3A_3 = arith.constant 0 : i32
    %scan3A_4 = arith.constant 79 : i32
    %scan3A_5 = arith.addi %scan3A_3, %scan3A_4 : i32
    %scan3A_6 = arith.constant 1 : i32
    scf.for %scan3A_13 = %scan3A_3 to %scan3A_5 step %scan3A_6  : i32 {
      "tpu.region"() ({
        %run_scoped3A = tpu.sem_alloc : memref<!tpu.dma_semaphore, #tpu.memory_space<semaphore_mem>>
        %dma_start3A = arith.constant 0 : i32
        %dma_start3A_14 = tpu.memref_slice %arg6[%scan3A_13, %dma_start3A] : memref<79x128xi32, #tpu.memory_space<vmem>> -> memref<1x128xi32, #tpu.memory_space<vmem>>
        %dma_start3A_15 = tpu.memref_squeeze %dma_start3A_14 : memref<1x128xi32, #tpu.memory_space<vmem>> -> memref<128xi32, #tpu.memory_space<vmem>>
        %dma_start3A_16 = arith.constant 0 : i32
        %dma_start3A_17 = tpu.memref_slice %arg10[%dma_start3A_16] : memref<10240xf32, #tpu.memory_space<vmem_shared>> -> memref<10240xf32, #tpu.memory_space<vmem_shared>>
        tpu.enqueue_indirect_dma source(%arg7 : memref<128xf32, #tpu.memory_space<vmem>>) target(%dma_start3A_17 : memref<10240xf32, #tpu.memory_space<vmem_shared>>) offsets(%dma_start3A_15 : memref<128xi32, #tpu.memory_space<vmem>>) semaphore(%run_scoped3A : memref<!tpu.dma_semaphore, #tpu.memory_space<semaphore_mem>>) {add = true}
        %dma_wait3A = arith.constant 0 : i32
        %dma_wait3A_18 = tpu.memref_slice %arg6[%scan3A_13, %dma_wait3A] : memref<79x128xi32, #tpu.memory_space<vmem>> -> memref<1x128xi32, #tpu.memory_space<vmem>>
        %dma_wait3A_19 = tpu.memref_squeeze %dma_wait3A_18 : memref<1x128xi32, #tpu.memory_space<vmem>> -> memref<128xi32, #tpu.memory_space<vmem>>
        %dma_wait3A_20 = arith.constant 0 : i32
        %dma_wait3A_21 = tpu.memref_slice %arg10[%dma_wait3A_20] : memref<10240xf32, #tpu.memory_space<vmem_shared>> -> memref<10240xf32, #tpu.memory_space<vmem_shared>>
        tpu.wait_indirect_dma semaphore(%run_scoped3A : memref<!tpu.dma_semaphore, #tpu.memory_space<semaphore_mem>>) src(%arg7 : memref<128xf32, #tpu.memory_space<vmem>>) dst(%dma_wait3A_21 : memref<10240xf32, #tpu.memory_space<vmem_shared>>)
        tpu.yield
      }) : () -> ()
    }
    %scan3A_7 = arith.constant 79 : i32
    %barrier3A_8 = arith.constant 0 : index
    tpu.barrier barrier_id(%barrier3A_8)
    %mul3A_9 = arith.constant 640 : i32
    %mul3A_10 = arith.muli %arg1, %mul3A_9 : i32
    "tpu.region"() ({
      %run_scoped3A = tpu.sem_alloc : memref<!tpu.dma_semaphore, #tpu.memory_space<semaphore_mem>>
      %dma_start3A = tpu.memref_slice %arg10[%mul3A_10] : memref<10240xf32, #tpu.memory_space<vmem_shared>> -> memref<640xf32, #tpu.memory_space<vmem_shared>>
      %dma_start3A_13 = tpu.memref_slice %arg10[%mul3A_10] : memref<10240xf32, #tpu.memory_space<vmem_shared>> -> memref<640xf32, #tpu.memory_space<vmem_shared>>
      tpu.enqueue_dma source(%dma_start3A_13 : memref<640xf32, #tpu.memory_space<vmem_shared>>) target(%arg9 : memref<640xf32, #tpu.memory_space<vmem>>) target_semaphore(%run_scoped3A : memref<!tpu.dma_semaphore, #tpu.memory_space<semaphore_mem>>)
      %dma_wait3A = tpu.memref_slice %arg10[%mul3A_10] : memref<10240xf32, #tpu.memory_space<vmem_shared>> -> memref<640xf32, #tpu.memory_space<vmem_shared>>
      %dma_wait3A_14 = tpu.memref_slice %arg10[%mul3A_10] : memref<10240xf32, #tpu.memory_space<vmem_shared>> -> memref<640xf32, #tpu.memory_space<vmem_shared>>
      tpu.wait_dma2 semaphore(%run_scoped3A : memref<!tpu.dma_semaphore, #tpu.memory_space<semaphore_mem>>) src(%dma_wait3A_14 : memref<640xf32, #tpu.memory_space<vmem_shared>>) dst(%arg9 : memref<640xf32, #tpu.memory_space<vmem>>)
      tpu.yield
    }) : () -> ()
    %mul3A_11 = arith.constant 640 : i32
    %mul3A_12 = arith.muli %arg1, %mul3A_11 : i32
    "tpu.region"() ({
      %run_scoped3A = tpu.sem_alloc : memref<!tpu.dma_semaphore, #tpu.memory_space<semaphore_mem>>
      %dma_start3A = tpu.memref_slice %arg5[%arg0, %mul3A_12] : memref<2x10240xf32, #tpu.memory_space<hbm>> -> memref<1x640xf32, #tpu.memory_space<hbm>>
      %dma_start3A_13 = tpu.memref_squeeze %dma_start3A : memref<1x640xf32, #tpu.memory_space<hbm>> -> memref<640xf32, #tpu.memory_space<hbm>>
      %dma_start3A_14 = tpu.memref_slice %arg5[%arg0, %mul3A_12] : memref<2x10240xf32, #tpu.memory_space<hbm>> -> memref<1x640xf32, #tpu.memory_space<hbm>>
      %dma_start3A_15 = tpu.memref_squeeze %dma_start3A_14 : memref<1x640xf32, #tpu.memory_space<hbm>> -> memref<640xf32, #tpu.memory_space<hbm>>
      tpu.enqueue_dma source(%arg9 : memref<640xf32, #tpu.memory_space<vmem>>) target(%dma_start3A_15 : memref<640xf32, #tpu.memory_space<hbm>>) target_semaphore(%run_scoped3A : memref<!tpu.dma_semaphore, #tpu.memory_space<semaphore_mem>>)
      %dma_wait3A = tpu.memref_slice %arg5[%arg0, %mul3A_12] : memref<2x10240xf32, #tpu.memory_space<hbm>> -> memref<1x640xf32, #tpu.memory_space<hbm>>
      %dma_wait3A_16 = tpu.memref_squeeze %dma_wait3A : memref<1x640xf32, #tpu.memory_space<hbm>> -> memref<640xf32, #tpu.memory_space<hbm>>
      %dma_wait3A_17 = tpu.memref_slice %arg5[%arg0, %mul3A_12] : memref<2x10240xf32, #tpu.memory_space<hbm>> -> memref<1x640xf32, #tpu.memory_space<hbm>>
      %dma_wait3A_18 = tpu.memref_squeeze %dma_wait3A_17 : memref<1x640xf32, #tpu.memory_space<hbm>> -> memref<640xf32, #tpu.memory_space<hbm>>
      tpu.wait_dma2 semaphore(%run_scoped3A : memref<!tpu.dma_semaphore, #tpu.memory_space<semaphore_mem>>) src(%arg9 : memref<640xf32, #tpu.memory_space<vmem>>) dst(%dma_wait3A_18 : memref<640xf32, #tpu.memory_space<hbm>>)
      tpu.yield
    }) : () -> ()
    return
  }
}

#map = affine_map<(d0, d1) -> (0)>
#map1 = affine_map<(d0, d1) -> (0, 0, 0)>
module attributes {stable_mosaic.version = 14 : i64} {
  func.func @body(%arg0: i32, %arg1: i32, %arg2: memref<10240xf32, #tpu.memory_space<hbm>>, %arg3: memref<32x79x128xi32, #tpu.memory_space<hbm>>, %arg4: memref<32x79x128xf32, #tpu.memory_space<hbm>>, %arg5: memref<79x128xi32, #tpu.memory_space<vmem>>, %arg6: memref<79x128xf32, #tpu.memory_space<vmem>>, %arg7: memref<10240xf32, #tpu.memory_space<vmem>>, %arg8: memref<10240xf32, #tpu.memory_space<vmem_shared>>, %arg9: memref<!tpu.dma_semaphore, #tpu.memory_space<semaphore_mem>>) attributes {dimension_semantics = [#tpu.dimension_semantics<core_parallel>, #tpu.dimension_semantics<subcore_parallel>], iteration_bounds = array<i64: 2, 16>, scalar_prefetch = 0 : i64, scratch_operands = 5 : i64, tpu.core_type = #tpu.core_type<sc_vector_subcore>, window_params = [{transform_indices = #map}, {transform_indices = #map1}, {transform_indices = #map1}]} {
    %mul3A = arith.constant 16 : i32
    %mul3A_0 = arith.muli %arg0, %mul3A : i32
    %add3A = arith.addi %mul3A_0, %arg1 : i32
    "tpu.region"() ({
      %run_scoped3A = tpu.sem_alloc : memref<!tpu.dma_semaphore, #tpu.memory_space<semaphore_mem>>
      %dma_start3A_1581 = arith.constant 0 : i32
      %dma_start3A_1582 = arith.constant 0 : i32
      %dma_start3A_1583 = tpu.memref_slice %arg3[%add3A, %dma_start3A_1581, %dma_start3A_1582] : memref<32x79x128xi32, #tpu.memory_space<hbm>> -> memref<1x79x128xi32, #tpu.memory_space<hbm>>
      %dma_start3A_1584 = tpu.memref_squeeze %dma_start3A_1583 : memref<1x79x128xi32, #tpu.memory_space<hbm>> -> memref<79x128xi32, #tpu.memory_space<hbm>>
      %dma_start3A_1585 = arith.constant 0 : i32
      %dma_start3A_1586 = arith.constant 0 : i32
      %dma_start3A_1587 = tpu.memref_slice %arg3[%add3A, %dma_start3A_1585, %dma_start3A_1586] : memref<32x79x128xi32, #tpu.memory_space<hbm>> -> memref<1x79x128xi32, #tpu.memory_space<hbm>>
      %dma_start3A_1588 = tpu.memref_squeeze %dma_start3A_1587 : memref<1x79x128xi32, #tpu.memory_space<hbm>> -> memref<79x128xi32, #tpu.memory_space<hbm>>
      tpu.enqueue_dma source(%dma_start3A_1588 : memref<79x128xi32, #tpu.memory_space<hbm>>) target(%arg5 : memref<79x128xi32, #tpu.memory_space<vmem>>) target_semaphore(%run_scoped3A : memref<!tpu.dma_semaphore, #tpu.memory_space<semaphore_mem>>)
      %dma_wait3A_1589 = arith.constant 0 : i32
      %dma_wait3A_1590 = arith.constant 0 : i32
      %dma_wait3A_1591 = tpu.memref_slice %arg3[%add3A, %dma_wait3A_1589, %dma_wait3A_1590] : memref<32x79x128xi32, #tpu.memory_space<hbm>> -> memref<1x79x128xi32, #tpu.memory_space<hbm>>
      %dma_wait3A_1592 = tpu.memref_squeeze %dma_wait3A_1591 : memref<1x79x128xi32, #tpu.memory_space<hbm>> -> memref<79x128xi32, #tpu.memory_space<hbm>>
      %dma_wait3A_1593 = arith.constant 0 : i32
      %dma_wait3A_1594 = arith.constant 0 : i32
      %dma_wait3A_1595 = tpu.memref_slice %arg3[%add3A, %dma_wait3A_1593, %dma_wait3A_1594] : memref<32x79x128xi32, #tpu.memory_space<hbm>> -> memref<1x79x128xi32, #tpu.memory_space<hbm>>
      %dma_wait3A_1596 = tpu.memref_squeeze %dma_wait3A_1595 : memref<1x79x128xi32, #tpu.memory_space<hbm>> -> memref<79x128xi32, #tpu.memory_space<hbm>>
      tpu.wait_dma2 semaphore(%run_scoped3A : memref<!tpu.dma_semaphore, #tpu.memory_space<semaphore_mem>>) src(%dma_wait3A_1596 : memref<79x128xi32, #tpu.memory_space<hbm>>) dst(%arg5 : memref<79x128xi32, #tpu.memory_space<vmem>>)
      tpu.yield
    }) : () -> ()
    %eq3A = arith.constant 0 : i32
    %eq3A_1 = arith.cmpi eq, %arg1, %eq3A : i32
    %convert_element_type3A = arith.extui %eq3A_1 : i1 to i32
    %cond3A = arith.constant 0 : i32
    %cond3A_2 = arith.cmpi ne, %convert_element_type3A, %cond3A : i32
    scf.if %cond3A_2 {
      "tpu.region"() ({
        %run_scoped3A = tpu.sem_alloc : memref<!tpu.dma_semaphore, #tpu.memory_space<semaphore_mem>>
        tpu.enqueue_dma source(%arg2 : memref<10240xf32, #tpu.memory_space<hbm>>) target(%arg7 : memref<10240xf32, #tpu.memory_space<vmem>>) target_semaphore(%run_scoped3A : memref<!tpu.dma_semaphore, #tpu.memory_space<semaphore_mem>>)
        tpu.wait_dma2 semaphore(%run_scoped3A : memref<!tpu.dma_semaphore, #tpu.memory_space<semaphore_mem>>) src(%arg2 : memref<10240xf32, #tpu.memory_space<hbm>>) dst(%arg7 : memref<10240xf32, #tpu.memory_space<vmem>>)
        tpu.yield
      }) : () -> ()
      "tpu.region"() ({
        %run_scoped3A = tpu.sem_alloc : memref<!tpu.dma_semaphore, #tpu.memory_space<semaphore_mem>>
        tpu.enqueue_dma source(%arg7 : memref<10240xf32, #tpu.memory_space<vmem>>) target(%arg8 : memref<10240xf32, #tpu.memory_space<vmem_shared>>) target_semaphore(%run_scoped3A : memref<!tpu.dma_semaphore, #tpu.memory_space<semaphore_mem>>)
        tpu.wait_dma2 semaphore(%run_scoped3A : memref<!tpu.dma_semaphore, #tpu.memory_space<semaphore_mem>>) src(%arg7 : memref<10240xf32, #tpu.memory_space<vmem>>) dst(%arg8 : memref<10240xf32, #tpu.memory_space<vmem_shared>>)
        tpu.yield
      }) : () -> ()
    } else {
    }
    %barrier3A = arith.constant 0 : index
    tpu.barrier barrier_id(%barrier3A)
    %dma_start3A = arith.constant 0 : i32
    %dma_start3A_3 = arith.constant 0 : i32
    %dma_start3A_4 = arith.constant 0 : i32
    %dma_start3A_5 = tpu.memref_slice %arg6[%dma_start3A_3, %dma_start3A_4] : memref<79x128xf32, #tpu.memory_space<vmem>> -> memref<1x128xf32, #tpu.memory_space<vmem>>
    %dma_start3A_6 = tpu.memref_squeeze %dma_start3A_5 : memref<1x128xf32, #tpu.memory_space<vmem>> -> memref<128xf32, #tpu.memory_space<vmem>>
    %dma_start3A_7 = arith.constant 0 : i32
    %dma_start3A_8 = tpu.memref_slice %arg5[%dma_start3A, %dma_start3A_7] : memref<79x128xi32, #tpu.memory_space<vmem>> -> memref<1x128xi32, #tpu.memory_space<vmem>>
    %dma_start3A_9 = tpu.memref_squeeze %dma_start3A_8 : memref<1x128xi32, #tpu.memory_space<vmem>> -> memref<128xi32, #tpu.memory_space<vmem>>
    %dma_start3A_10 = arith.constant 0 : i32
    %dma_start3A_11 = tpu.memref_slice %arg8[%dma_start3A_10] : memref<10240xf32, #tpu.memory_space<vmem_shared>> -> memref<10240xf32, #tpu.memory_space<vmem_shared>>
    tpu.enqueue_indirect_dma source(%dma_start3A_11 : memref<10240xf32, #tpu.memory_space<vmem_shared>>) target(%dma_start3A_6 : memref<128xf32, #tpu.memory_space<vmem>>) offsets(%dma_start3A_9 : memref<128xi32, #tpu.memory_space<vmem>>) semaphore(%arg9 : memref<!tpu.dma_semaphore, #tpu.memory_space<semaphore_mem>>)
    %dma_start3A_12 = arith.constant 1 : i32
    %dma_start3A_13 = arith.constant 1 : i32
    %dma_start3A_14 = arith.constant 0 : i32
    %dma_start3A_15 = tpu.memref_slice %arg6[%dma_start3A_13, %dma_start3A_14] : memref<79x128xf32, #tpu.memory_space<vmem>> -> memref<1x128xf32, #tpu.memory_space<vmem>>
    %dma_start3A_16 = tpu.memref_squeeze %dma_start3A_15 : memref<1x128xf32, #tpu.memory_space<vmem>> -> memref<128xf32, #tpu.memory_space<vmem>>
    %dma_start3A_17 = arith.constant 0 : i32
    %dma_start3A_18 = tpu.memref_slice %arg5[%dma_start3A_12, %dma_start3A_17] : memref<79x128xi32, #tpu.memory_space<vmem>> -> memref<1x128xi32, #tpu.memory_space<vmem>>
    %dma_start3A_19 = tpu.memref_squeeze %dma_start3A_18 : memref<1x128xi32, #tpu.memory_space<vmem>> -> memref<128xi32, #tpu.memory_space<vmem>>
    %dma_start3A_20 = arith.constant 0 : i32
    %dma_start3A_21 = tpu.memref_slice %arg8[%dma_start3A_20] : memref<10240xf32, #tpu.memory_space<vmem_shared>> -> memref<10240xf32, #tpu.memory_space<vmem_shared>>
    tpu.enqueue_indirect_dma source(%dma_start3A_21 : memref<10240xf32, #tpu.memory_space<vmem_shared>>) target(%dma_start3A_16 : memref<128xf32, #tpu.memory_space<vmem>>) offsets(%dma_start3A_19 : memref<128xi32, #tpu.memory_space<vmem>>) semaphore(%arg9 : memref<!tpu.dma_semaphore, #tpu.memory_space<semaphore_mem>>)
    %dma_start3A_22 = arith.constant 2 : i32
    %dma_start3A_23 = arith.constant 2 : i32
    %dma_start3A_24 = arith.constant 0 : i32
    %dma_start3A_25 = tpu.memref_slice %arg6[%dma_start3A_23, %dma_start3A_24] : memref<79x128xf32, #tpu.memory_space<vmem>> -> memref<1x128xf32, #tpu.memory_space<vmem>>
    %dma_start3A_26 = tpu.memref_squeeze %dma_start3A_25 : memref<1x128xf32, #tpu.memory_space<vmem>> -> memref<128xf32, #tpu.memory_space<vmem>>
    %dma_start3A_27 = arith.constant 0 : i32
    %dma_start3A_28 = tpu.memref_slice %arg5[%dma_start3A_22, %dma_start3A_27] : memref<79x128xi32, #tpu.memory_space<vmem>> -> memref<1x128xi32, #tpu.memory_space<vmem>>
    %dma_start3A_29 = tpu.memref_squeeze %dma_start3A_28 : memref<1x128xi32, #tpu.memory_space<vmem>> -> memref<128xi32, #tpu.memory_space<vmem>>
    %dma_start3A_30 = arith.constant 0 : i32
    %dma_start3A_31 = tpu.memref_slice %arg8[%dma_start3A_30] : memref<10240xf32, #tpu.memory_space<vmem_shared>> -> memref<10240xf32, #tpu.memory_space<vmem_shared>>
    tpu.enqueue_indirect_dma source(%dma_start3A_31 : memref<10240xf32, #tpu.memory_space<vmem_shared>>) target(%dma_start3A_26 : memref<128xf32, #tpu.memory_space<vmem>>) offsets(%dma_start3A_29 : memref<128xi32, #tpu.memory_space<vmem>>) semaphore(%arg9 : memref<!tpu.dma_semaphore, #tpu.memory_space<semaphore_mem>>)
    %dma_start3A_32 = arith.constant 3 : i32
    %dma_start3A_33 = arith.constant 3 : i32
    %dma_start3A_34 = arith.constant 0 : i32
    %dma_start3A_35 = tpu.memref_slice %arg6[%dma_start3A_33, %dma_start3A_34] : memref<79x128xf32, #tpu.memory_space<vmem>> -> memref<1x128xf32, #tpu.memory_space<vmem>>
    %dma_start3A_36 = tpu.memref_squeeze %dma_start3A_35 : memref<1x128xf32, #tpu.memory_space<vmem>> -> memref<128xf32, #tpu.memory_space<vmem>>
    %dma_start3A_37 = arith.constant 0 : i32
    %dma_start3A_38 = tpu.memref_slice %arg5[%dma_start3A_32, %dma_start3A_37] : memref<79x128xi32, #tpu.memory_space<vmem>> -> memref<1x128xi32, #tpu.memory_space<vmem>>
    %dma_start3A_39 = tpu.memref_squeeze %dma_start3A_38 : memref<1x128xi32, #tpu.memory_space<vmem>> -> memref<128xi32, #tpu.memory_space<vmem>>
    %dma_start3A_40 = arith.constant 0 : i32
    %dma_start3A_41 = tpu.memref_slice %arg8[%dma_start3A_40] : memref<10240xf32, #tpu.memory_space<vmem_shared>> -> memref<10240xf32, #tpu.memory_space<vmem_shared>>
    tpu.enqueue_indirect_dma source(%dma_start3A_41 : memref<10240xf32, #tpu.memory_space<vmem_shared>>) target(%dma_start3A_36 : memref<128xf32, #tpu.memory_space<vmem>>) offsets(%dma_start3A_39 : memref<128xi32, #tpu.memory_space<vmem>>) semaphore(%arg9 : memref<!tpu.dma_semaphore, #tpu.memory_space<semaphore_mem>>)
    %dma_start3A_42 = arith.constant 4 : i32
    %dma_start3A_43 = arith.constant 4 : i32
    %dma_start3A_44 = arith.constant 0 : i32
    %dma_start3A_45 = tpu.memref_slice %arg6[%dma_start3A_43, %dma_start3A_44] : memref<79x128xf32, #tpu.memory_space<vmem>> -> memref<1x128xf32, #tpu.memory_space<vmem>>
    %dma_start3A_46 = tpu.memref_squeeze %dma_start3A_45 : memref<1x128xf32, #tpu.memory_space<vmem>> -> memref<128xf32, #tpu.memory_space<vmem>>
    %dma_start3A_47 = arith.constant 0 : i32
    %dma_start3A_48 = tpu.memref_slice %arg5[%dma_start3A_42, %dma_start3A_47] : memref<79x128xi32, #tpu.memory_space<vmem>> -> memref<1x128xi32, #tpu.memory_space<vmem>>
    %dma_start3A_49 = tpu.memref_squeeze %dma_start3A_48 : memref<1x128xi32, #tpu.memory_space<vmem>> -> memref<128xi32, #tpu.memory_space<vmem>>
    %dma_start3A_50 = arith.constant 0 : i32
    %dma_start3A_51 = tpu.memref_slice %arg8[%dma_start3A_50] : memref<10240xf32, #tpu.memory_space<vmem_shared>> -> memref<10240xf32, #tpu.memory_space<vmem_shared>>
    tpu.enqueue_indirect_dma source(%dma_start3A_51 : memref<10240xf32, #tpu.memory_space<vmem_shared>>) target(%dma_start3A_46 : memref<128xf32, #tpu.memory_space<vmem>>) offsets(%dma_start3A_49 : memref<128xi32, #tpu.memory_space<vmem>>) semaphore(%arg9 : memref<!tpu.dma_semaphore, #tpu.memory_space<semaphore_mem>>)
    %dma_start3A_52 = arith.constant 5 : i32
    %dma_start3A_53 = arith.constant 5 : i32
    %dma_start3A_54 = arith.constant 0 : i32
    %dma_start3A_55 = tpu.memref_slice %arg6[%dma_start3A_53, %dma_start3A_54] : memref<79x128xf32, #tpu.memory_space<vmem>> -> memref<1x128xf32, #tpu.memory_space<vmem>>
    %dma_start3A_56 = tpu.memref_squeeze %dma_start3A_55 : memref<1x128xf32, #tpu.memory_space<vmem>> -> memref<128xf32, #tpu.memory_space<vmem>>
    %dma_start3A_57 = arith.constant 0 : i32
    %dma_start3A_58 = tpu.memref_slice %arg5[%dma_start3A_52, %dma_start3A_57] : memref<79x128xi32, #tpu.memory_space<vmem>> -> memref<1x128xi32, #tpu.memory_space<vmem>>
    %dma_start3A_59 = tpu.memref_squeeze %dma_start3A_58 : memref<1x128xi32, #tpu.memory_space<vmem>> -> memref<128xi32, #tpu.memory_space<vmem>>
    %dma_start3A_60 = arith.constant 0 : i32
    %dma_start3A_61 = tpu.memref_slice %arg8[%dma_start3A_60] : memref<10240xf32, #tpu.memory_space<vmem_shared>> -> memref<10240xf32, #tpu.memory_space<vmem_shared>>
    tpu.enqueue_indirect_dma source(%dma_start3A_61 : memref<10240xf32, #tpu.memory_space<vmem_shared>>) target(%dma_start3A_56 : memref<128xf32, #tpu.memory_space<vmem>>) offsets(%dma_start3A_59 : memref<128xi32, #tpu.memory_space<vmem>>) semaphore(%arg9 : memref<!tpu.dma_semaphore, #tpu.memory_space<semaphore_mem>>)
    %dma_start3A_62 = arith.constant 6 : i32
    %dma_start3A_63 = arith.constant 6 : i32
    %dma_start3A_64 = arith.constant 0 : i32
    %dma_start3A_65 = tpu.memref_slice %arg6[%dma_start3A_63, %dma_start3A_64] : memref<79x128xf32, #tpu.memory_space<vmem>> -> memref<1x128xf32, #tpu.memory_space<vmem>>
    %dma_start3A_66 = tpu.memref_squeeze %dma_start3A_65 : memref<1x128xf32, #tpu.memory_space<vmem>> -> memref<128xf32, #tpu.memory_space<vmem>>
    %dma_start3A_67 = arith.constant 0 : i32
    %dma_start3A_68 = tpu.memref_slice %arg5[%dma_start3A_62, %dma_start3A_67] : memref<79x128xi32, #tpu.memory_space<vmem>> -> memref<1x128xi32, #tpu.memory_space<vmem>>
    %dma_start3A_69 = tpu.memref_squeeze %dma_start3A_68 : memref<1x128xi32, #tpu.memory_space<vmem>> -> memref<128xi32, #tpu.memory_space<vmem>>
    %dma_start3A_70 = arith.constant 0 : i32
    %dma_start3A_71 = tpu.memref_slice %arg8[%dma_start3A_70] : memref<10240xf32, #tpu.memory_space<vmem_shared>> -> memref<10240xf32, #tpu.memory_space<vmem_shared>>
    tpu.enqueue_indirect_dma source(%dma_start3A_71 : memref<10240xf32, #tpu.memory_space<vmem_shared>>) target(%dma_start3A_66 : memref<128xf32, #tpu.memory_space<vmem>>) offsets(%dma_start3A_69 : memref<128xi32, #tpu.memory_space<vmem>>) semaphore(%arg9 : memref<!tpu.dma_semaphore, #tpu.memory_space<semaphore_mem>>)
    %dma_start3A_72 = arith.constant 7 : i32
    %dma_start3A_73 = arith.constant 7 : i32
    %dma_start3A_74 = arith.constant 0 : i32
    %dma_start3A_75 = tpu.memref_slice %arg6[%dma_start3A_73, %dma_start3A_74] : memref<79x128xf32, #tpu.memory_space<vmem>> -> memref<1x128xf32, #tpu.memory_space<vmem>>
    %dma_start3A_76 = tpu.memref_squeeze %dma_start3A_75 : memref<1x128xf32, #tpu.memory_space<vmem>> -> memref<128xf32, #tpu.memory_space<vmem>>
    %dma_start3A_77 = arith.constant 0 : i32
    %dma_start3A_78 = tpu.memref_slice %arg5[%dma_start3A_72, %dma_start3A_77] : memref<79x128xi32, #tpu.memory_space<vmem>> -> memref<1x128xi32, #tpu.memory_space<vmem>>
    %dma_start3A_79 = tpu.memref_squeeze %dma_start3A_78 : memref<1x128xi32, #tpu.memory_space<vmem>> -> memref<128xi32, #tpu.memory_space<vmem>>
    %dma_start3A_80 = arith.constant 0 : i32
    %dma_start3A_81 = tpu.memref_slice %arg8[%dma_start3A_80] : memref<10240xf32, #tpu.memory_space<vmem_shared>> -> memref<10240xf32, #tpu.memory_space<vmem_shared>>
    tpu.enqueue_indirect_dma source(%dma_start3A_81 : memref<10240xf32, #tpu.memory_space<vmem_shared>>) target(%dma_start3A_76 : memref<128xf32, #tpu.memory_space<vmem>>) offsets(%dma_start3A_79 : memref<128xi32, #tpu.memory_space<vmem>>) semaphore(%arg9 : memref<!tpu.dma_semaphore, #tpu.memory_space<semaphore_mem>>)
    %dma_wait3A = arith.constant 0 : i32
    %dma_wait3A_82 = arith.constant 0 : i32
    %dma_wait3A_83 = arith.constant 0 : i32
    %dma_wait3A_84 = tpu.memref_slice %arg6[%dma_wait3A_82, %dma_wait3A_83] : memref<79x128xf32, #tpu.memory_space<vmem>> -> memref<1x128xf32, #tpu.memory_space<vmem>>
    %dma_wait3A_85 = tpu.memref_squeeze %dma_wait3A_84 : memref<1x128xf32, #tpu.memory_space<vmem>> -> memref<128xf32, #tpu.memory_space<vmem>>
    %dma_wait3A_86 = arith.constant 0 : i32
    %dma_wait3A_87 = tpu.memref_slice %arg5[%dma_wait3A, %dma_wait3A_86] : memref<79x128xi32, #tpu.memory_space<vmem>> -> memref<1x128xi32, #tpu.memory_space<vmem>>
    %dma_wait3A_88 = tpu.memref_squeeze %dma_wait3A_87 : memref<1x128xi32, #tpu.memory_space<vmem>> -> memref<128xi32, #tpu.memory_space<vmem>>
    %dma_wait3A_89 = arith.constant 0 : i32
    %dma_wait3A_90 = tpu.memref_slice %arg8[%dma_wait3A_89] : memref<10240xf32, #tpu.memory_space<vmem_shared>> -> memref<10240xf32, #tpu.memory_space<vmem_shared>>
    tpu.wait_indirect_dma semaphore(%arg9 : memref<!tpu.dma_semaphore, #tpu.memory_space<semaphore_mem>>) src(%dma_wait3A_90 : memref<10240xf32, #tpu.memory_space<vmem_shared>>) dst(%dma_wait3A_85 : memref<128xf32, #tpu.memory_space<vmem>>)
    %dma_wait3A_91 = arith.constant 1 : i32
    %dma_wait3A_92 = arith.constant 1 : i32
    %dma_wait3A_93 = arith.constant 0 : i32
    %dma_wait3A_94 = tpu.memref_slice %arg6[%dma_wait3A_92, %dma_wait3A_93] : memref<79x128xf32, #tpu.memory_space<vmem>> -> memref<1x128xf32, #tpu.memory_space<vmem>>
    %dma_wait3A_95 = tpu.memref_squeeze %dma_wait3A_94 : memref<1x128xf32, #tpu.memory_space<vmem>> -> memref<128xf32, #tpu.memory_space<vmem>>
    %dma_wait3A_96 = arith.constant 0 : i32
    %dma_wait3A_97 = tpu.memref_slice %arg5[%dma_wait3A_91, %dma_wait3A_96] : memref<79x128xi32, #tpu.memory_space<vmem>> -> memref<1x128xi32, #tpu.memory_space<vmem>>
    %dma_wait3A_98 = tpu.memref_squeeze %dma_wait3A_97 : memref<1x128xi32, #tpu.memory_space<vmem>> -> memref<128xi32, #tpu.memory_space<vmem>>
    %dma_wait3A_99 = arith.constant 0 : i32
    %dma_wait3A_100 = tpu.memref_slice %arg8[%dma_wait3A_99] : memref<10240xf32, #tpu.memory_space<vmem_shared>> -> memref<10240xf32, #tpu.memory_space<vmem_shared>>
    tpu.wait_indirect_dma semaphore(%arg9 : memref<!tpu.dma_semaphore, #tpu.memory_space<semaphore_mem>>) src(%dma_wait3A_100 : memref<10240xf32, #tpu.memory_space<vmem_shared>>) dst(%dma_wait3A_95 : memref<128xf32, #tpu.memory_space<vmem>>)
    %dma_wait3A_101 = arith.constant 2 : i32
    %dma_wait3A_102 = arith.constant 2 : i32
    %dma_wait3A_103 = arith.constant 0 : i32
    %dma_wait3A_104 = tpu.memref_slice %arg6[%dma_wait3A_102, %dma_wait3A_103] : memref<79x128xf32, #tpu.memory_space<vmem>> -> memref<1x128xf32, #tpu.memory_space<vmem>>
    %dma_wait3A_105 = tpu.memref_squeeze %dma_wait3A_104 : memref<1x128xf32, #tpu.memory_space<vmem>> -> memref<128xf32, #tpu.memory_space<vmem>>
    %dma_wait3A_106 = arith.constant 0 : i32
    %dma_wait3A_107 = tpu.memref_slice %arg5[%dma_wait3A_101, %dma_wait3A_106] : memref<79x128xi32, #tpu.memory_space<vmem>> -> memref<1x128xi32, #tpu.memory_space<vmem>>
    %dma_wait3A_108 = tpu.memref_squeeze %dma_wait3A_107 : memref<1x128xi32, #tpu.memory_space<vmem>> -> memref<128xi32, #tpu.memory_space<vmem>>
    %dma_wait3A_109 = arith.constant 0 : i32
    %dma_wait3A_110 = tpu.memref_slice %arg8[%dma_wait3A_109] : memref<10240xf32, #tpu.memory_space<vmem_shared>> -> memref<10240xf32, #tpu.memory_space<vmem_shared>>
    tpu.wait_indirect_dma semaphore(%arg9 : memref<!tpu.dma_semaphore, #tpu.memory_space<semaphore_mem>>) src(%dma_wait3A_110 : memref<10240xf32, #tpu.memory_space<vmem_shared>>) dst(%dma_wait3A_105 : memref<128xf32, #tpu.memory_space<vmem>>)
    %dma_wait3A_111 = arith.constant 3 : i32
    %dma_wait3A_112 = arith.constant 3 : i32
    %dma_wait3A_113 = arith.constant 0 : i32
    %dma_wait3A_114 = tpu.memref_slice %arg6[%dma_wait3A_112, %dma_wait3A_113] : memref<79x128xf32, #tpu.memory_space<vmem>> -> memref<1x128xf32, #tpu.memory_space<vmem>>
    %dma_wait3A_115 = tpu.memref_squeeze %dma_wait3A_114 : memref<1x128xf32, #tpu.memory_space<vmem>> -> memref<128xf32, #tpu.memory_space<vmem>>
    %dma_wait3A_116 = arith.constant 0 : i32
    %dma_wait3A_117 = tpu.memref_slice %arg5[%dma_wait3A_111, %dma_wait3A_116] : memref<79x128xi32, #tpu.memory_space<vmem>> -> memref<1x128xi32, #tpu.memory_space<vmem>>
    %dma_wait3A_118 = tpu.memref_squeeze %dma_wait3A_117 : memref<1x128xi32, #tpu.memory_space<vmem>> -> memref<128xi32, #tpu.memory_space<vmem>>
    %dma_wait3A_119 = arith.constant 0 : i32
    %dma_wait3A_120 = tpu.memref_slice %arg8[%dma_wait3A_119] : memref<10240xf32, #tpu.memory_space<vmem_shared>> -> memref<10240xf32, #tpu.memory_space<vmem_shared>>
    tpu.wait_indirect_dma semaphore(%arg9 : memref<!tpu.dma_semaphore, #tpu.memory_space<semaphore_mem>>) src(%dma_wait3A_120 : memref<10240xf32, #tpu.memory_space<vmem_shared>>) dst(%dma_wait3A_115 : memref<128xf32, #tpu.memory_space<vmem>>)
    %dma_wait3A_121 = arith.constant 4 : i32
    %dma_wait3A_122 = arith.constant 4 : i32
    %dma_wait3A_123 = arith.constant 0 : i32
    %dma_wait3A_124 = tpu.memref_slice %arg6[%dma_wait3A_122, %dma_wait3A_123] : memref<79x128xf32, #tpu.memory_space<vmem>> -> memref<1x128xf32, #tpu.memory_space<vmem>>
    %dma_wait3A_125 = tpu.memref_squeeze %dma_wait3A_124 : memref<1x128xf32, #tpu.memory_space<vmem>> -> memref<128xf32, #tpu.memory_space<vmem>>
    %dma_wait3A_126 = arith.constant 0 : i32
    %dma_wait3A_127 = tpu.memref_slice %arg5[%dma_wait3A_121, %dma_wait3A_126] : memref<79x128xi32, #tpu.memory_space<vmem>> -> memref<1x128xi32, #tpu.memory_space<vmem>>
    %dma_wait3A_128 = tpu.memref_squeeze %dma_wait3A_127 : memref<1x128xi32, #tpu.memory_space<vmem>> -> memref<128xi32, #tpu.memory_space<vmem>>
    %dma_wait3A_129 = arith.constant 0 : i32
    %dma_wait3A_130 = tpu.memref_slice %arg8[%dma_wait3A_129] : memref<10240xf32, #tpu.memory_space<vmem_shared>> -> memref<10240xf32, #tpu.memory_space<vmem_shared>>
    tpu.wait_indirect_dma semaphore(%arg9 : memref<!tpu.dma_semaphore, #tpu.memory_space<semaphore_mem>>) src(%dma_wait3A_130 : memref<10240xf32, #tpu.memory_space<vmem_shared>>) dst(%dma_wait3A_125 : memref<128xf32, #tpu.memory_space<vmem>>)
    %dma_wait3A_131 = arith.constant 5 : i32
    %dma_wait3A_132 = arith.constant 5 : i32
    %dma_wait3A_133 = arith.constant 0 : i32
    %dma_wait3A_134 = tpu.memref_slice %arg6[%dma_wait3A_132, %dma_wait3A_133] : memref<79x128xf32, #tpu.memory_space<vmem>> -> memref<1x128xf32, #tpu.memory_space<vmem>>
    %dma_wait3A_135 = tpu.memref_squeeze %dma_wait3A_134 : memref<1x128xf32, #tpu.memory_space<vmem>> -> memref<128xf32, #tpu.memory_space<vmem>>
    %dma_wait3A_136 = arith.constant 0 : i32
    %dma_wait3A_137 = tpu.memref_slice %arg5[%dma_wait3A_131, %dma_wait3A_136] : memref<79x128xi32, #tpu.memory_space<vmem>> -> memref<1x128xi32, #tpu.memory_space<vmem>>
    %dma_wait3A_138 = tpu.memref_squeeze %dma_wait3A_137 : memref<1x128xi32, #tpu.memory_space<vmem>> -> memref<128xi32, #tpu.memory_space<vmem>>
    %dma_wait3A_139 = arith.constant 0 : i32
    %dma_wait3A_140 = tpu.memref_slice %arg8[%dma_wait3A_139] : memref<10240xf32, #tpu.memory_space<vmem_shared>> -> memref<10240xf32, #tpu.memory_space<vmem_shared>>
    tpu.wait_indirect_dma semaphore(%arg9 : memref<!tpu.dma_semaphore, #tpu.memory_space<semaphore_mem>>) src(%dma_wait3A_140 : memref<10240xf32, #tpu.memory_space<vmem_shared>>) dst(%dma_wait3A_135 : memref<128xf32, #tpu.memory_space<vmem>>)
    %dma_wait3A_141 = arith.constant 6 : i32
    %dma_wait3A_142 = arith.constant 6 : i32
    %dma_wait3A_143 = arith.constant 0 : i32
    %dma_wait3A_144 = tpu.memref_slice %arg6[%dma_wait3A_142, %dma_wait3A_143] : memref<79x128xf32, #tpu.memory_space<vmem>> -> memref<1x128xf32, #tpu.memory_space<vmem>>
    %dma_wait3A_145 = tpu.memref_squeeze %dma_wait3A_144 : memref<1x128xf32, #tpu.memory_space<vmem>> -> memref<128xf32, #tpu.memory_space<vmem>>
    %dma_wait3A_146 = arith.constant 0 : i32
    %dma_wait3A_147 = tpu.memref_slice %arg5[%dma_wait3A_141, %dma_wait3A_146] : memref<79x128xi32, #tpu.memory_space<vmem>> -> memref<1x128xi32, #tpu.memory_space<vmem>>
    %dma_wait3A_148 = tpu.memref_squeeze %dma_wait3A_147 : memref<1x128xi32, #tpu.memory_space<vmem>> -> memref<128xi32, #tpu.memory_space<vmem>>
    %dma_wait3A_149 = arith.constant 0 : i32
    %dma_wait3A_150 = tpu.memref_slice %arg8[%dma_wait3A_149] : memref<10240xf32, #tpu.memory_space<vmem_shared>> -> memref<10240xf32, #tpu.memory_space<vmem_shared>>
    tpu.wait_indirect_dma semaphore(%arg9 : memref<!tpu.dma_semaphore, #tpu.memory_space<semaphore_mem>>) src(%dma_wait3A_150 : memref<10240xf32, #tpu.memory_space<vmem_shared>>) dst(%dma_wait3A_145 : memref<128xf32, #tpu.memory_space<vmem>>)
    %dma_wait3A_151 = arith.constant 7 : i32
    %dma_wait3A_152 = arith.constant 7 : i32
    %dma_wait3A_153 = arith.constant 0 : i32
    %dma_wait3A_154 = tpu.memref_slice %arg6[%dma_wait3A_152, %dma_wait3A_153] : memref<79x128xf32, #tpu.memory_space<vmem>> -> memref<1x128xf32, #tpu.memory_space<vmem>>
    %dma_wait3A_155 = tpu.memref_squeeze %dma_wait3A_154 : memref<1x128xf32, #tpu.memory_space<vmem>> -> memref<128xf32, #tpu.memory_space<vmem>>
    %dma_wait3A_156 = arith.constant 0 : i32
    %dma_wait3A_157 = tpu.memref_slice %arg5[%dma_wait3A_151, %dma_wait3A_156] : memref<79x128xi32, #tpu.memory_space<vmem>> -> memref<1x128xi32, #tpu.memory_space<vmem>>
    %dma_wait3A_158 = tpu.memref_squeeze %dma_wait3A_157 : memref<1x128xi32, #tpu.memory_space<vmem>> -> memref<128xi32, #tpu.memory_space<vmem>>
    %dma_wait3A_159 = arith.constant 0 : i32
    %dma_wait3A_160 = tpu.memref_slice %arg8[%dma_wait3A_159] : memref<10240xf32, #tpu.memory_space<vmem_shared>> -> memref<10240xf32, #tpu.memory_space<vmem_shared>>
    tpu.wait_indirect_dma semaphore(%arg9 : memref<!tpu.dma_semaphore, #tpu.memory_space<semaphore_mem>>) src(%dma_wait3A_160 : memref<10240xf32, #tpu.memory_space<vmem_shared>>) dst(%dma_wait3A_155 : memref<128xf32, #tpu.memory_space<vmem>>)
    %dma_start3A_161 = arith.constant 8 : i32
    %dma_start3A_162 = arith.constant 8 : i32
    %dma_start3A_163 = arith.constant 0 : i32
    %dma_start3A_164 = tpu.memref_slice %arg6[%dma_start3A_162, %dma_start3A_163] : memref<79x128xf32, #tpu.memory_space<vmem>> -> memref<1x128xf32, #tpu.memory_space<vmem>>
    %dma_start3A_165 = tpu.memref_squeeze %dma_start3A_164 : memref<1x128xf32, #tpu.memory_space<vmem>> -> memref<128xf32, #tpu.memory_space<vmem>>
    %dma_start3A_166 = arith.constant 0 : i32
    %dma_start3A_167 = tpu.memref_slice %arg5[%dma_start3A_161, %dma_start3A_166] : memref<79x128xi32, #tpu.memory_space<vmem>> -> memref<1x128xi32, #tpu.memory_space<vmem>>
    %dma_start3A_168 = tpu.memref_squeeze %dma_start3A_167 : memref<1x128xi32, #tpu.memory_space<vmem>> -> memref<128xi32, #tpu.memory_space<vmem>>
    %dma_start3A_169 = arith.constant 0 : i32
    %dma_start3A_170 = tpu.memref_slice %arg8[%dma_start3A_169] : memref<10240xf32, #tpu.memory_space<vmem_shared>> -> memref<10240xf32, #tpu.memory_space<vmem_shared>>
    tpu.enqueue_indirect_dma source(%dma_start3A_170 : memref<10240xf32, #tpu.memory_space<vmem_shared>>) target(%dma_start3A_165 : memref<128xf32, #tpu.memory_space<vmem>>) offsets(%dma_start3A_168 : memref<128xi32, #tpu.memory_space<vmem>>) semaphore(%arg9 : memref<!tpu.dma_semaphore, #tpu.memory_space<semaphore_mem>>)
    %dma_start3A_171 = arith.constant 9 : i32
    %dma_start3A_172 = arith.constant 9 : i32
    %dma_start3A_173 = arith.constant 0 : i32
    %dma_start3A_174 = tpu.memref_slice %arg6[%dma_start3A_172, %dma_start3A_173] : memref<79x128xf32, #tpu.memory_space<vmem>> -> memref<1x128xf32, #tpu.memory_space<vmem>>
    %dma_start3A_175 = tpu.memref_squeeze %dma_start3A_174 : memref<1x128xf32, #tpu.memory_space<vmem>> -> memref<128xf32, #tpu.memory_space<vmem>>
    %dma_start3A_176 = arith.constant 0 : i32
    %dma_start3A_177 = tpu.memref_slice %arg5[%dma_start3A_171, %dma_start3A_176] : memref<79x128xi32, #tpu.memory_space<vmem>> -> memref<1x128xi32, #tpu.memory_space<vmem>>
    %dma_start3A_178 = tpu.memref_squeeze %dma_start3A_177 : memref<1x128xi32, #tpu.memory_space<vmem>> -> memref<128xi32, #tpu.memory_space<vmem>>
    %dma_start3A_179 = arith.constant 0 : i32
    %dma_start3A_180 = tpu.memref_slice %arg8[%dma_start3A_179] : memref<10240xf32, #tpu.memory_space<vmem_shared>> -> memref<10240xf32, #tpu.memory_space<vmem_shared>>
    tpu.enqueue_indirect_dma source(%dma_start3A_180 : memref<10240xf32, #tpu.memory_space<vmem_shared>>) target(%dma_start3A_175 : memref<128xf32, #tpu.memory_space<vmem>>) offsets(%dma_start3A_178 : memref<128xi32, #tpu.memory_space<vmem>>) semaphore(%arg9 : memref<!tpu.dma_semaphore, #tpu.memory_space<semaphore_mem>>)
    %dma_start3A_181 = arith.constant 10 : i32
    %dma_start3A_182 = arith.constant 10 : i32
    %dma_start3A_183 = arith.constant 0 : i32
    %dma_start3A_184 = tpu.memref_slice %arg6[%dma_start3A_182, %dma_start3A_183] : memref<79x128xf32, #tpu.memory_space<vmem>> -> memref<1x128xf32, #tpu.memory_space<vmem>>
    %dma_start3A_185 = tpu.memref_squeeze %dma_start3A_184 : memref<1x128xf32, #tpu.memory_space<vmem>> -> memref<128xf32, #tpu.memory_space<vmem>>
    %dma_start3A_186 = arith.constant 0 : i32
    %dma_start3A_187 = tpu.memref_slice %arg5[%dma_start3A_181, %dma_start3A_186] : memref<79x128xi32, #tpu.memory_space<vmem>> -> memref<1x128xi32, #tpu.memory_space<vmem>>
    %dma_start3A_188 = tpu.memref_squeeze %dma_start3A_187 : memref<1x128xi32, #tpu.memory_space<vmem>> -> memref<128xi32, #tpu.memory_space<vmem>>
    %dma_start3A_189 = arith.constant 0 : i32
    %dma_start3A_190 = tpu.memref_slice %arg8[%dma_start3A_189] : memref<10240xf32, #tpu.memory_space<vmem_shared>> -> memref<10240xf32, #tpu.memory_space<vmem_shared>>
    tpu.enqueue_indirect_dma source(%dma_start3A_190 : memref<10240xf32, #tpu.memory_space<vmem_shared>>) target(%dma_start3A_185 : memref<128xf32, #tpu.memory_space<vmem>>) offsets(%dma_start3A_188 : memref<128xi32, #tpu.memory_space<vmem>>) semaphore(%arg9 : memref<!tpu.dma_semaphore, #tpu.memory_space<semaphore_mem>>)
    %dma_start3A_191 = arith.constant 11 : i32
    %dma_start3A_192 = arith.constant 11 : i32
    %dma_start3A_193 = arith.constant 0 : i32
    %dma_start3A_194 = tpu.memref_slice %arg6[%dma_start3A_192, %dma_start3A_193] : memref<79x128xf32, #tpu.memory_space<vmem>> -> memref<1x128xf32, #tpu.memory_space<vmem>>
    %dma_start3A_195 = tpu.memref_squeeze %dma_start3A_194 : memref<1x128xf32, #tpu.memory_space<vmem>> -> memref<128xf32, #tpu.memory_space<vmem>>
    %dma_start3A_196 = arith.constant 0 : i32
    %dma_start3A_197 = tpu.memref_slice %arg5[%dma_start3A_191, %dma_start3A_196] : memref<79x128xi32, #tpu.memory_space<vmem>> -> memref<1x128xi32, #tpu.memory_space<vmem>>
    %dma_start3A_198 = tpu.memref_squeeze %dma_start3A_197 : memref<1x128xi32, #tpu.memory_space<vmem>> -> memref<128xi32, #tpu.memory_space<vmem>>
    %dma_start3A_199 = arith.constant 0 : i32
    %dma_start3A_200 = tpu.memref_slice %arg8[%dma_start3A_199] : memref<10240xf32, #tpu.memory_space<vmem_shared>> -> memref<10240xf32, #tpu.memory_space<vmem_shared>>
    tpu.enqueue_indirect_dma source(%dma_start3A_200 : memref<10240xf32, #tpu.memory_space<vmem_shared>>) target(%dma_start3A_195 : memref<128xf32, #tpu.memory_space<vmem>>) offsets(%dma_start3A_198 : memref<128xi32, #tpu.memory_space<vmem>>) semaphore(%arg9 : memref<!tpu.dma_semaphore, #tpu.memory_space<semaphore_mem>>)
    %dma_start3A_201 = arith.constant 12 : i32
    %dma_start3A_202 = arith.constant 12 : i32
    %dma_start3A_203 = arith.constant 0 : i32
    %dma_start3A_204 = tpu.memref_slice %arg6[%dma_start3A_202, %dma_start3A_203] : memref<79x128xf32, #tpu.memory_space<vmem>> -> memref<1x128xf32, #tpu.memory_space<vmem>>
    %dma_start3A_205 = tpu.memref_squeeze %dma_start3A_204 : memref<1x128xf32, #tpu.memory_space<vmem>> -> memref<128xf32, #tpu.memory_space<vmem>>
    %dma_start3A_206 = arith.constant 0 : i32
    %dma_start3A_207 = tpu.memref_slice %arg5[%dma_start3A_201, %dma_start3A_206] : memref<79x128xi32, #tpu.memory_space<vmem>> -> memref<1x128xi32, #tpu.memory_space<vmem>>
    %dma_start3A_208 = tpu.memref_squeeze %dma_start3A_207 : memref<1x128xi32, #tpu.memory_space<vmem>> -> memref<128xi32, #tpu.memory_space<vmem>>
    %dma_start3A_209 = arith.constant 0 : i32
    %dma_start3A_210 = tpu.memref_slice %arg8[%dma_start3A_209] : memref<10240xf32, #tpu.memory_space<vmem_shared>> -> memref<10240xf32, #tpu.memory_space<vmem_shared>>
    tpu.enqueue_indirect_dma source(%dma_start3A_210 : memref<10240xf32, #tpu.memory_space<vmem_shared>>) target(%dma_start3A_205 : memref<128xf32, #tpu.memory_space<vmem>>) offsets(%dma_start3A_208 : memref<128xi32, #tpu.memory_space<vmem>>) semaphore(%arg9 : memref<!tpu.dma_semaphore, #tpu.memory_space<semaphore_mem>>)
    %dma_start3A_211 = arith.constant 13 : i32
    %dma_start3A_212 = arith.constant 13 : i32
    %dma_start3A_213 = arith.constant 0 : i32
    %dma_start3A_214 = tpu.memref_slice %arg6[%dma_start3A_212, %dma_start3A_213] : memref<79x128xf32, #tpu.memory_space<vmem>> -> memref<1x128xf32, #tpu.memory_space<vmem>>
    %dma_start3A_215 = tpu.memref_squeeze %dma_start3A_214 : memref<1x128xf32, #tpu.memory_space<vmem>> -> memref<128xf32, #tpu.memory_space<vmem>>
    %dma_start3A_216 = arith.constant 0 : i32
    %dma_start3A_217 = tpu.memref_slice %arg5[%dma_start3A_211, %dma_start3A_216] : memref<79x128xi32, #tpu.memory_space<vmem>> -> memref<1x128xi32, #tpu.memory_space<vmem>>
    %dma_start3A_218 = tpu.memref_squeeze %dma_start3A_217 : memref<1x128xi32, #tpu.memory_space<vmem>> -> memref<128xi32, #tpu.memory_space<vmem>>
    %dma_start3A_219 = arith.constant 0 : i32
    %dma_start3A_220 = tpu.memref_slice %arg8[%dma_start3A_219] : memref<10240xf32, #tpu.memory_space<vmem_shared>> -> memref<10240xf32, #tpu.memory_space<vmem_shared>>
    tpu.enqueue_indirect_dma source(%dma_start3A_220 : memref<10240xf32, #tpu.memory_space<vmem_shared>>) target(%dma_start3A_215 : memref<128xf32, #tpu.memory_space<vmem>>) offsets(%dma_start3A_218 : memref<128xi32, #tpu.memory_space<vmem>>) semaphore(%arg9 : memref<!tpu.dma_semaphore, #tpu.memory_space<semaphore_mem>>)
    %dma_start3A_221 = arith.constant 14 : i32
    %dma_start3A_222 = arith.constant 14 : i32
    %dma_start3A_223 = arith.constant 0 : i32
    %dma_start3A_224 = tpu.memref_slice %arg6[%dma_start3A_222, %dma_start3A_223] : memref<79x128xf32, #tpu.memory_space<vmem>> -> memref<1x128xf32, #tpu.memory_space<vmem>>
    %dma_start3A_225 = tpu.memref_squeeze %dma_start3A_224 : memref<1x128xf32, #tpu.memory_space<vmem>> -> memref<128xf32, #tpu.memory_space<vmem>>
    %dma_start3A_226 = arith.constant 0 : i32
    %dma_start3A_227 = tpu.memref_slice %arg5[%dma_start3A_221, %dma_start3A_226] : memref<79x128xi32, #tpu.memory_space<vmem>> -> memref<1x128xi32, #tpu.memory_space<vmem>>
    %dma_start3A_228 = tpu.memref_squeeze %dma_start3A_227 : memref<1x128xi32, #tpu.memory_space<vmem>> -> memref<128xi32, #tpu.memory_space<vmem>>
    %dma_start3A_229 = arith.constant 0 : i32
    %dma_start3A_230 = tpu.memref_slice %arg8[%dma_start3A_229] : memref<10240xf32, #tpu.memory_space<vmem_shared>> -> memref<10240xf32, #tpu.memory_space<vmem_shared>>
    tpu.enqueue_indirect_dma source(%dma_start3A_230 : memref<10240xf32, #tpu.memory_space<vmem_shared>>) target(%dma_start3A_225 : memref<128xf32, #tpu.memory_space<vmem>>) offsets(%dma_start3A_228 : memref<128xi32, #tpu.memory_space<vmem>>) semaphore(%arg9 : memref<!tpu.dma_semaphore, #tpu.memory_space<semaphore_mem>>)
    %dma_start3A_231 = arith.constant 15 : i32
    %dma_start3A_232 = arith.constant 15 : i32
    %dma_start3A_233 = arith.constant 0 : i32
    %dma_start3A_234 = tpu.memref_slice %arg6[%dma_start3A_232, %dma_start3A_233] : memref<79x128xf32, #tpu.memory_space<vmem>> -> memref<1x128xf32, #tpu.memory_space<vmem>>
    %dma_start3A_235 = tpu.memref_squeeze %dma_start3A_234 : memref<1x128xf32, #tpu.memory_space<vmem>> -> memref<128xf32, #tpu.memory_space<vmem>>
    %dma_start3A_236 = arith.constant 0 : i32
    %dma_start3A_237 = tpu.memref_slice %arg5[%dma_start3A_231, %dma_start3A_236] : memref<79x128xi32, #tpu.memory_space<vmem>> -> memref<1x128xi32, #tpu.memory_space<vmem>>
    %dma_start3A_238 = tpu.memref_squeeze %dma_start3A_237 : memref<1x128xi32, #tpu.memory_space<vmem>> -> memref<128xi32, #tpu.memory_space<vmem>>
    %dma_start3A_239 = arith.constant 0 : i32
    %dma_start3A_240 = tpu.memref_slice %arg8[%dma_start3A_239] : memref<10240xf32, #tpu.memory_space<vmem_shared>> -> memref<10240xf32, #tpu.memory_space<vmem_shared>>
    tpu.enqueue_indirect_dma source(%dma_start3A_240 : memref<10240xf32, #tpu.memory_space<vmem_shared>>) target(%dma_start3A_235 : memref<128xf32, #tpu.memory_space<vmem>>) offsets(%dma_start3A_238 : memref<128xi32, #tpu.memory_space<vmem>>) semaphore(%arg9 : memref<!tpu.dma_semaphore, #tpu.memory_space<semaphore_mem>>)
    %dma_wait3A_241 = arith.constant 8 : i32
    %dma_wait3A_242 = arith.constant 8 : i32
    %dma_wait3A_243 = arith.constant 0 : i32
    %dma_wait3A_244 = tpu.memref_slice %arg6[%dma_wait3A_242, %dma_wait3A_243] : memref<79x128xf32, #tpu.memory_space<vmem>> -> memref<1x128xf32, #tpu.memory_space<vmem>>
    %dma_wait3A_245 = tpu.memref_squeeze %dma_wait3A_244 : memref<1x128xf32, #tpu.memory_space<vmem>> -> memref<128xf32, #tpu.memory_space<vmem>>
    %dma_wait3A_246 = arith.constant 0 : i32
    %dma_wait3A_247 = tpu.memref_slice %arg5[%dma_wait3A_241, %dma_wait3A_246] : memref<79x128xi32, #tpu.memory_space<vmem>> -> memref<1x128xi32, #tpu.memory_space<vmem>>
    %dma_wait3A_248 = tpu.memref_squeeze %dma_wait3A_247 : memref<1x128xi32, #tpu.memory_space<vmem>> -> memref<128xi32, #tpu.memory_space<vmem>>
    %dma_wait3A_249 = arith.constant 0 : i32
    %dma_wait3A_250 = tpu.memref_slice %arg8[%dma_wait3A_249] : memref<10240xf32, #tpu.memory_space<vmem_shared>> -> memref<10240xf32, #tpu.memory_space<vmem_shared>>
    tpu.wait_indirect_dma semaphore(%arg9 : memref<!tpu.dma_semaphore, #tpu.memory_space<semaphore_mem>>) src(%dma_wait3A_250 : memref<10240xf32, #tpu.memory_space<vmem_shared>>) dst(%dma_wait3A_245 : memref<128xf32, #tpu.memory_space<vmem>>)
    %dma_wait3A_251 = arith.constant 9 : i32
    %dma_wait3A_252 = arith.constant 9 : i32
    %dma_wait3A_253 = arith.constant 0 : i32
    %dma_wait3A_254 = tpu.memref_slice %arg6[%dma_wait3A_252, %dma_wait3A_253] : memref<79x128xf32, #tpu.memory_space<vmem>> -> memref<1x128xf32, #tpu.memory_space<vmem>>
    %dma_wait3A_255 = tpu.memref_squeeze %dma_wait3A_254 : memref<1x128xf32, #tpu.memory_space<vmem>> -> memref<128xf32, #tpu.memory_space<vmem>>
    %dma_wait3A_256 = arith.constant 0 : i32
    %dma_wait3A_257 = tpu.memref_slice %arg5[%dma_wait3A_251, %dma_wait3A_256] : memref<79x128xi32, #tpu.memory_space<vmem>> -> memref<1x128xi32, #tpu.memory_space<vmem>>
    %dma_wait3A_258 = tpu.memref_squeeze %dma_wait3A_257 : memref<1x128xi32, #tpu.memory_space<vmem>> -> memref<128xi32, #tpu.memory_space<vmem>>
    %dma_wait3A_259 = arith.constant 0 : i32
    %dma_wait3A_260 = tpu.memref_slice %arg8[%dma_wait3A_259] : memref<10240xf32, #tpu.memory_space<vmem_shared>> -> memref<10240xf32, #tpu.memory_space<vmem_shared>>
    tpu.wait_indirect_dma semaphore(%arg9 : memref<!tpu.dma_semaphore, #tpu.memory_space<semaphore_mem>>) src(%dma_wait3A_260 : memref<10240xf32, #tpu.memory_space<vmem_shared>>) dst(%dma_wait3A_255 : memref<128xf32, #tpu.memory_space<vmem>>)
    %dma_wait3A_261 = arith.constant 10 : i32
    %dma_wait3A_262 = arith.constant 10 : i32
    %dma_wait3A_263 = arith.constant 0 : i32
    %dma_wait3A_264 = tpu.memref_slice %arg6[%dma_wait3A_262, %dma_wait3A_263] : memref<79x128xf32, #tpu.memory_space<vmem>> -> memref<1x128xf32, #tpu.memory_space<vmem>>
    %dma_wait3A_265 = tpu.memref_squeeze %dma_wait3A_264 : memref<1x128xf32, #tpu.memory_space<vmem>> -> memref<128xf32, #tpu.memory_space<vmem>>
    %dma_wait3A_266 = arith.constant 0 : i32
    %dma_wait3A_267 = tpu.memref_slice %arg5[%dma_wait3A_261, %dma_wait3A_266] : memref<79x128xi32, #tpu.memory_space<vmem>> -> memref<1x128xi32, #tpu.memory_space<vmem>>
    %dma_wait3A_268 = tpu.memref_squeeze %dma_wait3A_267 : memref<1x128xi32, #tpu.memory_space<vmem>> -> memref<128xi32, #tpu.memory_space<vmem>>
    %dma_wait3A_269 = arith.constant 0 : i32
    %dma_wait3A_270 = tpu.memref_slice %arg8[%dma_wait3A_269] : memref<10240xf32, #tpu.memory_space<vmem_shared>> -> memref<10240xf32, #tpu.memory_space<vmem_shared>>
    tpu.wait_indirect_dma semaphore(%arg9 : memref<!tpu.dma_semaphore, #tpu.memory_space<semaphore_mem>>) src(%dma_wait3A_270 : memref<10240xf32, #tpu.memory_space<vmem_shared>>) dst(%dma_wait3A_265 : memref<128xf32, #tpu.memory_space<vmem>>)
    %dma_wait3A_271 = arith.constant 11 : i32
    %dma_wait3A_272 = arith.constant 11 : i32
    %dma_wait3A_273 = arith.constant 0 : i32
    %dma_wait3A_274 = tpu.memref_slice %arg6[%dma_wait3A_272, %dma_wait3A_273] : memref<79x128xf32, #tpu.memory_space<vmem>> -> memref<1x128xf32, #tpu.memory_space<vmem>>
    %dma_wait3A_275 = tpu.memref_squeeze %dma_wait3A_274 : memref<1x128xf32, #tpu.memory_space<vmem>> -> memref<128xf32, #tpu.memory_space<vmem>>
    %dma_wait3A_276 = arith.constant 0 : i32
    %dma_wait3A_277 = tpu.memref_slice %arg5[%dma_wait3A_271, %dma_wait3A_276] : memref<79x128xi32, #tpu.memory_space<vmem>> -> memref<1x128xi32, #tpu.memory_space<vmem>>
    %dma_wait3A_278 = tpu.memref_squeeze %dma_wait3A_277 : memref<1x128xi32, #tpu.memory_space<vmem>> -> memref<128xi32, #tpu.memory_space<vmem>>
    %dma_wait3A_279 = arith.constant 0 : i32
    %dma_wait3A_280 = tpu.memref_slice %arg8[%dma_wait3A_279] : memref<10240xf32, #tpu.memory_space<vmem_shared>> -> memref<10240xf32, #tpu.memory_space<vmem_shared>>
    tpu.wait_indirect_dma semaphore(%arg9 : memref<!tpu.dma_semaphore, #tpu.memory_space<semaphore_mem>>) src(%dma_wait3A_280 : memref<10240xf32, #tpu.memory_space<vmem_shared>>) dst(%dma_wait3A_275 : memref<128xf32, #tpu.memory_space<vmem>>)
    %dma_wait3A_281 = arith.constant 12 : i32
    %dma_wait3A_282 = arith.constant 12 : i32
    %dma_wait3A_283 = arith.constant 0 : i32
    %dma_wait3A_284 = tpu.memref_slice %arg6[%dma_wait3A_282, %dma_wait3A_283] : memref<79x128xf32, #tpu.memory_space<vmem>> -> memref<1x128xf32, #tpu.memory_space<vmem>>
    %dma_wait3A_285 = tpu.memref_squeeze %dma_wait3A_284 : memref<1x128xf32, #tpu.memory_space<vmem>> -> memref<128xf32, #tpu.memory_space<vmem>>
    %dma_wait3A_286 = arith.constant 0 : i32
    %dma_wait3A_287 = tpu.memref_slice %arg5[%dma_wait3A_281, %dma_wait3A_286] : memref<79x128xi32, #tpu.memory_space<vmem>> -> memref<1x128xi32, #tpu.memory_space<vmem>>
    %dma_wait3A_288 = tpu.memref_squeeze %dma_wait3A_287 : memref<1x128xi32, #tpu.memory_space<vmem>> -> memref<128xi32, #tpu.memory_space<vmem>>
    %dma_wait3A_289 = arith.constant 0 : i32
    %dma_wait3A_290 = tpu.memref_slice %arg8[%dma_wait3A_289] : memref<10240xf32, #tpu.memory_space<vmem_shared>> -> memref<10240xf32, #tpu.memory_space<vmem_shared>>
    tpu.wait_indirect_dma semaphore(%arg9 : memref<!tpu.dma_semaphore, #tpu.memory_space<semaphore_mem>>) src(%dma_wait3A_290 : memref<10240xf32, #tpu.memory_space<vmem_shared>>) dst(%dma_wait3A_285 : memref<128xf32, #tpu.memory_space<vmem>>)
    %dma_wait3A_291 = arith.constant 13 : i32
    %dma_wait3A_292 = arith.constant 13 : i32
    %dma_wait3A_293 = arith.constant 0 : i32
    %dma_wait3A_294 = tpu.memref_slice %arg6[%dma_wait3A_292, %dma_wait3A_293] : memref<79x128xf32, #tpu.memory_space<vmem>> -> memref<1x128xf32, #tpu.memory_space<vmem>>
    %dma_wait3A_295 = tpu.memref_squeeze %dma_wait3A_294 : memref<1x128xf32, #tpu.memory_space<vmem>> -> memref<128xf32, #tpu.memory_space<vmem>>
    %dma_wait3A_296 = arith.constant 0 : i32
    %dma_wait3A_297 = tpu.memref_slice %arg5[%dma_wait3A_291, %dma_wait3A_296] : memref<79x128xi32, #tpu.memory_space<vmem>> -> memref<1x128xi32, #tpu.memory_space<vmem>>
    %dma_wait3A_298 = tpu.memref_squeeze %dma_wait3A_297 : memref<1x128xi32, #tpu.memory_space<vmem>> -> memref<128xi32, #tpu.memory_space<vmem>>
    %dma_wait3A_299 = arith.constant 0 : i32
    %dma_wait3A_300 = tpu.memref_slice %arg8[%dma_wait3A_299] : memref<10240xf32, #tpu.memory_space<vmem_shared>> -> memref<10240xf32, #tpu.memory_space<vmem_shared>>
    tpu.wait_indirect_dma semaphore(%arg9 : memref<!tpu.dma_semaphore, #tpu.memory_space<semaphore_mem>>) src(%dma_wait3A_300 : memref<10240xf32, #tpu.memory_space<vmem_shared>>) dst(%dma_wait3A_295 : memref<128xf32, #tpu.memory_space<vmem>>)
    %dma_wait3A_301 = arith.constant 14 : i32
    %dma_wait3A_302 = arith.constant 14 : i32
    %dma_wait3A_303 = arith.constant 0 : i32
    %dma_wait3A_304 = tpu.memref_slice %arg6[%dma_wait3A_302, %dma_wait3A_303] : memref<79x128xf32, #tpu.memory_space<vmem>> -> memref<1x128xf32, #tpu.memory_space<vmem>>
    %dma_wait3A_305 = tpu.memref_squeeze %dma_wait3A_304 : memref<1x128xf32, #tpu.memory_space<vmem>> -> memref<128xf32, #tpu.memory_space<vmem>>
    %dma_wait3A_306 = arith.constant 0 : i32
    %dma_wait3A_307 = tpu.memref_slice %arg5[%dma_wait3A_301, %dma_wait3A_306] : memref<79x128xi32, #tpu.memory_space<vmem>> -> memref<1x128xi32, #tpu.memory_space<vmem>>
    %dma_wait3A_308 = tpu.memref_squeeze %dma_wait3A_307 : memref<1x128xi32, #tpu.memory_space<vmem>> -> memref<128xi32, #tpu.memory_space<vmem>>
    %dma_wait3A_309 = arith.constant 0 : i32
    %dma_wait3A_310 = tpu.memref_slice %arg8[%dma_wait3A_309] : memref<10240xf32, #tpu.memory_space<vmem_shared>> -> memref<10240xf32, #tpu.memory_space<vmem_shared>>
    tpu.wait_indirect_dma semaphore(%arg9 : memref<!tpu.dma_semaphore, #tpu.memory_space<semaphore_mem>>) src(%dma_wait3A_310 : memref<10240xf32, #tpu.memory_space<vmem_shared>>) dst(%dma_wait3A_305 : memref<128xf32, #tpu.memory_space<vmem>>)
    %dma_wait3A_311 = arith.constant 15 : i32
    %dma_wait3A_312 = arith.constant 15 : i32
    %dma_wait3A_313 = arith.constant 0 : i32
    %dma_wait3A_314 = tpu.memref_slice %arg6[%dma_wait3A_312, %dma_wait3A_313] : memref<79x128xf32, #tpu.memory_space<vmem>> -> memref<1x128xf32, #tpu.memory_space<vmem>>
    %dma_wait3A_315 = tpu.memref_squeeze %dma_wait3A_314 : memref<1x128xf32, #tpu.memory_space<vmem>> -> memref<128xf32, #tpu.memory_space<vmem>>
    %dma_wait3A_316 = arith.constant 0 : i32
    %dma_wait3A_317 = tpu.memref_slice %arg5[%dma_wait3A_311, %dma_wait3A_316] : memref<79x128xi32, #tpu.memory_space<vmem>> -> memref<1x128xi32, #tpu.memory_space<vmem>>
    %dma_wait3A_318 = tpu.memref_squeeze %dma_wait3A_317 : memref<1x128xi32, #tpu.memory_space<vmem>> -> memref<128xi32, #tpu.memory_space<vmem>>
    %dma_wait3A_319 = arith.constant 0 : i32
    %dma_wait3A_320 = tpu.memref_slice %arg8[%dma_wait3A_319] : memref<10240xf32, #tpu.memory_space<vmem_shared>> -> memref<10240xf32, #tpu.memory_space<vmem_shared>>
    tpu.wait_indirect_dma semaphore(%arg9 : memref<!tpu.dma_semaphore, #tpu.memory_space<semaphore_mem>>) src(%dma_wait3A_320 : memref<10240xf32, #tpu.memory_space<vmem_shared>>) dst(%dma_wait3A_315 : memref<128xf32, #tpu.memory_space<vmem>>)
    %dma_start3A_321 = arith.constant 16 : i32
    %dma_start3A_322 = arith.constant 16 : i32
    %dma_start3A_323 = arith.constant 0 : i32
    %dma_start3A_324 = tpu.memref_slice %arg6[%dma_start3A_322, %dma_start3A_323] : memref<79x128xf32, #tpu.memory_space<vmem>> -> memref<1x128xf32, #tpu.memory_space<vmem>>
    %dma_start3A_325 = tpu.memref_squeeze %dma_start3A_324 : memref<1x128xf32, #tpu.memory_space<vmem>> -> memref<128xf32, #tpu.memory_space<vmem>>
    %dma_start3A_326 = arith.constant 0 : i32
    %dma_start3A_327 = tpu.memref_slice %arg5[%dma_start3A_321, %dma_start3A_326] : memref<79x128xi32, #tpu.memory_space<vmem>> -> memref<1x128xi32, #tpu.memory_space<vmem>>
    %dma_start3A_328 = tpu.memref_squeeze %dma_start3A_327 : memref<1x128xi32, #tpu.memory_space<vmem>> -> memref<128xi32, #tpu.memory_space<vmem>>
    %dma_start3A_329 = arith.constant 0 : i32
    %dma_start3A_330 = tpu.memref_slice %arg8[%dma_start3A_329] : memref<10240xf32, #tpu.memory_space<vmem_shared>> -> memref<10240xf32, #tpu.memory_space<vmem_shared>>
    tpu.enqueue_indirect_dma source(%dma_start3A_330 : memref<10240xf32, #tpu.memory_space<vmem_shared>>) target(%dma_start3A_325 : memref<128xf32, #tpu.memory_space<vmem>>) offsets(%dma_start3A_328 : memref<128xi32, #tpu.memory_space<vmem>>) semaphore(%arg9 : memref<!tpu.dma_semaphore, #tpu.memory_space<semaphore_mem>>)
    %dma_start3A_331 = arith.constant 17 : i32
    %dma_start3A_332 = arith.constant 17 : i32
    %dma_start3A_333 = arith.constant 0 : i32
    %dma_start3A_334 = tpu.memref_slice %arg6[%dma_start3A_332, %dma_start3A_333] : memref<79x128xf32, #tpu.memory_space<vmem>> -> memref<1x128xf32, #tpu.memory_space<vmem>>
    %dma_start3A_335 = tpu.memref_squeeze %dma_start3A_334 : memref<1x128xf32, #tpu.memory_space<vmem>> -> memref<128xf32, #tpu.memory_space<vmem>>
    %dma_start3A_336 = arith.constant 0 : i32
    %dma_start3A_337 = tpu.memref_slice %arg5[%dma_start3A_331, %dma_start3A_336] : memref<79x128xi32, #tpu.memory_space<vmem>> -> memref<1x128xi32, #tpu.memory_space<vmem>>
    %dma_start3A_338 = tpu.memref_squeeze %dma_start3A_337 : memref<1x128xi32, #tpu.memory_space<vmem>> -> memref<128xi32, #tpu.memory_space<vmem>>
    %dma_start3A_339 = arith.constant 0 : i32
    %dma_start3A_340 = tpu.memref_slice %arg8[%dma_start3A_339] : memref<10240xf32, #tpu.memory_space<vmem_shared>> -> memref<10240xf32, #tpu.memory_space<vmem_shared>>
    tpu.enqueue_indirect_dma source(%dma_start3A_340 : memref<10240xf32, #tpu.memory_space<vmem_shared>>) target(%dma_start3A_335 : memref<128xf32, #tpu.memory_space<vmem>>) offsets(%dma_start3A_338 : memref<128xi32, #tpu.memory_space<vmem>>) semaphore(%arg9 : memref<!tpu.dma_semaphore, #tpu.memory_space<semaphore_mem>>)
    %dma_start3A_341 = arith.constant 18 : i32
    %dma_start3A_342 = arith.constant 18 : i32
    %dma_start3A_343 = arith.constant 0 : i32
    %dma_start3A_344 = tpu.memref_slice %arg6[%dma_start3A_342, %dma_start3A_343] : memref<79x128xf32, #tpu.memory_space<vmem>> -> memref<1x128xf32, #tpu.memory_space<vmem>>
    %dma_start3A_345 = tpu.memref_squeeze %dma_start3A_344 : memref<1x128xf32, #tpu.memory_space<vmem>> -> memref<128xf32, #tpu.memory_space<vmem>>
    %dma_start3A_346 = arith.constant 0 : i32
    %dma_start3A_347 = tpu.memref_slice %arg5[%dma_start3A_341, %dma_start3A_346] : memref<79x128xi32, #tpu.memory_space<vmem>> -> memref<1x128xi32, #tpu.memory_space<vmem>>
    %dma_start3A_348 = tpu.memref_squeeze %dma_start3A_347 : memref<1x128xi32, #tpu.memory_space<vmem>> -> memref<128xi32, #tpu.memory_space<vmem>>
    %dma_start3A_349 = arith.constant 0 : i32
    %dma_start3A_350 = tpu.memref_slice %arg8[%dma_start3A_349] : memref<10240xf32, #tpu.memory_space<vmem_shared>> -> memref<10240xf32, #tpu.memory_space<vmem_shared>>
    tpu.enqueue_indirect_dma source(%dma_start3A_350 : memref<10240xf32, #tpu.memory_space<vmem_shared>>) target(%dma_start3A_345 : memref<128xf32, #tpu.memory_space<vmem>>) offsets(%dma_start3A_348 : memref<128xi32, #tpu.memory_space<vmem>>) semaphore(%arg9 : memref<!tpu.dma_semaphore, #tpu.memory_space<semaphore_mem>>)
    %dma_start3A_351 = arith.constant 19 : i32
    %dma_start3A_352 = arith.constant 19 : i32
    %dma_start3A_353 = arith.constant 0 : i32
    %dma_start3A_354 = tpu.memref_slice %arg6[%dma_start3A_352, %dma_start3A_353] : memref<79x128xf32, #tpu.memory_space<vmem>> -> memref<1x128xf32, #tpu.memory_space<vmem>>
    %dma_start3A_355 = tpu.memref_squeeze %dma_start3A_354 : memref<1x128xf32, #tpu.memory_space<vmem>> -> memref<128xf32, #tpu.memory_space<vmem>>
    %dma_start3A_356 = arith.constant 0 : i32
    %dma_start3A_357 = tpu.memref_slice %arg5[%dma_start3A_351, %dma_start3A_356] : memref<79x128xi32, #tpu.memory_space<vmem>> -> memref<1x128xi32, #tpu.memory_space<vmem>>
    %dma_start3A_358 = tpu.memref_squeeze %dma_start3A_357 : memref<1x128xi32, #tpu.memory_space<vmem>> -> memref<128xi32, #tpu.memory_space<vmem>>
    %dma_start3A_359 = arith.constant 0 : i32
    %dma_start3A_360 = tpu.memref_slice %arg8[%dma_start3A_359] : memref<10240xf32, #tpu.memory_space<vmem_shared>> -> memref<10240xf32, #tpu.memory_space<vmem_shared>>
    tpu.enqueue_indirect_dma source(%dma_start3A_360 : memref<10240xf32, #tpu.memory_space<vmem_shared>>) target(%dma_start3A_355 : memref<128xf32, #tpu.memory_space<vmem>>) offsets(%dma_start3A_358 : memref<128xi32, #tpu.memory_space<vmem>>) semaphore(%arg9 : memref<!tpu.dma_semaphore, #tpu.memory_space<semaphore_mem>>)
    %dma_start3A_361 = arith.constant 20 : i32
    %dma_start3A_362 = arith.constant 20 : i32
    %dma_start3A_363 = arith.constant 0 : i32
    %dma_start3A_364 = tpu.memref_slice %arg6[%dma_start3A_362, %dma_start3A_363] : memref<79x128xf32, #tpu.memory_space<vmem>> -> memref<1x128xf32, #tpu.memory_space<vmem>>
    %dma_start3A_365 = tpu.memref_squeeze %dma_start3A_364 : memref<1x128xf32, #tpu.memory_space<vmem>> -> memref<128xf32, #tpu.memory_space<vmem>>
    %dma_start3A_366 = arith.constant 0 : i32
    %dma_start3A_367 = tpu.memref_slice %arg5[%dma_start3A_361, %dma_start3A_366] : memref<79x128xi32, #tpu.memory_space<vmem>> -> memref<1x128xi32, #tpu.memory_space<vmem>>
    %dma_start3A_368 = tpu.memref_squeeze %dma_start3A_367 : memref<1x128xi32, #tpu.memory_space<vmem>> -> memref<128xi32, #tpu.memory_space<vmem>>
    %dma_start3A_369 = arith.constant 0 : i32
    %dma_start3A_370 = tpu.memref_slice %arg8[%dma_start3A_369] : memref<10240xf32, #tpu.memory_space<vmem_shared>> -> memref<10240xf32, #tpu.memory_space<vmem_shared>>
    tpu.enqueue_indirect_dma source(%dma_start3A_370 : memref<10240xf32, #tpu.memory_space<vmem_shared>>) target(%dma_start3A_365 : memref<128xf32, #tpu.memory_space<vmem>>) offsets(%dma_start3A_368 : memref<128xi32, #tpu.memory_space<vmem>>) semaphore(%arg9 : memref<!tpu.dma_semaphore, #tpu.memory_space<semaphore_mem>>)
    %dma_start3A_371 = arith.constant 21 : i32
    %dma_start3A_372 = arith.constant 21 : i32
    %dma_start3A_373 = arith.constant 0 : i32
    %dma_start3A_374 = tpu.memref_slice %arg6[%dma_start3A_372, %dma_start3A_373] : memref<79x128xf32, #tpu.memory_space<vmem>> -> memref<1x128xf32, #tpu.memory_space<vmem>>
    %dma_start3A_375 = tpu.memref_squeeze %dma_start3A_374 : memref<1x128xf32, #tpu.memory_space<vmem>> -> memref<128xf32, #tpu.memory_space<vmem>>
    %dma_start3A_376 = arith.constant 0 : i32
    %dma_start3A_377 = tpu.memref_slice %arg5[%dma_start3A_371, %dma_start3A_376] : memref<79x128xi32, #tpu.memory_space<vmem>> -> memref<1x128xi32, #tpu.memory_space<vmem>>
    %dma_start3A_378 = tpu.memref_squeeze %dma_start3A_377 : memref<1x128xi32, #tpu.memory_space<vmem>> -> memref<128xi32, #tpu.memory_space<vmem>>
    %dma_start3A_379 = arith.constant 0 : i32
    %dma_start3A_380 = tpu.memref_slice %arg8[%dma_start3A_379] : memref<10240xf32, #tpu.memory_space<vmem_shared>> -> memref<10240xf32, #tpu.memory_space<vmem_shared>>
    tpu.enqueue_indirect_dma source(%dma_start3A_380 : memref<10240xf32, #tpu.memory_space<vmem_shared>>) target(%dma_start3A_375 : memref<128xf32, #tpu.memory_space<vmem>>) offsets(%dma_start3A_378 : memref<128xi32, #tpu.memory_space<vmem>>) semaphore(%arg9 : memref<!tpu.dma_semaphore, #tpu.memory_space<semaphore_mem>>)
    %dma_start3A_381 = arith.constant 22 : i32
    %dma_start3A_382 = arith.constant 22 : i32
    %dma_start3A_383 = arith.constant 0 : i32
    %dma_start3A_384 = tpu.memref_slice %arg6[%dma_start3A_382, %dma_start3A_383] : memref<79x128xf32, #tpu.memory_space<vmem>> -> memref<1x128xf32, #tpu.memory_space<vmem>>
    %dma_start3A_385 = tpu.memref_squeeze %dma_start3A_384 : memref<1x128xf32, #tpu.memory_space<vmem>> -> memref<128xf32, #tpu.memory_space<vmem>>
    %dma_start3A_386 = arith.constant 0 : i32
    %dma_start3A_387 = tpu.memref_slice %arg5[%dma_start3A_381, %dma_start3A_386] : memref<79x128xi32, #tpu.memory_space<vmem>> -> memref<1x128xi32, #tpu.memory_space<vmem>>
    %dma_start3A_388 = tpu.memref_squeeze %dma_start3A_387 : memref<1x128xi32, #tpu.memory_space<vmem>> -> memref<128xi32, #tpu.memory_space<vmem>>
    %dma_start3A_389 = arith.constant 0 : i32
    %dma_start3A_390 = tpu.memref_slice %arg8[%dma_start3A_389] : memref<10240xf32, #tpu.memory_space<vmem_shared>> -> memref<10240xf32, #tpu.memory_space<vmem_shared>>
    tpu.enqueue_indirect_dma source(%dma_start3A_390 : memref<10240xf32, #tpu.memory_space<vmem_shared>>) target(%dma_start3A_385 : memref<128xf32, #tpu.memory_space<vmem>>) offsets(%dma_start3A_388 : memref<128xi32, #tpu.memory_space<vmem>>) semaphore(%arg9 : memref<!tpu.dma_semaphore, #tpu.memory_space<semaphore_mem>>)
    %dma_start3A_391 = arith.constant 23 : i32
    %dma_start3A_392 = arith.constant 23 : i32
    %dma_start3A_393 = arith.constant 0 : i32
    %dma_start3A_394 = tpu.memref_slice %arg6[%dma_start3A_392, %dma_start3A_393] : memref<79x128xf32, #tpu.memory_space<vmem>> -> memref<1x128xf32, #tpu.memory_space<vmem>>
    %dma_start3A_395 = tpu.memref_squeeze %dma_start3A_394 : memref<1x128xf32, #tpu.memory_space<vmem>> -> memref<128xf32, #tpu.memory_space<vmem>>
    %dma_start3A_396 = arith.constant 0 : i32
    %dma_start3A_397 = tpu.memref_slice %arg5[%dma_start3A_391, %dma_start3A_396] : memref<79x128xi32, #tpu.memory_space<vmem>> -> memref<1x128xi32, #tpu.memory_space<vmem>>
    %dma_start3A_398 = tpu.memref_squeeze %dma_start3A_397 : memref<1x128xi32, #tpu.memory_space<vmem>> -> memref<128xi32, #tpu.memory_space<vmem>>
    %dma_start3A_399 = arith.constant 0 : i32
    %dma_start3A_400 = tpu.memref_slice %arg8[%dma_start3A_399] : memref<10240xf32, #tpu.memory_space<vmem_shared>> -> memref<10240xf32, #tpu.memory_space<vmem_shared>>
    tpu.enqueue_indirect_dma source(%dma_start3A_400 : memref<10240xf32, #tpu.memory_space<vmem_shared>>) target(%dma_start3A_395 : memref<128xf32, #tpu.memory_space<vmem>>) offsets(%dma_start3A_398 : memref<128xi32, #tpu.memory_space<vmem>>) semaphore(%arg9 : memref<!tpu.dma_semaphore, #tpu.memory_space<semaphore_mem>>)
    %dma_wait3A_401 = arith.constant 16 : i32
    %dma_wait3A_402 = arith.constant 16 : i32
    %dma_wait3A_403 = arith.constant 0 : i32
    %dma_wait3A_404 = tpu.memref_slice %arg6[%dma_wait3A_402, %dma_wait3A_403] : memref<79x128xf32, #tpu.memory_space<vmem>> -> memref<1x128xf32, #tpu.memory_space<vmem>>
    %dma_wait3A_405 = tpu.memref_squeeze %dma_wait3A_404 : memref<1x128xf32, #tpu.memory_space<vmem>> -> memref<128xf32, #tpu.memory_space<vmem>>
    %dma_wait3A_406 = arith.constant 0 : i32
    %dma_wait3A_407 = tpu.memref_slice %arg5[%dma_wait3A_401, %dma_wait3A_406] : memref<79x128xi32, #tpu.memory_space<vmem>> -> memref<1x128xi32, #tpu.memory_space<vmem>>
    %dma_wait3A_408 = tpu.memref_squeeze %dma_wait3A_407 : memref<1x128xi32, #tpu.memory_space<vmem>> -> memref<128xi32, #tpu.memory_space<vmem>>
    %dma_wait3A_409 = arith.constant 0 : i32
    %dma_wait3A_410 = tpu.memref_slice %arg8[%dma_wait3A_409] : memref<10240xf32, #tpu.memory_space<vmem_shared>> -> memref<10240xf32, #tpu.memory_space<vmem_shared>>
    tpu.wait_indirect_dma semaphore(%arg9 : memref<!tpu.dma_semaphore, #tpu.memory_space<semaphore_mem>>) src(%dma_wait3A_410 : memref<10240xf32, #tpu.memory_space<vmem_shared>>) dst(%dma_wait3A_405 : memref<128xf32, #tpu.memory_space<vmem>>)
    %dma_wait3A_411 = arith.constant 17 : i32
    %dma_wait3A_412 = arith.constant 17 : i32
    %dma_wait3A_413 = arith.constant 0 : i32
    %dma_wait3A_414 = tpu.memref_slice %arg6[%dma_wait3A_412, %dma_wait3A_413] : memref<79x128xf32, #tpu.memory_space<vmem>> -> memref<1x128xf32, #tpu.memory_space<vmem>>
    %dma_wait3A_415 = tpu.memref_squeeze %dma_wait3A_414 : memref<1x128xf32, #tpu.memory_space<vmem>> -> memref<128xf32, #tpu.memory_space<vmem>>
    %dma_wait3A_416 = arith.constant 0 : i32
    %dma_wait3A_417 = tpu.memref_slice %arg5[%dma_wait3A_411, %dma_wait3A_416] : memref<79x128xi32, #tpu.memory_space<vmem>> -> memref<1x128xi32, #tpu.memory_space<vmem>>
    %dma_wait3A_418 = tpu.memref_squeeze %dma_wait3A_417 : memref<1x128xi32, #tpu.memory_space<vmem>> -> memref<128xi32, #tpu.memory_space<vmem>>
    %dma_wait3A_419 = arith.constant 0 : i32
    %dma_wait3A_420 = tpu.memref_slice %arg8[%dma_wait3A_419] : memref<10240xf32, #tpu.memory_space<vmem_shared>> -> memref<10240xf32, #tpu.memory_space<vmem_shared>>
    tpu.wait_indirect_dma semaphore(%arg9 : memref<!tpu.dma_semaphore, #tpu.memory_space<semaphore_mem>>) src(%dma_wait3A_420 : memref<10240xf32, #tpu.memory_space<vmem_shared>>) dst(%dma_wait3A_415 : memref<128xf32, #tpu.memory_space<vmem>>)
    %dma_wait3A_421 = arith.constant 18 : i32
    %dma_wait3A_422 = arith.constant 18 : i32
    %dma_wait3A_423 = arith.constant 0 : i32
    %dma_wait3A_424 = tpu.memref_slice %arg6[%dma_wait3A_422, %dma_wait3A_423] : memref<79x128xf32, #tpu.memory_space<vmem>> -> memref<1x128xf32, #tpu.memory_space<vmem>>
    %dma_wait3A_425 = tpu.memref_squeeze %dma_wait3A_424 : memref<1x128xf32, #tpu.memory_space<vmem>> -> memref<128xf32, #tpu.memory_space<vmem>>
    %dma_wait3A_426 = arith.constant 0 : i32
    %dma_wait3A_427 = tpu.memref_slice %arg5[%dma_wait3A_421, %dma_wait3A_426] : memref<79x128xi32, #tpu.memory_space<vmem>> -> memref<1x128xi32, #tpu.memory_space<vmem>>
    %dma_wait3A_428 = tpu.memref_squeeze %dma_wait3A_427 : memref<1x128xi32, #tpu.memory_space<vmem>> -> memref<128xi32, #tpu.memory_space<vmem>>
    %dma_wait3A_429 = arith.constant 0 : i32
    %dma_wait3A_430 = tpu.memref_slice %arg8[%dma_wait3A_429] : memref<10240xf32, #tpu.memory_space<vmem_shared>> -> memref<10240xf32, #tpu.memory_space<vmem_shared>>
    tpu.wait_indirect_dma semaphore(%arg9 : memref<!tpu.dma_semaphore, #tpu.memory_space<semaphore_mem>>) src(%dma_wait3A_430 : memref<10240xf32, #tpu.memory_space<vmem_shared>>) dst(%dma_wait3A_425 : memref<128xf32, #tpu.memory_space<vmem>>)
    %dma_wait3A_431 = arith.constant 19 : i32
    %dma_wait3A_432 = arith.constant 19 : i32
    %dma_wait3A_433 = arith.constant 0 : i32
    %dma_wait3A_434 = tpu.memref_slice %arg6[%dma_wait3A_432, %dma_wait3A_433] : memref<79x128xf32, #tpu.memory_space<vmem>> -> memref<1x128xf32, #tpu.memory_space<vmem>>
    %dma_wait3A_435 = tpu.memref_squeeze %dma_wait3A_434 : memref<1x128xf32, #tpu.memory_space<vmem>> -> memref<128xf32, #tpu.memory_space<vmem>>
    %dma_wait3A_436 = arith.constant 0 : i32
    %dma_wait3A_437 = tpu.memref_slice %arg5[%dma_wait3A_431, %dma_wait3A_436] : memref<79x128xi32, #tpu.memory_space<vmem>> -> memref<1x128xi32, #tpu.memory_space<vmem>>
    %dma_wait3A_438 = tpu.memref_squeeze %dma_wait3A_437 : memref<1x128xi32, #tpu.memory_space<vmem>> -> memref<128xi32, #tpu.memory_space<vmem>>
    %dma_wait3A_439 = arith.constant 0 : i32
    %dma_wait3A_440 = tpu.memref_slice %arg8[%dma_wait3A_439] : memref<10240xf32, #tpu.memory_space<vmem_shared>> -> memref<10240xf32, #tpu.memory_space<vmem_shared>>
    tpu.wait_indirect_dma semaphore(%arg9 : memref<!tpu.dma_semaphore, #tpu.memory_space<semaphore_mem>>) src(%dma_wait3A_440 : memref<10240xf32, #tpu.memory_space<vmem_shared>>) dst(%dma_wait3A_435 : memref<128xf32, #tpu.memory_space<vmem>>)
    %dma_wait3A_441 = arith.constant 20 : i32
    %dma_wait3A_442 = arith.constant 20 : i32
    %dma_wait3A_443 = arith.constant 0 : i32
    %dma_wait3A_444 = tpu.memref_slice %arg6[%dma_wait3A_442, %dma_wait3A_443] : memref<79x128xf32, #tpu.memory_space<vmem>> -> memref<1x128xf32, #tpu.memory_space<vmem>>
    %dma_wait3A_445 = tpu.memref_squeeze %dma_wait3A_444 : memref<1x128xf32, #tpu.memory_space<vmem>> -> memref<128xf32, #tpu.memory_space<vmem>>
    %dma_wait3A_446 = arith.constant 0 : i32
    %dma_wait3A_447 = tpu.memref_slice %arg5[%dma_wait3A_441, %dma_wait3A_446] : memref<79x128xi32, #tpu.memory_space<vmem>> -> memref<1x128xi32, #tpu.memory_space<vmem>>
    %dma_wait3A_448 = tpu.memref_squeeze %dma_wait3A_447 : memref<1x128xi32, #tpu.memory_space<vmem>> -> memref<128xi32, #tpu.memory_space<vmem>>
    %dma_wait3A_449 = arith.constant 0 : i32
    %dma_wait3A_450 = tpu.memref_slice %arg8[%dma_wait3A_449] : memref<10240xf32, #tpu.memory_space<vmem_shared>> -> memref<10240xf32, #tpu.memory_space<vmem_shared>>
    tpu.wait_indirect_dma semaphore(%arg9 : memref<!tpu.dma_semaphore, #tpu.memory_space<semaphore_mem>>) src(%dma_wait3A_450 : memref<10240xf32, #tpu.memory_space<vmem_shared>>) dst(%dma_wait3A_445 : memref<128xf32, #tpu.memory_space<vmem>>)
    %dma_wait3A_451 = arith.constant 21 : i32
    %dma_wait3A_452 = arith.constant 21 : i32
    %dma_wait3A_453 = arith.constant 0 : i32
    %dma_wait3A_454 = tpu.memref_slice %arg6[%dma_wait3A_452, %dma_wait3A_453] : memref<79x128xf32, #tpu.memory_space<vmem>> -> memref<1x128xf32, #tpu.memory_space<vmem>>
    %dma_wait3A_455 = tpu.memref_squeeze %dma_wait3A_454 : memref<1x128xf32, #tpu.memory_space<vmem>> -> memref<128xf32, #tpu.memory_space<vmem>>
    %dma_wait3A_456 = arith.constant 0 : i32
    %dma_wait3A_457 = tpu.memref_slice %arg5[%dma_wait3A_451, %dma_wait3A_456] : memref<79x128xi32, #tpu.memory_space<vmem>> -> memref<1x128xi32, #tpu.memory_space<vmem>>
    %dma_wait3A_458 = tpu.memref_squeeze %dma_wait3A_457 : memref<1x128xi32, #tpu.memory_space<vmem>> -> memref<128xi32, #tpu.memory_space<vmem>>
    %dma_wait3A_459 = arith.constant 0 : i32
    %dma_wait3A_460 = tpu.memref_slice %arg8[%dma_wait3A_459] : memref<10240xf32, #tpu.memory_space<vmem_shared>> -> memref<10240xf32, #tpu.memory_space<vmem_shared>>
    tpu.wait_indirect_dma semaphore(%arg9 : memref<!tpu.dma_semaphore, #tpu.memory_space<semaphore_mem>>) src(%dma_wait3A_460 : memref<10240xf32, #tpu.memory_space<vmem_shared>>) dst(%dma_wait3A_455 : memref<128xf32, #tpu.memory_space<vmem>>)
    %dma_wait3A_461 = arith.constant 22 : i32
    %dma_wait3A_462 = arith.constant 22 : i32
    %dma_wait3A_463 = arith.constant 0 : i32
    %dma_wait3A_464 = tpu.memref_slice %arg6[%dma_wait3A_462, %dma_wait3A_463] : memref<79x128xf32, #tpu.memory_space<vmem>> -> memref<1x128xf32, #tpu.memory_space<vmem>>
    %dma_wait3A_465 = tpu.memref_squeeze %dma_wait3A_464 : memref<1x128xf32, #tpu.memory_space<vmem>> -> memref<128xf32, #tpu.memory_space<vmem>>
    %dma_wait3A_466 = arith.constant 0 : i32
    %dma_wait3A_467 = tpu.memref_slice %arg5[%dma_wait3A_461, %dma_wait3A_466] : memref<79x128xi32, #tpu.memory_space<vmem>> -> memref<1x128xi32, #tpu.memory_space<vmem>>
    %dma_wait3A_468 = tpu.memref_squeeze %dma_wait3A_467 : memref<1x128xi32, #tpu.memory_space<vmem>> -> memref<128xi32, #tpu.memory_space<vmem>>
    %dma_wait3A_469 = arith.constant 0 : i32
    %dma_wait3A_470 = tpu.memref_slice %arg8[%dma_wait3A_469] : memref<10240xf32, #tpu.memory_space<vmem_shared>> -> memref<10240xf32, #tpu.memory_space<vmem_shared>>
    tpu.wait_indirect_dma semaphore(%arg9 : memref<!tpu.dma_semaphore, #tpu.memory_space<semaphore_mem>>) src(%dma_wait3A_470 : memref<10240xf32, #tpu.memory_space<vmem_shared>>) dst(%dma_wait3A_465 : memref<128xf32, #tpu.memory_space<vmem>>)
    %dma_wait3A_471 = arith.constant 23 : i32
    %dma_wait3A_472 = arith.constant 23 : i32
    %dma_wait3A_473 = arith.constant 0 : i32
    %dma_wait3A_474 = tpu.memref_slice %arg6[%dma_wait3A_472, %dma_wait3A_473] : memref<79x128xf32, #tpu.memory_space<vmem>> -> memref<1x128xf32, #tpu.memory_space<vmem>>
    %dma_wait3A_475 = tpu.memref_squeeze %dma_wait3A_474 : memref<1x128xf32, #tpu.memory_space<vmem>> -> memref<128xf32, #tpu.memory_space<vmem>>
    %dma_wait3A_476 = arith.constant 0 : i32
    %dma_wait3A_477 = tpu.memref_slice %arg5[%dma_wait3A_471, %dma_wait3A_476] : memref<79x128xi32, #tpu.memory_space<vmem>> -> memref<1x128xi32, #tpu.memory_space<vmem>>
    %dma_wait3A_478 = tpu.memref_squeeze %dma_wait3A_477 : memref<1x128xi32, #tpu.memory_space<vmem>> -> memref<128xi32, #tpu.memory_space<vmem>>
    %dma_wait3A_479 = arith.constant 0 : i32
    %dma_wait3A_480 = tpu.memref_slice %arg8[%dma_wait3A_479] : memref<10240xf32, #tpu.memory_space<vmem_shared>> -> memref<10240xf32, #tpu.memory_space<vmem_shared>>
    tpu.wait_indirect_dma semaphore(%arg9 : memref<!tpu.dma_semaphore, #tpu.memory_space<semaphore_mem>>) src(%dma_wait3A_480 : memref<10240xf32, #tpu.memory_space<vmem_shared>>) dst(%dma_wait3A_475 : memref<128xf32, #tpu.memory_space<vmem>>)
    %dma_start3A_481 = arith.constant 24 : i32
    %dma_start3A_482 = arith.constant 24 : i32
    %dma_start3A_483 = arith.constant 0 : i32
    %dma_start3A_484 = tpu.memref_slice %arg6[%dma_start3A_482, %dma_start3A_483] : memref<79x128xf32, #tpu.memory_space<vmem>> -> memref<1x128xf32, #tpu.memory_space<vmem>>
    %dma_start3A_485 = tpu.memref_squeeze %dma_start3A_484 : memref<1x128xf32, #tpu.memory_space<vmem>> -> memref<128xf32, #tpu.memory_space<vmem>>
    %dma_start3A_486 = arith.constant 0 : i32
    %dma_start3A_487 = tpu.memref_slice %arg5[%dma_start3A_481, %dma_start3A_486] : memref<79x128xi32, #tpu.memory_space<vmem>> -> memref<1x128xi32, #tpu.memory_space<vmem>>
    %dma_start3A_488 = tpu.memref_squeeze %dma_start3A_487 : memref<1x128xi32, #tpu.memory_space<vmem>> -> memref<128xi32, #tpu.memory_space<vmem>>
    %dma_start3A_489 = arith.constant 0 : i32
    %dma_start3A_490 = tpu.memref_slice %arg8[%dma_start3A_489] : memref<10240xf32, #tpu.memory_space<vmem_shared>> -> memref<10240xf32, #tpu.memory_space<vmem_shared>>
    tpu.enqueue_indirect_dma source(%dma_start3A_490 : memref<10240xf32, #tpu.memory_space<vmem_shared>>) target(%dma_start3A_485 : memref<128xf32, #tpu.memory_space<vmem>>) offsets(%dma_start3A_488 : memref<128xi32, #tpu.memory_space<vmem>>) semaphore(%arg9 : memref<!tpu.dma_semaphore, #tpu.memory_space<semaphore_mem>>)
    %dma_start3A_491 = arith.constant 25 : i32
    %dma_start3A_492 = arith.constant 25 : i32
    %dma_start3A_493 = arith.constant 0 : i32
    %dma_start3A_494 = tpu.memref_slice %arg6[%dma_start3A_492, %dma_start3A_493] : memref<79x128xf32, #tpu.memory_space<vmem>> -> memref<1x128xf32, #tpu.memory_space<vmem>>
    %dma_start3A_495 = tpu.memref_squeeze %dma_start3A_494 : memref<1x128xf32, #tpu.memory_space<vmem>> -> memref<128xf32, #tpu.memory_space<vmem>>
    %dma_start3A_496 = arith.constant 0 : i32
    %dma_start3A_497 = tpu.memref_slice %arg5[%dma_start3A_491, %dma_start3A_496] : memref<79x128xi32, #tpu.memory_space<vmem>> -> memref<1x128xi32, #tpu.memory_space<vmem>>
    %dma_start3A_498 = tpu.memref_squeeze %dma_start3A_497 : memref<1x128xi32, #tpu.memory_space<vmem>> -> memref<128xi32, #tpu.memory_space<vmem>>
    %dma_start3A_499 = arith.constant 0 : i32
    %dma_start3A_500 = tpu.memref_slice %arg8[%dma_start3A_499] : memref<10240xf32, #tpu.memory_space<vmem_shared>> -> memref<10240xf32, #tpu.memory_space<vmem_shared>>
    tpu.enqueue_indirect_dma source(%dma_start3A_500 : memref<10240xf32, #tpu.memory_space<vmem_shared>>) target(%dma_start3A_495 : memref<128xf32, #tpu.memory_space<vmem>>) offsets(%dma_start3A_498 : memref<128xi32, #tpu.memory_space<vmem>>) semaphore(%arg9 : memref<!tpu.dma_semaphore, #tpu.memory_space<semaphore_mem>>)
    %dma_start3A_501 = arith.constant 26 : i32
    %dma_start3A_502 = arith.constant 26 : i32
    %dma_start3A_503 = arith.constant 0 : i32
    %dma_start3A_504 = tpu.memref_slice %arg6[%dma_start3A_502, %dma_start3A_503] : memref<79x128xf32, #tpu.memory_space<vmem>> -> memref<1x128xf32, #tpu.memory_space<vmem>>
    %dma_start3A_505 = tpu.memref_squeeze %dma_start3A_504 : memref<1x128xf32, #tpu.memory_space<vmem>> -> memref<128xf32, #tpu.memory_space<vmem>>
    %dma_start3A_506 = arith.constant 0 : i32
    %dma_start3A_507 = tpu.memref_slice %arg5[%dma_start3A_501, %dma_start3A_506] : memref<79x128xi32, #tpu.memory_space<vmem>> -> memref<1x128xi32, #tpu.memory_space<vmem>>
    %dma_start3A_508 = tpu.memref_squeeze %dma_start3A_507 : memref<1x128xi32, #tpu.memory_space<vmem>> -> memref<128xi32, #tpu.memory_space<vmem>>
    %dma_start3A_509 = arith.constant 0 : i32
    %dma_start3A_510 = tpu.memref_slice %arg8[%dma_start3A_509] : memref<10240xf32, #tpu.memory_space<vmem_shared>> -> memref<10240xf32, #tpu.memory_space<vmem_shared>>
    tpu.enqueue_indirect_dma source(%dma_start3A_510 : memref<10240xf32, #tpu.memory_space<vmem_shared>>) target(%dma_start3A_505 : memref<128xf32, #tpu.memory_space<vmem>>) offsets(%dma_start3A_508 : memref<128xi32, #tpu.memory_space<vmem>>) semaphore(%arg9 : memref<!tpu.dma_semaphore, #tpu.memory_space<semaphore_mem>>)
    %dma_start3A_511 = arith.constant 27 : i32
    %dma_start3A_512 = arith.constant 27 : i32
    %dma_start3A_513 = arith.constant 0 : i32
    %dma_start3A_514 = tpu.memref_slice %arg6[%dma_start3A_512, %dma_start3A_513] : memref<79x128xf32, #tpu.memory_space<vmem>> -> memref<1x128xf32, #tpu.memory_space<vmem>>
    %dma_start3A_515 = tpu.memref_squeeze %dma_start3A_514 : memref<1x128xf32, #tpu.memory_space<vmem>> -> memref<128xf32, #tpu.memory_space<vmem>>
    %dma_start3A_516 = arith.constant 0 : i32
    %dma_start3A_517 = tpu.memref_slice %arg5[%dma_start3A_511, %dma_start3A_516] : memref<79x128xi32, #tpu.memory_space<vmem>> -> memref<1x128xi32, #tpu.memory_space<vmem>>
    %dma_start3A_518 = tpu.memref_squeeze %dma_start3A_517 : memref<1x128xi32, #tpu.memory_space<vmem>> -> memref<128xi32, #tpu.memory_space<vmem>>
    %dma_start3A_519 = arith.constant 0 : i32
    %dma_start3A_520 = tpu.memref_slice %arg8[%dma_start3A_519] : memref<10240xf32, #tpu.memory_space<vmem_shared>> -> memref<10240xf32, #tpu.memory_space<vmem_shared>>
    tpu.enqueue_indirect_dma source(%dma_start3A_520 : memref<10240xf32, #tpu.memory_space<vmem_shared>>) target(%dma_start3A_515 : memref<128xf32, #tpu.memory_space<vmem>>) offsets(%dma_start3A_518 : memref<128xi32, #tpu.memory_space<vmem>>) semaphore(%arg9 : memref<!tpu.dma_semaphore, #tpu.memory_space<semaphore_mem>>)
    %dma_start3A_521 = arith.constant 28 : i32
    %dma_start3A_522 = arith.constant 28 : i32
    %dma_start3A_523 = arith.constant 0 : i32
    %dma_start3A_524 = tpu.memref_slice %arg6[%dma_start3A_522, %dma_start3A_523] : memref<79x128xf32, #tpu.memory_space<vmem>> -> memref<1x128xf32, #tpu.memory_space<vmem>>
    %dma_start3A_525 = tpu.memref_squeeze %dma_start3A_524 : memref<1x128xf32, #tpu.memory_space<vmem>> -> memref<128xf32, #tpu.memory_space<vmem>>
    %dma_start3A_526 = arith.constant 0 : i32
    %dma_start3A_527 = tpu.memref_slice %arg5[%dma_start3A_521, %dma_start3A_526] : memref<79x128xi32, #tpu.memory_space<vmem>> -> memref<1x128xi32, #tpu.memory_space<vmem>>
    %dma_start3A_528 = tpu.memref_squeeze %dma_start3A_527 : memref<1x128xi32, #tpu.memory_space<vmem>> -> memref<128xi32, #tpu.memory_space<vmem>>
    %dma_start3A_529 = arith.constant 0 : i32
    %dma_start3A_530 = tpu.memref_slice %arg8[%dma_start3A_529] : memref<10240xf32, #tpu.memory_space<vmem_shared>> -> memref<10240xf32, #tpu.memory_space<vmem_shared>>
    tpu.enqueue_indirect_dma source(%dma_start3A_530 : memref<10240xf32, #tpu.memory_space<vmem_shared>>) target(%dma_start3A_525 : memref<128xf32, #tpu.memory_space<vmem>>) offsets(%dma_start3A_528 : memref<128xi32, #tpu.memory_space<vmem>>) semaphore(%arg9 : memref<!tpu.dma_semaphore, #tpu.memory_space<semaphore_mem>>)
    %dma_start3A_531 = arith.constant 29 : i32
    %dma_start3A_532 = arith.constant 29 : i32
    %dma_start3A_533 = arith.constant 0 : i32
    %dma_start3A_534 = tpu.memref_slice %arg6[%dma_start3A_532, %dma_start3A_533] : memref<79x128xf32, #tpu.memory_space<vmem>> -> memref<1x128xf32, #tpu.memory_space<vmem>>
    %dma_start3A_535 = tpu.memref_squeeze %dma_start3A_534 : memref<1x128xf32, #tpu.memory_space<vmem>> -> memref<128xf32, #tpu.memory_space<vmem>>
    %dma_start3A_536 = arith.constant 0 : i32
    %dma_start3A_537 = tpu.memref_slice %arg5[%dma_start3A_531, %dma_start3A_536] : memref<79x128xi32, #tpu.memory_space<vmem>> -> memref<1x128xi32, #tpu.memory_space<vmem>>
    %dma_start3A_538 = tpu.memref_squeeze %dma_start3A_537 : memref<1x128xi32, #tpu.memory_space<vmem>> -> memref<128xi32, #tpu.memory_space<vmem>>
    %dma_start3A_539 = arith.constant 0 : i32
    %dma_start3A_540 = tpu.memref_slice %arg8[%dma_start3A_539] : memref<10240xf32, #tpu.memory_space<vmem_shared>> -> memref<10240xf32, #tpu.memory_space<vmem_shared>>
    tpu.enqueue_indirect_dma source(%dma_start3A_540 : memref<10240xf32, #tpu.memory_space<vmem_shared>>) target(%dma_start3A_535 : memref<128xf32, #tpu.memory_space<vmem>>) offsets(%dma_start3A_538 : memref<128xi32, #tpu.memory_space<vmem>>) semaphore(%arg9 : memref<!tpu.dma_semaphore, #tpu.memory_space<semaphore_mem>>)
    %dma_start3A_541 = arith.constant 30 : i32
    %dma_start3A_542 = arith.constant 30 : i32
    %dma_start3A_543 = arith.constant 0 : i32
    %dma_start3A_544 = tpu.memref_slice %arg6[%dma_start3A_542, %dma_start3A_543] : memref<79x128xf32, #tpu.memory_space<vmem>> -> memref<1x128xf32, #tpu.memory_space<vmem>>
    %dma_start3A_545 = tpu.memref_squeeze %dma_start3A_544 : memref<1x128xf32, #tpu.memory_space<vmem>> -> memref<128xf32, #tpu.memory_space<vmem>>
    %dma_start3A_546 = arith.constant 0 : i32
    %dma_start3A_547 = tpu.memref_slice %arg5[%dma_start3A_541, %dma_start3A_546] : memref<79x128xi32, #tpu.memory_space<vmem>> -> memref<1x128xi32, #tpu.memory_space<vmem>>
    %dma_start3A_548 = tpu.memref_squeeze %dma_start3A_547 : memref<1x128xi32, #tpu.memory_space<vmem>> -> memref<128xi32, #tpu.memory_space<vmem>>
    %dma_start3A_549 = arith.constant 0 : i32
    %dma_start3A_550 = tpu.memref_slice %arg8[%dma_start3A_549] : memref<10240xf32, #tpu.memory_space<vmem_shared>> -> memref<10240xf32, #tpu.memory_space<vmem_shared>>
    tpu.enqueue_indirect_dma source(%dma_start3A_550 : memref<10240xf32, #tpu.memory_space<vmem_shared>>) target(%dma_start3A_545 : memref<128xf32, #tpu.memory_space<vmem>>) offsets(%dma_start3A_548 : memref<128xi32, #tpu.memory_space<vmem>>) semaphore(%arg9 : memref<!tpu.dma_semaphore, #tpu.memory_space<semaphore_mem>>)
    %dma_start3A_551 = arith.constant 31 : i32
    %dma_start3A_552 = arith.constant 31 : i32
    %dma_start3A_553 = arith.constant 0 : i32
    %dma_start3A_554 = tpu.memref_slice %arg6[%dma_start3A_552, %dma_start3A_553] : memref<79x128xf32, #tpu.memory_space<vmem>> -> memref<1x128xf32, #tpu.memory_space<vmem>>
    %dma_start3A_555 = tpu.memref_squeeze %dma_start3A_554 : memref<1x128xf32, #tpu.memory_space<vmem>> -> memref<128xf32, #tpu.memory_space<vmem>>
    %dma_start3A_556 = arith.constant 0 : i32
    %dma_start3A_557 = tpu.memref_slice %arg5[%dma_start3A_551, %dma_start3A_556] : memref<79x128xi32, #tpu.memory_space<vmem>> -> memref<1x128xi32, #tpu.memory_space<vmem>>
    %dma_start3A_558 = tpu.memref_squeeze %dma_start3A_557 : memref<1x128xi32, #tpu.memory_space<vmem>> -> memref<128xi32, #tpu.memory_space<vmem>>
    %dma_start3A_559 = arith.constant 0 : i32
    %dma_start3A_560 = tpu.memref_slice %arg8[%dma_start3A_559] : memref<10240xf32, #tpu.memory_space<vmem_shared>> -> memref<10240xf32, #tpu.memory_space<vmem_shared>>
    tpu.enqueue_indirect_dma source(%dma_start3A_560 : memref<10240xf32, #tpu.memory_space<vmem_shared>>) target(%dma_start3A_555 : memref<128xf32, #tpu.memory_space<vmem>>) offsets(%dma_start3A_558 : memref<128xi32, #tpu.memory_space<vmem>>) semaphore(%arg9 : memref<!tpu.dma_semaphore, #tpu.memory_space<semaphore_mem>>)
    %dma_wait3A_561 = arith.constant 24 : i32
    %dma_wait3A_562 = arith.constant 24 : i32
    %dma_wait3A_563 = arith.constant 0 : i32
    %dma_wait3A_564 = tpu.memref_slice %arg6[%dma_wait3A_562, %dma_wait3A_563] : memref<79x128xf32, #tpu.memory_space<vmem>> -> memref<1x128xf32, #tpu.memory_space<vmem>>
    %dma_wait3A_565 = tpu.memref_squeeze %dma_wait3A_564 : memref<1x128xf32, #tpu.memory_space<vmem>> -> memref<128xf32, #tpu.memory_space<vmem>>
    %dma_wait3A_566 = arith.constant 0 : i32
    %dma_wait3A_567 = tpu.memref_slice %arg5[%dma_wait3A_561, %dma_wait3A_566] : memref<79x128xi32, #tpu.memory_space<vmem>> -> memref<1x128xi32, #tpu.memory_space<vmem>>
    %dma_wait3A_568 = tpu.memref_squeeze %dma_wait3A_567 : memref<1x128xi32, #tpu.memory_space<vmem>> -> memref<128xi32, #tpu.memory_space<vmem>>
    %dma_wait3A_569 = arith.constant 0 : i32
    %dma_wait3A_570 = tpu.memref_slice %arg8[%dma_wait3A_569] : memref<10240xf32, #tpu.memory_space<vmem_shared>> -> memref<10240xf32, #tpu.memory_space<vmem_shared>>
    tpu.wait_indirect_dma semaphore(%arg9 : memref<!tpu.dma_semaphore, #tpu.memory_space<semaphore_mem>>) src(%dma_wait3A_570 : memref<10240xf32, #tpu.memory_space<vmem_shared>>) dst(%dma_wait3A_565 : memref<128xf32, #tpu.memory_space<vmem>>)
    %dma_wait3A_571 = arith.constant 25 : i32
    %dma_wait3A_572 = arith.constant 25 : i32
    %dma_wait3A_573 = arith.constant 0 : i32
    %dma_wait3A_574 = tpu.memref_slice %arg6[%dma_wait3A_572, %dma_wait3A_573] : memref<79x128xf32, #tpu.memory_space<vmem>> -> memref<1x128xf32, #tpu.memory_space<vmem>>
    %dma_wait3A_575 = tpu.memref_squeeze %dma_wait3A_574 : memref<1x128xf32, #tpu.memory_space<vmem>> -> memref<128xf32, #tpu.memory_space<vmem>>
    %dma_wait3A_576 = arith.constant 0 : i32
    %dma_wait3A_577 = tpu.memref_slice %arg5[%dma_wait3A_571, %dma_wait3A_576] : memref<79x128xi32, #tpu.memory_space<vmem>> -> memref<1x128xi32, #tpu.memory_space<vmem>>
    %dma_wait3A_578 = tpu.memref_squeeze %dma_wait3A_577 : memref<1x128xi32, #tpu.memory_space<vmem>> -> memref<128xi32, #tpu.memory_space<vmem>>
    %dma_wait3A_579 = arith.constant 0 : i32
    %dma_wait3A_580 = tpu.memref_slice %arg8[%dma_wait3A_579] : memref<10240xf32, #tpu.memory_space<vmem_shared>> -> memref<10240xf32, #tpu.memory_space<vmem_shared>>
    tpu.wait_indirect_dma semaphore(%arg9 : memref<!tpu.dma_semaphore, #tpu.memory_space<semaphore_mem>>) src(%dma_wait3A_580 : memref<10240xf32, #tpu.memory_space<vmem_shared>>) dst(%dma_wait3A_575 : memref<128xf32, #tpu.memory_space<vmem>>)
    %dma_wait3A_581 = arith.constant 26 : i32
    %dma_wait3A_582 = arith.constant 26 : i32
    %dma_wait3A_583 = arith.constant 0 : i32
    %dma_wait3A_584 = tpu.memref_slice %arg6[%dma_wait3A_582, %dma_wait3A_583] : memref<79x128xf32, #tpu.memory_space<vmem>> -> memref<1x128xf32, #tpu.memory_space<vmem>>
    %dma_wait3A_585 = tpu.memref_squeeze %dma_wait3A_584 : memref<1x128xf32, #tpu.memory_space<vmem>> -> memref<128xf32, #tpu.memory_space<vmem>>
    %dma_wait3A_586 = arith.constant 0 : i32
    %dma_wait3A_587 = tpu.memref_slice %arg5[%dma_wait3A_581, %dma_wait3A_586] : memref<79x128xi32, #tpu.memory_space<vmem>> -> memref<1x128xi32, #tpu.memory_space<vmem>>
    %dma_wait3A_588 = tpu.memref_squeeze %dma_wait3A_587 : memref<1x128xi32, #tpu.memory_space<vmem>> -> memref<128xi32, #tpu.memory_space<vmem>>
    %dma_wait3A_589 = arith.constant 0 : i32
    %dma_wait3A_590 = tpu.memref_slice %arg8[%dma_wait3A_589] : memref<10240xf32, #tpu.memory_space<vmem_shared>> -> memref<10240xf32, #tpu.memory_space<vmem_shared>>
    tpu.wait_indirect_dma semaphore(%arg9 : memref<!tpu.dma_semaphore, #tpu.memory_space<semaphore_mem>>) src(%dma_wait3A_590 : memref<10240xf32, #tpu.memory_space<vmem_shared>>) dst(%dma_wait3A_585 : memref<128xf32, #tpu.memory_space<vmem>>)
    %dma_wait3A_591 = arith.constant 27 : i32
    %dma_wait3A_592 = arith.constant 27 : i32
    %dma_wait3A_593 = arith.constant 0 : i32
    %dma_wait3A_594 = tpu.memref_slice %arg6[%dma_wait3A_592, %dma_wait3A_593] : memref<79x128xf32, #tpu.memory_space<vmem>> -> memref<1x128xf32, #tpu.memory_space<vmem>>
    %dma_wait3A_595 = tpu.memref_squeeze %dma_wait3A_594 : memref<1x128xf32, #tpu.memory_space<vmem>> -> memref<128xf32, #tpu.memory_space<vmem>>
    %dma_wait3A_596 = arith.constant 0 : i32
    %dma_wait3A_597 = tpu.memref_slice %arg5[%dma_wait3A_591, %dma_wait3A_596] : memref<79x128xi32, #tpu.memory_space<vmem>> -> memref<1x128xi32, #tpu.memory_space<vmem>>
    %dma_wait3A_598 = tpu.memref_squeeze %dma_wait3A_597 : memref<1x128xi32, #tpu.memory_space<vmem>> -> memref<128xi32, #tpu.memory_space<vmem>>
    %dma_wait3A_599 = arith.constant 0 : i32
    %dma_wait3A_600 = tpu.memref_slice %arg8[%dma_wait3A_599] : memref<10240xf32, #tpu.memory_space<vmem_shared>> -> memref<10240xf32, #tpu.memory_space<vmem_shared>>
    tpu.wait_indirect_dma semaphore(%arg9 : memref<!tpu.dma_semaphore, #tpu.memory_space<semaphore_mem>>) src(%dma_wait3A_600 : memref<10240xf32, #tpu.memory_space<vmem_shared>>) dst(%dma_wait3A_595 : memref<128xf32, #tpu.memory_space<vmem>>)
    %dma_wait3A_601 = arith.constant 28 : i32
    %dma_wait3A_602 = arith.constant 28 : i32
    %dma_wait3A_603 = arith.constant 0 : i32
    %dma_wait3A_604 = tpu.memref_slice %arg6[%dma_wait3A_602, %dma_wait3A_603] : memref<79x128xf32, #tpu.memory_space<vmem>> -> memref<1x128xf32, #tpu.memory_space<vmem>>
    %dma_wait3A_605 = tpu.memref_squeeze %dma_wait3A_604 : memref<1x128xf32, #tpu.memory_space<vmem>> -> memref<128xf32, #tpu.memory_space<vmem>>
    %dma_wait3A_606 = arith.constant 0 : i32
    %dma_wait3A_607 = tpu.memref_slice %arg5[%dma_wait3A_601, %dma_wait3A_606] : memref<79x128xi32, #tpu.memory_space<vmem>> -> memref<1x128xi32, #tpu.memory_space<vmem>>
    %dma_wait3A_608 = tpu.memref_squeeze %dma_wait3A_607 : memref<1x128xi32, #tpu.memory_space<vmem>> -> memref<128xi32, #tpu.memory_space<vmem>>
    %dma_wait3A_609 = arith.constant 0 : i32
    %dma_wait3A_610 = tpu.memref_slice %arg8[%dma_wait3A_609] : memref<10240xf32, #tpu.memory_space<vmem_shared>> -> memref<10240xf32, #tpu.memory_space<vmem_shared>>
    tpu.wait_indirect_dma semaphore(%arg9 : memref<!tpu.dma_semaphore, #tpu.memory_space<semaphore_mem>>) src(%dma_wait3A_610 : memref<10240xf32, #tpu.memory_space<vmem_shared>>) dst(%dma_wait3A_605 : memref<128xf32, #tpu.memory_space<vmem>>)
    %dma_wait3A_611 = arith.constant 29 : i32
    %dma_wait3A_612 = arith.constant 29 : i32
    %dma_wait3A_613 = arith.constant 0 : i32
    %dma_wait3A_614 = tpu.memref_slice %arg6[%dma_wait3A_612, %dma_wait3A_613] : memref<79x128xf32, #tpu.memory_space<vmem>> -> memref<1x128xf32, #tpu.memory_space<vmem>>
    %dma_wait3A_615 = tpu.memref_squeeze %dma_wait3A_614 : memref<1x128xf32, #tpu.memory_space<vmem>> -> memref<128xf32, #tpu.memory_space<vmem>>
    %dma_wait3A_616 = arith.constant 0 : i32
    %dma_wait3A_617 = tpu.memref_slice %arg5[%dma_wait3A_611, %dma_wait3A_616] : memref<79x128xi32, #tpu.memory_space<vmem>> -> memref<1x128xi32, #tpu.memory_space<vmem>>
    %dma_wait3A_618 = tpu.memref_squeeze %dma_wait3A_617 : memref<1x128xi32, #tpu.memory_space<vmem>> -> memref<128xi32, #tpu.memory_space<vmem>>
    %dma_wait3A_619 = arith.constant 0 : i32
    %dma_wait3A_620 = tpu.memref_slice %arg8[%dma_wait3A_619] : memref<10240xf32, #tpu.memory_space<vmem_shared>> -> memref<10240xf32, #tpu.memory_space<vmem_shared>>
    tpu.wait_indirect_dma semaphore(%arg9 : memref<!tpu.dma_semaphore, #tpu.memory_space<semaphore_mem>>) src(%dma_wait3A_620 : memref<10240xf32, #tpu.memory_space<vmem_shared>>) dst(%dma_wait3A_615 : memref<128xf32, #tpu.memory_space<vmem>>)
    %dma_wait3A_621 = arith.constant 30 : i32
    %dma_wait3A_622 = arith.constant 30 : i32
    %dma_wait3A_623 = arith.constant 0 : i32
    %dma_wait3A_624 = tpu.memref_slice %arg6[%dma_wait3A_622, %dma_wait3A_623] : memref<79x128xf32, #tpu.memory_space<vmem>> -> memref<1x128xf32, #tpu.memory_space<vmem>>
    %dma_wait3A_625 = tpu.memref_squeeze %dma_wait3A_624 : memref<1x128xf32, #tpu.memory_space<vmem>> -> memref<128xf32, #tpu.memory_space<vmem>>
    %dma_wait3A_626 = arith.constant 0 : i32
    %dma_wait3A_627 = tpu.memref_slice %arg5[%dma_wait3A_621, %dma_wait3A_626] : memref<79x128xi32, #tpu.memory_space<vmem>> -> memref<1x128xi32, #tpu.memory_space<vmem>>
    %dma_wait3A_628 = tpu.memref_squeeze %dma_wait3A_627 : memref<1x128xi32, #tpu.memory_space<vmem>> -> memref<128xi32, #tpu.memory_space<vmem>>
    %dma_wait3A_629 = arith.constant 0 : i32
    %dma_wait3A_630 = tpu.memref_slice %arg8[%dma_wait3A_629] : memref<10240xf32, #tpu.memory_space<vmem_shared>> -> memref<10240xf32, #tpu.memory_space<vmem_shared>>
    tpu.wait_indirect_dma semaphore(%arg9 : memref<!tpu.dma_semaphore, #tpu.memory_space<semaphore_mem>>) src(%dma_wait3A_630 : memref<10240xf32, #tpu.memory_space<vmem_shared>>) dst(%dma_wait3A_625 : memref<128xf32, #tpu.memory_space<vmem>>)
    %dma_wait3A_631 = arith.constant 31 : i32
    %dma_wait3A_632 = arith.constant 31 : i32
    %dma_wait3A_633 = arith.constant 0 : i32
    %dma_wait3A_634 = tpu.memref_slice %arg6[%dma_wait3A_632, %dma_wait3A_633] : memref<79x128xf32, #tpu.memory_space<vmem>> -> memref<1x128xf32, #tpu.memory_space<vmem>>
    %dma_wait3A_635 = tpu.memref_squeeze %dma_wait3A_634 : memref<1x128xf32, #tpu.memory_space<vmem>> -> memref<128xf32, #tpu.memory_space<vmem>>
    %dma_wait3A_636 = arith.constant 0 : i32
    %dma_wait3A_637 = tpu.memref_slice %arg5[%dma_wait3A_631, %dma_wait3A_636] : memref<79x128xi32, #tpu.memory_space<vmem>> -> memref<1x128xi32, #tpu.memory_space<vmem>>
    %dma_wait3A_638 = tpu.memref_squeeze %dma_wait3A_637 : memref<1x128xi32, #tpu.memory_space<vmem>> -> memref<128xi32, #tpu.memory_space<vmem>>
    %dma_wait3A_639 = arith.constant 0 : i32
    %dma_wait3A_640 = tpu.memref_slice %arg8[%dma_wait3A_639] : memref<10240xf32, #tpu.memory_space<vmem_shared>> -> memref<10240xf32, #tpu.memory_space<vmem_shared>>
    tpu.wait_indirect_dma semaphore(%arg9 : memref<!tpu.dma_semaphore, #tpu.memory_space<semaphore_mem>>) src(%dma_wait3A_640 : memref<10240xf32, #tpu.memory_space<vmem_shared>>) dst(%dma_wait3A_635 : memref<128xf32, #tpu.memory_space<vmem>>)
    %dma_start3A_641 = arith.constant 32 : i32
    %dma_start3A_642 = arith.constant 32 : i32
    %dma_start3A_643 = arith.constant 0 : i32
    %dma_start3A_644 = tpu.memref_slice %arg6[%dma_start3A_642, %dma_start3A_643] : memref<79x128xf32, #tpu.memory_space<vmem>> -> memref<1x128xf32, #tpu.memory_space<vmem>>
    %dma_start3A_645 = tpu.memref_squeeze %dma_start3A_644 : memref<1x128xf32, #tpu.memory_space<vmem>> -> memref<128xf32, #tpu.memory_space<vmem>>
    %dma_start3A_646 = arith.constant 0 : i32
    %dma_start3A_647 = tpu.memref_slice %arg5[%dma_start3A_641, %dma_start3A_646] : memref<79x128xi32, #tpu.memory_space<vmem>> -> memref<1x128xi32, #tpu.memory_space<vmem>>
    %dma_start3A_648 = tpu.memref_squeeze %dma_start3A_647 : memref<1x128xi32, #tpu.memory_space<vmem>> -> memref<128xi32, #tpu.memory_space<vmem>>
    %dma_start3A_649 = arith.constant 0 : i32
    %dma_start3A_650 = tpu.memref_slice %arg8[%dma_start3A_649] : memref<10240xf32, #tpu.memory_space<vmem_shared>> -> memref<10240xf32, #tpu.memory_space<vmem_shared>>
    tpu.enqueue_indirect_dma source(%dma_start3A_650 : memref<10240xf32, #tpu.memory_space<vmem_shared>>) target(%dma_start3A_645 : memref<128xf32, #tpu.memory_space<vmem>>) offsets(%dma_start3A_648 : memref<128xi32, #tpu.memory_space<vmem>>) semaphore(%arg9 : memref<!tpu.dma_semaphore, #tpu.memory_space<semaphore_mem>>)
    %dma_start3A_651 = arith.constant 33 : i32
    %dma_start3A_652 = arith.constant 33 : i32
    %dma_start3A_653 = arith.constant 0 : i32
    %dma_start3A_654 = tpu.memref_slice %arg6[%dma_start3A_652, %dma_start3A_653] : memref<79x128xf32, #tpu.memory_space<vmem>> -> memref<1x128xf32, #tpu.memory_space<vmem>>
    %dma_start3A_655 = tpu.memref_squeeze %dma_start3A_654 : memref<1x128xf32, #tpu.memory_space<vmem>> -> memref<128xf32, #tpu.memory_space<vmem>>
    %dma_start3A_656 = arith.constant 0 : i32
    %dma_start3A_657 = tpu.memref_slice %arg5[%dma_start3A_651, %dma_start3A_656] : memref<79x128xi32, #tpu.memory_space<vmem>> -> memref<1x128xi32, #tpu.memory_space<vmem>>
    %dma_start3A_658 = tpu.memref_squeeze %dma_start3A_657 : memref<1x128xi32, #tpu.memory_space<vmem>> -> memref<128xi32, #tpu.memory_space<vmem>>
    %dma_start3A_659 = arith.constant 0 : i32
    %dma_start3A_660 = tpu.memref_slice %arg8[%dma_start3A_659] : memref<10240xf32, #tpu.memory_space<vmem_shared>> -> memref<10240xf32, #tpu.memory_space<vmem_shared>>
    tpu.enqueue_indirect_dma source(%dma_start3A_660 : memref<10240xf32, #tpu.memory_space<vmem_shared>>) target(%dma_start3A_655 : memref<128xf32, #tpu.memory_space<vmem>>) offsets(%dma_start3A_658 : memref<128xi32, #tpu.memory_space<vmem>>) semaphore(%arg9 : memref<!tpu.dma_semaphore, #tpu.memory_space<semaphore_mem>>)
    %dma_start3A_661 = arith.constant 34 : i32
    %dma_start3A_662 = arith.constant 34 : i32
    %dma_start3A_663 = arith.constant 0 : i32
    %dma_start3A_664 = tpu.memref_slice %arg6[%dma_start3A_662, %dma_start3A_663] : memref<79x128xf32, #tpu.memory_space<vmem>> -> memref<1x128xf32, #tpu.memory_space<vmem>>
    %dma_start3A_665 = tpu.memref_squeeze %dma_start3A_664 : memref<1x128xf32, #tpu.memory_space<vmem>> -> memref<128xf32, #tpu.memory_space<vmem>>
    %dma_start3A_666 = arith.constant 0 : i32
    %dma_start3A_667 = tpu.memref_slice %arg5[%dma_start3A_661, %dma_start3A_666] : memref<79x128xi32, #tpu.memory_space<vmem>> -> memref<1x128xi32, #tpu.memory_space<vmem>>
    %dma_start3A_668 = tpu.memref_squeeze %dma_start3A_667 : memref<1x128xi32, #tpu.memory_space<vmem>> -> memref<128xi32, #tpu.memory_space<vmem>>
    %dma_start3A_669 = arith.constant 0 : i32
    %dma_start3A_670 = tpu.memref_slice %arg8[%dma_start3A_669] : memref<10240xf32, #tpu.memory_space<vmem_shared>> -> memref<10240xf32, #tpu.memory_space<vmem_shared>>
    tpu.enqueue_indirect_dma source(%dma_start3A_670 : memref<10240xf32, #tpu.memory_space<vmem_shared>>) target(%dma_start3A_665 : memref<128xf32, #tpu.memory_space<vmem>>) offsets(%dma_start3A_668 : memref<128xi32, #tpu.memory_space<vmem>>) semaphore(%arg9 : memref<!tpu.dma_semaphore, #tpu.memory_space<semaphore_mem>>)
    %dma_start3A_671 = arith.constant 35 : i32
    %dma_start3A_672 = arith.constant 35 : i32
    %dma_start3A_673 = arith.constant 0 : i32
    %dma_start3A_674 = tpu.memref_slice %arg6[%dma_start3A_672, %dma_start3A_673] : memref<79x128xf32, #tpu.memory_space<vmem>> -> memref<1x128xf32, #tpu.memory_space<vmem>>
    %dma_start3A_675 = tpu.memref_squeeze %dma_start3A_674 : memref<1x128xf32, #tpu.memory_space<vmem>> -> memref<128xf32, #tpu.memory_space<vmem>>
    %dma_start3A_676 = arith.constant 0 : i32
    %dma_start3A_677 = tpu.memref_slice %arg5[%dma_start3A_671, %dma_start3A_676] : memref<79x128xi32, #tpu.memory_space<vmem>> -> memref<1x128xi32, #tpu.memory_space<vmem>>
    %dma_start3A_678 = tpu.memref_squeeze %dma_start3A_677 : memref<1x128xi32, #tpu.memory_space<vmem>> -> memref<128xi32, #tpu.memory_space<vmem>>
    %dma_start3A_679 = arith.constant 0 : i32
    %dma_start3A_680 = tpu.memref_slice %arg8[%dma_start3A_679] : memref<10240xf32, #tpu.memory_space<vmem_shared>> -> memref<10240xf32, #tpu.memory_space<vmem_shared>>
    tpu.enqueue_indirect_dma source(%dma_start3A_680 : memref<10240xf32, #tpu.memory_space<vmem_shared>>) target(%dma_start3A_675 : memref<128xf32, #tpu.memory_space<vmem>>) offsets(%dma_start3A_678 : memref<128xi32, #tpu.memory_space<vmem>>) semaphore(%arg9 : memref<!tpu.dma_semaphore, #tpu.memory_space<semaphore_mem>>)
    %dma_start3A_681 = arith.constant 36 : i32
    %dma_start3A_682 = arith.constant 36 : i32
    %dma_start3A_683 = arith.constant 0 : i32
    %dma_start3A_684 = tpu.memref_slice %arg6[%dma_start3A_682, %dma_start3A_683] : memref<79x128xf32, #tpu.memory_space<vmem>> -> memref<1x128xf32, #tpu.memory_space<vmem>>
    %dma_start3A_685 = tpu.memref_squeeze %dma_start3A_684 : memref<1x128xf32, #tpu.memory_space<vmem>> -> memref<128xf32, #tpu.memory_space<vmem>>
    %dma_start3A_686 = arith.constant 0 : i32
    %dma_start3A_687 = tpu.memref_slice %arg5[%dma_start3A_681, %dma_start3A_686] : memref<79x128xi32, #tpu.memory_space<vmem>> -> memref<1x128xi32, #tpu.memory_space<vmem>>
    %dma_start3A_688 = tpu.memref_squeeze %dma_start3A_687 : memref<1x128xi32, #tpu.memory_space<vmem>> -> memref<128xi32, #tpu.memory_space<vmem>>
    %dma_start3A_689 = arith.constant 0 : i32
    %dma_start3A_690 = tpu.memref_slice %arg8[%dma_start3A_689] : memref<10240xf32, #tpu.memory_space<vmem_shared>> -> memref<10240xf32, #tpu.memory_space<vmem_shared>>
    tpu.enqueue_indirect_dma source(%dma_start3A_690 : memref<10240xf32, #tpu.memory_space<vmem_shared>>) target(%dma_start3A_685 : memref<128xf32, #tpu.memory_space<vmem>>) offsets(%dma_start3A_688 : memref<128xi32, #tpu.memory_space<vmem>>) semaphore(%arg9 : memref<!tpu.dma_semaphore, #tpu.memory_space<semaphore_mem>>)
    %dma_start3A_691 = arith.constant 37 : i32
    %dma_start3A_692 = arith.constant 37 : i32
    %dma_start3A_693 = arith.constant 0 : i32
    %dma_start3A_694 = tpu.memref_slice %arg6[%dma_start3A_692, %dma_start3A_693] : memref<79x128xf32, #tpu.memory_space<vmem>> -> memref<1x128xf32, #tpu.memory_space<vmem>>
    %dma_start3A_695 = tpu.memref_squeeze %dma_start3A_694 : memref<1x128xf32, #tpu.memory_space<vmem>> -> memref<128xf32, #tpu.memory_space<vmem>>
    %dma_start3A_696 = arith.constant 0 : i32
    %dma_start3A_697 = tpu.memref_slice %arg5[%dma_start3A_691, %dma_start3A_696] : memref<79x128xi32, #tpu.memory_space<vmem>> -> memref<1x128xi32, #tpu.memory_space<vmem>>
    %dma_start3A_698 = tpu.memref_squeeze %dma_start3A_697 : memref<1x128xi32, #tpu.memory_space<vmem>> -> memref<128xi32, #tpu.memory_space<vmem>>
    %dma_start3A_699 = arith.constant 0 : i32
    %dma_start3A_700 = tpu.memref_slice %arg8[%dma_start3A_699] : memref<10240xf32, #tpu.memory_space<vmem_shared>> -> memref<10240xf32, #tpu.memory_space<vmem_shared>>
    tpu.enqueue_indirect_dma source(%dma_start3A_700 : memref<10240xf32, #tpu.memory_space<vmem_shared>>) target(%dma_start3A_695 : memref<128xf32, #tpu.memory_space<vmem>>) offsets(%dma_start3A_698 : memref<128xi32, #tpu.memory_space<vmem>>) semaphore(%arg9 : memref<!tpu.dma_semaphore, #tpu.memory_space<semaphore_mem>>)
    %dma_start3A_701 = arith.constant 38 : i32
    %dma_start3A_702 = arith.constant 38 : i32
    %dma_start3A_703 = arith.constant 0 : i32
    %dma_start3A_704 = tpu.memref_slice %arg6[%dma_start3A_702, %dma_start3A_703] : memref<79x128xf32, #tpu.memory_space<vmem>> -> memref<1x128xf32, #tpu.memory_space<vmem>>
    %dma_start3A_705 = tpu.memref_squeeze %dma_start3A_704 : memref<1x128xf32, #tpu.memory_space<vmem>> -> memref<128xf32, #tpu.memory_space<vmem>>
    %dma_start3A_706 = arith.constant 0 : i32
    %dma_start3A_707 = tpu.memref_slice %arg5[%dma_start3A_701, %dma_start3A_706] : memref<79x128xi32, #tpu.memory_space<vmem>> -> memref<1x128xi32, #tpu.memory_space<vmem>>
    %dma_start3A_708 = tpu.memref_squeeze %dma_start3A_707 : memref<1x128xi32, #tpu.memory_space<vmem>> -> memref<128xi32, #tpu.memory_space<vmem>>
    %dma_start3A_709 = arith.constant 0 : i32
    %dma_start3A_710 = tpu.memref_slice %arg8[%dma_start3A_709] : memref<10240xf32, #tpu.memory_space<vmem_shared>> -> memref<10240xf32, #tpu.memory_space<vmem_shared>>
    tpu.enqueue_indirect_dma source(%dma_start3A_710 : memref<10240xf32, #tpu.memory_space<vmem_shared>>) target(%dma_start3A_705 : memref<128xf32, #tpu.memory_space<vmem>>) offsets(%dma_start3A_708 : memref<128xi32, #tpu.memory_space<vmem>>) semaphore(%arg9 : memref<!tpu.dma_semaphore, #tpu.memory_space<semaphore_mem>>)
    %dma_start3A_711 = arith.constant 39 : i32
    %dma_start3A_712 = arith.constant 39 : i32
    %dma_start3A_713 = arith.constant 0 : i32
    %dma_start3A_714 = tpu.memref_slice %arg6[%dma_start3A_712, %dma_start3A_713] : memref<79x128xf32, #tpu.memory_space<vmem>> -> memref<1x128xf32, #tpu.memory_space<vmem>>
    %dma_start3A_715 = tpu.memref_squeeze %dma_start3A_714 : memref<1x128xf32, #tpu.memory_space<vmem>> -> memref<128xf32, #tpu.memory_space<vmem>>
    %dma_start3A_716 = arith.constant 0 : i32
    %dma_start3A_717 = tpu.memref_slice %arg5[%dma_start3A_711, %dma_start3A_716] : memref<79x128xi32, #tpu.memory_space<vmem>> -> memref<1x128xi32, #tpu.memory_space<vmem>>
    %dma_start3A_718 = tpu.memref_squeeze %dma_start3A_717 : memref<1x128xi32, #tpu.memory_space<vmem>> -> memref<128xi32, #tpu.memory_space<vmem>>
    %dma_start3A_719 = arith.constant 0 : i32
    %dma_start3A_720 = tpu.memref_slice %arg8[%dma_start3A_719] : memref<10240xf32, #tpu.memory_space<vmem_shared>> -> memref<10240xf32, #tpu.memory_space<vmem_shared>>
    tpu.enqueue_indirect_dma source(%dma_start3A_720 : memref<10240xf32, #tpu.memory_space<vmem_shared>>) target(%dma_start3A_715 : memref<128xf32, #tpu.memory_space<vmem>>) offsets(%dma_start3A_718 : memref<128xi32, #tpu.memory_space<vmem>>) semaphore(%arg9 : memref<!tpu.dma_semaphore, #tpu.memory_space<semaphore_mem>>)
    %dma_wait3A_721 = arith.constant 32 : i32
    %dma_wait3A_722 = arith.constant 32 : i32
    %dma_wait3A_723 = arith.constant 0 : i32
    %dma_wait3A_724 = tpu.memref_slice %arg6[%dma_wait3A_722, %dma_wait3A_723] : memref<79x128xf32, #tpu.memory_space<vmem>> -> memref<1x128xf32, #tpu.memory_space<vmem>>
    %dma_wait3A_725 = tpu.memref_squeeze %dma_wait3A_724 : memref<1x128xf32, #tpu.memory_space<vmem>> -> memref<128xf32, #tpu.memory_space<vmem>>
    %dma_wait3A_726 = arith.constant 0 : i32
    %dma_wait3A_727 = tpu.memref_slice %arg5[%dma_wait3A_721, %dma_wait3A_726] : memref<79x128xi32, #tpu.memory_space<vmem>> -> memref<1x128xi32, #tpu.memory_space<vmem>>
    %dma_wait3A_728 = tpu.memref_squeeze %dma_wait3A_727 : memref<1x128xi32, #tpu.memory_space<vmem>> -> memref<128xi32, #tpu.memory_space<vmem>>
    %dma_wait3A_729 = arith.constant 0 : i32
    %dma_wait3A_730 = tpu.memref_slice %arg8[%dma_wait3A_729] : memref<10240xf32, #tpu.memory_space<vmem_shared>> -> memref<10240xf32, #tpu.memory_space<vmem_shared>>
    tpu.wait_indirect_dma semaphore(%arg9 : memref<!tpu.dma_semaphore, #tpu.memory_space<semaphore_mem>>) src(%dma_wait3A_730 : memref<10240xf32, #tpu.memory_space<vmem_shared>>) dst(%dma_wait3A_725 : memref<128xf32, #tpu.memory_space<vmem>>)
    %dma_wait3A_731 = arith.constant 33 : i32
    %dma_wait3A_732 = arith.constant 33 : i32
    %dma_wait3A_733 = arith.constant 0 : i32
    %dma_wait3A_734 = tpu.memref_slice %arg6[%dma_wait3A_732, %dma_wait3A_733] : memref<79x128xf32, #tpu.memory_space<vmem>> -> memref<1x128xf32, #tpu.memory_space<vmem>>
    %dma_wait3A_735 = tpu.memref_squeeze %dma_wait3A_734 : memref<1x128xf32, #tpu.memory_space<vmem>> -> memref<128xf32, #tpu.memory_space<vmem>>
    %dma_wait3A_736 = arith.constant 0 : i32
    %dma_wait3A_737 = tpu.memref_slice %arg5[%dma_wait3A_731, %dma_wait3A_736] : memref<79x128xi32, #tpu.memory_space<vmem>> -> memref<1x128xi32, #tpu.memory_space<vmem>>
    %dma_wait3A_738 = tpu.memref_squeeze %dma_wait3A_737 : memref<1x128xi32, #tpu.memory_space<vmem>> -> memref<128xi32, #tpu.memory_space<vmem>>
    %dma_wait3A_739 = arith.constant 0 : i32
    %dma_wait3A_740 = tpu.memref_slice %arg8[%dma_wait3A_739] : memref<10240xf32, #tpu.memory_space<vmem_shared>> -> memref<10240xf32, #tpu.memory_space<vmem_shared>>
    tpu.wait_indirect_dma semaphore(%arg9 : memref<!tpu.dma_semaphore, #tpu.memory_space<semaphore_mem>>) src(%dma_wait3A_740 : memref<10240xf32, #tpu.memory_space<vmem_shared>>) dst(%dma_wait3A_735 : memref<128xf32, #tpu.memory_space<vmem>>)
    %dma_wait3A_741 = arith.constant 34 : i32
    %dma_wait3A_742 = arith.constant 34 : i32
    %dma_wait3A_743 = arith.constant 0 : i32
    %dma_wait3A_744 = tpu.memref_slice %arg6[%dma_wait3A_742, %dma_wait3A_743] : memref<79x128xf32, #tpu.memory_space<vmem>> -> memref<1x128xf32, #tpu.memory_space<vmem>>
    %dma_wait3A_745 = tpu.memref_squeeze %dma_wait3A_744 : memref<1x128xf32, #tpu.memory_space<vmem>> -> memref<128xf32, #tpu.memory_space<vmem>>
    %dma_wait3A_746 = arith.constant 0 : i32
    %dma_wait3A_747 = tpu.memref_slice %arg5[%dma_wait3A_741, %dma_wait3A_746] : memref<79x128xi32, #tpu.memory_space<vmem>> -> memref<1x128xi32, #tpu.memory_space<vmem>>
    %dma_wait3A_748 = tpu.memref_squeeze %dma_wait3A_747 : memref<1x128xi32, #tpu.memory_space<vmem>> -> memref<128xi32, #tpu.memory_space<vmem>>
    %dma_wait3A_749 = arith.constant 0 : i32
    %dma_wait3A_750 = tpu.memref_slice %arg8[%dma_wait3A_749] : memref<10240xf32, #tpu.memory_space<vmem_shared>> -> memref<10240xf32, #tpu.memory_space<vmem_shared>>
    tpu.wait_indirect_dma semaphore(%arg9 : memref<!tpu.dma_semaphore, #tpu.memory_space<semaphore_mem>>) src(%dma_wait3A_750 : memref<10240xf32, #tpu.memory_space<vmem_shared>>) dst(%dma_wait3A_745 : memref<128xf32, #tpu.memory_space<vmem>>)
    %dma_wait3A_751 = arith.constant 35 : i32
    %dma_wait3A_752 = arith.constant 35 : i32
    %dma_wait3A_753 = arith.constant 0 : i32
    %dma_wait3A_754 = tpu.memref_slice %arg6[%dma_wait3A_752, %dma_wait3A_753] : memref<79x128xf32, #tpu.memory_space<vmem>> -> memref<1x128xf32, #tpu.memory_space<vmem>>
    %dma_wait3A_755 = tpu.memref_squeeze %dma_wait3A_754 : memref<1x128xf32, #tpu.memory_space<vmem>> -> memref<128xf32, #tpu.memory_space<vmem>>
    %dma_wait3A_756 = arith.constant 0 : i32
    %dma_wait3A_757 = tpu.memref_slice %arg5[%dma_wait3A_751, %dma_wait3A_756] : memref<79x128xi32, #tpu.memory_space<vmem>> -> memref<1x128xi32, #tpu.memory_space<vmem>>
    %dma_wait3A_758 = tpu.memref_squeeze %dma_wait3A_757 : memref<1x128xi32, #tpu.memory_space<vmem>> -> memref<128xi32, #tpu.memory_space<vmem>>
    %dma_wait3A_759 = arith.constant 0 : i32
    %dma_wait3A_760 = tpu.memref_slice %arg8[%dma_wait3A_759] : memref<10240xf32, #tpu.memory_space<vmem_shared>> -> memref<10240xf32, #tpu.memory_space<vmem_shared>>
    tpu.wait_indirect_dma semaphore(%arg9 : memref<!tpu.dma_semaphore, #tpu.memory_space<semaphore_mem>>) src(%dma_wait3A_760 : memref<10240xf32, #tpu.memory_space<vmem_shared>>) dst(%dma_wait3A_755 : memref<128xf32, #tpu.memory_space<vmem>>)
    %dma_wait3A_761 = arith.constant 36 : i32
    %dma_wait3A_762 = arith.constant 36 : i32
    %dma_wait3A_763 = arith.constant 0 : i32
    %dma_wait3A_764 = tpu.memref_slice %arg6[%dma_wait3A_762, %dma_wait3A_763] : memref<79x128xf32, #tpu.memory_space<vmem>> -> memref<1x128xf32, #tpu.memory_space<vmem>>
    %dma_wait3A_765 = tpu.memref_squeeze %dma_wait3A_764 : memref<1x128xf32, #tpu.memory_space<vmem>> -> memref<128xf32, #tpu.memory_space<vmem>>
    %dma_wait3A_766 = arith.constant 0 : i32
    %dma_wait3A_767 = tpu.memref_slice %arg5[%dma_wait3A_761, %dma_wait3A_766] : memref<79x128xi32, #tpu.memory_space<vmem>> -> memref<1x128xi32, #tpu.memory_space<vmem>>
    %dma_wait3A_768 = tpu.memref_squeeze %dma_wait3A_767 : memref<1x128xi32, #tpu.memory_space<vmem>> -> memref<128xi32, #tpu.memory_space<vmem>>
    %dma_wait3A_769 = arith.constant 0 : i32
    %dma_wait3A_770 = tpu.memref_slice %arg8[%dma_wait3A_769] : memref<10240xf32, #tpu.memory_space<vmem_shared>> -> memref<10240xf32, #tpu.memory_space<vmem_shared>>
    tpu.wait_indirect_dma semaphore(%arg9 : memref<!tpu.dma_semaphore, #tpu.memory_space<semaphore_mem>>) src(%dma_wait3A_770 : memref<10240xf32, #tpu.memory_space<vmem_shared>>) dst(%dma_wait3A_765 : memref<128xf32, #tpu.memory_space<vmem>>)
    %dma_wait3A_771 = arith.constant 37 : i32
    %dma_wait3A_772 = arith.constant 37 : i32
    %dma_wait3A_773 = arith.constant 0 : i32
    %dma_wait3A_774 = tpu.memref_slice %arg6[%dma_wait3A_772, %dma_wait3A_773] : memref<79x128xf32, #tpu.memory_space<vmem>> -> memref<1x128xf32, #tpu.memory_space<vmem>>
    %dma_wait3A_775 = tpu.memref_squeeze %dma_wait3A_774 : memref<1x128xf32, #tpu.memory_space<vmem>> -> memref<128xf32, #tpu.memory_space<vmem>>
    %dma_wait3A_776 = arith.constant 0 : i32
    %dma_wait3A_777 = tpu.memref_slice %arg5[%dma_wait3A_771, %dma_wait3A_776] : memref<79x128xi32, #tpu.memory_space<vmem>> -> memref<1x128xi32, #tpu.memory_space<vmem>>
    %dma_wait3A_778 = tpu.memref_squeeze %dma_wait3A_777 : memref<1x128xi32, #tpu.memory_space<vmem>> -> memref<128xi32, #tpu.memory_space<vmem>>
    %dma_wait3A_779 = arith.constant 0 : i32
    %dma_wait3A_780 = tpu.memref_slice %arg8[%dma_wait3A_779] : memref<10240xf32, #tpu.memory_space<vmem_shared>> -> memref<10240xf32, #tpu.memory_space<vmem_shared>>
    tpu.wait_indirect_dma semaphore(%arg9 : memref<!tpu.dma_semaphore, #tpu.memory_space<semaphore_mem>>) src(%dma_wait3A_780 : memref<10240xf32, #tpu.memory_space<vmem_shared>>) dst(%dma_wait3A_775 : memref<128xf32, #tpu.memory_space<vmem>>)
    %dma_wait3A_781 = arith.constant 38 : i32
    %dma_wait3A_782 = arith.constant 38 : i32
    %dma_wait3A_783 = arith.constant 0 : i32
    %dma_wait3A_784 = tpu.memref_slice %arg6[%dma_wait3A_782, %dma_wait3A_783] : memref<79x128xf32, #tpu.memory_space<vmem>> -> memref<1x128xf32, #tpu.memory_space<vmem>>
    %dma_wait3A_785 = tpu.memref_squeeze %dma_wait3A_784 : memref<1x128xf32, #tpu.memory_space<vmem>> -> memref<128xf32, #tpu.memory_space<vmem>>
    %dma_wait3A_786 = arith.constant 0 : i32
    %dma_wait3A_787 = tpu.memref_slice %arg5[%dma_wait3A_781, %dma_wait3A_786] : memref<79x128xi32, #tpu.memory_space<vmem>> -> memref<1x128xi32, #tpu.memory_space<vmem>>
    %dma_wait3A_788 = tpu.memref_squeeze %dma_wait3A_787 : memref<1x128xi32, #tpu.memory_space<vmem>> -> memref<128xi32, #tpu.memory_space<vmem>>
    %dma_wait3A_789 = arith.constant 0 : i32
    %dma_wait3A_790 = tpu.memref_slice %arg8[%dma_wait3A_789] : memref<10240xf32, #tpu.memory_space<vmem_shared>> -> memref<10240xf32, #tpu.memory_space<vmem_shared>>
    tpu.wait_indirect_dma semaphore(%arg9 : memref<!tpu.dma_semaphore, #tpu.memory_space<semaphore_mem>>) src(%dma_wait3A_790 : memref<10240xf32, #tpu.memory_space<vmem_shared>>) dst(%dma_wait3A_785 : memref<128xf32, #tpu.memory_space<vmem>>)
    %dma_wait3A_791 = arith.constant 39 : i32
    %dma_wait3A_792 = arith.constant 39 : i32
    %dma_wait3A_793 = arith.constant 0 : i32
    %dma_wait3A_794 = tpu.memref_slice %arg6[%dma_wait3A_792, %dma_wait3A_793] : memref<79x128xf32, #tpu.memory_space<vmem>> -> memref<1x128xf32, #tpu.memory_space<vmem>>
    %dma_wait3A_795 = tpu.memref_squeeze %dma_wait3A_794 : memref<1x128xf32, #tpu.memory_space<vmem>> -> memref<128xf32, #tpu.memory_space<vmem>>
    %dma_wait3A_796 = arith.constant 0 : i32
    %dma_wait3A_797 = tpu.memref_slice %arg5[%dma_wait3A_791, %dma_wait3A_796] : memref<79x128xi32, #tpu.memory_space<vmem>> -> memref<1x128xi32, #tpu.memory_space<vmem>>
    %dma_wait3A_798 = tpu.memref_squeeze %dma_wait3A_797 : memref<1x128xi32, #tpu.memory_space<vmem>> -> memref<128xi32, #tpu.memory_space<vmem>>
    %dma_wait3A_799 = arith.constant 0 : i32
    %dma_wait3A_800 = tpu.memref_slice %arg8[%dma_wait3A_799] : memref<10240xf32, #tpu.memory_space<vmem_shared>> -> memref<10240xf32, #tpu.memory_space<vmem_shared>>
    tpu.wait_indirect_dma semaphore(%arg9 : memref<!tpu.dma_semaphore, #tpu.memory_space<semaphore_mem>>) src(%dma_wait3A_800 : memref<10240xf32, #tpu.memory_space<vmem_shared>>) dst(%dma_wait3A_795 : memref<128xf32, #tpu.memory_space<vmem>>)
    %dma_start3A_801 = arith.constant 40 : i32
    %dma_start3A_802 = arith.constant 40 : i32
    %dma_start3A_803 = arith.constant 0 : i32
    %dma_start3A_804 = tpu.memref_slice %arg6[%dma_start3A_802, %dma_start3A_803] : memref<79x128xf32, #tpu.memory_space<vmem>> -> memref<1x128xf32, #tpu.memory_space<vmem>>
    %dma_start3A_805 = tpu.memref_squeeze %dma_start3A_804 : memref<1x128xf32, #tpu.memory_space<vmem>> -> memref<128xf32, #tpu.memory_space<vmem>>
    %dma_start3A_806 = arith.constant 0 : i32
    %dma_start3A_807 = tpu.memref_slice %arg5[%dma_start3A_801, %dma_start3A_806] : memref<79x128xi32, #tpu.memory_space<vmem>> -> memref<1x128xi32, #tpu.memory_space<vmem>>
    %dma_start3A_808 = tpu.memref_squeeze %dma_start3A_807 : memref<1x128xi32, #tpu.memory_space<vmem>> -> memref<128xi32, #tpu.memory_space<vmem>>
    %dma_start3A_809 = arith.constant 0 : i32
    %dma_start3A_810 = tpu.memref_slice %arg8[%dma_start3A_809] : memref<10240xf32, #tpu.memory_space<vmem_shared>> -> memref<10240xf32, #tpu.memory_space<vmem_shared>>
    tpu.enqueue_indirect_dma source(%dma_start3A_810 : memref<10240xf32, #tpu.memory_space<vmem_shared>>) target(%dma_start3A_805 : memref<128xf32, #tpu.memory_space<vmem>>) offsets(%dma_start3A_808 : memref<128xi32, #tpu.memory_space<vmem>>) semaphore(%arg9 : memref<!tpu.dma_semaphore, #tpu.memory_space<semaphore_mem>>)
    %dma_start3A_811 = arith.constant 41 : i32
    %dma_start3A_812 = arith.constant 41 : i32
    %dma_start3A_813 = arith.constant 0 : i32
    %dma_start3A_814 = tpu.memref_slice %arg6[%dma_start3A_812, %dma_start3A_813] : memref<79x128xf32, #tpu.memory_space<vmem>> -> memref<1x128xf32, #tpu.memory_space<vmem>>
    %dma_start3A_815 = tpu.memref_squeeze %dma_start3A_814 : memref<1x128xf32, #tpu.memory_space<vmem>> -> memref<128xf32, #tpu.memory_space<vmem>>
    %dma_start3A_816 = arith.constant 0 : i32
    %dma_start3A_817 = tpu.memref_slice %arg5[%dma_start3A_811, %dma_start3A_816] : memref<79x128xi32, #tpu.memory_space<vmem>> -> memref<1x128xi32, #tpu.memory_space<vmem>>
    %dma_start3A_818 = tpu.memref_squeeze %dma_start3A_817 : memref<1x128xi32, #tpu.memory_space<vmem>> -> memref<128xi32, #tpu.memory_space<vmem>>
    %dma_start3A_819 = arith.constant 0 : i32
    %dma_start3A_820 = tpu.memref_slice %arg8[%dma_start3A_819] : memref<10240xf32, #tpu.memory_space<vmem_shared>> -> memref<10240xf32, #tpu.memory_space<vmem_shared>>
    tpu.enqueue_indirect_dma source(%dma_start3A_820 : memref<10240xf32, #tpu.memory_space<vmem_shared>>) target(%dma_start3A_815 : memref<128xf32, #tpu.memory_space<vmem>>) offsets(%dma_start3A_818 : memref<128xi32, #tpu.memory_space<vmem>>) semaphore(%arg9 : memref<!tpu.dma_semaphore, #tpu.memory_space<semaphore_mem>>)
    %dma_start3A_821 = arith.constant 42 : i32
    %dma_start3A_822 = arith.constant 42 : i32
    %dma_start3A_823 = arith.constant 0 : i32
    %dma_start3A_824 = tpu.memref_slice %arg6[%dma_start3A_822, %dma_start3A_823] : memref<79x128xf32, #tpu.memory_space<vmem>> -> memref<1x128xf32, #tpu.memory_space<vmem>>
    %dma_start3A_825 = tpu.memref_squeeze %dma_start3A_824 : memref<1x128xf32, #tpu.memory_space<vmem>> -> memref<128xf32, #tpu.memory_space<vmem>>
    %dma_start3A_826 = arith.constant 0 : i32
    %dma_start3A_827 = tpu.memref_slice %arg5[%dma_start3A_821, %dma_start3A_826] : memref<79x128xi32, #tpu.memory_space<vmem>> -> memref<1x128xi32, #tpu.memory_space<vmem>>
    %dma_start3A_828 = tpu.memref_squeeze %dma_start3A_827 : memref<1x128xi32, #tpu.memory_space<vmem>> -> memref<128xi32, #tpu.memory_space<vmem>>
    %dma_start3A_829 = arith.constant 0 : i32
    %dma_start3A_830 = tpu.memref_slice %arg8[%dma_start3A_829] : memref<10240xf32, #tpu.memory_space<vmem_shared>> -> memref<10240xf32, #tpu.memory_space<vmem_shared>>
    tpu.enqueue_indirect_dma source(%dma_start3A_830 : memref<10240xf32, #tpu.memory_space<vmem_shared>>) target(%dma_start3A_825 : memref<128xf32, #tpu.memory_space<vmem>>) offsets(%dma_start3A_828 : memref<128xi32, #tpu.memory_space<vmem>>) semaphore(%arg9 : memref<!tpu.dma_semaphore, #tpu.memory_space<semaphore_mem>>)
    %dma_start3A_831 = arith.constant 43 : i32
    %dma_start3A_832 = arith.constant 43 : i32
    %dma_start3A_833 = arith.constant 0 : i32
    %dma_start3A_834 = tpu.memref_slice %arg6[%dma_start3A_832, %dma_start3A_833] : memref<79x128xf32, #tpu.memory_space<vmem>> -> memref<1x128xf32, #tpu.memory_space<vmem>>
    %dma_start3A_835 = tpu.memref_squeeze %dma_start3A_834 : memref<1x128xf32, #tpu.memory_space<vmem>> -> memref<128xf32, #tpu.memory_space<vmem>>
    %dma_start3A_836 = arith.constant 0 : i32
    %dma_start3A_837 = tpu.memref_slice %arg5[%dma_start3A_831, %dma_start3A_836] : memref<79x128xi32, #tpu.memory_space<vmem>> -> memref<1x128xi32, #tpu.memory_space<vmem>>
    %dma_start3A_838 = tpu.memref_squeeze %dma_start3A_837 : memref<1x128xi32, #tpu.memory_space<vmem>> -> memref<128xi32, #tpu.memory_space<vmem>>
    %dma_start3A_839 = arith.constant 0 : i32
    %dma_start3A_840 = tpu.memref_slice %arg8[%dma_start3A_839] : memref<10240xf32, #tpu.memory_space<vmem_shared>> -> memref<10240xf32, #tpu.memory_space<vmem_shared>>
    tpu.enqueue_indirect_dma source(%dma_start3A_840 : memref<10240xf32, #tpu.memory_space<vmem_shared>>) target(%dma_start3A_835 : memref<128xf32, #tpu.memory_space<vmem>>) offsets(%dma_start3A_838 : memref<128xi32, #tpu.memory_space<vmem>>) semaphore(%arg9 : memref<!tpu.dma_semaphore, #tpu.memory_space<semaphore_mem>>)
    %dma_start3A_841 = arith.constant 44 : i32
    %dma_start3A_842 = arith.constant 44 : i32
    %dma_start3A_843 = arith.constant 0 : i32
    %dma_start3A_844 = tpu.memref_slice %arg6[%dma_start3A_842, %dma_start3A_843] : memref<79x128xf32, #tpu.memory_space<vmem>> -> memref<1x128xf32, #tpu.memory_space<vmem>>
    %dma_start3A_845 = tpu.memref_squeeze %dma_start3A_844 : memref<1x128xf32, #tpu.memory_space<vmem>> -> memref<128xf32, #tpu.memory_space<vmem>>
    %dma_start3A_846 = arith.constant 0 : i32
    %dma_start3A_847 = tpu.memref_slice %arg5[%dma_start3A_841, %dma_start3A_846] : memref<79x128xi32, #tpu.memory_space<vmem>> -> memref<1x128xi32, #tpu.memory_space<vmem>>
    %dma_start3A_848 = tpu.memref_squeeze %dma_start3A_847 : memref<1x128xi32, #tpu.memory_space<vmem>> -> memref<128xi32, #tpu.memory_space<vmem>>
    %dma_start3A_849 = arith.constant 0 : i32
    %dma_start3A_850 = tpu.memref_slice %arg8[%dma_start3A_849] : memref<10240xf32, #tpu.memory_space<vmem_shared>> -> memref<10240xf32, #tpu.memory_space<vmem_shared>>
    tpu.enqueue_indirect_dma source(%dma_start3A_850 : memref<10240xf32, #tpu.memory_space<vmem_shared>>) target(%dma_start3A_845 : memref<128xf32, #tpu.memory_space<vmem>>) offsets(%dma_start3A_848 : memref<128xi32, #tpu.memory_space<vmem>>) semaphore(%arg9 : memref<!tpu.dma_semaphore, #tpu.memory_space<semaphore_mem>>)
    %dma_start3A_851 = arith.constant 45 : i32
    %dma_start3A_852 = arith.constant 45 : i32
    %dma_start3A_853 = arith.constant 0 : i32
    %dma_start3A_854 = tpu.memref_slice %arg6[%dma_start3A_852, %dma_start3A_853] : memref<79x128xf32, #tpu.memory_space<vmem>> -> memref<1x128xf32, #tpu.memory_space<vmem>>
    %dma_start3A_855 = tpu.memref_squeeze %dma_start3A_854 : memref<1x128xf32, #tpu.memory_space<vmem>> -> memref<128xf32, #tpu.memory_space<vmem>>
    %dma_start3A_856 = arith.constant 0 : i32
    %dma_start3A_857 = tpu.memref_slice %arg5[%dma_start3A_851, %dma_start3A_856] : memref<79x128xi32, #tpu.memory_space<vmem>> -> memref<1x128xi32, #tpu.memory_space<vmem>>
    %dma_start3A_858 = tpu.memref_squeeze %dma_start3A_857 : memref<1x128xi32, #tpu.memory_space<vmem>> -> memref<128xi32, #tpu.memory_space<vmem>>
    %dma_start3A_859 = arith.constant 0 : i32
    %dma_start3A_860 = tpu.memref_slice %arg8[%dma_start3A_859] : memref<10240xf32, #tpu.memory_space<vmem_shared>> -> memref<10240xf32, #tpu.memory_space<vmem_shared>>
    tpu.enqueue_indirect_dma source(%dma_start3A_860 : memref<10240xf32, #tpu.memory_space<vmem_shared>>) target(%dma_start3A_855 : memref<128xf32, #tpu.memory_space<vmem>>) offsets(%dma_start3A_858 : memref<128xi32, #tpu.memory_space<vmem>>) semaphore(%arg9 : memref<!tpu.dma_semaphore, #tpu.memory_space<semaphore_mem>>)
    %dma_start3A_861 = arith.constant 46 : i32
    %dma_start3A_862 = arith.constant 46 : i32
    %dma_start3A_863 = arith.constant 0 : i32
    %dma_start3A_864 = tpu.memref_slice %arg6[%dma_start3A_862, %dma_start3A_863] : memref<79x128xf32, #tpu.memory_space<vmem>> -> memref<1x128xf32, #tpu.memory_space<vmem>>
    %dma_start3A_865 = tpu.memref_squeeze %dma_start3A_864 : memref<1x128xf32, #tpu.memory_space<vmem>> -> memref<128xf32, #tpu.memory_space<vmem>>
    %dma_start3A_866 = arith.constant 0 : i32
    %dma_start3A_867 = tpu.memref_slice %arg5[%dma_start3A_861, %dma_start3A_866] : memref<79x128xi32, #tpu.memory_space<vmem>> -> memref<1x128xi32, #tpu.memory_space<vmem>>
    %dma_start3A_868 = tpu.memref_squeeze %dma_start3A_867 : memref<1x128xi32, #tpu.memory_space<vmem>> -> memref<128xi32, #tpu.memory_space<vmem>>
    %dma_start3A_869 = arith.constant 0 : i32
    %dma_start3A_870 = tpu.memref_slice %arg8[%dma_start3A_869] : memref<10240xf32, #tpu.memory_space<vmem_shared>> -> memref<10240xf32, #tpu.memory_space<vmem_shared>>
    tpu.enqueue_indirect_dma source(%dma_start3A_870 : memref<10240xf32, #tpu.memory_space<vmem_shared>>) target(%dma_start3A_865 : memref<128xf32, #tpu.memory_space<vmem>>) offsets(%dma_start3A_868 : memref<128xi32, #tpu.memory_space<vmem>>) semaphore(%arg9 : memref<!tpu.dma_semaphore, #tpu.memory_space<semaphore_mem>>)
    %dma_start3A_871 = arith.constant 47 : i32
    %dma_start3A_872 = arith.constant 47 : i32
    %dma_start3A_873 = arith.constant 0 : i32
    %dma_start3A_874 = tpu.memref_slice %arg6[%dma_start3A_872, %dma_start3A_873] : memref<79x128xf32, #tpu.memory_space<vmem>> -> memref<1x128xf32, #tpu.memory_space<vmem>>
    %dma_start3A_875 = tpu.memref_squeeze %dma_start3A_874 : memref<1x128xf32, #tpu.memory_space<vmem>> -> memref<128xf32, #tpu.memory_space<vmem>>
    %dma_start3A_876 = arith.constant 0 : i32
    %dma_start3A_877 = tpu.memref_slice %arg5[%dma_start3A_871, %dma_start3A_876] : memref<79x128xi32, #tpu.memory_space<vmem>> -> memref<1x128xi32, #tpu.memory_space<vmem>>
    %dma_start3A_878 = tpu.memref_squeeze %dma_start3A_877 : memref<1x128xi32, #tpu.memory_space<vmem>> -> memref<128xi32, #tpu.memory_space<vmem>>
    %dma_start3A_879 = arith.constant 0 : i32
    %dma_start3A_880 = tpu.memref_slice %arg8[%dma_start3A_879] : memref<10240xf32, #tpu.memory_space<vmem_shared>> -> memref<10240xf32, #tpu.memory_space<vmem_shared>>
    tpu.enqueue_indirect_dma source(%dma_start3A_880 : memref<10240xf32, #tpu.memory_space<vmem_shared>>) target(%dma_start3A_875 : memref<128xf32, #tpu.memory_space<vmem>>) offsets(%dma_start3A_878 : memref<128xi32, #tpu.memory_space<vmem>>) semaphore(%arg9 : memref<!tpu.dma_semaphore, #tpu.memory_space<semaphore_mem>>)
    %dma_wait3A_881 = arith.constant 40 : i32
    %dma_wait3A_882 = arith.constant 40 : i32
    %dma_wait3A_883 = arith.constant 0 : i32
    %dma_wait3A_884 = tpu.memref_slice %arg6[%dma_wait3A_882, %dma_wait3A_883] : memref<79x128xf32, #tpu.memory_space<vmem>> -> memref<1x128xf32, #tpu.memory_space<vmem>>
    %dma_wait3A_885 = tpu.memref_squeeze %dma_wait3A_884 : memref<1x128xf32, #tpu.memory_space<vmem>> -> memref<128xf32, #tpu.memory_space<vmem>>
    %dma_wait3A_886 = arith.constant 0 : i32
    %dma_wait3A_887 = tpu.memref_slice %arg5[%dma_wait3A_881, %dma_wait3A_886] : memref<79x128xi32, #tpu.memory_space<vmem>> -> memref<1x128xi32, #tpu.memory_space<vmem>>
    %dma_wait3A_888 = tpu.memref_squeeze %dma_wait3A_887 : memref<1x128xi32, #tpu.memory_space<vmem>> -> memref<128xi32, #tpu.memory_space<vmem>>
    %dma_wait3A_889 = arith.constant 0 : i32
    %dma_wait3A_890 = tpu.memref_slice %arg8[%dma_wait3A_889] : memref<10240xf32, #tpu.memory_space<vmem_shared>> -> memref<10240xf32, #tpu.memory_space<vmem_shared>>
    tpu.wait_indirect_dma semaphore(%arg9 : memref<!tpu.dma_semaphore, #tpu.memory_space<semaphore_mem>>) src(%dma_wait3A_890 : memref<10240xf32, #tpu.memory_space<vmem_shared>>) dst(%dma_wait3A_885 : memref<128xf32, #tpu.memory_space<vmem>>)
    %dma_wait3A_891 = arith.constant 41 : i32
    %dma_wait3A_892 = arith.constant 41 : i32
    %dma_wait3A_893 = arith.constant 0 : i32
    %dma_wait3A_894 = tpu.memref_slice %arg6[%dma_wait3A_892, %dma_wait3A_893] : memref<79x128xf32, #tpu.memory_space<vmem>> -> memref<1x128xf32, #tpu.memory_space<vmem>>
    %dma_wait3A_895 = tpu.memref_squeeze %dma_wait3A_894 : memref<1x128xf32, #tpu.memory_space<vmem>> -> memref<128xf32, #tpu.memory_space<vmem>>
    %dma_wait3A_896 = arith.constant 0 : i32
    %dma_wait3A_897 = tpu.memref_slice %arg5[%dma_wait3A_891, %dma_wait3A_896] : memref<79x128xi32, #tpu.memory_space<vmem>> -> memref<1x128xi32, #tpu.memory_space<vmem>>
    %dma_wait3A_898 = tpu.memref_squeeze %dma_wait3A_897 : memref<1x128xi32, #tpu.memory_space<vmem>> -> memref<128xi32, #tpu.memory_space<vmem>>
    %dma_wait3A_899 = arith.constant 0 : i32
    %dma_wait3A_900 = tpu.memref_slice %arg8[%dma_wait3A_899] : memref<10240xf32, #tpu.memory_space<vmem_shared>> -> memref<10240xf32, #tpu.memory_space<vmem_shared>>
    tpu.wait_indirect_dma semaphore(%arg9 : memref<!tpu.dma_semaphore, #tpu.memory_space<semaphore_mem>>) src(%dma_wait3A_900 : memref<10240xf32, #tpu.memory_space<vmem_shared>>) dst(%dma_wait3A_895 : memref<128xf32, #tpu.memory_space<vmem>>)
    %dma_wait3A_901 = arith.constant 42 : i32
    %dma_wait3A_902 = arith.constant 42 : i32
    %dma_wait3A_903 = arith.constant 0 : i32
    %dma_wait3A_904 = tpu.memref_slice %arg6[%dma_wait3A_902, %dma_wait3A_903] : memref<79x128xf32, #tpu.memory_space<vmem>> -> memref<1x128xf32, #tpu.memory_space<vmem>>
    %dma_wait3A_905 = tpu.memref_squeeze %dma_wait3A_904 : memref<1x128xf32, #tpu.memory_space<vmem>> -> memref<128xf32, #tpu.memory_space<vmem>>
    %dma_wait3A_906 = arith.constant 0 : i32
    %dma_wait3A_907 = tpu.memref_slice %arg5[%dma_wait3A_901, %dma_wait3A_906] : memref<79x128xi32, #tpu.memory_space<vmem>> -> memref<1x128xi32, #tpu.memory_space<vmem>>
    %dma_wait3A_908 = tpu.memref_squeeze %dma_wait3A_907 : memref<1x128xi32, #tpu.memory_space<vmem>> -> memref<128xi32, #tpu.memory_space<vmem>>
    %dma_wait3A_909 = arith.constant 0 : i32
    %dma_wait3A_910 = tpu.memref_slice %arg8[%dma_wait3A_909] : memref<10240xf32, #tpu.memory_space<vmem_shared>> -> memref<10240xf32, #tpu.memory_space<vmem_shared>>
    tpu.wait_indirect_dma semaphore(%arg9 : memref<!tpu.dma_semaphore, #tpu.memory_space<semaphore_mem>>) src(%dma_wait3A_910 : memref<10240xf32, #tpu.memory_space<vmem_shared>>) dst(%dma_wait3A_905 : memref<128xf32, #tpu.memory_space<vmem>>)
    %dma_wait3A_911 = arith.constant 43 : i32
    %dma_wait3A_912 = arith.constant 43 : i32
    %dma_wait3A_913 = arith.constant 0 : i32
    %dma_wait3A_914 = tpu.memref_slice %arg6[%dma_wait3A_912, %dma_wait3A_913] : memref<79x128xf32, #tpu.memory_space<vmem>> -> memref<1x128xf32, #tpu.memory_space<vmem>>
    %dma_wait3A_915 = tpu.memref_squeeze %dma_wait3A_914 : memref<1x128xf32, #tpu.memory_space<vmem>> -> memref<128xf32, #tpu.memory_space<vmem>>
    %dma_wait3A_916 = arith.constant 0 : i32
    %dma_wait3A_917 = tpu.memref_slice %arg5[%dma_wait3A_911, %dma_wait3A_916] : memref<79x128xi32, #tpu.memory_space<vmem>> -> memref<1x128xi32, #tpu.memory_space<vmem>>
    %dma_wait3A_918 = tpu.memref_squeeze %dma_wait3A_917 : memref<1x128xi32, #tpu.memory_space<vmem>> -> memref<128xi32, #tpu.memory_space<vmem>>
    %dma_wait3A_919 = arith.constant 0 : i32
    %dma_wait3A_920 = tpu.memref_slice %arg8[%dma_wait3A_919] : memref<10240xf32, #tpu.memory_space<vmem_shared>> -> memref<10240xf32, #tpu.memory_space<vmem_shared>>
    tpu.wait_indirect_dma semaphore(%arg9 : memref<!tpu.dma_semaphore, #tpu.memory_space<semaphore_mem>>) src(%dma_wait3A_920 : memref<10240xf32, #tpu.memory_space<vmem_shared>>) dst(%dma_wait3A_915 : memref<128xf32, #tpu.memory_space<vmem>>)
    %dma_wait3A_921 = arith.constant 44 : i32
    %dma_wait3A_922 = arith.constant 44 : i32
    %dma_wait3A_923 = arith.constant 0 : i32
    %dma_wait3A_924 = tpu.memref_slice %arg6[%dma_wait3A_922, %dma_wait3A_923] : memref<79x128xf32, #tpu.memory_space<vmem>> -> memref<1x128xf32, #tpu.memory_space<vmem>>
    %dma_wait3A_925 = tpu.memref_squeeze %dma_wait3A_924 : memref<1x128xf32, #tpu.memory_space<vmem>> -> memref<128xf32, #tpu.memory_space<vmem>>
    %dma_wait3A_926 = arith.constant 0 : i32
    %dma_wait3A_927 = tpu.memref_slice %arg5[%dma_wait3A_921, %dma_wait3A_926] : memref<79x128xi32, #tpu.memory_space<vmem>> -> memref<1x128xi32, #tpu.memory_space<vmem>>
    %dma_wait3A_928 = tpu.memref_squeeze %dma_wait3A_927 : memref<1x128xi32, #tpu.memory_space<vmem>> -> memref<128xi32, #tpu.memory_space<vmem>>
    %dma_wait3A_929 = arith.constant 0 : i32
    %dma_wait3A_930 = tpu.memref_slice %arg8[%dma_wait3A_929] : memref<10240xf32, #tpu.memory_space<vmem_shared>> -> memref<10240xf32, #tpu.memory_space<vmem_shared>>
    tpu.wait_indirect_dma semaphore(%arg9 : memref<!tpu.dma_semaphore, #tpu.memory_space<semaphore_mem>>) src(%dma_wait3A_930 : memref<10240xf32, #tpu.memory_space<vmem_shared>>) dst(%dma_wait3A_925 : memref<128xf32, #tpu.memory_space<vmem>>)
    %dma_wait3A_931 = arith.constant 45 : i32
    %dma_wait3A_932 = arith.constant 45 : i32
    %dma_wait3A_933 = arith.constant 0 : i32
    %dma_wait3A_934 = tpu.memref_slice %arg6[%dma_wait3A_932, %dma_wait3A_933] : memref<79x128xf32, #tpu.memory_space<vmem>> -> memref<1x128xf32, #tpu.memory_space<vmem>>
    %dma_wait3A_935 = tpu.memref_squeeze %dma_wait3A_934 : memref<1x128xf32, #tpu.memory_space<vmem>> -> memref<128xf32, #tpu.memory_space<vmem>>
    %dma_wait3A_936 = arith.constant 0 : i32
    %dma_wait3A_937 = tpu.memref_slice %arg5[%dma_wait3A_931, %dma_wait3A_936] : memref<79x128xi32, #tpu.memory_space<vmem>> -> memref<1x128xi32, #tpu.memory_space<vmem>>
    %dma_wait3A_938 = tpu.memref_squeeze %dma_wait3A_937 : memref<1x128xi32, #tpu.memory_space<vmem>> -> memref<128xi32, #tpu.memory_space<vmem>>
    %dma_wait3A_939 = arith.constant 0 : i32
    %dma_wait3A_940 = tpu.memref_slice %arg8[%dma_wait3A_939] : memref<10240xf32, #tpu.memory_space<vmem_shared>> -> memref<10240xf32, #tpu.memory_space<vmem_shared>>
    tpu.wait_indirect_dma semaphore(%arg9 : memref<!tpu.dma_semaphore, #tpu.memory_space<semaphore_mem>>) src(%dma_wait3A_940 : memref<10240xf32, #tpu.memory_space<vmem_shared>>) dst(%dma_wait3A_935 : memref<128xf32, #tpu.memory_space<vmem>>)
    %dma_wait3A_941 = arith.constant 46 : i32
    %dma_wait3A_942 = arith.constant 46 : i32
    %dma_wait3A_943 = arith.constant 0 : i32
    %dma_wait3A_944 = tpu.memref_slice %arg6[%dma_wait3A_942, %dma_wait3A_943] : memref<79x128xf32, #tpu.memory_space<vmem>> -> memref<1x128xf32, #tpu.memory_space<vmem>>
    %dma_wait3A_945 = tpu.memref_squeeze %dma_wait3A_944 : memref<1x128xf32, #tpu.memory_space<vmem>> -> memref<128xf32, #tpu.memory_space<vmem>>
    %dma_wait3A_946 = arith.constant 0 : i32
    %dma_wait3A_947 = tpu.memref_slice %arg5[%dma_wait3A_941, %dma_wait3A_946] : memref<79x128xi32, #tpu.memory_space<vmem>> -> memref<1x128xi32, #tpu.memory_space<vmem>>
    %dma_wait3A_948 = tpu.memref_squeeze %dma_wait3A_947 : memref<1x128xi32, #tpu.memory_space<vmem>> -> memref<128xi32, #tpu.memory_space<vmem>>
    %dma_wait3A_949 = arith.constant 0 : i32
    %dma_wait3A_950 = tpu.memref_slice %arg8[%dma_wait3A_949] : memref<10240xf32, #tpu.memory_space<vmem_shared>> -> memref<10240xf32, #tpu.memory_space<vmem_shared>>
    tpu.wait_indirect_dma semaphore(%arg9 : memref<!tpu.dma_semaphore, #tpu.memory_space<semaphore_mem>>) src(%dma_wait3A_950 : memref<10240xf32, #tpu.memory_space<vmem_shared>>) dst(%dma_wait3A_945 : memref<128xf32, #tpu.memory_space<vmem>>)
    %dma_wait3A_951 = arith.constant 47 : i32
    %dma_wait3A_952 = arith.constant 47 : i32
    %dma_wait3A_953 = arith.constant 0 : i32
    %dma_wait3A_954 = tpu.memref_slice %arg6[%dma_wait3A_952, %dma_wait3A_953] : memref<79x128xf32, #tpu.memory_space<vmem>> -> memref<1x128xf32, #tpu.memory_space<vmem>>
    %dma_wait3A_955 = tpu.memref_squeeze %dma_wait3A_954 : memref<1x128xf32, #tpu.memory_space<vmem>> -> memref<128xf32, #tpu.memory_space<vmem>>
    %dma_wait3A_956 = arith.constant 0 : i32
    %dma_wait3A_957 = tpu.memref_slice %arg5[%dma_wait3A_951, %dma_wait3A_956] : memref<79x128xi32, #tpu.memory_space<vmem>> -> memref<1x128xi32, #tpu.memory_space<vmem>>
    %dma_wait3A_958 = tpu.memref_squeeze %dma_wait3A_957 : memref<1x128xi32, #tpu.memory_space<vmem>> -> memref<128xi32, #tpu.memory_space<vmem>>
    %dma_wait3A_959 = arith.constant 0 : i32
    %dma_wait3A_960 = tpu.memref_slice %arg8[%dma_wait3A_959] : memref<10240xf32, #tpu.memory_space<vmem_shared>> -> memref<10240xf32, #tpu.memory_space<vmem_shared>>
    tpu.wait_indirect_dma semaphore(%arg9 : memref<!tpu.dma_semaphore, #tpu.memory_space<semaphore_mem>>) src(%dma_wait3A_960 : memref<10240xf32, #tpu.memory_space<vmem_shared>>) dst(%dma_wait3A_955 : memref<128xf32, #tpu.memory_space<vmem>>)
    %dma_start3A_961 = arith.constant 48 : i32
    %dma_start3A_962 = arith.constant 48 : i32
    %dma_start3A_963 = arith.constant 0 : i32
    %dma_start3A_964 = tpu.memref_slice %arg6[%dma_start3A_962, %dma_start3A_963] : memref<79x128xf32, #tpu.memory_space<vmem>> -> memref<1x128xf32, #tpu.memory_space<vmem>>
    %dma_start3A_965 = tpu.memref_squeeze %dma_start3A_964 : memref<1x128xf32, #tpu.memory_space<vmem>> -> memref<128xf32, #tpu.memory_space<vmem>>
    %dma_start3A_966 = arith.constant 0 : i32
    %dma_start3A_967 = tpu.memref_slice %arg5[%dma_start3A_961, %dma_start3A_966] : memref<79x128xi32, #tpu.memory_space<vmem>> -> memref<1x128xi32, #tpu.memory_space<vmem>>
    %dma_start3A_968 = tpu.memref_squeeze %dma_start3A_967 : memref<1x128xi32, #tpu.memory_space<vmem>> -> memref<128xi32, #tpu.memory_space<vmem>>
    %dma_start3A_969 = arith.constant 0 : i32
    %dma_start3A_970 = tpu.memref_slice %arg8[%dma_start3A_969] : memref<10240xf32, #tpu.memory_space<vmem_shared>> -> memref<10240xf32, #tpu.memory_space<vmem_shared>>
    tpu.enqueue_indirect_dma source(%dma_start3A_970 : memref<10240xf32, #tpu.memory_space<vmem_shared>>) target(%dma_start3A_965 : memref<128xf32, #tpu.memory_space<vmem>>) offsets(%dma_start3A_968 : memref<128xi32, #tpu.memory_space<vmem>>) semaphore(%arg9 : memref<!tpu.dma_semaphore, #tpu.memory_space<semaphore_mem>>)
    %dma_start3A_971 = arith.constant 49 : i32
    %dma_start3A_972 = arith.constant 49 : i32
    %dma_start3A_973 = arith.constant 0 : i32
    %dma_start3A_974 = tpu.memref_slice %arg6[%dma_start3A_972, %dma_start3A_973] : memref<79x128xf32, #tpu.memory_space<vmem>> -> memref<1x128xf32, #tpu.memory_space<vmem>>
    %dma_start3A_975 = tpu.memref_squeeze %dma_start3A_974 : memref<1x128xf32, #tpu.memory_space<vmem>> -> memref<128xf32, #tpu.memory_space<vmem>>
    %dma_start3A_976 = arith.constant 0 : i32
    %dma_start3A_977 = tpu.memref_slice %arg5[%dma_start3A_971, %dma_start3A_976] : memref<79x128xi32, #tpu.memory_space<vmem>> -> memref<1x128xi32, #tpu.memory_space<vmem>>
    %dma_start3A_978 = tpu.memref_squeeze %dma_start3A_977 : memref<1x128xi32, #tpu.memory_space<vmem>> -> memref<128xi32, #tpu.memory_space<vmem>>
    %dma_start3A_979 = arith.constant 0 : i32
    %dma_start3A_980 = tpu.memref_slice %arg8[%dma_start3A_979] : memref<10240xf32, #tpu.memory_space<vmem_shared>> -> memref<10240xf32, #tpu.memory_space<vmem_shared>>
    tpu.enqueue_indirect_dma source(%dma_start3A_980 : memref<10240xf32, #tpu.memory_space<vmem_shared>>) target(%dma_start3A_975 : memref<128xf32, #tpu.memory_space<vmem>>) offsets(%dma_start3A_978 : memref<128xi32, #tpu.memory_space<vmem>>) semaphore(%arg9 : memref<!tpu.dma_semaphore, #tpu.memory_space<semaphore_mem>>)
    %dma_start3A_981 = arith.constant 50 : i32
    %dma_start3A_982 = arith.constant 50 : i32
    %dma_start3A_983 = arith.constant 0 : i32
    %dma_start3A_984 = tpu.memref_slice %arg6[%dma_start3A_982, %dma_start3A_983] : memref<79x128xf32, #tpu.memory_space<vmem>> -> memref<1x128xf32, #tpu.memory_space<vmem>>
    %dma_start3A_985 = tpu.memref_squeeze %dma_start3A_984 : memref<1x128xf32, #tpu.memory_space<vmem>> -> memref<128xf32, #tpu.memory_space<vmem>>
    %dma_start3A_986 = arith.constant 0 : i32
    %dma_start3A_987 = tpu.memref_slice %arg5[%dma_start3A_981, %dma_start3A_986] : memref<79x128xi32, #tpu.memory_space<vmem>> -> memref<1x128xi32, #tpu.memory_space<vmem>>
    %dma_start3A_988 = tpu.memref_squeeze %dma_start3A_987 : memref<1x128xi32, #tpu.memory_space<vmem>> -> memref<128xi32, #tpu.memory_space<vmem>>
    %dma_start3A_989 = arith.constant 0 : i32
    %dma_start3A_990 = tpu.memref_slice %arg8[%dma_start3A_989] : memref<10240xf32, #tpu.memory_space<vmem_shared>> -> memref<10240xf32, #tpu.memory_space<vmem_shared>>
    tpu.enqueue_indirect_dma source(%dma_start3A_990 : memref<10240xf32, #tpu.memory_space<vmem_shared>>) target(%dma_start3A_985 : memref<128xf32, #tpu.memory_space<vmem>>) offsets(%dma_start3A_988 : memref<128xi32, #tpu.memory_space<vmem>>) semaphore(%arg9 : memref<!tpu.dma_semaphore, #tpu.memory_space<semaphore_mem>>)
    %dma_start3A_991 = arith.constant 51 : i32
    %dma_start3A_992 = arith.constant 51 : i32
    %dma_start3A_993 = arith.constant 0 : i32
    %dma_start3A_994 = tpu.memref_slice %arg6[%dma_start3A_992, %dma_start3A_993] : memref<79x128xf32, #tpu.memory_space<vmem>> -> memref<1x128xf32, #tpu.memory_space<vmem>>
    %dma_start3A_995 = tpu.memref_squeeze %dma_start3A_994 : memref<1x128xf32, #tpu.memory_space<vmem>> -> memref<128xf32, #tpu.memory_space<vmem>>
    %dma_start3A_996 = arith.constant 0 : i32
    %dma_start3A_997 = tpu.memref_slice %arg5[%dma_start3A_991, %dma_start3A_996] : memref<79x128xi32, #tpu.memory_space<vmem>> -> memref<1x128xi32, #tpu.memory_space<vmem>>
    %dma_start3A_998 = tpu.memref_squeeze %dma_start3A_997 : memref<1x128xi32, #tpu.memory_space<vmem>> -> memref<128xi32, #tpu.memory_space<vmem>>
    %dma_start3A_999 = arith.constant 0 : i32
    %dma_start3A_1000 = tpu.memref_slice %arg8[%dma_start3A_999] : memref<10240xf32, #tpu.memory_space<vmem_shared>> -> memref<10240xf32, #tpu.memory_space<vmem_shared>>
    tpu.enqueue_indirect_dma source(%dma_start3A_1000 : memref<10240xf32, #tpu.memory_space<vmem_shared>>) target(%dma_start3A_995 : memref<128xf32, #tpu.memory_space<vmem>>) offsets(%dma_start3A_998 : memref<128xi32, #tpu.memory_space<vmem>>) semaphore(%arg9 : memref<!tpu.dma_semaphore, #tpu.memory_space<semaphore_mem>>)
    %dma_start3A_1001 = arith.constant 52 : i32
    %dma_start3A_1002 = arith.constant 52 : i32
    %dma_start3A_1003 = arith.constant 0 : i32
    %dma_start3A_1004 = tpu.memref_slice %arg6[%dma_start3A_1002, %dma_start3A_1003] : memref<79x128xf32, #tpu.memory_space<vmem>> -> memref<1x128xf32, #tpu.memory_space<vmem>>
    %dma_start3A_1005 = tpu.memref_squeeze %dma_start3A_1004 : memref<1x128xf32, #tpu.memory_space<vmem>> -> memref<128xf32, #tpu.memory_space<vmem>>
    %dma_start3A_1006 = arith.constant 0 : i32
    %dma_start3A_1007 = tpu.memref_slice %arg5[%dma_start3A_1001, %dma_start3A_1006] : memref<79x128xi32, #tpu.memory_space<vmem>> -> memref<1x128xi32, #tpu.memory_space<vmem>>
    %dma_start3A_1008 = tpu.memref_squeeze %dma_start3A_1007 : memref<1x128xi32, #tpu.memory_space<vmem>> -> memref<128xi32, #tpu.memory_space<vmem>>
    %dma_start3A_1009 = arith.constant 0 : i32
    %dma_start3A_1010 = tpu.memref_slice %arg8[%dma_start3A_1009] : memref<10240xf32, #tpu.memory_space<vmem_shared>> -> memref<10240xf32, #tpu.memory_space<vmem_shared>>
    tpu.enqueue_indirect_dma source(%dma_start3A_1010 : memref<10240xf32, #tpu.memory_space<vmem_shared>>) target(%dma_start3A_1005 : memref<128xf32, #tpu.memory_space<vmem>>) offsets(%dma_start3A_1008 : memref<128xi32, #tpu.memory_space<vmem>>) semaphore(%arg9 : memref<!tpu.dma_semaphore, #tpu.memory_space<semaphore_mem>>)
    %dma_start3A_1011 = arith.constant 53 : i32
    %dma_start3A_1012 = arith.constant 53 : i32
    %dma_start3A_1013 = arith.constant 0 : i32
    %dma_start3A_1014 = tpu.memref_slice %arg6[%dma_start3A_1012, %dma_start3A_1013] : memref<79x128xf32, #tpu.memory_space<vmem>> -> memref<1x128xf32, #tpu.memory_space<vmem>>
    %dma_start3A_1015 = tpu.memref_squeeze %dma_start3A_1014 : memref<1x128xf32, #tpu.memory_space<vmem>> -> memref<128xf32, #tpu.memory_space<vmem>>
    %dma_start3A_1016 = arith.constant 0 : i32
    %dma_start3A_1017 = tpu.memref_slice %arg5[%dma_start3A_1011, %dma_start3A_1016] : memref<79x128xi32, #tpu.memory_space<vmem>> -> memref<1x128xi32, #tpu.memory_space<vmem>>
    %dma_start3A_1018 = tpu.memref_squeeze %dma_start3A_1017 : memref<1x128xi32, #tpu.memory_space<vmem>> -> memref<128xi32, #tpu.memory_space<vmem>>
    %dma_start3A_1019 = arith.constant 0 : i32
    %dma_start3A_1020 = tpu.memref_slice %arg8[%dma_start3A_1019] : memref<10240xf32, #tpu.memory_space<vmem_shared>> -> memref<10240xf32, #tpu.memory_space<vmem_shared>>
    tpu.enqueue_indirect_dma source(%dma_start3A_1020 : memref<10240xf32, #tpu.memory_space<vmem_shared>>) target(%dma_start3A_1015 : memref<128xf32, #tpu.memory_space<vmem>>) offsets(%dma_start3A_1018 : memref<128xi32, #tpu.memory_space<vmem>>) semaphore(%arg9 : memref<!tpu.dma_semaphore, #tpu.memory_space<semaphore_mem>>)
    %dma_start3A_1021 = arith.constant 54 : i32
    %dma_start3A_1022 = arith.constant 54 : i32
    %dma_start3A_1023 = arith.constant 0 : i32
    %dma_start3A_1024 = tpu.memref_slice %arg6[%dma_start3A_1022, %dma_start3A_1023] : memref<79x128xf32, #tpu.memory_space<vmem>> -> memref<1x128xf32, #tpu.memory_space<vmem>>
    %dma_start3A_1025 = tpu.memref_squeeze %dma_start3A_1024 : memref<1x128xf32, #tpu.memory_space<vmem>> -> memref<128xf32, #tpu.memory_space<vmem>>
    %dma_start3A_1026 = arith.constant 0 : i32
    %dma_start3A_1027 = tpu.memref_slice %arg5[%dma_start3A_1021, %dma_start3A_1026] : memref<79x128xi32, #tpu.memory_space<vmem>> -> memref<1x128xi32, #tpu.memory_space<vmem>>
    %dma_start3A_1028 = tpu.memref_squeeze %dma_start3A_1027 : memref<1x128xi32, #tpu.memory_space<vmem>> -> memref<128xi32, #tpu.memory_space<vmem>>
    %dma_start3A_1029 = arith.constant 0 : i32
    %dma_start3A_1030 = tpu.memref_slice %arg8[%dma_start3A_1029] : memref<10240xf32, #tpu.memory_space<vmem_shared>> -> memref<10240xf32, #tpu.memory_space<vmem_shared>>
    tpu.enqueue_indirect_dma source(%dma_start3A_1030 : memref<10240xf32, #tpu.memory_space<vmem_shared>>) target(%dma_start3A_1025 : memref<128xf32, #tpu.memory_space<vmem>>) offsets(%dma_start3A_1028 : memref<128xi32, #tpu.memory_space<vmem>>) semaphore(%arg9 : memref<!tpu.dma_semaphore, #tpu.memory_space<semaphore_mem>>)
    %dma_start3A_1031 = arith.constant 55 : i32
    %dma_start3A_1032 = arith.constant 55 : i32
    %dma_start3A_1033 = arith.constant 0 : i32
    %dma_start3A_1034 = tpu.memref_slice %arg6[%dma_start3A_1032, %dma_start3A_1033] : memref<79x128xf32, #tpu.memory_space<vmem>> -> memref<1x128xf32, #tpu.memory_space<vmem>>
    %dma_start3A_1035 = tpu.memref_squeeze %dma_start3A_1034 : memref<1x128xf32, #tpu.memory_space<vmem>> -> memref<128xf32, #tpu.memory_space<vmem>>
    %dma_start3A_1036 = arith.constant 0 : i32
    %dma_start3A_1037 = tpu.memref_slice %arg5[%dma_start3A_1031, %dma_start3A_1036] : memref<79x128xi32, #tpu.memory_space<vmem>> -> memref<1x128xi32, #tpu.memory_space<vmem>>
    %dma_start3A_1038 = tpu.memref_squeeze %dma_start3A_1037 : memref<1x128xi32, #tpu.memory_space<vmem>> -> memref<128xi32, #tpu.memory_space<vmem>>
    %dma_start3A_1039 = arith.constant 0 : i32
    %dma_start3A_1040 = tpu.memref_slice %arg8[%dma_start3A_1039] : memref<10240xf32, #tpu.memory_space<vmem_shared>> -> memref<10240xf32, #tpu.memory_space<vmem_shared>>
    tpu.enqueue_indirect_dma source(%dma_start3A_1040 : memref<10240xf32, #tpu.memory_space<vmem_shared>>) target(%dma_start3A_1035 : memref<128xf32, #tpu.memory_space<vmem>>) offsets(%dma_start3A_1038 : memref<128xi32, #tpu.memory_space<vmem>>) semaphore(%arg9 : memref<!tpu.dma_semaphore, #tpu.memory_space<semaphore_mem>>)
    %dma_wait3A_1041 = arith.constant 48 : i32
    %dma_wait3A_1042 = arith.constant 48 : i32
    %dma_wait3A_1043 = arith.constant 0 : i32
    %dma_wait3A_1044 = tpu.memref_slice %arg6[%dma_wait3A_1042, %dma_wait3A_1043] : memref<79x128xf32, #tpu.memory_space<vmem>> -> memref<1x128xf32, #tpu.memory_space<vmem>>
    %dma_wait3A_1045 = tpu.memref_squeeze %dma_wait3A_1044 : memref<1x128xf32, #tpu.memory_space<vmem>> -> memref<128xf32, #tpu.memory_space<vmem>>
    %dma_wait3A_1046 = arith.constant 0 : i32
    %dma_wait3A_1047 = tpu.memref_slice %arg5[%dma_wait3A_1041, %dma_wait3A_1046] : memref<79x128xi32, #tpu.memory_space<vmem>> -> memref<1x128xi32, #tpu.memory_space<vmem>>
    %dma_wait3A_1048 = tpu.memref_squeeze %dma_wait3A_1047 : memref<1x128xi32, #tpu.memory_space<vmem>> -> memref<128xi32, #tpu.memory_space<vmem>>
    %dma_wait3A_1049 = arith.constant 0 : i32
    %dma_wait3A_1050 = tpu.memref_slice %arg8[%dma_wait3A_1049] : memref<10240xf32, #tpu.memory_space<vmem_shared>> -> memref<10240xf32, #tpu.memory_space<vmem_shared>>
    tpu.wait_indirect_dma semaphore(%arg9 : memref<!tpu.dma_semaphore, #tpu.memory_space<semaphore_mem>>) src(%dma_wait3A_1050 : memref<10240xf32, #tpu.memory_space<vmem_shared>>) dst(%dma_wait3A_1045 : memref<128xf32, #tpu.memory_space<vmem>>)
    %dma_wait3A_1051 = arith.constant 49 : i32
    %dma_wait3A_1052 = arith.constant 49 : i32
    %dma_wait3A_1053 = arith.constant 0 : i32
    %dma_wait3A_1054 = tpu.memref_slice %arg6[%dma_wait3A_1052, %dma_wait3A_1053] : memref<79x128xf32, #tpu.memory_space<vmem>> -> memref<1x128xf32, #tpu.memory_space<vmem>>
    %dma_wait3A_1055 = tpu.memref_squeeze %dma_wait3A_1054 : memref<1x128xf32, #tpu.memory_space<vmem>> -> memref<128xf32, #tpu.memory_space<vmem>>
    %dma_wait3A_1056 = arith.constant 0 : i32
    %dma_wait3A_1057 = tpu.memref_slice %arg5[%dma_wait3A_1051, %dma_wait3A_1056] : memref<79x128xi32, #tpu.memory_space<vmem>> -> memref<1x128xi32, #tpu.memory_space<vmem>>
    %dma_wait3A_1058 = tpu.memref_squeeze %dma_wait3A_1057 : memref<1x128xi32, #tpu.memory_space<vmem>> -> memref<128xi32, #tpu.memory_space<vmem>>
    %dma_wait3A_1059 = arith.constant 0 : i32
    %dma_wait3A_1060 = tpu.memref_slice %arg8[%dma_wait3A_1059] : memref<10240xf32, #tpu.memory_space<vmem_shared>> -> memref<10240xf32, #tpu.memory_space<vmem_shared>>
    tpu.wait_indirect_dma semaphore(%arg9 : memref<!tpu.dma_semaphore, #tpu.memory_space<semaphore_mem>>) src(%dma_wait3A_1060 : memref<10240xf32, #tpu.memory_space<vmem_shared>>) dst(%dma_wait3A_1055 : memref<128xf32, #tpu.memory_space<vmem>>)
    %dma_wait3A_1061 = arith.constant 50 : i32
    %dma_wait3A_1062 = arith.constant 50 : i32
    %dma_wait3A_1063 = arith.constant 0 : i32
    %dma_wait3A_1064 = tpu.memref_slice %arg6[%dma_wait3A_1062, %dma_wait3A_1063] : memref<79x128xf32, #tpu.memory_space<vmem>> -> memref<1x128xf32, #tpu.memory_space<vmem>>
    %dma_wait3A_1065 = tpu.memref_squeeze %dma_wait3A_1064 : memref<1x128xf32, #tpu.memory_space<vmem>> -> memref<128xf32, #tpu.memory_space<vmem>>
    %dma_wait3A_1066 = arith.constant 0 : i32
    %dma_wait3A_1067 = tpu.memref_slice %arg5[%dma_wait3A_1061, %dma_wait3A_1066] : memref<79x128xi32, #tpu.memory_space<vmem>> -> memref<1x128xi32, #tpu.memory_space<vmem>>
    %dma_wait3A_1068 = tpu.memref_squeeze %dma_wait3A_1067 : memref<1x128xi32, #tpu.memory_space<vmem>> -> memref<128xi32, #tpu.memory_space<vmem>>
    %dma_wait3A_1069 = arith.constant 0 : i32
    %dma_wait3A_1070 = tpu.memref_slice %arg8[%dma_wait3A_1069] : memref<10240xf32, #tpu.memory_space<vmem_shared>> -> memref<10240xf32, #tpu.memory_space<vmem_shared>>
    tpu.wait_indirect_dma semaphore(%arg9 : memref<!tpu.dma_semaphore, #tpu.memory_space<semaphore_mem>>) src(%dma_wait3A_1070 : memref<10240xf32, #tpu.memory_space<vmem_shared>>) dst(%dma_wait3A_1065 : memref<128xf32, #tpu.memory_space<vmem>>)
    %dma_wait3A_1071 = arith.constant 51 : i32
    %dma_wait3A_1072 = arith.constant 51 : i32
    %dma_wait3A_1073 = arith.constant 0 : i32
    %dma_wait3A_1074 = tpu.memref_slice %arg6[%dma_wait3A_1072, %dma_wait3A_1073] : memref<79x128xf32, #tpu.memory_space<vmem>> -> memref<1x128xf32, #tpu.memory_space<vmem>>
    %dma_wait3A_1075 = tpu.memref_squeeze %dma_wait3A_1074 : memref<1x128xf32, #tpu.memory_space<vmem>> -> memref<128xf32, #tpu.memory_space<vmem>>
    %dma_wait3A_1076 = arith.constant 0 : i32
    %dma_wait3A_1077 = tpu.memref_slice %arg5[%dma_wait3A_1071, %dma_wait3A_1076] : memref<79x128xi32, #tpu.memory_space<vmem>> -> memref<1x128xi32, #tpu.memory_space<vmem>>
    %dma_wait3A_1078 = tpu.memref_squeeze %dma_wait3A_1077 : memref<1x128xi32, #tpu.memory_space<vmem>> -> memref<128xi32, #tpu.memory_space<vmem>>
    %dma_wait3A_1079 = arith.constant 0 : i32
    %dma_wait3A_1080 = tpu.memref_slice %arg8[%dma_wait3A_1079] : memref<10240xf32, #tpu.memory_space<vmem_shared>> -> memref<10240xf32, #tpu.memory_space<vmem_shared>>
    tpu.wait_indirect_dma semaphore(%arg9 : memref<!tpu.dma_semaphore, #tpu.memory_space<semaphore_mem>>) src(%dma_wait3A_1080 : memref<10240xf32, #tpu.memory_space<vmem_shared>>) dst(%dma_wait3A_1075 : memref<128xf32, #tpu.memory_space<vmem>>)
    %dma_wait3A_1081 = arith.constant 52 : i32
    %dma_wait3A_1082 = arith.constant 52 : i32
    %dma_wait3A_1083 = arith.constant 0 : i32
    %dma_wait3A_1084 = tpu.memref_slice %arg6[%dma_wait3A_1082, %dma_wait3A_1083] : memref<79x128xf32, #tpu.memory_space<vmem>> -> memref<1x128xf32, #tpu.memory_space<vmem>>
    %dma_wait3A_1085 = tpu.memref_squeeze %dma_wait3A_1084 : memref<1x128xf32, #tpu.memory_space<vmem>> -> memref<128xf32, #tpu.memory_space<vmem>>
    %dma_wait3A_1086 = arith.constant 0 : i32
    %dma_wait3A_1087 = tpu.memref_slice %arg5[%dma_wait3A_1081, %dma_wait3A_1086] : memref<79x128xi32, #tpu.memory_space<vmem>> -> memref<1x128xi32, #tpu.memory_space<vmem>>
    %dma_wait3A_1088 = tpu.memref_squeeze %dma_wait3A_1087 : memref<1x128xi32, #tpu.memory_space<vmem>> -> memref<128xi32, #tpu.memory_space<vmem>>
    %dma_wait3A_1089 = arith.constant 0 : i32
    %dma_wait3A_1090 = tpu.memref_slice %arg8[%dma_wait3A_1089] : memref<10240xf32, #tpu.memory_space<vmem_shared>> -> memref<10240xf32, #tpu.memory_space<vmem_shared>>
    tpu.wait_indirect_dma semaphore(%arg9 : memref<!tpu.dma_semaphore, #tpu.memory_space<semaphore_mem>>) src(%dma_wait3A_1090 : memref<10240xf32, #tpu.memory_space<vmem_shared>>) dst(%dma_wait3A_1085 : memref<128xf32, #tpu.memory_space<vmem>>)
    %dma_wait3A_1091 = arith.constant 53 : i32
    %dma_wait3A_1092 = arith.constant 53 : i32
    %dma_wait3A_1093 = arith.constant 0 : i32
    %dma_wait3A_1094 = tpu.memref_slice %arg6[%dma_wait3A_1092, %dma_wait3A_1093] : memref<79x128xf32, #tpu.memory_space<vmem>> -> memref<1x128xf32, #tpu.memory_space<vmem>>
    %dma_wait3A_1095 = tpu.memref_squeeze %dma_wait3A_1094 : memref<1x128xf32, #tpu.memory_space<vmem>> -> memref<128xf32, #tpu.memory_space<vmem>>
    %dma_wait3A_1096 = arith.constant 0 : i32
    %dma_wait3A_1097 = tpu.memref_slice %arg5[%dma_wait3A_1091, %dma_wait3A_1096] : memref<79x128xi32, #tpu.memory_space<vmem>> -> memref<1x128xi32, #tpu.memory_space<vmem>>
    %dma_wait3A_1098 = tpu.memref_squeeze %dma_wait3A_1097 : memref<1x128xi32, #tpu.memory_space<vmem>> -> memref<128xi32, #tpu.memory_space<vmem>>
    %dma_wait3A_1099 = arith.constant 0 : i32
    %dma_wait3A_1100 = tpu.memref_slice %arg8[%dma_wait3A_1099] : memref<10240xf32, #tpu.memory_space<vmem_shared>> -> memref<10240xf32, #tpu.memory_space<vmem_shared>>
    tpu.wait_indirect_dma semaphore(%arg9 : memref<!tpu.dma_semaphore, #tpu.memory_space<semaphore_mem>>) src(%dma_wait3A_1100 : memref<10240xf32, #tpu.memory_space<vmem_shared>>) dst(%dma_wait3A_1095 : memref<128xf32, #tpu.memory_space<vmem>>)
    %dma_wait3A_1101 = arith.constant 54 : i32
    %dma_wait3A_1102 = arith.constant 54 : i32
    %dma_wait3A_1103 = arith.constant 0 : i32
    %dma_wait3A_1104 = tpu.memref_slice %arg6[%dma_wait3A_1102, %dma_wait3A_1103] : memref<79x128xf32, #tpu.memory_space<vmem>> -> memref<1x128xf32, #tpu.memory_space<vmem>>
    %dma_wait3A_1105 = tpu.memref_squeeze %dma_wait3A_1104 : memref<1x128xf32, #tpu.memory_space<vmem>> -> memref<128xf32, #tpu.memory_space<vmem>>
    %dma_wait3A_1106 = arith.constant 0 : i32
    %dma_wait3A_1107 = tpu.memref_slice %arg5[%dma_wait3A_1101, %dma_wait3A_1106] : memref<79x128xi32, #tpu.memory_space<vmem>> -> memref<1x128xi32, #tpu.memory_space<vmem>>
    %dma_wait3A_1108 = tpu.memref_squeeze %dma_wait3A_1107 : memref<1x128xi32, #tpu.memory_space<vmem>> -> memref<128xi32, #tpu.memory_space<vmem>>
    %dma_wait3A_1109 = arith.constant 0 : i32
    %dma_wait3A_1110 = tpu.memref_slice %arg8[%dma_wait3A_1109] : memref<10240xf32, #tpu.memory_space<vmem_shared>> -> memref<10240xf32, #tpu.memory_space<vmem_shared>>
    tpu.wait_indirect_dma semaphore(%arg9 : memref<!tpu.dma_semaphore, #tpu.memory_space<semaphore_mem>>) src(%dma_wait3A_1110 : memref<10240xf32, #tpu.memory_space<vmem_shared>>) dst(%dma_wait3A_1105 : memref<128xf32, #tpu.memory_space<vmem>>)
    %dma_wait3A_1111 = arith.constant 55 : i32
    %dma_wait3A_1112 = arith.constant 55 : i32
    %dma_wait3A_1113 = arith.constant 0 : i32
    %dma_wait3A_1114 = tpu.memref_slice %arg6[%dma_wait3A_1112, %dma_wait3A_1113] : memref<79x128xf32, #tpu.memory_space<vmem>> -> memref<1x128xf32, #tpu.memory_space<vmem>>
    %dma_wait3A_1115 = tpu.memref_squeeze %dma_wait3A_1114 : memref<1x128xf32, #tpu.memory_space<vmem>> -> memref<128xf32, #tpu.memory_space<vmem>>
    %dma_wait3A_1116 = arith.constant 0 : i32
    %dma_wait3A_1117 = tpu.memref_slice %arg5[%dma_wait3A_1111, %dma_wait3A_1116] : memref<79x128xi32, #tpu.memory_space<vmem>> -> memref<1x128xi32, #tpu.memory_space<vmem>>
    %dma_wait3A_1118 = tpu.memref_squeeze %dma_wait3A_1117 : memref<1x128xi32, #tpu.memory_space<vmem>> -> memref<128xi32, #tpu.memory_space<vmem>>
    %dma_wait3A_1119 = arith.constant 0 : i32
    %dma_wait3A_1120 = tpu.memref_slice %arg8[%dma_wait3A_1119] : memref<10240xf32, #tpu.memory_space<vmem_shared>> -> memref<10240xf32, #tpu.memory_space<vmem_shared>>
    tpu.wait_indirect_dma semaphore(%arg9 : memref<!tpu.dma_semaphore, #tpu.memory_space<semaphore_mem>>) src(%dma_wait3A_1120 : memref<10240xf32, #tpu.memory_space<vmem_shared>>) dst(%dma_wait3A_1115 : memref<128xf32, #tpu.memory_space<vmem>>)
    %dma_start3A_1121 = arith.constant 56 : i32
    %dma_start3A_1122 = arith.constant 56 : i32
    %dma_start3A_1123 = arith.constant 0 : i32
    %dma_start3A_1124 = tpu.memref_slice %arg6[%dma_start3A_1122, %dma_start3A_1123] : memref<79x128xf32, #tpu.memory_space<vmem>> -> memref<1x128xf32, #tpu.memory_space<vmem>>
    %dma_start3A_1125 = tpu.memref_squeeze %dma_start3A_1124 : memref<1x128xf32, #tpu.memory_space<vmem>> -> memref<128xf32, #tpu.memory_space<vmem>>
    %dma_start3A_1126 = arith.constant 0 : i32
    %dma_start3A_1127 = tpu.memref_slice %arg5[%dma_start3A_1121, %dma_start3A_1126] : memref<79x128xi32, #tpu.memory_space<vmem>> -> memref<1x128xi32, #tpu.memory_space<vmem>>
    %dma_start3A_1128 = tpu.memref_squeeze %dma_start3A_1127 : memref<1x128xi32, #tpu.memory_space<vmem>> -> memref<128xi32, #tpu.memory_space<vmem>>
    %dma_start3A_1129 = arith.constant 0 : i32
    %dma_start3A_1130 = tpu.memref_slice %arg8[%dma_start3A_1129] : memref<10240xf32, #tpu.memory_space<vmem_shared>> -> memref<10240xf32, #tpu.memory_space<vmem_shared>>
    tpu.enqueue_indirect_dma source(%dma_start3A_1130 : memref<10240xf32, #tpu.memory_space<vmem_shared>>) target(%dma_start3A_1125 : memref<128xf32, #tpu.memory_space<vmem>>) offsets(%dma_start3A_1128 : memref<128xi32, #tpu.memory_space<vmem>>) semaphore(%arg9 : memref<!tpu.dma_semaphore, #tpu.memory_space<semaphore_mem>>)
    %dma_start3A_1131 = arith.constant 57 : i32
    %dma_start3A_1132 = arith.constant 57 : i32
    %dma_start3A_1133 = arith.constant 0 : i32
    %dma_start3A_1134 = tpu.memref_slice %arg6[%dma_start3A_1132, %dma_start3A_1133] : memref<79x128xf32, #tpu.memory_space<vmem>> -> memref<1x128xf32, #tpu.memory_space<vmem>>
    %dma_start3A_1135 = tpu.memref_squeeze %dma_start3A_1134 : memref<1x128xf32, #tpu.memory_space<vmem>> -> memref<128xf32, #tpu.memory_space<vmem>>
    %dma_start3A_1136 = arith.constant 0 : i32
    %dma_start3A_1137 = tpu.memref_slice %arg5[%dma_start3A_1131, %dma_start3A_1136] : memref<79x128xi32, #tpu.memory_space<vmem>> -> memref<1x128xi32, #tpu.memory_space<vmem>>
    %dma_start3A_1138 = tpu.memref_squeeze %dma_start3A_1137 : memref<1x128xi32, #tpu.memory_space<vmem>> -> memref<128xi32, #tpu.memory_space<vmem>>
    %dma_start3A_1139 = arith.constant 0 : i32
    %dma_start3A_1140 = tpu.memref_slice %arg8[%dma_start3A_1139] : memref<10240xf32, #tpu.memory_space<vmem_shared>> -> memref<10240xf32, #tpu.memory_space<vmem_shared>>
    tpu.enqueue_indirect_dma source(%dma_start3A_1140 : memref<10240xf32, #tpu.memory_space<vmem_shared>>) target(%dma_start3A_1135 : memref<128xf32, #tpu.memory_space<vmem>>) offsets(%dma_start3A_1138 : memref<128xi32, #tpu.memory_space<vmem>>) semaphore(%arg9 : memref<!tpu.dma_semaphore, #tpu.memory_space<semaphore_mem>>)
    %dma_start3A_1141 = arith.constant 58 : i32
    %dma_start3A_1142 = arith.constant 58 : i32
    %dma_start3A_1143 = arith.constant 0 : i32
    %dma_start3A_1144 = tpu.memref_slice %arg6[%dma_start3A_1142, %dma_start3A_1143] : memref<79x128xf32, #tpu.memory_space<vmem>> -> memref<1x128xf32, #tpu.memory_space<vmem>>
    %dma_start3A_1145 = tpu.memref_squeeze %dma_start3A_1144 : memref<1x128xf32, #tpu.memory_space<vmem>> -> memref<128xf32, #tpu.memory_space<vmem>>
    %dma_start3A_1146 = arith.constant 0 : i32
    %dma_start3A_1147 = tpu.memref_slice %arg5[%dma_start3A_1141, %dma_start3A_1146] : memref<79x128xi32, #tpu.memory_space<vmem>> -> memref<1x128xi32, #tpu.memory_space<vmem>>
    %dma_start3A_1148 = tpu.memref_squeeze %dma_start3A_1147 : memref<1x128xi32, #tpu.memory_space<vmem>> -> memref<128xi32, #tpu.memory_space<vmem>>
    %dma_start3A_1149 = arith.constant 0 : i32
    %dma_start3A_1150 = tpu.memref_slice %arg8[%dma_start3A_1149] : memref<10240xf32, #tpu.memory_space<vmem_shared>> -> memref<10240xf32, #tpu.memory_space<vmem_shared>>
    tpu.enqueue_indirect_dma source(%dma_start3A_1150 : memref<10240xf32, #tpu.memory_space<vmem_shared>>) target(%dma_start3A_1145 : memref<128xf32, #tpu.memory_space<vmem>>) offsets(%dma_start3A_1148 : memref<128xi32, #tpu.memory_space<vmem>>) semaphore(%arg9 : memref<!tpu.dma_semaphore, #tpu.memory_space<semaphore_mem>>)
    %dma_start3A_1151 = arith.constant 59 : i32
    %dma_start3A_1152 = arith.constant 59 : i32
    %dma_start3A_1153 = arith.constant 0 : i32
    %dma_start3A_1154 = tpu.memref_slice %arg6[%dma_start3A_1152, %dma_start3A_1153] : memref<79x128xf32, #tpu.memory_space<vmem>> -> memref<1x128xf32, #tpu.memory_space<vmem>>
    %dma_start3A_1155 = tpu.memref_squeeze %dma_start3A_1154 : memref<1x128xf32, #tpu.memory_space<vmem>> -> memref<128xf32, #tpu.memory_space<vmem>>
    %dma_start3A_1156 = arith.constant 0 : i32
    %dma_start3A_1157 = tpu.memref_slice %arg5[%dma_start3A_1151, %dma_start3A_1156] : memref<79x128xi32, #tpu.memory_space<vmem>> -> memref<1x128xi32, #tpu.memory_space<vmem>>
    %dma_start3A_1158 = tpu.memref_squeeze %dma_start3A_1157 : memref<1x128xi32, #tpu.memory_space<vmem>> -> memref<128xi32, #tpu.memory_space<vmem>>
    %dma_start3A_1159 = arith.constant 0 : i32
    %dma_start3A_1160 = tpu.memref_slice %arg8[%dma_start3A_1159] : memref<10240xf32, #tpu.memory_space<vmem_shared>> -> memref<10240xf32, #tpu.memory_space<vmem_shared>>
    tpu.enqueue_indirect_dma source(%dma_start3A_1160 : memref<10240xf32, #tpu.memory_space<vmem_shared>>) target(%dma_start3A_1155 : memref<128xf32, #tpu.memory_space<vmem>>) offsets(%dma_start3A_1158 : memref<128xi32, #tpu.memory_space<vmem>>) semaphore(%arg9 : memref<!tpu.dma_semaphore, #tpu.memory_space<semaphore_mem>>)
    %dma_start3A_1161 = arith.constant 60 : i32
    %dma_start3A_1162 = arith.constant 60 : i32
    %dma_start3A_1163 = arith.constant 0 : i32
    %dma_start3A_1164 = tpu.memref_slice %arg6[%dma_start3A_1162, %dma_start3A_1163] : memref<79x128xf32, #tpu.memory_space<vmem>> -> memref<1x128xf32, #tpu.memory_space<vmem>>
    %dma_start3A_1165 = tpu.memref_squeeze %dma_start3A_1164 : memref<1x128xf32, #tpu.memory_space<vmem>> -> memref<128xf32, #tpu.memory_space<vmem>>
    %dma_start3A_1166 = arith.constant 0 : i32
    %dma_start3A_1167 = tpu.memref_slice %arg5[%dma_start3A_1161, %dma_start3A_1166] : memref<79x128xi32, #tpu.memory_space<vmem>> -> memref<1x128xi32, #tpu.memory_space<vmem>>
    %dma_start3A_1168 = tpu.memref_squeeze %dma_start3A_1167 : memref<1x128xi32, #tpu.memory_space<vmem>> -> memref<128xi32, #tpu.memory_space<vmem>>
    %dma_start3A_1169 = arith.constant 0 : i32
    %dma_start3A_1170 = tpu.memref_slice %arg8[%dma_start3A_1169] : memref<10240xf32, #tpu.memory_space<vmem_shared>> -> memref<10240xf32, #tpu.memory_space<vmem_shared>>
    tpu.enqueue_indirect_dma source(%dma_start3A_1170 : memref<10240xf32, #tpu.memory_space<vmem_shared>>) target(%dma_start3A_1165 : memref<128xf32, #tpu.memory_space<vmem>>) offsets(%dma_start3A_1168 : memref<128xi32, #tpu.memory_space<vmem>>) semaphore(%arg9 : memref<!tpu.dma_semaphore, #tpu.memory_space<semaphore_mem>>)
    %dma_start3A_1171 = arith.constant 61 : i32
    %dma_start3A_1172 = arith.constant 61 : i32
    %dma_start3A_1173 = arith.constant 0 : i32
    %dma_start3A_1174 = tpu.memref_slice %arg6[%dma_start3A_1172, %dma_start3A_1173] : memref<79x128xf32, #tpu.memory_space<vmem>> -> memref<1x128xf32, #tpu.memory_space<vmem>>
    %dma_start3A_1175 = tpu.memref_squeeze %dma_start3A_1174 : memref<1x128xf32, #tpu.memory_space<vmem>> -> memref<128xf32, #tpu.memory_space<vmem>>
    %dma_start3A_1176 = arith.constant 0 : i32
    %dma_start3A_1177 = tpu.memref_slice %arg5[%dma_start3A_1171, %dma_start3A_1176] : memref<79x128xi32, #tpu.memory_space<vmem>> -> memref<1x128xi32, #tpu.memory_space<vmem>>
    %dma_start3A_1178 = tpu.memref_squeeze %dma_start3A_1177 : memref<1x128xi32, #tpu.memory_space<vmem>> -> memref<128xi32, #tpu.memory_space<vmem>>
    %dma_start3A_1179 = arith.constant 0 : i32
    %dma_start3A_1180 = tpu.memref_slice %arg8[%dma_start3A_1179] : memref<10240xf32, #tpu.memory_space<vmem_shared>> -> memref<10240xf32, #tpu.memory_space<vmem_shared>>
    tpu.enqueue_indirect_dma source(%dma_start3A_1180 : memref<10240xf32, #tpu.memory_space<vmem_shared>>) target(%dma_start3A_1175 : memref<128xf32, #tpu.memory_space<vmem>>) offsets(%dma_start3A_1178 : memref<128xi32, #tpu.memory_space<vmem>>) semaphore(%arg9 : memref<!tpu.dma_semaphore, #tpu.memory_space<semaphore_mem>>)
    %dma_start3A_1181 = arith.constant 62 : i32
    %dma_start3A_1182 = arith.constant 62 : i32
    %dma_start3A_1183 = arith.constant 0 : i32
    %dma_start3A_1184 = tpu.memref_slice %arg6[%dma_start3A_1182, %dma_start3A_1183] : memref<79x128xf32, #tpu.memory_space<vmem>> -> memref<1x128xf32, #tpu.memory_space<vmem>>
    %dma_start3A_1185 = tpu.memref_squeeze %dma_start3A_1184 : memref<1x128xf32, #tpu.memory_space<vmem>> -> memref<128xf32, #tpu.memory_space<vmem>>
    %dma_start3A_1186 = arith.constant 0 : i32
    %dma_start3A_1187 = tpu.memref_slice %arg5[%dma_start3A_1181, %dma_start3A_1186] : memref<79x128xi32, #tpu.memory_space<vmem>> -> memref<1x128xi32, #tpu.memory_space<vmem>>
    %dma_start3A_1188 = tpu.memref_squeeze %dma_start3A_1187 : memref<1x128xi32, #tpu.memory_space<vmem>> -> memref<128xi32, #tpu.memory_space<vmem>>
    %dma_start3A_1189 = arith.constant 0 : i32
    %dma_start3A_1190 = tpu.memref_slice %arg8[%dma_start3A_1189] : memref<10240xf32, #tpu.memory_space<vmem_shared>> -> memref<10240xf32, #tpu.memory_space<vmem_shared>>
    tpu.enqueue_indirect_dma source(%dma_start3A_1190 : memref<10240xf32, #tpu.memory_space<vmem_shared>>) target(%dma_start3A_1185 : memref<128xf32, #tpu.memory_space<vmem>>) offsets(%dma_start3A_1188 : memref<128xi32, #tpu.memory_space<vmem>>) semaphore(%arg9 : memref<!tpu.dma_semaphore, #tpu.memory_space<semaphore_mem>>)
    %dma_start3A_1191 = arith.constant 63 : i32
    %dma_start3A_1192 = arith.constant 63 : i32
    %dma_start3A_1193 = arith.constant 0 : i32
    %dma_start3A_1194 = tpu.memref_slice %arg6[%dma_start3A_1192, %dma_start3A_1193] : memref<79x128xf32, #tpu.memory_space<vmem>> -> memref<1x128xf32, #tpu.memory_space<vmem>>
    %dma_start3A_1195 = tpu.memref_squeeze %dma_start3A_1194 : memref<1x128xf32, #tpu.memory_space<vmem>> -> memref<128xf32, #tpu.memory_space<vmem>>
    %dma_start3A_1196 = arith.constant 0 : i32
    %dma_start3A_1197 = tpu.memref_slice %arg5[%dma_start3A_1191, %dma_start3A_1196] : memref<79x128xi32, #tpu.memory_space<vmem>> -> memref<1x128xi32, #tpu.memory_space<vmem>>
    %dma_start3A_1198 = tpu.memref_squeeze %dma_start3A_1197 : memref<1x128xi32, #tpu.memory_space<vmem>> -> memref<128xi32, #tpu.memory_space<vmem>>
    %dma_start3A_1199 = arith.constant 0 : i32
    %dma_start3A_1200 = tpu.memref_slice %arg8[%dma_start3A_1199] : memref<10240xf32, #tpu.memory_space<vmem_shared>> -> memref<10240xf32, #tpu.memory_space<vmem_shared>>
    tpu.enqueue_indirect_dma source(%dma_start3A_1200 : memref<10240xf32, #tpu.memory_space<vmem_shared>>) target(%dma_start3A_1195 : memref<128xf32, #tpu.memory_space<vmem>>) offsets(%dma_start3A_1198 : memref<128xi32, #tpu.memory_space<vmem>>) semaphore(%arg9 : memref<!tpu.dma_semaphore, #tpu.memory_space<semaphore_mem>>)
    %dma_wait3A_1201 = arith.constant 56 : i32
    %dma_wait3A_1202 = arith.constant 56 : i32
    %dma_wait3A_1203 = arith.constant 0 : i32
    %dma_wait3A_1204 = tpu.memref_slice %arg6[%dma_wait3A_1202, %dma_wait3A_1203] : memref<79x128xf32, #tpu.memory_space<vmem>> -> memref<1x128xf32, #tpu.memory_space<vmem>>
    %dma_wait3A_1205 = tpu.memref_squeeze %dma_wait3A_1204 : memref<1x128xf32, #tpu.memory_space<vmem>> -> memref<128xf32, #tpu.memory_space<vmem>>
    %dma_wait3A_1206 = arith.constant 0 : i32
    %dma_wait3A_1207 = tpu.memref_slice %arg5[%dma_wait3A_1201, %dma_wait3A_1206] : memref<79x128xi32, #tpu.memory_space<vmem>> -> memref<1x128xi32, #tpu.memory_space<vmem>>
    %dma_wait3A_1208 = tpu.memref_squeeze %dma_wait3A_1207 : memref<1x128xi32, #tpu.memory_space<vmem>> -> memref<128xi32, #tpu.memory_space<vmem>>
    %dma_wait3A_1209 = arith.constant 0 : i32
    %dma_wait3A_1210 = tpu.memref_slice %arg8[%dma_wait3A_1209] : memref<10240xf32, #tpu.memory_space<vmem_shared>> -> memref<10240xf32, #tpu.memory_space<vmem_shared>>
    tpu.wait_indirect_dma semaphore(%arg9 : memref<!tpu.dma_semaphore, #tpu.memory_space<semaphore_mem>>) src(%dma_wait3A_1210 : memref<10240xf32, #tpu.memory_space<vmem_shared>>) dst(%dma_wait3A_1205 : memref<128xf32, #tpu.memory_space<vmem>>)
    %dma_wait3A_1211 = arith.constant 57 : i32
    %dma_wait3A_1212 = arith.constant 57 : i32
    %dma_wait3A_1213 = arith.constant 0 : i32
    %dma_wait3A_1214 = tpu.memref_slice %arg6[%dma_wait3A_1212, %dma_wait3A_1213] : memref<79x128xf32, #tpu.memory_space<vmem>> -> memref<1x128xf32, #tpu.memory_space<vmem>>
    %dma_wait3A_1215 = tpu.memref_squeeze %dma_wait3A_1214 : memref<1x128xf32, #tpu.memory_space<vmem>> -> memref<128xf32, #tpu.memory_space<vmem>>
    %dma_wait3A_1216 = arith.constant 0 : i32
    %dma_wait3A_1217 = tpu.memref_slice %arg5[%dma_wait3A_1211, %dma_wait3A_1216] : memref<79x128xi32, #tpu.memory_space<vmem>> -> memref<1x128xi32, #tpu.memory_space<vmem>>
    %dma_wait3A_1218 = tpu.memref_squeeze %dma_wait3A_1217 : memref<1x128xi32, #tpu.memory_space<vmem>> -> memref<128xi32, #tpu.memory_space<vmem>>
    %dma_wait3A_1219 = arith.constant 0 : i32
    %dma_wait3A_1220 = tpu.memref_slice %arg8[%dma_wait3A_1219] : memref<10240xf32, #tpu.memory_space<vmem_shared>> -> memref<10240xf32, #tpu.memory_space<vmem_shared>>
    tpu.wait_indirect_dma semaphore(%arg9 : memref<!tpu.dma_semaphore, #tpu.memory_space<semaphore_mem>>) src(%dma_wait3A_1220 : memref<10240xf32, #tpu.memory_space<vmem_shared>>) dst(%dma_wait3A_1215 : memref<128xf32, #tpu.memory_space<vmem>>)
    %dma_wait3A_1221 = arith.constant 58 : i32
    %dma_wait3A_1222 = arith.constant 58 : i32
    %dma_wait3A_1223 = arith.constant 0 : i32
    %dma_wait3A_1224 = tpu.memref_slice %arg6[%dma_wait3A_1222, %dma_wait3A_1223] : memref<79x128xf32, #tpu.memory_space<vmem>> -> memref<1x128xf32, #tpu.memory_space<vmem>>
    %dma_wait3A_1225 = tpu.memref_squeeze %dma_wait3A_1224 : memref<1x128xf32, #tpu.memory_space<vmem>> -> memref<128xf32, #tpu.memory_space<vmem>>
    %dma_wait3A_1226 = arith.constant 0 : i32
    %dma_wait3A_1227 = tpu.memref_slice %arg5[%dma_wait3A_1221, %dma_wait3A_1226] : memref<79x128xi32, #tpu.memory_space<vmem>> -> memref<1x128xi32, #tpu.memory_space<vmem>>
    %dma_wait3A_1228 = tpu.memref_squeeze %dma_wait3A_1227 : memref<1x128xi32, #tpu.memory_space<vmem>> -> memref<128xi32, #tpu.memory_space<vmem>>
    %dma_wait3A_1229 = arith.constant 0 : i32
    %dma_wait3A_1230 = tpu.memref_slice %arg8[%dma_wait3A_1229] : memref<10240xf32, #tpu.memory_space<vmem_shared>> -> memref<10240xf32, #tpu.memory_space<vmem_shared>>
    tpu.wait_indirect_dma semaphore(%arg9 : memref<!tpu.dma_semaphore, #tpu.memory_space<semaphore_mem>>) src(%dma_wait3A_1230 : memref<10240xf32, #tpu.memory_space<vmem_shared>>) dst(%dma_wait3A_1225 : memref<128xf32, #tpu.memory_space<vmem>>)
    %dma_wait3A_1231 = arith.constant 59 : i32
    %dma_wait3A_1232 = arith.constant 59 : i32
    %dma_wait3A_1233 = arith.constant 0 : i32
    %dma_wait3A_1234 = tpu.memref_slice %arg6[%dma_wait3A_1232, %dma_wait3A_1233] : memref<79x128xf32, #tpu.memory_space<vmem>> -> memref<1x128xf32, #tpu.memory_space<vmem>>
    %dma_wait3A_1235 = tpu.memref_squeeze %dma_wait3A_1234 : memref<1x128xf32, #tpu.memory_space<vmem>> -> memref<128xf32, #tpu.memory_space<vmem>>
    %dma_wait3A_1236 = arith.constant 0 : i32
    %dma_wait3A_1237 = tpu.memref_slice %arg5[%dma_wait3A_1231, %dma_wait3A_1236] : memref<79x128xi32, #tpu.memory_space<vmem>> -> memref<1x128xi32, #tpu.memory_space<vmem>>
    %dma_wait3A_1238 = tpu.memref_squeeze %dma_wait3A_1237 : memref<1x128xi32, #tpu.memory_space<vmem>> -> memref<128xi32, #tpu.memory_space<vmem>>
    %dma_wait3A_1239 = arith.constant 0 : i32
    %dma_wait3A_1240 = tpu.memref_slice %arg8[%dma_wait3A_1239] : memref<10240xf32, #tpu.memory_space<vmem_shared>> -> memref<10240xf32, #tpu.memory_space<vmem_shared>>
    tpu.wait_indirect_dma semaphore(%arg9 : memref<!tpu.dma_semaphore, #tpu.memory_space<semaphore_mem>>) src(%dma_wait3A_1240 : memref<10240xf32, #tpu.memory_space<vmem_shared>>) dst(%dma_wait3A_1235 : memref<128xf32, #tpu.memory_space<vmem>>)
    %dma_wait3A_1241 = arith.constant 60 : i32
    %dma_wait3A_1242 = arith.constant 60 : i32
    %dma_wait3A_1243 = arith.constant 0 : i32
    %dma_wait3A_1244 = tpu.memref_slice %arg6[%dma_wait3A_1242, %dma_wait3A_1243] : memref<79x128xf32, #tpu.memory_space<vmem>> -> memref<1x128xf32, #tpu.memory_space<vmem>>
    %dma_wait3A_1245 = tpu.memref_squeeze %dma_wait3A_1244 : memref<1x128xf32, #tpu.memory_space<vmem>> -> memref<128xf32, #tpu.memory_space<vmem>>
    %dma_wait3A_1246 = arith.constant 0 : i32
    %dma_wait3A_1247 = tpu.memref_slice %arg5[%dma_wait3A_1241, %dma_wait3A_1246] : memref<79x128xi32, #tpu.memory_space<vmem>> -> memref<1x128xi32, #tpu.memory_space<vmem>>
    %dma_wait3A_1248 = tpu.memref_squeeze %dma_wait3A_1247 : memref<1x128xi32, #tpu.memory_space<vmem>> -> memref<128xi32, #tpu.memory_space<vmem>>
    %dma_wait3A_1249 = arith.constant 0 : i32
    %dma_wait3A_1250 = tpu.memref_slice %arg8[%dma_wait3A_1249] : memref<10240xf32, #tpu.memory_space<vmem_shared>> -> memref<10240xf32, #tpu.memory_space<vmem_shared>>
    tpu.wait_indirect_dma semaphore(%arg9 : memref<!tpu.dma_semaphore, #tpu.memory_space<semaphore_mem>>) src(%dma_wait3A_1250 : memref<10240xf32, #tpu.memory_space<vmem_shared>>) dst(%dma_wait3A_1245 : memref<128xf32, #tpu.memory_space<vmem>>)
    %dma_wait3A_1251 = arith.constant 61 : i32
    %dma_wait3A_1252 = arith.constant 61 : i32
    %dma_wait3A_1253 = arith.constant 0 : i32
    %dma_wait3A_1254 = tpu.memref_slice %arg6[%dma_wait3A_1252, %dma_wait3A_1253] : memref<79x128xf32, #tpu.memory_space<vmem>> -> memref<1x128xf32, #tpu.memory_space<vmem>>
    %dma_wait3A_1255 = tpu.memref_squeeze %dma_wait3A_1254 : memref<1x128xf32, #tpu.memory_space<vmem>> -> memref<128xf32, #tpu.memory_space<vmem>>
    %dma_wait3A_1256 = arith.constant 0 : i32
    %dma_wait3A_1257 = tpu.memref_slice %arg5[%dma_wait3A_1251, %dma_wait3A_1256] : memref<79x128xi32, #tpu.memory_space<vmem>> -> memref<1x128xi32, #tpu.memory_space<vmem>>
    %dma_wait3A_1258 = tpu.memref_squeeze %dma_wait3A_1257 : memref<1x128xi32, #tpu.memory_space<vmem>> -> memref<128xi32, #tpu.memory_space<vmem>>
    %dma_wait3A_1259 = arith.constant 0 : i32
    %dma_wait3A_1260 = tpu.memref_slice %arg8[%dma_wait3A_1259] : memref<10240xf32, #tpu.memory_space<vmem_shared>> -> memref<10240xf32, #tpu.memory_space<vmem_shared>>
    tpu.wait_indirect_dma semaphore(%arg9 : memref<!tpu.dma_semaphore, #tpu.memory_space<semaphore_mem>>) src(%dma_wait3A_1260 : memref<10240xf32, #tpu.memory_space<vmem_shared>>) dst(%dma_wait3A_1255 : memref<128xf32, #tpu.memory_space<vmem>>)
    %dma_wait3A_1261 = arith.constant 62 : i32
    %dma_wait3A_1262 = arith.constant 62 : i32
    %dma_wait3A_1263 = arith.constant 0 : i32
    %dma_wait3A_1264 = tpu.memref_slice %arg6[%dma_wait3A_1262, %dma_wait3A_1263] : memref<79x128xf32, #tpu.memory_space<vmem>> -> memref<1x128xf32, #tpu.memory_space<vmem>>
    %dma_wait3A_1265 = tpu.memref_squeeze %dma_wait3A_1264 : memref<1x128xf32, #tpu.memory_space<vmem>> -> memref<128xf32, #tpu.memory_space<vmem>>
    %dma_wait3A_1266 = arith.constant 0 : i32
    %dma_wait3A_1267 = tpu.memref_slice %arg5[%dma_wait3A_1261, %dma_wait3A_1266] : memref<79x128xi32, #tpu.memory_space<vmem>> -> memref<1x128xi32, #tpu.memory_space<vmem>>
    %dma_wait3A_1268 = tpu.memref_squeeze %dma_wait3A_1267 : memref<1x128xi32, #tpu.memory_space<vmem>> -> memref<128xi32, #tpu.memory_space<vmem>>
    %dma_wait3A_1269 = arith.constant 0 : i32
    %dma_wait3A_1270 = tpu.memref_slice %arg8[%dma_wait3A_1269] : memref<10240xf32, #tpu.memory_space<vmem_shared>> -> memref<10240xf32, #tpu.memory_space<vmem_shared>>
    tpu.wait_indirect_dma semaphore(%arg9 : memref<!tpu.dma_semaphore, #tpu.memory_space<semaphore_mem>>) src(%dma_wait3A_1270 : memref<10240xf32, #tpu.memory_space<vmem_shared>>) dst(%dma_wait3A_1265 : memref<128xf32, #tpu.memory_space<vmem>>)
    %dma_wait3A_1271 = arith.constant 63 : i32
    %dma_wait3A_1272 = arith.constant 63 : i32
    %dma_wait3A_1273 = arith.constant 0 : i32
    %dma_wait3A_1274 = tpu.memref_slice %arg6[%dma_wait3A_1272, %dma_wait3A_1273] : memref<79x128xf32, #tpu.memory_space<vmem>> -> memref<1x128xf32, #tpu.memory_space<vmem>>
    %dma_wait3A_1275 = tpu.memref_squeeze %dma_wait3A_1274 : memref<1x128xf32, #tpu.memory_space<vmem>> -> memref<128xf32, #tpu.memory_space<vmem>>
    %dma_wait3A_1276 = arith.constant 0 : i32
    %dma_wait3A_1277 = tpu.memref_slice %arg5[%dma_wait3A_1271, %dma_wait3A_1276] : memref<79x128xi32, #tpu.memory_space<vmem>> -> memref<1x128xi32, #tpu.memory_space<vmem>>
    %dma_wait3A_1278 = tpu.memref_squeeze %dma_wait3A_1277 : memref<1x128xi32, #tpu.memory_space<vmem>> -> memref<128xi32, #tpu.memory_space<vmem>>
    %dma_wait3A_1279 = arith.constant 0 : i32
    %dma_wait3A_1280 = tpu.memref_slice %arg8[%dma_wait3A_1279] : memref<10240xf32, #tpu.memory_space<vmem_shared>> -> memref<10240xf32, #tpu.memory_space<vmem_shared>>
    tpu.wait_indirect_dma semaphore(%arg9 : memref<!tpu.dma_semaphore, #tpu.memory_space<semaphore_mem>>) src(%dma_wait3A_1280 : memref<10240xf32, #tpu.memory_space<vmem_shared>>) dst(%dma_wait3A_1275 : memref<128xf32, #tpu.memory_space<vmem>>)
    %dma_start3A_1281 = arith.constant 64 : i32
    %dma_start3A_1282 = arith.constant 64 : i32
    %dma_start3A_1283 = arith.constant 0 : i32
    %dma_start3A_1284 = tpu.memref_slice %arg6[%dma_start3A_1282, %dma_start3A_1283] : memref<79x128xf32, #tpu.memory_space<vmem>> -> memref<1x128xf32, #tpu.memory_space<vmem>>
    %dma_start3A_1285 = tpu.memref_squeeze %dma_start3A_1284 : memref<1x128xf32, #tpu.memory_space<vmem>> -> memref<128xf32, #tpu.memory_space<vmem>>
    %dma_start3A_1286 = arith.constant 0 : i32
    %dma_start3A_1287 = tpu.memref_slice %arg5[%dma_start3A_1281, %dma_start3A_1286] : memref<79x128xi32, #tpu.memory_space<vmem>> -> memref<1x128xi32, #tpu.memory_space<vmem>>
    %dma_start3A_1288 = tpu.memref_squeeze %dma_start3A_1287 : memref<1x128xi32, #tpu.memory_space<vmem>> -> memref<128xi32, #tpu.memory_space<vmem>>
    %dma_start3A_1289 = arith.constant 0 : i32
    %dma_start3A_1290 = tpu.memref_slice %arg8[%dma_start3A_1289] : memref<10240xf32, #tpu.memory_space<vmem_shared>> -> memref<10240xf32, #tpu.memory_space<vmem_shared>>
    tpu.enqueue_indirect_dma source(%dma_start3A_1290 : memref<10240xf32, #tpu.memory_space<vmem_shared>>) target(%dma_start3A_1285 : memref<128xf32, #tpu.memory_space<vmem>>) offsets(%dma_start3A_1288 : memref<128xi32, #tpu.memory_space<vmem>>) semaphore(%arg9 : memref<!tpu.dma_semaphore, #tpu.memory_space<semaphore_mem>>)
    %dma_start3A_1291 = arith.constant 65 : i32
    %dma_start3A_1292 = arith.constant 65 : i32
    %dma_start3A_1293 = arith.constant 0 : i32
    %dma_start3A_1294 = tpu.memref_slice %arg6[%dma_start3A_1292, %dma_start3A_1293] : memref<79x128xf32, #tpu.memory_space<vmem>> -> memref<1x128xf32, #tpu.memory_space<vmem>>
    %dma_start3A_1295 = tpu.memref_squeeze %dma_start3A_1294 : memref<1x128xf32, #tpu.memory_space<vmem>> -> memref<128xf32, #tpu.memory_space<vmem>>
    %dma_start3A_1296 = arith.constant 0 : i32
    %dma_start3A_1297 = tpu.memref_slice %arg5[%dma_start3A_1291, %dma_start3A_1296] : memref<79x128xi32, #tpu.memory_space<vmem>> -> memref<1x128xi32, #tpu.memory_space<vmem>>
    %dma_start3A_1298 = tpu.memref_squeeze %dma_start3A_1297 : memref<1x128xi32, #tpu.memory_space<vmem>> -> memref<128xi32, #tpu.memory_space<vmem>>
    %dma_start3A_1299 = arith.constant 0 : i32
    %dma_start3A_1300 = tpu.memref_slice %arg8[%dma_start3A_1299] : memref<10240xf32, #tpu.memory_space<vmem_shared>> -> memref<10240xf32, #tpu.memory_space<vmem_shared>>
    tpu.enqueue_indirect_dma source(%dma_start3A_1300 : memref<10240xf32, #tpu.memory_space<vmem_shared>>) target(%dma_start3A_1295 : memref<128xf32, #tpu.memory_space<vmem>>) offsets(%dma_start3A_1298 : memref<128xi32, #tpu.memory_space<vmem>>) semaphore(%arg9 : memref<!tpu.dma_semaphore, #tpu.memory_space<semaphore_mem>>)
    %dma_start3A_1301 = arith.constant 66 : i32
    %dma_start3A_1302 = arith.constant 66 : i32
    %dma_start3A_1303 = arith.constant 0 : i32
    %dma_start3A_1304 = tpu.memref_slice %arg6[%dma_start3A_1302, %dma_start3A_1303] : memref<79x128xf32, #tpu.memory_space<vmem>> -> memref<1x128xf32, #tpu.memory_space<vmem>>
    %dma_start3A_1305 = tpu.memref_squeeze %dma_start3A_1304 : memref<1x128xf32, #tpu.memory_space<vmem>> -> memref<128xf32, #tpu.memory_space<vmem>>
    %dma_start3A_1306 = arith.constant 0 : i32
    %dma_start3A_1307 = tpu.memref_slice %arg5[%dma_start3A_1301, %dma_start3A_1306] : memref<79x128xi32, #tpu.memory_space<vmem>> -> memref<1x128xi32, #tpu.memory_space<vmem>>
    %dma_start3A_1308 = tpu.memref_squeeze %dma_start3A_1307 : memref<1x128xi32, #tpu.memory_space<vmem>> -> memref<128xi32, #tpu.memory_space<vmem>>
    %dma_start3A_1309 = arith.constant 0 : i32
    %dma_start3A_1310 = tpu.memref_slice %arg8[%dma_start3A_1309] : memref<10240xf32, #tpu.memory_space<vmem_shared>> -> memref<10240xf32, #tpu.memory_space<vmem_shared>>
    tpu.enqueue_indirect_dma source(%dma_start3A_1310 : memref<10240xf32, #tpu.memory_space<vmem_shared>>) target(%dma_start3A_1305 : memref<128xf32, #tpu.memory_space<vmem>>) offsets(%dma_start3A_1308 : memref<128xi32, #tpu.memory_space<vmem>>) semaphore(%arg9 : memref<!tpu.dma_semaphore, #tpu.memory_space<semaphore_mem>>)
    %dma_start3A_1311 = arith.constant 67 : i32
    %dma_start3A_1312 = arith.constant 67 : i32
    %dma_start3A_1313 = arith.constant 0 : i32
    %dma_start3A_1314 = tpu.memref_slice %arg6[%dma_start3A_1312, %dma_start3A_1313] : memref<79x128xf32, #tpu.memory_space<vmem>> -> memref<1x128xf32, #tpu.memory_space<vmem>>
    %dma_start3A_1315 = tpu.memref_squeeze %dma_start3A_1314 : memref<1x128xf32, #tpu.memory_space<vmem>> -> memref<128xf32, #tpu.memory_space<vmem>>
    %dma_start3A_1316 = arith.constant 0 : i32
    %dma_start3A_1317 = tpu.memref_slice %arg5[%dma_start3A_1311, %dma_start3A_1316] : memref<79x128xi32, #tpu.memory_space<vmem>> -> memref<1x128xi32, #tpu.memory_space<vmem>>
    %dma_start3A_1318 = tpu.memref_squeeze %dma_start3A_1317 : memref<1x128xi32, #tpu.memory_space<vmem>> -> memref<128xi32, #tpu.memory_space<vmem>>
    %dma_start3A_1319 = arith.constant 0 : i32
    %dma_start3A_1320 = tpu.memref_slice %arg8[%dma_start3A_1319] : memref<10240xf32, #tpu.memory_space<vmem_shared>> -> memref<10240xf32, #tpu.memory_space<vmem_shared>>
    tpu.enqueue_indirect_dma source(%dma_start3A_1320 : memref<10240xf32, #tpu.memory_space<vmem_shared>>) target(%dma_start3A_1315 : memref<128xf32, #tpu.memory_space<vmem>>) offsets(%dma_start3A_1318 : memref<128xi32, #tpu.memory_space<vmem>>) semaphore(%arg9 : memref<!tpu.dma_semaphore, #tpu.memory_space<semaphore_mem>>)
    %dma_start3A_1321 = arith.constant 68 : i32
    %dma_start3A_1322 = arith.constant 68 : i32
    %dma_start3A_1323 = arith.constant 0 : i32
    %dma_start3A_1324 = tpu.memref_slice %arg6[%dma_start3A_1322, %dma_start3A_1323] : memref<79x128xf32, #tpu.memory_space<vmem>> -> memref<1x128xf32, #tpu.memory_space<vmem>>
    %dma_start3A_1325 = tpu.memref_squeeze %dma_start3A_1324 : memref<1x128xf32, #tpu.memory_space<vmem>> -> memref<128xf32, #tpu.memory_space<vmem>>
    %dma_start3A_1326 = arith.constant 0 : i32
    %dma_start3A_1327 = tpu.memref_slice %arg5[%dma_start3A_1321, %dma_start3A_1326] : memref<79x128xi32, #tpu.memory_space<vmem>> -> memref<1x128xi32, #tpu.memory_space<vmem>>
    %dma_start3A_1328 = tpu.memref_squeeze %dma_start3A_1327 : memref<1x128xi32, #tpu.memory_space<vmem>> -> memref<128xi32, #tpu.memory_space<vmem>>
    %dma_start3A_1329 = arith.constant 0 : i32
    %dma_start3A_1330 = tpu.memref_slice %arg8[%dma_start3A_1329] : memref<10240xf32, #tpu.memory_space<vmem_shared>> -> memref<10240xf32, #tpu.memory_space<vmem_shared>>
    tpu.enqueue_indirect_dma source(%dma_start3A_1330 : memref<10240xf32, #tpu.memory_space<vmem_shared>>) target(%dma_start3A_1325 : memref<128xf32, #tpu.memory_space<vmem>>) offsets(%dma_start3A_1328 : memref<128xi32, #tpu.memory_space<vmem>>) semaphore(%arg9 : memref<!tpu.dma_semaphore, #tpu.memory_space<semaphore_mem>>)
    %dma_start3A_1331 = arith.constant 69 : i32
    %dma_start3A_1332 = arith.constant 69 : i32
    %dma_start3A_1333 = arith.constant 0 : i32
    %dma_start3A_1334 = tpu.memref_slice %arg6[%dma_start3A_1332, %dma_start3A_1333] : memref<79x128xf32, #tpu.memory_space<vmem>> -> memref<1x128xf32, #tpu.memory_space<vmem>>
    %dma_start3A_1335 = tpu.memref_squeeze %dma_start3A_1334 : memref<1x128xf32, #tpu.memory_space<vmem>> -> memref<128xf32, #tpu.memory_space<vmem>>
    %dma_start3A_1336 = arith.constant 0 : i32
    %dma_start3A_1337 = tpu.memref_slice %arg5[%dma_start3A_1331, %dma_start3A_1336] : memref<79x128xi32, #tpu.memory_space<vmem>> -> memref<1x128xi32, #tpu.memory_space<vmem>>
    %dma_start3A_1338 = tpu.memref_squeeze %dma_start3A_1337 : memref<1x128xi32, #tpu.memory_space<vmem>> -> memref<128xi32, #tpu.memory_space<vmem>>
    %dma_start3A_1339 = arith.constant 0 : i32
    %dma_start3A_1340 = tpu.memref_slice %arg8[%dma_start3A_1339] : memref<10240xf32, #tpu.memory_space<vmem_shared>> -> memref<10240xf32, #tpu.memory_space<vmem_shared>>
    tpu.enqueue_indirect_dma source(%dma_start3A_1340 : memref<10240xf32, #tpu.memory_space<vmem_shared>>) target(%dma_start3A_1335 : memref<128xf32, #tpu.memory_space<vmem>>) offsets(%dma_start3A_1338 : memref<128xi32, #tpu.memory_space<vmem>>) semaphore(%arg9 : memref<!tpu.dma_semaphore, #tpu.memory_space<semaphore_mem>>)
    %dma_start3A_1341 = arith.constant 70 : i32
    %dma_start3A_1342 = arith.constant 70 : i32
    %dma_start3A_1343 = arith.constant 0 : i32
    %dma_start3A_1344 = tpu.memref_slice %arg6[%dma_start3A_1342, %dma_start3A_1343] : memref<79x128xf32, #tpu.memory_space<vmem>> -> memref<1x128xf32, #tpu.memory_space<vmem>>
    %dma_start3A_1345 = tpu.memref_squeeze %dma_start3A_1344 : memref<1x128xf32, #tpu.memory_space<vmem>> -> memref<128xf32, #tpu.memory_space<vmem>>
    %dma_start3A_1346 = arith.constant 0 : i32
    %dma_start3A_1347 = tpu.memref_slice %arg5[%dma_start3A_1341, %dma_start3A_1346] : memref<79x128xi32, #tpu.memory_space<vmem>> -> memref<1x128xi32, #tpu.memory_space<vmem>>
    %dma_start3A_1348 = tpu.memref_squeeze %dma_start3A_1347 : memref<1x128xi32, #tpu.memory_space<vmem>> -> memref<128xi32, #tpu.memory_space<vmem>>
    %dma_start3A_1349 = arith.constant 0 : i32
    %dma_start3A_1350 = tpu.memref_slice %arg8[%dma_start3A_1349] : memref<10240xf32, #tpu.memory_space<vmem_shared>> -> memref<10240xf32, #tpu.memory_space<vmem_shared>>
    tpu.enqueue_indirect_dma source(%dma_start3A_1350 : memref<10240xf32, #tpu.memory_space<vmem_shared>>) target(%dma_start3A_1345 : memref<128xf32, #tpu.memory_space<vmem>>) offsets(%dma_start3A_1348 : memref<128xi32, #tpu.memory_space<vmem>>) semaphore(%arg9 : memref<!tpu.dma_semaphore, #tpu.memory_space<semaphore_mem>>)
    %dma_start3A_1351 = arith.constant 71 : i32
    %dma_start3A_1352 = arith.constant 71 : i32
    %dma_start3A_1353 = arith.constant 0 : i32
    %dma_start3A_1354 = tpu.memref_slice %arg6[%dma_start3A_1352, %dma_start3A_1353] : memref<79x128xf32, #tpu.memory_space<vmem>> -> memref<1x128xf32, #tpu.memory_space<vmem>>
    %dma_start3A_1355 = tpu.memref_squeeze %dma_start3A_1354 : memref<1x128xf32, #tpu.memory_space<vmem>> -> memref<128xf32, #tpu.memory_space<vmem>>
    %dma_start3A_1356 = arith.constant 0 : i32
    %dma_start3A_1357 = tpu.memref_slice %arg5[%dma_start3A_1351, %dma_start3A_1356] : memref<79x128xi32, #tpu.memory_space<vmem>> -> memref<1x128xi32, #tpu.memory_space<vmem>>
    %dma_start3A_1358 = tpu.memref_squeeze %dma_start3A_1357 : memref<1x128xi32, #tpu.memory_space<vmem>> -> memref<128xi32, #tpu.memory_space<vmem>>
    %dma_start3A_1359 = arith.constant 0 : i32
    %dma_start3A_1360 = tpu.memref_slice %arg8[%dma_start3A_1359] : memref<10240xf32, #tpu.memory_space<vmem_shared>> -> memref<10240xf32, #tpu.memory_space<vmem_shared>>
    tpu.enqueue_indirect_dma source(%dma_start3A_1360 : memref<10240xf32, #tpu.memory_space<vmem_shared>>) target(%dma_start3A_1355 : memref<128xf32, #tpu.memory_space<vmem>>) offsets(%dma_start3A_1358 : memref<128xi32, #tpu.memory_space<vmem>>) semaphore(%arg9 : memref<!tpu.dma_semaphore, #tpu.memory_space<semaphore_mem>>)
    %dma_wait3A_1361 = arith.constant 64 : i32
    %dma_wait3A_1362 = arith.constant 64 : i32
    %dma_wait3A_1363 = arith.constant 0 : i32
    %dma_wait3A_1364 = tpu.memref_slice %arg6[%dma_wait3A_1362, %dma_wait3A_1363] : memref<79x128xf32, #tpu.memory_space<vmem>> -> memref<1x128xf32, #tpu.memory_space<vmem>>
    %dma_wait3A_1365 = tpu.memref_squeeze %dma_wait3A_1364 : memref<1x128xf32, #tpu.memory_space<vmem>> -> memref<128xf32, #tpu.memory_space<vmem>>
    %dma_wait3A_1366 = arith.constant 0 : i32
    %dma_wait3A_1367 = tpu.memref_slice %arg5[%dma_wait3A_1361, %dma_wait3A_1366] : memref<79x128xi32, #tpu.memory_space<vmem>> -> memref<1x128xi32, #tpu.memory_space<vmem>>
    %dma_wait3A_1368 = tpu.memref_squeeze %dma_wait3A_1367 : memref<1x128xi32, #tpu.memory_space<vmem>> -> memref<128xi32, #tpu.memory_space<vmem>>
    %dma_wait3A_1369 = arith.constant 0 : i32
    %dma_wait3A_1370 = tpu.memref_slice %arg8[%dma_wait3A_1369] : memref<10240xf32, #tpu.memory_space<vmem_shared>> -> memref<10240xf32, #tpu.memory_space<vmem_shared>>
    tpu.wait_indirect_dma semaphore(%arg9 : memref<!tpu.dma_semaphore, #tpu.memory_space<semaphore_mem>>) src(%dma_wait3A_1370 : memref<10240xf32, #tpu.memory_space<vmem_shared>>) dst(%dma_wait3A_1365 : memref<128xf32, #tpu.memory_space<vmem>>)
    %dma_wait3A_1371 = arith.constant 65 : i32
    %dma_wait3A_1372 = arith.constant 65 : i32
    %dma_wait3A_1373 = arith.constant 0 : i32
    %dma_wait3A_1374 = tpu.memref_slice %arg6[%dma_wait3A_1372, %dma_wait3A_1373] : memref<79x128xf32, #tpu.memory_space<vmem>> -> memref<1x128xf32, #tpu.memory_space<vmem>>
    %dma_wait3A_1375 = tpu.memref_squeeze %dma_wait3A_1374 : memref<1x128xf32, #tpu.memory_space<vmem>> -> memref<128xf32, #tpu.memory_space<vmem>>
    %dma_wait3A_1376 = arith.constant 0 : i32
    %dma_wait3A_1377 = tpu.memref_slice %arg5[%dma_wait3A_1371, %dma_wait3A_1376] : memref<79x128xi32, #tpu.memory_space<vmem>> -> memref<1x128xi32, #tpu.memory_space<vmem>>
    %dma_wait3A_1378 = tpu.memref_squeeze %dma_wait3A_1377 : memref<1x128xi32, #tpu.memory_space<vmem>> -> memref<128xi32, #tpu.memory_space<vmem>>
    %dma_wait3A_1379 = arith.constant 0 : i32
    %dma_wait3A_1380 = tpu.memref_slice %arg8[%dma_wait3A_1379] : memref<10240xf32, #tpu.memory_space<vmem_shared>> -> memref<10240xf32, #tpu.memory_space<vmem_shared>>
    tpu.wait_indirect_dma semaphore(%arg9 : memref<!tpu.dma_semaphore, #tpu.memory_space<semaphore_mem>>) src(%dma_wait3A_1380 : memref<10240xf32, #tpu.memory_space<vmem_shared>>) dst(%dma_wait3A_1375 : memref<128xf32, #tpu.memory_space<vmem>>)
    %dma_wait3A_1381 = arith.constant 66 : i32
    %dma_wait3A_1382 = arith.constant 66 : i32
    %dma_wait3A_1383 = arith.constant 0 : i32
    %dma_wait3A_1384 = tpu.memref_slice %arg6[%dma_wait3A_1382, %dma_wait3A_1383] : memref<79x128xf32, #tpu.memory_space<vmem>> -> memref<1x128xf32, #tpu.memory_space<vmem>>
    %dma_wait3A_1385 = tpu.memref_squeeze %dma_wait3A_1384 : memref<1x128xf32, #tpu.memory_space<vmem>> -> memref<128xf32, #tpu.memory_space<vmem>>
    %dma_wait3A_1386 = arith.constant 0 : i32
    %dma_wait3A_1387 = tpu.memref_slice %arg5[%dma_wait3A_1381, %dma_wait3A_1386] : memref<79x128xi32, #tpu.memory_space<vmem>> -> memref<1x128xi32, #tpu.memory_space<vmem>>
    %dma_wait3A_1388 = tpu.memref_squeeze %dma_wait3A_1387 : memref<1x128xi32, #tpu.memory_space<vmem>> -> memref<128xi32, #tpu.memory_space<vmem>>
    %dma_wait3A_1389 = arith.constant 0 : i32
    %dma_wait3A_1390 = tpu.memref_slice %arg8[%dma_wait3A_1389] : memref<10240xf32, #tpu.memory_space<vmem_shared>> -> memref<10240xf32, #tpu.memory_space<vmem_shared>>
    tpu.wait_indirect_dma semaphore(%arg9 : memref<!tpu.dma_semaphore, #tpu.memory_space<semaphore_mem>>) src(%dma_wait3A_1390 : memref<10240xf32, #tpu.memory_space<vmem_shared>>) dst(%dma_wait3A_1385 : memref<128xf32, #tpu.memory_space<vmem>>)
    %dma_wait3A_1391 = arith.constant 67 : i32
    %dma_wait3A_1392 = arith.constant 67 : i32
    %dma_wait3A_1393 = arith.constant 0 : i32
    %dma_wait3A_1394 = tpu.memref_slice %arg6[%dma_wait3A_1392, %dma_wait3A_1393] : memref<79x128xf32, #tpu.memory_space<vmem>> -> memref<1x128xf32, #tpu.memory_space<vmem>>
    %dma_wait3A_1395 = tpu.memref_squeeze %dma_wait3A_1394 : memref<1x128xf32, #tpu.memory_space<vmem>> -> memref<128xf32, #tpu.memory_space<vmem>>
    %dma_wait3A_1396 = arith.constant 0 : i32
    %dma_wait3A_1397 = tpu.memref_slice %arg5[%dma_wait3A_1391, %dma_wait3A_1396] : memref<79x128xi32, #tpu.memory_space<vmem>> -> memref<1x128xi32, #tpu.memory_space<vmem>>
    %dma_wait3A_1398 = tpu.memref_squeeze %dma_wait3A_1397 : memref<1x128xi32, #tpu.memory_space<vmem>> -> memref<128xi32, #tpu.memory_space<vmem>>
    %dma_wait3A_1399 = arith.constant 0 : i32
    %dma_wait3A_1400 = tpu.memref_slice %arg8[%dma_wait3A_1399] : memref<10240xf32, #tpu.memory_space<vmem_shared>> -> memref<10240xf32, #tpu.memory_space<vmem_shared>>
    tpu.wait_indirect_dma semaphore(%arg9 : memref<!tpu.dma_semaphore, #tpu.memory_space<semaphore_mem>>) src(%dma_wait3A_1400 : memref<10240xf32, #tpu.memory_space<vmem_shared>>) dst(%dma_wait3A_1395 : memref<128xf32, #tpu.memory_space<vmem>>)
    %dma_wait3A_1401 = arith.constant 68 : i32
    %dma_wait3A_1402 = arith.constant 68 : i32
    %dma_wait3A_1403 = arith.constant 0 : i32
    %dma_wait3A_1404 = tpu.memref_slice %arg6[%dma_wait3A_1402, %dma_wait3A_1403] : memref<79x128xf32, #tpu.memory_space<vmem>> -> memref<1x128xf32, #tpu.memory_space<vmem>>
    %dma_wait3A_1405 = tpu.memref_squeeze %dma_wait3A_1404 : memref<1x128xf32, #tpu.memory_space<vmem>> -> memref<128xf32, #tpu.memory_space<vmem>>
    %dma_wait3A_1406 = arith.constant 0 : i32
    %dma_wait3A_1407 = tpu.memref_slice %arg5[%dma_wait3A_1401, %dma_wait3A_1406] : memref<79x128xi32, #tpu.memory_space<vmem>> -> memref<1x128xi32, #tpu.memory_space<vmem>>
    %dma_wait3A_1408 = tpu.memref_squeeze %dma_wait3A_1407 : memref<1x128xi32, #tpu.memory_space<vmem>> -> memref<128xi32, #tpu.memory_space<vmem>>
    %dma_wait3A_1409 = arith.constant 0 : i32
    %dma_wait3A_1410 = tpu.memref_slice %arg8[%dma_wait3A_1409] : memref<10240xf32, #tpu.memory_space<vmem_shared>> -> memref<10240xf32, #tpu.memory_space<vmem_shared>>
    tpu.wait_indirect_dma semaphore(%arg9 : memref<!tpu.dma_semaphore, #tpu.memory_space<semaphore_mem>>) src(%dma_wait3A_1410 : memref<10240xf32, #tpu.memory_space<vmem_shared>>) dst(%dma_wait3A_1405 : memref<128xf32, #tpu.memory_space<vmem>>)
    %dma_wait3A_1411 = arith.constant 69 : i32
    %dma_wait3A_1412 = arith.constant 69 : i32
    %dma_wait3A_1413 = arith.constant 0 : i32
    %dma_wait3A_1414 = tpu.memref_slice %arg6[%dma_wait3A_1412, %dma_wait3A_1413] : memref<79x128xf32, #tpu.memory_space<vmem>> -> memref<1x128xf32, #tpu.memory_space<vmem>>
    %dma_wait3A_1415 = tpu.memref_squeeze %dma_wait3A_1414 : memref<1x128xf32, #tpu.memory_space<vmem>> -> memref<128xf32, #tpu.memory_space<vmem>>
    %dma_wait3A_1416 = arith.constant 0 : i32
    %dma_wait3A_1417 = tpu.memref_slice %arg5[%dma_wait3A_1411, %dma_wait3A_1416] : memref<79x128xi32, #tpu.memory_space<vmem>> -> memref<1x128xi32, #tpu.memory_space<vmem>>
    %dma_wait3A_1418 = tpu.memref_squeeze %dma_wait3A_1417 : memref<1x128xi32, #tpu.memory_space<vmem>> -> memref<128xi32, #tpu.memory_space<vmem>>
    %dma_wait3A_1419 = arith.constant 0 : i32
    %dma_wait3A_1420 = tpu.memref_slice %arg8[%dma_wait3A_1419] : memref<10240xf32, #tpu.memory_space<vmem_shared>> -> memref<10240xf32, #tpu.memory_space<vmem_shared>>
    tpu.wait_indirect_dma semaphore(%arg9 : memref<!tpu.dma_semaphore, #tpu.memory_space<semaphore_mem>>) src(%dma_wait3A_1420 : memref<10240xf32, #tpu.memory_space<vmem_shared>>) dst(%dma_wait3A_1415 : memref<128xf32, #tpu.memory_space<vmem>>)
    %dma_wait3A_1421 = arith.constant 70 : i32
    %dma_wait3A_1422 = arith.constant 70 : i32
    %dma_wait3A_1423 = arith.constant 0 : i32
    %dma_wait3A_1424 = tpu.memref_slice %arg6[%dma_wait3A_1422, %dma_wait3A_1423] : memref<79x128xf32, #tpu.memory_space<vmem>> -> memref<1x128xf32, #tpu.memory_space<vmem>>
    %dma_wait3A_1425 = tpu.memref_squeeze %dma_wait3A_1424 : memref<1x128xf32, #tpu.memory_space<vmem>> -> memref<128xf32, #tpu.memory_space<vmem>>
    %dma_wait3A_1426 = arith.constant 0 : i32
    %dma_wait3A_1427 = tpu.memref_slice %arg5[%dma_wait3A_1421, %dma_wait3A_1426] : memref<79x128xi32, #tpu.memory_space<vmem>> -> memref<1x128xi32, #tpu.memory_space<vmem>>
    %dma_wait3A_1428 = tpu.memref_squeeze %dma_wait3A_1427 : memref<1x128xi32, #tpu.memory_space<vmem>> -> memref<128xi32, #tpu.memory_space<vmem>>
    %dma_wait3A_1429 = arith.constant 0 : i32
    %dma_wait3A_1430 = tpu.memref_slice %arg8[%dma_wait3A_1429] : memref<10240xf32, #tpu.memory_space<vmem_shared>> -> memref<10240xf32, #tpu.memory_space<vmem_shared>>
    tpu.wait_indirect_dma semaphore(%arg9 : memref<!tpu.dma_semaphore, #tpu.memory_space<semaphore_mem>>) src(%dma_wait3A_1430 : memref<10240xf32, #tpu.memory_space<vmem_shared>>) dst(%dma_wait3A_1425 : memref<128xf32, #tpu.memory_space<vmem>>)
    %dma_wait3A_1431 = arith.constant 71 : i32
    %dma_wait3A_1432 = arith.constant 71 : i32
    %dma_wait3A_1433 = arith.constant 0 : i32
    %dma_wait3A_1434 = tpu.memref_slice %arg6[%dma_wait3A_1432, %dma_wait3A_1433] : memref<79x128xf32, #tpu.memory_space<vmem>> -> memref<1x128xf32, #tpu.memory_space<vmem>>
    %dma_wait3A_1435 = tpu.memref_squeeze %dma_wait3A_1434 : memref<1x128xf32, #tpu.memory_space<vmem>> -> memref<128xf32, #tpu.memory_space<vmem>>
    %dma_wait3A_1436 = arith.constant 0 : i32
    %dma_wait3A_1437 = tpu.memref_slice %arg5[%dma_wait3A_1431, %dma_wait3A_1436] : memref<79x128xi32, #tpu.memory_space<vmem>> -> memref<1x128xi32, #tpu.memory_space<vmem>>
    %dma_wait3A_1438 = tpu.memref_squeeze %dma_wait3A_1437 : memref<1x128xi32, #tpu.memory_space<vmem>> -> memref<128xi32, #tpu.memory_space<vmem>>
    %dma_wait3A_1439 = arith.constant 0 : i32
    %dma_wait3A_1440 = tpu.memref_slice %arg8[%dma_wait3A_1439] : memref<10240xf32, #tpu.memory_space<vmem_shared>> -> memref<10240xf32, #tpu.memory_space<vmem_shared>>
    tpu.wait_indirect_dma semaphore(%arg9 : memref<!tpu.dma_semaphore, #tpu.memory_space<semaphore_mem>>) src(%dma_wait3A_1440 : memref<10240xf32, #tpu.memory_space<vmem_shared>>) dst(%dma_wait3A_1435 : memref<128xf32, #tpu.memory_space<vmem>>)
    %dma_start3A_1441 = arith.constant 72 : i32
    %dma_start3A_1442 = arith.constant 72 : i32
    %dma_start3A_1443 = arith.constant 0 : i32
    %dma_start3A_1444 = tpu.memref_slice %arg6[%dma_start3A_1442, %dma_start3A_1443] : memref<79x128xf32, #tpu.memory_space<vmem>> -> memref<1x128xf32, #tpu.memory_space<vmem>>
    %dma_start3A_1445 = tpu.memref_squeeze %dma_start3A_1444 : memref<1x128xf32, #tpu.memory_space<vmem>> -> memref<128xf32, #tpu.memory_space<vmem>>
    %dma_start3A_1446 = arith.constant 0 : i32
    %dma_start3A_1447 = tpu.memref_slice %arg5[%dma_start3A_1441, %dma_start3A_1446] : memref<79x128xi32, #tpu.memory_space<vmem>> -> memref<1x128xi32, #tpu.memory_space<vmem>>
    %dma_start3A_1448 = tpu.memref_squeeze %dma_start3A_1447 : memref<1x128xi32, #tpu.memory_space<vmem>> -> memref<128xi32, #tpu.memory_space<vmem>>
    %dma_start3A_1449 = arith.constant 0 : i32
    %dma_start3A_1450 = tpu.memref_slice %arg8[%dma_start3A_1449] : memref<10240xf32, #tpu.memory_space<vmem_shared>> -> memref<10240xf32, #tpu.memory_space<vmem_shared>>
    tpu.enqueue_indirect_dma source(%dma_start3A_1450 : memref<10240xf32, #tpu.memory_space<vmem_shared>>) target(%dma_start3A_1445 : memref<128xf32, #tpu.memory_space<vmem>>) offsets(%dma_start3A_1448 : memref<128xi32, #tpu.memory_space<vmem>>) semaphore(%arg9 : memref<!tpu.dma_semaphore, #tpu.memory_space<semaphore_mem>>)
    %dma_start3A_1451 = arith.constant 73 : i32
    %dma_start3A_1452 = arith.constant 73 : i32
    %dma_start3A_1453 = arith.constant 0 : i32
    %dma_start3A_1454 = tpu.memref_slice %arg6[%dma_start3A_1452, %dma_start3A_1453] : memref<79x128xf32, #tpu.memory_space<vmem>> -> memref<1x128xf32, #tpu.memory_space<vmem>>
    %dma_start3A_1455 = tpu.memref_squeeze %dma_start3A_1454 : memref<1x128xf32, #tpu.memory_space<vmem>> -> memref<128xf32, #tpu.memory_space<vmem>>
    %dma_start3A_1456 = arith.constant 0 : i32
    %dma_start3A_1457 = tpu.memref_slice %arg5[%dma_start3A_1451, %dma_start3A_1456] : memref<79x128xi32, #tpu.memory_space<vmem>> -> memref<1x128xi32, #tpu.memory_space<vmem>>
    %dma_start3A_1458 = tpu.memref_squeeze %dma_start3A_1457 : memref<1x128xi32, #tpu.memory_space<vmem>> -> memref<128xi32, #tpu.memory_space<vmem>>
    %dma_start3A_1459 = arith.constant 0 : i32
    %dma_start3A_1460 = tpu.memref_slice %arg8[%dma_start3A_1459] : memref<10240xf32, #tpu.memory_space<vmem_shared>> -> memref<10240xf32, #tpu.memory_space<vmem_shared>>
    tpu.enqueue_indirect_dma source(%dma_start3A_1460 : memref<10240xf32, #tpu.memory_space<vmem_shared>>) target(%dma_start3A_1455 : memref<128xf32, #tpu.memory_space<vmem>>) offsets(%dma_start3A_1458 : memref<128xi32, #tpu.memory_space<vmem>>) semaphore(%arg9 : memref<!tpu.dma_semaphore, #tpu.memory_space<semaphore_mem>>)
    %dma_start3A_1461 = arith.constant 74 : i32
    %dma_start3A_1462 = arith.constant 74 : i32
    %dma_start3A_1463 = arith.constant 0 : i32
    %dma_start3A_1464 = tpu.memref_slice %arg6[%dma_start3A_1462, %dma_start3A_1463] : memref<79x128xf32, #tpu.memory_space<vmem>> -> memref<1x128xf32, #tpu.memory_space<vmem>>
    %dma_start3A_1465 = tpu.memref_squeeze %dma_start3A_1464 : memref<1x128xf32, #tpu.memory_space<vmem>> -> memref<128xf32, #tpu.memory_space<vmem>>
    %dma_start3A_1466 = arith.constant 0 : i32
    %dma_start3A_1467 = tpu.memref_slice %arg5[%dma_start3A_1461, %dma_start3A_1466] : memref<79x128xi32, #tpu.memory_space<vmem>> -> memref<1x128xi32, #tpu.memory_space<vmem>>
    %dma_start3A_1468 = tpu.memref_squeeze %dma_start3A_1467 : memref<1x128xi32, #tpu.memory_space<vmem>> -> memref<128xi32, #tpu.memory_space<vmem>>
    %dma_start3A_1469 = arith.constant 0 : i32
    %dma_start3A_1470 = tpu.memref_slice %arg8[%dma_start3A_1469] : memref<10240xf32, #tpu.memory_space<vmem_shared>> -> memref<10240xf32, #tpu.memory_space<vmem_shared>>
    tpu.enqueue_indirect_dma source(%dma_start3A_1470 : memref<10240xf32, #tpu.memory_space<vmem_shared>>) target(%dma_start3A_1465 : memref<128xf32, #tpu.memory_space<vmem>>) offsets(%dma_start3A_1468 : memref<128xi32, #tpu.memory_space<vmem>>) semaphore(%arg9 : memref<!tpu.dma_semaphore, #tpu.memory_space<semaphore_mem>>)
    %dma_start3A_1471 = arith.constant 75 : i32
    %dma_start3A_1472 = arith.constant 75 : i32
    %dma_start3A_1473 = arith.constant 0 : i32
    %dma_start3A_1474 = tpu.memref_slice %arg6[%dma_start3A_1472, %dma_start3A_1473] : memref<79x128xf32, #tpu.memory_space<vmem>> -> memref<1x128xf32, #tpu.memory_space<vmem>>
    %dma_start3A_1475 = tpu.memref_squeeze %dma_start3A_1474 : memref<1x128xf32, #tpu.memory_space<vmem>> -> memref<128xf32, #tpu.memory_space<vmem>>
    %dma_start3A_1476 = arith.constant 0 : i32
    %dma_start3A_1477 = tpu.memref_slice %arg5[%dma_start3A_1471, %dma_start3A_1476] : memref<79x128xi32, #tpu.memory_space<vmem>> -> memref<1x128xi32, #tpu.memory_space<vmem>>
    %dma_start3A_1478 = tpu.memref_squeeze %dma_start3A_1477 : memref<1x128xi32, #tpu.memory_space<vmem>> -> memref<128xi32, #tpu.memory_space<vmem>>
    %dma_start3A_1479 = arith.constant 0 : i32
    %dma_start3A_1480 = tpu.memref_slice %arg8[%dma_start3A_1479] : memref<10240xf32, #tpu.memory_space<vmem_shared>> -> memref<10240xf32, #tpu.memory_space<vmem_shared>>
    tpu.enqueue_indirect_dma source(%dma_start3A_1480 : memref<10240xf32, #tpu.memory_space<vmem_shared>>) target(%dma_start3A_1475 : memref<128xf32, #tpu.memory_space<vmem>>) offsets(%dma_start3A_1478 : memref<128xi32, #tpu.memory_space<vmem>>) semaphore(%arg9 : memref<!tpu.dma_semaphore, #tpu.memory_space<semaphore_mem>>)
    %dma_start3A_1481 = arith.constant 76 : i32
    %dma_start3A_1482 = arith.constant 76 : i32
    %dma_start3A_1483 = arith.constant 0 : i32
    %dma_start3A_1484 = tpu.memref_slice %arg6[%dma_start3A_1482, %dma_start3A_1483] : memref<79x128xf32, #tpu.memory_space<vmem>> -> memref<1x128xf32, #tpu.memory_space<vmem>>
    %dma_start3A_1485 = tpu.memref_squeeze %dma_start3A_1484 : memref<1x128xf32, #tpu.memory_space<vmem>> -> memref<128xf32, #tpu.memory_space<vmem>>
    %dma_start3A_1486 = arith.constant 0 : i32
    %dma_start3A_1487 = tpu.memref_slice %arg5[%dma_start3A_1481, %dma_start3A_1486] : memref<79x128xi32, #tpu.memory_space<vmem>> -> memref<1x128xi32, #tpu.memory_space<vmem>>
    %dma_start3A_1488 = tpu.memref_squeeze %dma_start3A_1487 : memref<1x128xi32, #tpu.memory_space<vmem>> -> memref<128xi32, #tpu.memory_space<vmem>>
    %dma_start3A_1489 = arith.constant 0 : i32
    %dma_start3A_1490 = tpu.memref_slice %arg8[%dma_start3A_1489] : memref<10240xf32, #tpu.memory_space<vmem_shared>> -> memref<10240xf32, #tpu.memory_space<vmem_shared>>
    tpu.enqueue_indirect_dma source(%dma_start3A_1490 : memref<10240xf32, #tpu.memory_space<vmem_shared>>) target(%dma_start3A_1485 : memref<128xf32, #tpu.memory_space<vmem>>) offsets(%dma_start3A_1488 : memref<128xi32, #tpu.memory_space<vmem>>) semaphore(%arg9 : memref<!tpu.dma_semaphore, #tpu.memory_space<semaphore_mem>>)
    %dma_start3A_1491 = arith.constant 77 : i32
    %dma_start3A_1492 = arith.constant 77 : i32
    %dma_start3A_1493 = arith.constant 0 : i32
    %dma_start3A_1494 = tpu.memref_slice %arg6[%dma_start3A_1492, %dma_start3A_1493] : memref<79x128xf32, #tpu.memory_space<vmem>> -> memref<1x128xf32, #tpu.memory_space<vmem>>
    %dma_start3A_1495 = tpu.memref_squeeze %dma_start3A_1494 : memref<1x128xf32, #tpu.memory_space<vmem>> -> memref<128xf32, #tpu.memory_space<vmem>>
    %dma_start3A_1496 = arith.constant 0 : i32
    %dma_start3A_1497 = tpu.memref_slice %arg5[%dma_start3A_1491, %dma_start3A_1496] : memref<79x128xi32, #tpu.memory_space<vmem>> -> memref<1x128xi32, #tpu.memory_space<vmem>>
    %dma_start3A_1498 = tpu.memref_squeeze %dma_start3A_1497 : memref<1x128xi32, #tpu.memory_space<vmem>> -> memref<128xi32, #tpu.memory_space<vmem>>
    %dma_start3A_1499 = arith.constant 0 : i32
    %dma_start3A_1500 = tpu.memref_slice %arg8[%dma_start3A_1499] : memref<10240xf32, #tpu.memory_space<vmem_shared>> -> memref<10240xf32, #tpu.memory_space<vmem_shared>>
    tpu.enqueue_indirect_dma source(%dma_start3A_1500 : memref<10240xf32, #tpu.memory_space<vmem_shared>>) target(%dma_start3A_1495 : memref<128xf32, #tpu.memory_space<vmem>>) offsets(%dma_start3A_1498 : memref<128xi32, #tpu.memory_space<vmem>>) semaphore(%arg9 : memref<!tpu.dma_semaphore, #tpu.memory_space<semaphore_mem>>)
    %dma_start3A_1501 = arith.constant 78 : i32
    %dma_start3A_1502 = arith.constant 78 : i32
    %dma_start3A_1503 = arith.constant 0 : i32
    %dma_start3A_1504 = tpu.memref_slice %arg6[%dma_start3A_1502, %dma_start3A_1503] : memref<79x128xf32, #tpu.memory_space<vmem>> -> memref<1x128xf32, #tpu.memory_space<vmem>>
    %dma_start3A_1505 = tpu.memref_squeeze %dma_start3A_1504 : memref<1x128xf32, #tpu.memory_space<vmem>> -> memref<128xf32, #tpu.memory_space<vmem>>
    %dma_start3A_1506 = arith.constant 0 : i32
    %dma_start3A_1507 = tpu.memref_slice %arg5[%dma_start3A_1501, %dma_start3A_1506] : memref<79x128xi32, #tpu.memory_space<vmem>> -> memref<1x128xi32, #tpu.memory_space<vmem>>
    %dma_start3A_1508 = tpu.memref_squeeze %dma_start3A_1507 : memref<1x128xi32, #tpu.memory_space<vmem>> -> memref<128xi32, #tpu.memory_space<vmem>>
    %dma_start3A_1509 = arith.constant 0 : i32
    %dma_start3A_1510 = tpu.memref_slice %arg8[%dma_start3A_1509] : memref<10240xf32, #tpu.memory_space<vmem_shared>> -> memref<10240xf32, #tpu.memory_space<vmem_shared>>
    tpu.enqueue_indirect_dma source(%dma_start3A_1510 : memref<10240xf32, #tpu.memory_space<vmem_shared>>) target(%dma_start3A_1505 : memref<128xf32, #tpu.memory_space<vmem>>) offsets(%dma_start3A_1508 : memref<128xi32, #tpu.memory_space<vmem>>) semaphore(%arg9 : memref<!tpu.dma_semaphore, #tpu.memory_space<semaphore_mem>>)
    %dma_wait3A_1511 = arith.constant 72 : i32
    %dma_wait3A_1512 = arith.constant 72 : i32
    %dma_wait3A_1513 = arith.constant 0 : i32
    %dma_wait3A_1514 = tpu.memref_slice %arg6[%dma_wait3A_1512, %dma_wait3A_1513] : memref<79x128xf32, #tpu.memory_space<vmem>> -> memref<1x128xf32, #tpu.memory_space<vmem>>
    %dma_wait3A_1515 = tpu.memref_squeeze %dma_wait3A_1514 : memref<1x128xf32, #tpu.memory_space<vmem>> -> memref<128xf32, #tpu.memory_space<vmem>>
    %dma_wait3A_1516 = arith.constant 0 : i32
    %dma_wait3A_1517 = tpu.memref_slice %arg5[%dma_wait3A_1511, %dma_wait3A_1516] : memref<79x128xi32, #tpu.memory_space<vmem>> -> memref<1x128xi32, #tpu.memory_space<vmem>>
    %dma_wait3A_1518 = tpu.memref_squeeze %dma_wait3A_1517 : memref<1x128xi32, #tpu.memory_space<vmem>> -> memref<128xi32, #tpu.memory_space<vmem>>
    %dma_wait3A_1519 = arith.constant 0 : i32
    %dma_wait3A_1520 = tpu.memref_slice %arg8[%dma_wait3A_1519] : memref<10240xf32, #tpu.memory_space<vmem_shared>> -> memref<10240xf32, #tpu.memory_space<vmem_shared>>
    tpu.wait_indirect_dma semaphore(%arg9 : memref<!tpu.dma_semaphore, #tpu.memory_space<semaphore_mem>>) src(%dma_wait3A_1520 : memref<10240xf32, #tpu.memory_space<vmem_shared>>) dst(%dma_wait3A_1515 : memref<128xf32, #tpu.memory_space<vmem>>)
    %dma_wait3A_1521 = arith.constant 73 : i32
    %dma_wait3A_1522 = arith.constant 73 : i32
    %dma_wait3A_1523 = arith.constant 0 : i32
    %dma_wait3A_1524 = tpu.memref_slice %arg6[%dma_wait3A_1522, %dma_wait3A_1523] : memref<79x128xf32, #tpu.memory_space<vmem>> -> memref<1x128xf32, #tpu.memory_space<vmem>>
    %dma_wait3A_1525 = tpu.memref_squeeze %dma_wait3A_1524 : memref<1x128xf32, #tpu.memory_space<vmem>> -> memref<128xf32, #tpu.memory_space<vmem>>
    %dma_wait3A_1526 = arith.constant 0 : i32
    %dma_wait3A_1527 = tpu.memref_slice %arg5[%dma_wait3A_1521, %dma_wait3A_1526] : memref<79x128xi32, #tpu.memory_space<vmem>> -> memref<1x128xi32, #tpu.memory_space<vmem>>
    %dma_wait3A_1528 = tpu.memref_squeeze %dma_wait3A_1527 : memref<1x128xi32, #tpu.memory_space<vmem>> -> memref<128xi32, #tpu.memory_space<vmem>>
    %dma_wait3A_1529 = arith.constant 0 : i32
    %dma_wait3A_1530 = tpu.memref_slice %arg8[%dma_wait3A_1529] : memref<10240xf32, #tpu.memory_space<vmem_shared>> -> memref<10240xf32, #tpu.memory_space<vmem_shared>>
    tpu.wait_indirect_dma semaphore(%arg9 : memref<!tpu.dma_semaphore, #tpu.memory_space<semaphore_mem>>) src(%dma_wait3A_1530 : memref<10240xf32, #tpu.memory_space<vmem_shared>>) dst(%dma_wait3A_1525 : memref<128xf32, #tpu.memory_space<vmem>>)
    %dma_wait3A_1531 = arith.constant 74 : i32
    %dma_wait3A_1532 = arith.constant 74 : i32
    %dma_wait3A_1533 = arith.constant 0 : i32
    %dma_wait3A_1534 = tpu.memref_slice %arg6[%dma_wait3A_1532, %dma_wait3A_1533] : memref<79x128xf32, #tpu.memory_space<vmem>> -> memref<1x128xf32, #tpu.memory_space<vmem>>
    %dma_wait3A_1535 = tpu.memref_squeeze %dma_wait3A_1534 : memref<1x128xf32, #tpu.memory_space<vmem>> -> memref<128xf32, #tpu.memory_space<vmem>>
    %dma_wait3A_1536 = arith.constant 0 : i32
    %dma_wait3A_1537 = tpu.memref_slice %arg5[%dma_wait3A_1531, %dma_wait3A_1536] : memref<79x128xi32, #tpu.memory_space<vmem>> -> memref<1x128xi32, #tpu.memory_space<vmem>>
    %dma_wait3A_1538 = tpu.memref_squeeze %dma_wait3A_1537 : memref<1x128xi32, #tpu.memory_space<vmem>> -> memref<128xi32, #tpu.memory_space<vmem>>
    %dma_wait3A_1539 = arith.constant 0 : i32
    %dma_wait3A_1540 = tpu.memref_slice %arg8[%dma_wait3A_1539] : memref<10240xf32, #tpu.memory_space<vmem_shared>> -> memref<10240xf32, #tpu.memory_space<vmem_shared>>
    tpu.wait_indirect_dma semaphore(%arg9 : memref<!tpu.dma_semaphore, #tpu.memory_space<semaphore_mem>>) src(%dma_wait3A_1540 : memref<10240xf32, #tpu.memory_space<vmem_shared>>) dst(%dma_wait3A_1535 : memref<128xf32, #tpu.memory_space<vmem>>)
    %dma_wait3A_1541 = arith.constant 75 : i32
    %dma_wait3A_1542 = arith.constant 75 : i32
    %dma_wait3A_1543 = arith.constant 0 : i32
    %dma_wait3A_1544 = tpu.memref_slice %arg6[%dma_wait3A_1542, %dma_wait3A_1543] : memref<79x128xf32, #tpu.memory_space<vmem>> -> memref<1x128xf32, #tpu.memory_space<vmem>>
    %dma_wait3A_1545 = tpu.memref_squeeze %dma_wait3A_1544 : memref<1x128xf32, #tpu.memory_space<vmem>> -> memref<128xf32, #tpu.memory_space<vmem>>
    %dma_wait3A_1546 = arith.constant 0 : i32
    %dma_wait3A_1547 = tpu.memref_slice %arg5[%dma_wait3A_1541, %dma_wait3A_1546] : memref<79x128xi32, #tpu.memory_space<vmem>> -> memref<1x128xi32, #tpu.memory_space<vmem>>
    %dma_wait3A_1548 = tpu.memref_squeeze %dma_wait3A_1547 : memref<1x128xi32, #tpu.memory_space<vmem>> -> memref<128xi32, #tpu.memory_space<vmem>>
    %dma_wait3A_1549 = arith.constant 0 : i32
    %dma_wait3A_1550 = tpu.memref_slice %arg8[%dma_wait3A_1549] : memref<10240xf32, #tpu.memory_space<vmem_shared>> -> memref<10240xf32, #tpu.memory_space<vmem_shared>>
    tpu.wait_indirect_dma semaphore(%arg9 : memref<!tpu.dma_semaphore, #tpu.memory_space<semaphore_mem>>) src(%dma_wait3A_1550 : memref<10240xf32, #tpu.memory_space<vmem_shared>>) dst(%dma_wait3A_1545 : memref<128xf32, #tpu.memory_space<vmem>>)
    %dma_wait3A_1551 = arith.constant 76 : i32
    %dma_wait3A_1552 = arith.constant 76 : i32
    %dma_wait3A_1553 = arith.constant 0 : i32
    %dma_wait3A_1554 = tpu.memref_slice %arg6[%dma_wait3A_1552, %dma_wait3A_1553] : memref<79x128xf32, #tpu.memory_space<vmem>> -> memref<1x128xf32, #tpu.memory_space<vmem>>
    %dma_wait3A_1555 = tpu.memref_squeeze %dma_wait3A_1554 : memref<1x128xf32, #tpu.memory_space<vmem>> -> memref<128xf32, #tpu.memory_space<vmem>>
    %dma_wait3A_1556 = arith.constant 0 : i32
    %dma_wait3A_1557 = tpu.memref_slice %arg5[%dma_wait3A_1551, %dma_wait3A_1556] : memref<79x128xi32, #tpu.memory_space<vmem>> -> memref<1x128xi32, #tpu.memory_space<vmem>>
    %dma_wait3A_1558 = tpu.memref_squeeze %dma_wait3A_1557 : memref<1x128xi32, #tpu.memory_space<vmem>> -> memref<128xi32, #tpu.memory_space<vmem>>
    %dma_wait3A_1559 = arith.constant 0 : i32
    %dma_wait3A_1560 = tpu.memref_slice %arg8[%dma_wait3A_1559] : memref<10240xf32, #tpu.memory_space<vmem_shared>> -> memref<10240xf32, #tpu.memory_space<vmem_shared>>
    tpu.wait_indirect_dma semaphore(%arg9 : memref<!tpu.dma_semaphore, #tpu.memory_space<semaphore_mem>>) src(%dma_wait3A_1560 : memref<10240xf32, #tpu.memory_space<vmem_shared>>) dst(%dma_wait3A_1555 : memref<128xf32, #tpu.memory_space<vmem>>)
    %dma_wait3A_1561 = arith.constant 77 : i32
    %dma_wait3A_1562 = arith.constant 77 : i32
    %dma_wait3A_1563 = arith.constant 0 : i32
    %dma_wait3A_1564 = tpu.memref_slice %arg6[%dma_wait3A_1562, %dma_wait3A_1563] : memref<79x128xf32, #tpu.memory_space<vmem>> -> memref<1x128xf32, #tpu.memory_space<vmem>>
    %dma_wait3A_1565 = tpu.memref_squeeze %dma_wait3A_1564 : memref<1x128xf32, #tpu.memory_space<vmem>> -> memref<128xf32, #tpu.memory_space<vmem>>
    %dma_wait3A_1566 = arith.constant 0 : i32
    %dma_wait3A_1567 = tpu.memref_slice %arg5[%dma_wait3A_1561, %dma_wait3A_1566] : memref<79x128xi32, #tpu.memory_space<vmem>> -> memref<1x128xi32, #tpu.memory_space<vmem>>
    %dma_wait3A_1568 = tpu.memref_squeeze %dma_wait3A_1567 : memref<1x128xi32, #tpu.memory_space<vmem>> -> memref<128xi32, #tpu.memory_space<vmem>>
    %dma_wait3A_1569 = arith.constant 0 : i32
    %dma_wait3A_1570 = tpu.memref_slice %arg8[%dma_wait3A_1569] : memref<10240xf32, #tpu.memory_space<vmem_shared>> -> memref<10240xf32, #tpu.memory_space<vmem_shared>>
    tpu.wait_indirect_dma semaphore(%arg9 : memref<!tpu.dma_semaphore, #tpu.memory_space<semaphore_mem>>) src(%dma_wait3A_1570 : memref<10240xf32, #tpu.memory_space<vmem_shared>>) dst(%dma_wait3A_1565 : memref<128xf32, #tpu.memory_space<vmem>>)
    %dma_wait3A_1571 = arith.constant 78 : i32
    %dma_wait3A_1572 = arith.constant 78 : i32
    %dma_wait3A_1573 = arith.constant 0 : i32
    %dma_wait3A_1574 = tpu.memref_slice %arg6[%dma_wait3A_1572, %dma_wait3A_1573] : memref<79x128xf32, #tpu.memory_space<vmem>> -> memref<1x128xf32, #tpu.memory_space<vmem>>
    %dma_wait3A_1575 = tpu.memref_squeeze %dma_wait3A_1574 : memref<1x128xf32, #tpu.memory_space<vmem>> -> memref<128xf32, #tpu.memory_space<vmem>>
    %dma_wait3A_1576 = arith.constant 0 : i32
    %dma_wait3A_1577 = tpu.memref_slice %arg5[%dma_wait3A_1571, %dma_wait3A_1576] : memref<79x128xi32, #tpu.memory_space<vmem>> -> memref<1x128xi32, #tpu.memory_space<vmem>>
    %dma_wait3A_1578 = tpu.memref_squeeze %dma_wait3A_1577 : memref<1x128xi32, #tpu.memory_space<vmem>> -> memref<128xi32, #tpu.memory_space<vmem>>
    %dma_wait3A_1579 = arith.constant 0 : i32
    %dma_wait3A_1580 = tpu.memref_slice %arg8[%dma_wait3A_1579] : memref<10240xf32, #tpu.memory_space<vmem_shared>> -> memref<10240xf32, #tpu.memory_space<vmem_shared>>
    tpu.wait_indirect_dma semaphore(%arg9 : memref<!tpu.dma_semaphore, #tpu.memory_space<semaphore_mem>>) src(%dma_wait3A_1580 : memref<10240xf32, #tpu.memory_space<vmem_shared>>) dst(%dma_wait3A_1575 : memref<128xf32, #tpu.memory_space<vmem>>)
    "tpu.region"() ({
      %run_scoped3A = tpu.sem_alloc : memref<!tpu.dma_semaphore, #tpu.memory_space<semaphore_mem>>
      %dma_start3A_1581 = arith.constant 0 : i32
      %dma_start3A_1582 = arith.constant 0 : i32
      %dma_start3A_1583 = tpu.memref_slice %arg4[%add3A, %dma_start3A_1581, %dma_start3A_1582] : memref<32x79x128xf32, #tpu.memory_space<hbm>> -> memref<1x79x128xf32, #tpu.memory_space<hbm>>
      %dma_start3A_1584 = tpu.memref_squeeze %dma_start3A_1583 : memref<1x79x128xf32, #tpu.memory_space<hbm>> -> memref<79x128xf32, #tpu.memory_space<hbm>>
      %dma_start3A_1585 = arith.constant 0 : i32
      %dma_start3A_1586 = arith.constant 0 : i32
      %dma_start3A_1587 = tpu.memref_slice %arg4[%add3A, %dma_start3A_1585, %dma_start3A_1586] : memref<32x79x128xf32, #tpu.memory_space<hbm>> -> memref<1x79x128xf32, #tpu.memory_space<hbm>>
      %dma_start3A_1588 = tpu.memref_squeeze %dma_start3A_1587 : memref<1x79x128xf32, #tpu.memory_space<hbm>> -> memref<79x128xf32, #tpu.memory_space<hbm>>
      tpu.enqueue_dma source(%arg6 : memref<79x128xf32, #tpu.memory_space<vmem>>) target(%dma_start3A_1588 : memref<79x128xf32, #tpu.memory_space<hbm>>) target_semaphore(%run_scoped3A : memref<!tpu.dma_semaphore, #tpu.memory_space<semaphore_mem>>)
      %dma_wait3A_1589 = arith.constant 0 : i32
      %dma_wait3A_1590 = arith.constant 0 : i32
      %dma_wait3A_1591 = tpu.memref_slice %arg4[%add3A, %dma_wait3A_1589, %dma_wait3A_1590] : memref<32x79x128xf32, #tpu.memory_space<hbm>> -> memref<1x79x128xf32, #tpu.memory_space<hbm>>
      %dma_wait3A_1592 = tpu.memref_squeeze %dma_wait3A_1591 : memref<1x79x128xf32, #tpu.memory_space<hbm>> -> memref<79x128xf32, #tpu.memory_space<hbm>>
      %dma_wait3A_1593 = arith.constant 0 : i32
      %dma_wait3A_1594 = arith.constant 0 : i32
      %dma_wait3A_1595 = tpu.memref_slice %arg4[%add3A, %dma_wait3A_1593, %dma_wait3A_1594] : memref<32x79x128xf32, #tpu.memory_space<hbm>> -> memref<1x79x128xf32, #tpu.memory_space<hbm>>
      %dma_wait3A_1596 = tpu.memref_squeeze %dma_wait3A_1595 : memref<1x79x128xf32, #tpu.memory_space<hbm>> -> memref<79x128xf32, #tpu.memory_space<hbm>>
      tpu.wait_dma2 semaphore(%run_scoped3A : memref<!tpu.dma_semaphore, #tpu.memory_space<semaphore_mem>>) src(%arg6 : memref<79x128xf32, #tpu.memory_space<vmem>>) dst(%dma_wait3A_1596 : memref<79x128xf32, #tpu.memory_space<hbm>>)
      tpu.yield
    }) : () -> ()
    return
  }
}

#map = affine_map<(d0, d1) -> (0, 0)>
#map1 = affine_map<(d0, d1) -> (0, 0, 0)>
module attributes {stable_mosaic.version = 14 : i64} {
  func.func @body(%arg0: i32, %arg1: i32, %arg2: memref<323584x16xf32, #tpu.memory_space<hbm>>, %arg3: memref<32x79x128xi32, #tpu.memory_space<hbm>>, %arg4: memref<632x16xf32, #tpu.memory_space<hbm>>, %arg5: memref<2x10112x16xf32, #tpu.memory_space<hbm>>, %arg6: memref<79x128xi32, #tpu.memory_space<vmem>>, %arg7: memref<128x16xf32, #tpu.memory_space<vmem>>, %arg8: memref<10112x16xf32, #tpu.memory_space<vmem_shared>>, %arg9: memref<!tpu.dma_semaphore, #tpu.memory_space<semaphore_mem>>) attributes {dimension_semantics = [#tpu.dimension_semantics<core_parallel>, #tpu.dimension_semantics<subcore_parallel>], iteration_bounds = array<i64: 2, 16>, scalar_prefetch = 0 : i64, scratch_operands = 4 : i64, tpu.core_type = #tpu.core_type<sc_vector_subcore>, window_params = [{transform_indices = #map}, {transform_indices = #map1}, {transform_indices = #map}, {transform_indices = #map1}]} {
    %mul3A = arith.constant 16 : i32
    %mul3A_0 = arith.muli %arg0, %mul3A : i32
    %add3A = arith.addi %mul3A_0, %arg1 : i32
    "tpu.region"() ({
      %run_scoped3A = tpu.sem_alloc : memref<!tpu.dma_semaphore, #tpu.memory_space<semaphore_mem>>
      %dma_start3A = arith.constant 0 : i32
      %dma_start3A_15 = arith.constant 0 : i32
      %dma_start3A_16 = tpu.memref_slice %arg3[%add3A, %dma_start3A, %dma_start3A_15] : memref<32x79x128xi32, #tpu.memory_space<hbm>> -> memref<1x79x128xi32, #tpu.memory_space<hbm>>
      %dma_start3A_17 = tpu.memref_squeeze %dma_start3A_16 : memref<1x79x128xi32, #tpu.memory_space<hbm>> -> memref<79x128xi32, #tpu.memory_space<hbm>>
      %dma_start3A_18 = arith.constant 0 : i32
      %dma_start3A_19 = arith.constant 0 : i32
      %dma_start3A_20 = tpu.memref_slice %arg3[%add3A, %dma_start3A_18, %dma_start3A_19] : memref<32x79x128xi32, #tpu.memory_space<hbm>> -> memref<1x79x128xi32, #tpu.memory_space<hbm>>
      %dma_start3A_21 = tpu.memref_squeeze %dma_start3A_20 : memref<1x79x128xi32, #tpu.memory_space<hbm>> -> memref<79x128xi32, #tpu.memory_space<hbm>>
      tpu.enqueue_dma source(%dma_start3A_21 : memref<79x128xi32, #tpu.memory_space<hbm>>) target(%arg6 : memref<79x128xi32, #tpu.memory_space<vmem>>) target_semaphore(%run_scoped3A : memref<!tpu.dma_semaphore, #tpu.memory_space<semaphore_mem>>)
      %dma_wait3A = arith.constant 0 : i32
      %dma_wait3A_22 = arith.constant 0 : i32
      %dma_wait3A_23 = tpu.memref_slice %arg3[%add3A, %dma_wait3A, %dma_wait3A_22] : memref<32x79x128xi32, #tpu.memory_space<hbm>> -> memref<1x79x128xi32, #tpu.memory_space<hbm>>
      %dma_wait3A_24 = tpu.memref_squeeze %dma_wait3A_23 : memref<1x79x128xi32, #tpu.memory_space<hbm>> -> memref<79x128xi32, #tpu.memory_space<hbm>>
      %dma_wait3A_25 = arith.constant 0 : i32
      %dma_wait3A_26 = arith.constant 0 : i32
      %dma_wait3A_27 = tpu.memref_slice %arg3[%add3A, %dma_wait3A_25, %dma_wait3A_26] : memref<32x79x128xi32, #tpu.memory_space<hbm>> -> memref<1x79x128xi32, #tpu.memory_space<hbm>>
      %dma_wait3A_28 = tpu.memref_squeeze %dma_wait3A_27 : memref<1x79x128xi32, #tpu.memory_space<hbm>> -> memref<79x128xi32, #tpu.memory_space<hbm>>
      tpu.wait_dma2 semaphore(%run_scoped3A : memref<!tpu.dma_semaphore, #tpu.memory_space<semaphore_mem>>) src(%dma_wait3A_28 : memref<79x128xi32, #tpu.memory_space<hbm>>) dst(%arg6 : memref<79x128xi32, #tpu.memory_space<vmem>>)
      tpu.yield
    }) : () -> ()
    %mul3A_1 = arith.constant 632 : i32
    %mul3A_2 = arith.muli %arg1, %mul3A_1 : i32
    "tpu.region"() ({
      %run_scoped3A = tpu.sem_alloc : memref<!tpu.dma_semaphore, #tpu.memory_space<semaphore_mem>>
      %dma_start3A = arith.constant 0 : i32
      %dma_start3A_15 = tpu.memref_slice %arg8[%mul3A_2, %dma_start3A] : memref<10112x16xf32, #tpu.memory_space<vmem_shared>> -> memref<632x16xf32, #tpu.memory_space<vmem_shared>>
      tpu.enqueue_dma source(%arg4 : memref<632x16xf32, #tpu.memory_space<hbm>>) target(%dma_start3A_15 : memref<632x16xf32, #tpu.memory_space<vmem_shared>>) target_semaphore(%run_scoped3A : memref<!tpu.dma_semaphore, #tpu.memory_space<semaphore_mem>>)
      %dma_wait3A = arith.constant 0 : i32
      %dma_wait3A_16 = tpu.memref_slice %arg8[%mul3A_2, %dma_wait3A] : memref<10112x16xf32, #tpu.memory_space<vmem_shared>> -> memref<632x16xf32, #tpu.memory_space<vmem_shared>>
      tpu.wait_dma2 semaphore(%run_scoped3A : memref<!tpu.dma_semaphore, #tpu.memory_space<semaphore_mem>>) src(%arg4 : memref<632x16xf32, #tpu.memory_space<hbm>>) dst(%dma_wait3A_16 : memref<632x16xf32, #tpu.memory_space<vmem_shared>>)
      tpu.yield
    }) : () -> ()
    %barrier3A = arith.constant 0 : index
    tpu.barrier barrier_id(%barrier3A)
    %mul3A_3 = arith.constant 10112 : i32
    %mul3A_4 = arith.muli %add3A, %mul3A_3 : i32
    %scan3A = arith.constant 0 : i32
    %scan3A_5 = arith.constant 0 : i32
    %scan3A_6 = arith.constant 79 : i32
    %scan3A_7 = arith.addi %scan3A_5, %scan3A_6 : i32
    %scan3A_8 = arith.constant 1 : i32
    scf.for %scan3A_15 = %scan3A_5 to %scan3A_7 step %scan3A_8  : i32 {
      %mul3A_16 = arith.constant 128 : i32
      %mul3A_17 = arith.muli %scan3A_15, %mul3A_16 : i32
      %add3A_18 = arith.addi %mul3A_4, %mul3A_17 : i32
      "tpu.region"() ({
        %run_scoped3A = tpu.sem_alloc : memref<!tpu.dma_semaphore, #tpu.memory_space<semaphore_mem>>
        %dma_start3A = arith.constant 0 : i32
        %dma_start3A_19 = tpu.memref_slice %arg2[%add3A_18, %dma_start3A] : memref<323584x16xf32, #tpu.memory_space<hbm>> -> memref<128x16xf32, #tpu.memory_space<hbm>>
        %dma_start3A_20 = arith.constant 0 : i32
        %dma_start3A_21 = tpu.memref_slice %arg2[%add3A_18, %dma_start3A_20] : memref<323584x16xf32, #tpu.memory_space<hbm>> -> memref<128x16xf32, #tpu.memory_space<hbm>>
        tpu.enqueue_dma source(%dma_start3A_21 : memref<128x16xf32, #tpu.memory_space<hbm>>) target(%arg7 : memref<128x16xf32, #tpu.memory_space<vmem>>) target_semaphore(%run_scoped3A : memref<!tpu.dma_semaphore, #tpu.memory_space<semaphore_mem>>)
        %dma_wait3A = arith.constant 0 : i32
        %dma_wait3A_22 = tpu.memref_slice %arg2[%add3A_18, %dma_wait3A] : memref<323584x16xf32, #tpu.memory_space<hbm>> -> memref<128x16xf32, #tpu.memory_space<hbm>>
        %dma_wait3A_23 = arith.constant 0 : i32
        %dma_wait3A_24 = tpu.memref_slice %arg2[%add3A_18, %dma_wait3A_23] : memref<323584x16xf32, #tpu.memory_space<hbm>> -> memref<128x16xf32, #tpu.memory_space<hbm>>
        tpu.wait_dma2 semaphore(%run_scoped3A : memref<!tpu.dma_semaphore, #tpu.memory_space<semaphore_mem>>) src(%dma_wait3A_24 : memref<128x16xf32, #tpu.memory_space<hbm>>) dst(%arg7 : memref<128x16xf32, #tpu.memory_space<vmem>>)
        tpu.yield
      }) : () -> ()
      "tpu.region"() ({
        %run_scoped3A = tpu.sem_alloc : memref<!tpu.dma_semaphore, #tpu.memory_space<semaphore_mem>>
        %dma_start3A = arith.constant 0 : i32
        %dma_start3A_19 = tpu.memref_slice %arg6[%scan3A_15, %dma_start3A] : memref<79x128xi32, #tpu.memory_space<vmem>> -> memref<1x128xi32, #tpu.memory_space<vmem>>
        %dma_start3A_20 = tpu.memref_squeeze %dma_start3A_19 : memref<1x128xi32, #tpu.memory_space<vmem>> -> memref<128xi32, #tpu.memory_space<vmem>>
        %dma_start3A_21 = arith.constant 0 : i32
        %dma_start3A_22 = arith.constant 0 : i32
        %dma_start3A_23 = tpu.memref_slice %arg8[%dma_start3A_21, %dma_start3A_22] : memref<10112x16xf32, #tpu.memory_space<vmem_shared>> -> memref<10112x16xf32, #tpu.memory_space<vmem_shared>>
        tpu.enqueue_indirect_dma source(%arg7 : memref<128x16xf32, #tpu.memory_space<vmem>>) target(%dma_start3A_23 : memref<10112x16xf32, #tpu.memory_space<vmem_shared>>) offsets(%dma_start3A_20 : memref<128xi32, #tpu.memory_space<vmem>>) semaphore(%run_scoped3A : memref<!tpu.dma_semaphore, #tpu.memory_space<semaphore_mem>>) {add = true}
        %dma_wait3A = arith.constant 0 : i32
        %dma_wait3A_24 = tpu.memref_slice %arg6[%scan3A_15, %dma_wait3A] : memref<79x128xi32, #tpu.memory_space<vmem>> -> memref<1x128xi32, #tpu.memory_space<vmem>>
        %dma_wait3A_25 = tpu.memref_squeeze %dma_wait3A_24 : memref<1x128xi32, #tpu.memory_space<vmem>> -> memref<128xi32, #tpu.memory_space<vmem>>
        %dma_wait3A_26 = arith.constant 0 : i32
        %dma_wait3A_27 = arith.constant 0 : i32
        %dma_wait3A_28 = tpu.memref_slice %arg8[%dma_wait3A_26, %dma_wait3A_27] : memref<10112x16xf32, #tpu.memory_space<vmem_shared>> -> memref<10112x16xf32, #tpu.memory_space<vmem_shared>>
        tpu.wait_indirect_dma semaphore(%run_scoped3A : memref<!tpu.dma_semaphore, #tpu.memory_space<semaphore_mem>>) src(%arg7 : memref<128x16xf32, #tpu.memory_space<vmem>>) dst(%dma_wait3A_28 : memref<10112x16xf32, #tpu.memory_space<vmem_shared>>)
        tpu.yield
      }) : () -> ()
    }
    %scan3A_9 = arith.constant 79 : i32
    %barrier3A_10 = arith.constant 0 : index
    tpu.barrier barrier_id(%barrier3A_10)
    %mul3A_11 = arith.constant 632 : i32
    %mul3A_12 = arith.muli %arg1, %mul3A_11 : i32
    %mul3A_13 = arith.constant 632 : i32
    %mul3A_14 = arith.muli %arg1, %mul3A_13 : i32
    "tpu.region"() ({
      %run_scoped3A = tpu.sem_alloc : memref<!tpu.dma_semaphore, #tpu.memory_space<semaphore_mem>>
      %dma_start3A = arith.constant 0 : i32
      %dma_start3A_15 = tpu.memref_slice %arg5[%arg0, %mul3A_14, %dma_start3A] : memref<2x10112x16xf32, #tpu.memory_space<hbm>> -> memref<1x632x16xf32, #tpu.memory_space<hbm>>
      %dma_start3A_16 = tpu.memref_squeeze %dma_start3A_15 : memref<1x632x16xf32, #tpu.memory_space<hbm>> -> memref<632x16xf32, #tpu.memory_space<hbm>>
      %dma_start3A_17 = arith.constant 0 : i32
      %dma_start3A_18 = tpu.memref_slice %arg8[%mul3A_12, %dma_start3A_17] : memref<10112x16xf32, #tpu.memory_space<vmem_shared>> -> memref<632x16xf32, #tpu.memory_space<vmem_shared>>
      tpu.enqueue_dma source(%dma_start3A_18 : memref<632x16xf32, #tpu.memory_space<vmem_shared>>) target(%dma_start3A_16 : memref<632x16xf32, #tpu.memory_space<hbm>>) target_semaphore(%run_scoped3A : memref<!tpu.dma_semaphore, #tpu.memory_space<semaphore_mem>>)
      %dma_wait3A = arith.constant 0 : i32
      %dma_wait3A_19 = tpu.memref_slice %arg5[%arg0, %mul3A_14, %dma_wait3A] : memref<2x10112x16xf32, #tpu.memory_space<hbm>> -> memref<1x632x16xf32, #tpu.memory_space<hbm>>
      %dma_wait3A_20 = tpu.memref_squeeze %dma_wait3A_19 : memref<1x632x16xf32, #tpu.memory_space<hbm>> -> memref<632x16xf32, #tpu.memory_space<hbm>>
      %dma_wait3A_21 = arith.constant 0 : i32
      %dma_wait3A_22 = tpu.memref_slice %arg8[%mul3A_12, %dma_wait3A_21] : memref<10112x16xf32, #tpu.memory_space<vmem_shared>> -> memref<632x16xf32, #tpu.memory_space<vmem_shared>>
      tpu.wait_dma2 semaphore(%run_scoped3A : memref<!tpu.dma_semaphore, #tpu.memory_space<semaphore_mem>>) src(%dma_wait3A_22 : memref<632x16xf32, #tpu.memory_space<vmem_shared>>) dst(%dma_wait3A_20 : memref<632x16xf32, #tpu.memory_space<hbm>>)
      tpu.yield
    }) : () -> ()
    return
  }
}

#map = affine_map<(d0, d1) -> (0, 0)>
#map1 = affine_map<(d0, d1) -> (0, 0, 0)>
module attributes {stable_mosaic.version = 14 : i64} {
  func.func @body(%arg0: i32, %arg1: i32, %arg2: memref<10000x128xf32, #tpu.memory_space<hbm>>, %arg3: memref<4x32x64xi32, #tpu.memory_space<hbm>>, %arg4: memref<4x2048x128xf32, #tpu.memory_space<hbm>>, %arg5: memref<64xi32, #tpu.memory_space<vmem>>, %arg6: memref<64x128xf32, #tpu.memory_space<vmem>>, %arg7: memref<!tpu.dma_semaphore, #tpu.memory_space<semaphore_mem>>) attributes {dimension_semantics = [#tpu.dimension_semantics<core_parallel>, #tpu.dimension_semantics<subcore_parallel>], iteration_bounds = array<i64: 2, 16>, scalar_prefetch = 0 : i64, scratch_operands = 3 : i64, tpu.core_type = #tpu.core_type<sc_vector_subcore>, window_params = [{transform_indices = #map}, {transform_indices = #map1}, {transform_indices = #map1}]} {
    %mul3A = arith.constant 16 : i32
    %mul3A_0 = arith.muli %arg0, %mul3A : i32
    %add3A = arith.addi %mul3A_0, %arg1 : i32
    %run_scoped3A = arith.constant 0 : i32
    "tpu.region"() ({
      %run_scoped3A_38 = tpu.sem_alloc : memref<!tpu.dma_semaphore, #tpu.memory_space<semaphore_mem>>
      %dma_start3A_39 = arith.constant 0 : i32
      %dma_start3A_40 = tpu.memref_slice %arg3[%run_scoped3A, %add3A, %dma_start3A_39] : memref<4x32x64xi32, #tpu.memory_space<hbm>> -> memref<1x1x64xi32, #tpu.memory_space<hbm>>
      %dma_start3A_41 = tpu.memref_squeeze %dma_start3A_40 : memref<1x1x64xi32, #tpu.memory_space<hbm>> -> memref<64xi32, #tpu.memory_space<hbm>>
      %dma_start3A_42 = arith.constant 0 : i32
      %dma_start3A_43 = tpu.memref_slice %arg3[%run_scoped3A, %add3A, %dma_start3A_42] : memref<4x32x64xi32, #tpu.memory_space<hbm>> -> memref<1x1x64xi32, #tpu.memory_space<hbm>>
      %dma_start3A_44 = tpu.memref_squeeze %dma_start3A_43 : memref<1x1x64xi32, #tpu.memory_space<hbm>> -> memref<64xi32, #tpu.memory_space<hbm>>
      tpu.enqueue_dma source(%dma_start3A_44 : memref<64xi32, #tpu.memory_space<hbm>>) target(%arg5 : memref<64xi32, #tpu.memory_space<vmem>>) target_semaphore(%run_scoped3A_38 : memref<!tpu.dma_semaphore, #tpu.memory_space<semaphore_mem>>)
      %dma_wait3A_45 = arith.constant 0 : i32
      %dma_wait3A_46 = tpu.memref_slice %arg3[%run_scoped3A, %add3A, %dma_wait3A_45] : memref<4x32x64xi32, #tpu.memory_space<hbm>> -> memref<1x1x64xi32, #tpu.memory_space<hbm>>
      %dma_wait3A_47 = tpu.memref_squeeze %dma_wait3A_46 : memref<1x1x64xi32, #tpu.memory_space<hbm>> -> memref<64xi32, #tpu.memory_space<hbm>>
      %dma_wait3A_48 = arith.constant 0 : i32
      %dma_wait3A_49 = tpu.memref_slice %arg3[%run_scoped3A, %add3A, %dma_wait3A_48] : memref<4x32x64xi32, #tpu.memory_space<hbm>> -> memref<1x1x64xi32, #tpu.memory_space<hbm>>
      %dma_wait3A_50 = tpu.memref_squeeze %dma_wait3A_49 : memref<1x1x64xi32, #tpu.memory_space<hbm>> -> memref<64xi32, #tpu.memory_space<hbm>>
      tpu.wait_dma2 semaphore(%run_scoped3A_38 : memref<!tpu.dma_semaphore, #tpu.memory_space<semaphore_mem>>) src(%dma_wait3A_50 : memref<64xi32, #tpu.memory_space<hbm>>) dst(%arg5 : memref<64xi32, #tpu.memory_space<vmem>>)
      tpu.yield
    }) : () -> ()
    %dma_start3A = arith.constant 0 : i32
    %dma_start3A_1 = arith.constant 0 : i32
    %dma_start3A_2 = tpu.memref_slice %arg2[%dma_start3A, %dma_start3A_1] : memref<10000x128xf32, #tpu.memory_space<hbm>> -> memref<10000x128xf32, #tpu.memory_space<hbm>>
    tpu.enqueue_indirect_dma source(%dma_start3A_2 : memref<10000x128xf32, #tpu.memory_space<hbm>>) target(%arg6 : memref<64x128xf32, #tpu.memory_space<vmem>>) offsets(%arg5 : memref<64xi32, #tpu.memory_space<vmem>>) semaphore(%arg7 : memref<!tpu.dma_semaphore, #tpu.memory_space<semaphore_mem>>)
    %dma_wait3A = arith.constant 0 : i32
    %dma_wait3A_3 = arith.constant 0 : i32
    %dma_wait3A_4 = tpu.memref_slice %arg2[%dma_wait3A, %dma_wait3A_3] : memref<10000x128xf32, #tpu.memory_space<hbm>> -> memref<10000x128xf32, #tpu.memory_space<hbm>>
    tpu.wait_indirect_dma semaphore(%arg7 : memref<!tpu.dma_semaphore, #tpu.memory_space<semaphore_mem>>) src(%dma_wait3A_4 : memref<10000x128xf32, #tpu.memory_space<hbm>>) dst(%arg6 : memref<64x128xf32, #tpu.memory_space<vmem>>)
    %mul3A_5 = arith.constant 64 : i32
    %mul3A_6 = arith.muli %add3A, %mul3A_5 : i32
    %run_scoped3A_7 = arith.constant 0 : i32
    "tpu.region"() ({
      %run_scoped3A_38 = tpu.sem_alloc : memref<!tpu.dma_semaphore, #tpu.memory_space<semaphore_mem>>
      %dma_start3A_39 = arith.constant 0 : i32
      %dma_start3A_40 = tpu.memref_slice %arg4[%run_scoped3A_7, %mul3A_6, %dma_start3A_39] : memref<4x2048x128xf32, #tpu.memory_space<hbm>> -> memref<1x64x128xf32, #tpu.memory_space<hbm>>
      %dma_start3A_41 = tpu.memref_squeeze %dma_start3A_40 : memref<1x64x128xf32, #tpu.memory_space<hbm>> -> memref<64x128xf32, #tpu.memory_space<hbm>>
      %dma_start3A_42 = arith.constant 0 : i32
      %dma_start3A_43 = tpu.memref_slice %arg4[%run_scoped3A_7, %mul3A_6, %dma_start3A_42] : memref<4x2048x128xf32, #tpu.memory_space<hbm>> -> memref<1x64x128xf32, #tpu.memory_space<hbm>>
      %dma_start3A_44 = tpu.memref_squeeze %dma_start3A_43 : memref<1x64x128xf32, #tpu.memory_space<hbm>> -> memref<64x128xf32, #tpu.memory_space<hbm>>
      tpu.enqueue_dma source(%arg6 : memref<64x128xf32, #tpu.memory_space<vmem>>) target(%dma_start3A_44 : memref<64x128xf32, #tpu.memory_space<hbm>>) target_semaphore(%run_scoped3A_38 : memref<!tpu.dma_semaphore, #tpu.memory_space<semaphore_mem>>)
      %dma_wait3A_45 = arith.constant 0 : i32
      %dma_wait3A_46 = tpu.memref_slice %arg4[%run_scoped3A_7, %mul3A_6, %dma_wait3A_45] : memref<4x2048x128xf32, #tpu.memory_space<hbm>> -> memref<1x64x128xf32, #tpu.memory_space<hbm>>
      %dma_wait3A_47 = tpu.memref_squeeze %dma_wait3A_46 : memref<1x64x128xf32, #tpu.memory_space<hbm>> -> memref<64x128xf32, #tpu.memory_space<hbm>>
      %dma_wait3A_48 = arith.constant 0 : i32
      %dma_wait3A_49 = tpu.memref_slice %arg4[%run_scoped3A_7, %mul3A_6, %dma_wait3A_48] : memref<4x2048x128xf32, #tpu.memory_space<hbm>> -> memref<1x64x128xf32, #tpu.memory_space<hbm>>
      %dma_wait3A_50 = tpu.memref_squeeze %dma_wait3A_49 : memref<1x64x128xf32, #tpu.memory_space<hbm>> -> memref<64x128xf32, #tpu.memory_space<hbm>>
      tpu.wait_dma2 semaphore(%run_scoped3A_38 : memref<!tpu.dma_semaphore, #tpu.memory_space<semaphore_mem>>) src(%arg6 : memref<64x128xf32, #tpu.memory_space<vmem>>) dst(%dma_wait3A_50 : memref<64x128xf32, #tpu.memory_space<hbm>>)
      tpu.yield
    }) : () -> ()
    %run_scoped3A_8 = arith.constant 1 : i32
    "tpu.region"() ({
      %run_scoped3A_38 = tpu.sem_alloc : memref<!tpu.dma_semaphore, #tpu.memory_space<semaphore_mem>>
      %dma_start3A_39 = arith.constant 0 : i32
      %dma_start3A_40 = tpu.memref_slice %arg3[%run_scoped3A_8, %add3A, %dma_start3A_39] : memref<4x32x64xi32, #tpu.memory_space<hbm>> -> memref<1x1x64xi32, #tpu.memory_space<hbm>>
      %dma_start3A_41 = tpu.memref_squeeze %dma_start3A_40 : memref<1x1x64xi32, #tpu.memory_space<hbm>> -> memref<64xi32, #tpu.memory_space<hbm>>
      %dma_start3A_42 = arith.constant 0 : i32
      %dma_start3A_43 = tpu.memref_slice %arg3[%run_scoped3A_8, %add3A, %dma_start3A_42] : memref<4x32x64xi32, #tpu.memory_space<hbm>> -> memref<1x1x64xi32, #tpu.memory_space<hbm>>
      %dma_start3A_44 = tpu.memref_squeeze %dma_start3A_43 : memref<1x1x64xi32, #tpu.memory_space<hbm>> -> memref<64xi32, #tpu.memory_space<hbm>>
      tpu.enqueue_dma source(%dma_start3A_44 : memref<64xi32, #tpu.memory_space<hbm>>) target(%arg5 : memref<64xi32, #tpu.memory_space<vmem>>) target_semaphore(%run_scoped3A_38 : memref<!tpu.dma_semaphore, #tpu.memory_space<semaphore_mem>>)
      %dma_wait3A_45 = arith.constant 0 : i32
      %dma_wait3A_46 = tpu.memref_slice %arg3[%run_scoped3A_8, %add3A, %dma_wait3A_45] : memref<4x32x64xi32, #tpu.memory_space<hbm>> -> memref<1x1x64xi32, #tpu.memory_space<hbm>>
      %dma_wait3A_47 = tpu.memref_squeeze %dma_wait3A_46 : memref<1x1x64xi32, #tpu.memory_space<hbm>> -> memref<64xi32, #tpu.memory_space<hbm>>
      %dma_wait3A_48 = arith.constant 0 : i32
      %dma_wait3A_49 = tpu.memref_slice %arg3[%run_scoped3A_8, %add3A, %dma_wait3A_48] : memref<4x32x64xi32, #tpu.memory_space<hbm>> -> memref<1x1x64xi32, #tpu.memory_space<hbm>>
      %dma_wait3A_50 = tpu.memref_squeeze %dma_wait3A_49 : memref<1x1x64xi32, #tpu.memory_space<hbm>> -> memref<64xi32, #tpu.memory_space<hbm>>
      tpu.wait_dma2 semaphore(%run_scoped3A_38 : memref<!tpu.dma_semaphore, #tpu.memory_space<semaphore_mem>>) src(%dma_wait3A_50 : memref<64xi32, #tpu.memory_space<hbm>>) dst(%arg5 : memref<64xi32, #tpu.memory_space<vmem>>)
      tpu.yield
    }) : () -> ()
    %dma_start3A_9 = arith.constant 0 : i32
    %dma_start3A_10 = arith.constant 0 : i32
    %dma_start3A_11 = tpu.memref_slice %arg2[%dma_start3A_9, %dma_start3A_10] : memref<10000x128xf32, #tpu.memory_space<hbm>> -> memref<10000x128xf32, #tpu.memory_space<hbm>>
    tpu.enqueue_indirect_dma source(%dma_start3A_11 : memref<10000x128xf32, #tpu.memory_space<hbm>>) target(%arg6 : memref<64x128xf32, #tpu.memory_space<vmem>>) offsets(%arg5 : memref<64xi32, #tpu.memory_space<vmem>>) semaphore(%arg7 : memref<!tpu.dma_semaphore, #tpu.memory_space<semaphore_mem>>)
    %dma_wait3A_12 = arith.constant 0 : i32
    %dma_wait3A_13 = arith.constant 0 : i32
    %dma_wait3A_14 = tpu.memref_slice %arg2[%dma_wait3A_12, %dma_wait3A_13] : memref<10000x128xf32, #tpu.memory_space<hbm>> -> memref<10000x128xf32, #tpu.memory_space<hbm>>
    tpu.wait_indirect_dma semaphore(%arg7 : memref<!tpu.dma_semaphore, #tpu.memory_space<semaphore_mem>>) src(%dma_wait3A_14 : memref<10000x128xf32, #tpu.memory_space<hbm>>) dst(%arg6 : memref<64x128xf32, #tpu.memory_space<vmem>>)
    %mul3A_15 = arith.constant 64 : i32
    %mul3A_16 = arith.muli %add3A, %mul3A_15 : i32
    %run_scoped3A_17 = arith.constant 1 : i32
    "tpu.region"() ({
      %run_scoped3A_38 = tpu.sem_alloc : memref<!tpu.dma_semaphore, #tpu.memory_space<semaphore_mem>>
      %dma_start3A_39 = arith.constant 0 : i32
      %dma_start3A_40 = tpu.memref_slice %arg4[%run_scoped3A_17, %mul3A_16, %dma_start3A_39] : memref<4x2048x128xf32, #tpu.memory_space<hbm>> -> memref<1x64x128xf32, #tpu.memory_space<hbm>>
      %dma_start3A_41 = tpu.memref_squeeze %dma_start3A_40 : memref<1x64x128xf32, #tpu.memory_space<hbm>> -> memref<64x128xf32, #tpu.memory_space<hbm>>
      %dma_start3A_42 = arith.constant 0 : i32
      %dma_start3A_43 = tpu.memref_slice %arg4[%run_scoped3A_17, %mul3A_16, %dma_start3A_42] : memref<4x2048x128xf32, #tpu.memory_space<hbm>> -> memref<1x64x128xf32, #tpu.memory_space<hbm>>
      %dma_start3A_44 = tpu.memref_squeeze %dma_start3A_43 : memref<1x64x128xf32, #tpu.memory_space<hbm>> -> memref<64x128xf32, #tpu.memory_space<hbm>>
      tpu.enqueue_dma source(%arg6 : memref<64x128xf32, #tpu.memory_space<vmem>>) target(%dma_start3A_44 : memref<64x128xf32, #tpu.memory_space<hbm>>) target_semaphore(%run_scoped3A_38 : memref<!tpu.dma_semaphore, #tpu.memory_space<semaphore_mem>>)
      %dma_wait3A_45 = arith.constant 0 : i32
      %dma_wait3A_46 = tpu.memref_slice %arg4[%run_scoped3A_17, %mul3A_16, %dma_wait3A_45] : memref<4x2048x128xf32, #tpu.memory_space<hbm>> -> memref<1x64x128xf32, #tpu.memory_space<hbm>>
      %dma_wait3A_47 = tpu.memref_squeeze %dma_wait3A_46 : memref<1x64x128xf32, #tpu.memory_space<hbm>> -> memref<64x128xf32, #tpu.memory_space<hbm>>
      %dma_wait3A_48 = arith.constant 0 : i32
      %dma_wait3A_49 = tpu.memref_slice %arg4[%run_scoped3A_17, %mul3A_16, %dma_wait3A_48] : memref<4x2048x128xf32, #tpu.memory_space<hbm>> -> memref<1x64x128xf32, #tpu.memory_space<hbm>>
      %dma_wait3A_50 = tpu.memref_squeeze %dma_wait3A_49 : memref<1x64x128xf32, #tpu.memory_space<hbm>> -> memref<64x128xf32, #tpu.memory_space<hbm>>
      tpu.wait_dma2 semaphore(%run_scoped3A_38 : memref<!tpu.dma_semaphore, #tpu.memory_space<semaphore_mem>>) src(%arg6 : memref<64x128xf32, #tpu.memory_space<vmem>>) dst(%dma_wait3A_50 : memref<64x128xf32, #tpu.memory_space<hbm>>)
      tpu.yield
    }) : () -> ()
    %run_scoped3A_18 = arith.constant 2 : i32
    "tpu.region"() ({
      %run_scoped3A_38 = tpu.sem_alloc : memref<!tpu.dma_semaphore, #tpu.memory_space<semaphore_mem>>
      %dma_start3A_39 = arith.constant 0 : i32
      %dma_start3A_40 = tpu.memref_slice %arg3[%run_scoped3A_18, %add3A, %dma_start3A_39] : memref<4x32x64xi32, #tpu.memory_space<hbm>> -> memref<1x1x64xi32, #tpu.memory_space<hbm>>
      %dma_start3A_41 = tpu.memref_squeeze %dma_start3A_40 : memref<1x1x64xi32, #tpu.memory_space<hbm>> -> memref<64xi32, #tpu.memory_space<hbm>>
      %dma_start3A_42 = arith.constant 0 : i32
      %dma_start3A_43 = tpu.memref_slice %arg3[%run_scoped3A_18, %add3A, %dma_start3A_42] : memref<4x32x64xi32, #tpu.memory_space<hbm>> -> memref<1x1x64xi32, #tpu.memory_space<hbm>>
      %dma_start3A_44 = tpu.memref_squeeze %dma_start3A_43 : memref<1x1x64xi32, #tpu.memory_space<hbm>> -> memref<64xi32, #tpu.memory_space<hbm>>
      tpu.enqueue_dma source(%dma_start3A_44 : memref<64xi32, #tpu.memory_space<hbm>>) target(%arg5 : memref<64xi32, #tpu.memory_space<vmem>>) target_semaphore(%run_scoped3A_38 : memref<!tpu.dma_semaphore, #tpu.memory_space<semaphore_mem>>)
      %dma_wait3A_45 = arith.constant 0 : i32
      %dma_wait3A_46 = tpu.memref_slice %arg3[%run_scoped3A_18, %add3A, %dma_wait3A_45] : memref<4x32x64xi32, #tpu.memory_space<hbm>> -> memref<1x1x64xi32, #tpu.memory_space<hbm>>
      %dma_wait3A_47 = tpu.memref_squeeze %dma_wait3A_46 : memref<1x1x64xi32, #tpu.memory_space<hbm>> -> memref<64xi32, #tpu.memory_space<hbm>>
      %dma_wait3A_48 = arith.constant 0 : i32
      %dma_wait3A_49 = tpu.memref_slice %arg3[%run_scoped3A_18, %add3A, %dma_wait3A_48] : memref<4x32x64xi32, #tpu.memory_space<hbm>> -> memref<1x1x64xi32, #tpu.memory_space<hbm>>
      %dma_wait3A_50 = tpu.memref_squeeze %dma_wait3A_49 : memref<1x1x64xi32, #tpu.memory_space<hbm>> -> memref<64xi32, #tpu.memory_space<hbm>>
      tpu.wait_dma2 semaphore(%run_scoped3A_38 : memref<!tpu.dma_semaphore, #tpu.memory_space<semaphore_mem>>) src(%dma_wait3A_50 : memref<64xi32, #tpu.memory_space<hbm>>) dst(%arg5 : memref<64xi32, #tpu.memory_space<vmem>>)
      tpu.yield
    }) : () -> ()
    %dma_start3A_19 = arith.constant 0 : i32
    %dma_start3A_20 = arith.constant 0 : i32
    %dma_start3A_21 = tpu.memref_slice %arg2[%dma_start3A_19, %dma_start3A_20] : memref<10000x128xf32, #tpu.memory_space<hbm>> -> memref<10000x128xf32, #tpu.memory_space<hbm>>
    tpu.enqueue_indirect_dma source(%dma_start3A_21 : memref<10000x128xf32, #tpu.memory_space<hbm>>) target(%arg6 : memref<64x128xf32, #tpu.memory_space<vmem>>) offsets(%arg5 : memref<64xi32, #tpu.memory_space<vmem>>) semaphore(%arg7 : memref<!tpu.dma_semaphore, #tpu.memory_space<semaphore_mem>>)
    %dma_wait3A_22 = arith.constant 0 : i32
    %dma_wait3A_23 = arith.constant 0 : i32
    %dma_wait3A_24 = tpu.memref_slice %arg2[%dma_wait3A_22, %dma_wait3A_23] : memref<10000x128xf32, #tpu.memory_space<hbm>> -> memref<10000x128xf32, #tpu.memory_space<hbm>>
    tpu.wait_indirect_dma semaphore(%arg7 : memref<!tpu.dma_semaphore, #tpu.memory_space<semaphore_mem>>) src(%dma_wait3A_24 : memref<10000x128xf32, #tpu.memory_space<hbm>>) dst(%arg6 : memref<64x128xf32, #tpu.memory_space<vmem>>)
    %mul3A_25 = arith.constant 64 : i32
    %mul3A_26 = arith.muli %add3A, %mul3A_25 : i32
    %run_scoped3A_27 = arith.constant 2 : i32
    "tpu.region"() ({
      %run_scoped3A_38 = tpu.sem_alloc : memref<!tpu.dma_semaphore, #tpu.memory_space<semaphore_mem>>
      %dma_start3A_39 = arith.constant 0 : i32
      %dma_start3A_40 = tpu.memref_slice %arg4[%run_scoped3A_27, %mul3A_26, %dma_start3A_39] : memref<4x2048x128xf32, #tpu.memory_space<hbm>> -> memref<1x64x128xf32, #tpu.memory_space<hbm>>
      %dma_start3A_41 = tpu.memref_squeeze %dma_start3A_40 : memref<1x64x128xf32, #tpu.memory_space<hbm>> -> memref<64x128xf32, #tpu.memory_space<hbm>>
      %dma_start3A_42 = arith.constant 0 : i32
      %dma_start3A_43 = tpu.memref_slice %arg4[%run_scoped3A_27, %mul3A_26, %dma_start3A_42] : memref<4x2048x128xf32, #tpu.memory_space<hbm>> -> memref<1x64x128xf32, #tpu.memory_space<hbm>>
      %dma_start3A_44 = tpu.memref_squeeze %dma_start3A_43 : memref<1x64x128xf32, #tpu.memory_space<hbm>> -> memref<64x128xf32, #tpu.memory_space<hbm>>
      tpu.enqueue_dma source(%arg6 : memref<64x128xf32, #tpu.memory_space<vmem>>) target(%dma_start3A_44 : memref<64x128xf32, #tpu.memory_space<hbm>>) target_semaphore(%run_scoped3A_38 : memref<!tpu.dma_semaphore, #tpu.memory_space<semaphore_mem>>)
      %dma_wait3A_45 = arith.constant 0 : i32
      %dma_wait3A_46 = tpu.memref_slice %arg4[%run_scoped3A_27, %mul3A_26, %dma_wait3A_45] : memref<4x2048x128xf32, #tpu.memory_space<hbm>> -> memref<1x64x128xf32, #tpu.memory_space<hbm>>
      %dma_wait3A_47 = tpu.memref_squeeze %dma_wait3A_46 : memref<1x64x128xf32, #tpu.memory_space<hbm>> -> memref<64x128xf32, #tpu.memory_space<hbm>>
      %dma_wait3A_48 = arith.constant 0 : i32
      %dma_wait3A_49 = tpu.memref_slice %arg4[%run_scoped3A_27, %mul3A_26, %dma_wait3A_48] : memref<4x2048x128xf32, #tpu.memory_space<hbm>> -> memref<1x64x128xf32, #tpu.memory_space<hbm>>
      %dma_wait3A_50 = tpu.memref_squeeze %dma_wait3A_49 : memref<1x64x128xf32, #tpu.memory_space<hbm>> -> memref<64x128xf32, #tpu.memory_space<hbm>>
      tpu.wait_dma2 semaphore(%run_scoped3A_38 : memref<!tpu.dma_semaphore, #tpu.memory_space<semaphore_mem>>) src(%arg6 : memref<64x128xf32, #tpu.memory_space<vmem>>) dst(%dma_wait3A_50 : memref<64x128xf32, #tpu.memory_space<hbm>>)
      tpu.yield
    }) : () -> ()
    %run_scoped3A_28 = arith.constant 3 : i32
    "tpu.region"() ({
      %run_scoped3A_38 = tpu.sem_alloc : memref<!tpu.dma_semaphore, #tpu.memory_space<semaphore_mem>>
      %dma_start3A_39 = arith.constant 0 : i32
      %dma_start3A_40 = tpu.memref_slice %arg3[%run_scoped3A_28, %add3A, %dma_start3A_39] : memref<4x32x64xi32, #tpu.memory_space<hbm>> -> memref<1x1x64xi32, #tpu.memory_space<hbm>>
      %dma_start3A_41 = tpu.memref_squeeze %dma_start3A_40 : memref<1x1x64xi32, #tpu.memory_space<hbm>> -> memref<64xi32, #tpu.memory_space<hbm>>
      %dma_start3A_42 = arith.constant 0 : i32
      %dma_start3A_43 = tpu.memref_slice %arg3[%run_scoped3A_28, %add3A, %dma_start3A_42] : memref<4x32x64xi32, #tpu.memory_space<hbm>> -> memref<1x1x64xi32, #tpu.memory_space<hbm>>
      %dma_start3A_44 = tpu.memref_squeeze %dma_start3A_43 : memref<1x1x64xi32, #tpu.memory_space<hbm>> -> memref<64xi32, #tpu.memory_space<hbm>>
      tpu.enqueue_dma source(%dma_start3A_44 : memref<64xi32, #tpu.memory_space<hbm>>) target(%arg5 : memref<64xi32, #tpu.memory_space<vmem>>) target_semaphore(%run_scoped3A_38 : memref<!tpu.dma_semaphore, #tpu.memory_space<semaphore_mem>>)
      %dma_wait3A_45 = arith.constant 0 : i32
      %dma_wait3A_46 = tpu.memref_slice %arg3[%run_scoped3A_28, %add3A, %dma_wait3A_45] : memref<4x32x64xi32, #tpu.memory_space<hbm>> -> memref<1x1x64xi32, #tpu.memory_space<hbm>>
      %dma_wait3A_47 = tpu.memref_squeeze %dma_wait3A_46 : memref<1x1x64xi32, #tpu.memory_space<hbm>> -> memref<64xi32, #tpu.memory_space<hbm>>
      %dma_wait3A_48 = arith.constant 0 : i32
      %dma_wait3A_49 = tpu.memref_slice %arg3[%run_scoped3A_28, %add3A, %dma_wait3A_48] : memref<4x32x64xi32, #tpu.memory_space<hbm>> -> memref<1x1x64xi32, #tpu.memory_space<hbm>>
      %dma_wait3A_50 = tpu.memref_squeeze %dma_wait3A_49 : memref<1x1x64xi32, #tpu.memory_space<hbm>> -> memref<64xi32, #tpu.memory_space<hbm>>
      tpu.wait_dma2 semaphore(%run_scoped3A_38 : memref<!tpu.dma_semaphore, #tpu.memory_space<semaphore_mem>>) src(%dma_wait3A_50 : memref<64xi32, #tpu.memory_space<hbm>>) dst(%arg5 : memref<64xi32, #tpu.memory_space<vmem>>)
      tpu.yield
    }) : () -> ()
    %dma_start3A_29 = arith.constant 0 : i32
    %dma_start3A_30 = arith.constant 0 : i32
    %dma_start3A_31 = tpu.memref_slice %arg2[%dma_start3A_29, %dma_start3A_30] : memref<10000x128xf32, #tpu.memory_space<hbm>> -> memref<10000x128xf32, #tpu.memory_space<hbm>>
    tpu.enqueue_indirect_dma source(%dma_start3A_31 : memref<10000x128xf32, #tpu.memory_space<hbm>>) target(%arg6 : memref<64x128xf32, #tpu.memory_space<vmem>>) offsets(%arg5 : memref<64xi32, #tpu.memory_space<vmem>>) semaphore(%arg7 : memref<!tpu.dma_semaphore, #tpu.memory_space<semaphore_mem>>)
    %dma_wait3A_32 = arith.constant 0 : i32
    %dma_wait3A_33 = arith.constant 0 : i32
    %dma_wait3A_34 = tpu.memref_slice %arg2[%dma_wait3A_32, %dma_wait3A_33] : memref<10000x128xf32, #tpu.memory_space<hbm>> -> memref<10000x128xf32, #tpu.memory_space<hbm>>
    tpu.wait_indirect_dma semaphore(%arg7 : memref<!tpu.dma_semaphore, #tpu.memory_space<semaphore_mem>>) src(%dma_wait3A_34 : memref<10000x128xf32, #tpu.memory_space<hbm>>) dst(%arg6 : memref<64x128xf32, #tpu.memory_space<vmem>>)
    %mul3A_35 = arith.constant 64 : i32
    %mul3A_36 = arith.muli %add3A, %mul3A_35 : i32
    %run_scoped3A_37 = arith.constant 3 : i32
    "tpu.region"() ({
      %run_scoped3A_38 = tpu.sem_alloc : memref<!tpu.dma_semaphore, #tpu.memory_space<semaphore_mem>>
      %dma_start3A_39 = arith.constant 0 : i32
      %dma_start3A_40 = tpu.memref_slice %arg4[%run_scoped3A_37, %mul3A_36, %dma_start3A_39] : memref<4x2048x128xf32, #tpu.memory_space<hbm>> -> memref<1x64x128xf32, #tpu.memory_space<hbm>>
      %dma_start3A_41 = tpu.memref_squeeze %dma_start3A_40 : memref<1x64x128xf32, #tpu.memory_space<hbm>> -> memref<64x128xf32, #tpu.memory_space<hbm>>
      %dma_start3A_42 = arith.constant 0 : i32
      %dma_start3A_43 = tpu.memref_slice %arg4[%run_scoped3A_37, %mul3A_36, %dma_start3A_42] : memref<4x2048x128xf32, #tpu.memory_space<hbm>> -> memref<1x64x128xf32, #tpu.memory_space<hbm>>
      %dma_start3A_44 = tpu.memref_squeeze %dma_start3A_43 : memref<1x64x128xf32, #tpu.memory_space<hbm>> -> memref<64x128xf32, #tpu.memory_space<hbm>>
      tpu.enqueue_dma source(%arg6 : memref<64x128xf32, #tpu.memory_space<vmem>>) target(%dma_start3A_44 : memref<64x128xf32, #tpu.memory_space<hbm>>) target_semaphore(%run_scoped3A_38 : memref<!tpu.dma_semaphore, #tpu.memory_space<semaphore_mem>>)
      %dma_wait3A_45 = arith.constant 0 : i32
      %dma_wait3A_46 = tpu.memref_slice %arg4[%run_scoped3A_37, %mul3A_36, %dma_wait3A_45] : memref<4x2048x128xf32, #tpu.memory_space<hbm>> -> memref<1x64x128xf32, #tpu.memory_space<hbm>>
      %dma_wait3A_47 = tpu.memref_squeeze %dma_wait3A_46 : memref<1x64x128xf32, #tpu.memory_space<hbm>> -> memref<64x128xf32, #tpu.memory_space<hbm>>
      %dma_wait3A_48 = arith.constant 0 : i32
      %dma_wait3A_49 = tpu.memref_slice %arg4[%run_scoped3A_37, %mul3A_36, %dma_wait3A_48] : memref<4x2048x128xf32, #tpu.memory_space<hbm>> -> memref<1x64x128xf32, #tpu.memory_space<hbm>>
      %dma_wait3A_50 = tpu.memref_squeeze %dma_wait3A_49 : memref<1x64x128xf32, #tpu.memory_space<hbm>> -> memref<64x128xf32, #tpu.memory_space<hbm>>
      tpu.wait_dma2 semaphore(%run_scoped3A_38 : memref<!tpu.dma_semaphore, #tpu.memory_space<semaphore_mem>>) src(%arg6 : memref<64x128xf32, #tpu.memory_space<vmem>>) dst(%dma_wait3A_50 : memref<64x128xf32, #tpu.memory_space<hbm>>)
      tpu.yield
    }) : () -> ()
    return
  }
}

module attributes {stable_mosaic.version = 14 : i64} {
  func.func @body(%arg0: memref<10000x128xf32, #tpu.memory_space<vmem>>, %arg1: memref<128x128xf32, #tpu.memory_space<vmem>>, %arg2: memref<2x10240xf32, #tpu.memory_space<vmem>>, %arg3: memref<10000x128xf32, #tpu.memory_space<vmem>>, %arg4: memref<10240xf32, #tpu.memory_space<vmem>>) attributes {dimension_semantics = [], scalar_prefetch = 0 : i64, scratch_operands = 0 : i64, tpu.core_type = #tpu.core_type<tc>} {
    %get3A = arith.constant 0 : index
    %get3A_0 = arith.constant 0 : index
    %get3A_1 = vector.load %arg2[%get3A, %get3A_0] : memref<2x10240xf32, #tpu.memory_space<vmem>>, vector<1x10240xf32>
    %get3A_2 = vector.shape_cast %get3A_1 : vector<1x10240xf32> to vector<10240xf32>
    %get3A_3 = arith.constant 1 : index
    %get3A_4 = arith.constant 0 : index
    %get3A_5 = vector.load %arg2[%get3A_3, %get3A_4] : memref<2x10240xf32, #tpu.memory_space<vmem>>, vector<1x10240xf32>
    %get3A_6 = vector.shape_cast %get3A_5 : vector<1x10240xf32> to vector<10240xf32>
    %add3A = arith.addf %get3A_2, %get3A_6 : vector<10240xf32>
    %max3A = arith.constant 1.000000e+00 : f32
    %max3A_7 = vector.broadcast %max3A : f32 to vector<10240xf32>
    %max3A_8 = arith.maximumf %add3A, %max3A_7 : vector<10240xf32>
    %rsqrt3A = math.rsqrt %max3A_8 : vector<10240xf32>
    %swap3A = arith.constant 0 : index
    %swap3A_9 = vector.load %arg4[%swap3A] : memref<10240xf32, #tpu.memory_space<vmem>>, vector<10240xf32>
    tpu.vector_store %arg4[%swap3A], %rsqrt3A {strides = array<i32>} : memref<10240xf32, #tpu.memory_space<vmem>>, vector<10240xf32>,
    %get3A_10 = arith.constant 0 : index
    %get3A_11 = arith.constant 0 : index
    %get3A_12 = vector.load %arg0[%get3A_10, %get3A_11] : memref<10000x128xf32, #tpu.memory_space<vmem>>, vector<10000x128xf32>
    %get3A_13 = arith.constant 0 : index
    %get3A_14 = arith.constant 0 : index
    %get3A_15 = vector.load %arg1[%get3A_13, %get3A_14] : memref<128x128xf32, #tpu.memory_space<vmem>>, vector<128x128xf32>
    %dot_general3A = arith.constant dense<0.000000e+00> : vector<10000x128xf32>
    %dot_general3A_16 = tpu.matmul %get3A_12, %get3A_15, %dot_general3A {dimension_numbers = #tpu.dot_dimension_numbers<[1], [0], [0], [1], [0, 0, 1, 1], [], []>, transpose_lhs_hint = false} : vector<10000x128xf32>, vector<128x128xf32>, vector<10000x128xf32> -> vector<10000x128xf32>
    %slice3A = vector.extract_strided_slice %rsqrt3A {offsets = [0], sizes = [10000], strides = [1]} : vector<10240xf32> to vector<10000xf32>
    %broadcast_in_dim3A = vector.shape_cast %slice3A : vector<10000xf32> to vector<10000x1xf32>
    %mul3A = vector.broadcast %broadcast_in_dim3A : vector<10000x1xf32> to vector<10000x128xf32>
    %mul3A_17 = arith.mulf %dot_general3A_16, %mul3A : vector<10000x128xf32>
    %swap3A_18 = arith.constant 0 : index
    %swap3A_19 = arith.constant 0 : index
    %swap3A_20 = vector.load %arg3[%swap3A_18, %swap3A_19] : memref<10000x128xf32, #tpu.memory_space<vmem>>, vector<10000x128xf32>
    tpu.vector_store %arg3[%swap3A_18, %swap3A_19], %mul3A_17 {strides = array<i32>} : memref<10000x128xf32, #tpu.memory_space<vmem>>, vector<10000x128xf32>,
    return
  }
}

module attributes {stable_mosaic.version = 14 : i64} {
  func.func @body(%arg0: i32, %arg1: memref<5056x16xf32, #tpu.memory_space<vmem>>, %arg2: memref<5056x1xf32, #tpu.memory_space<vmem>>, %arg3: memref<5056x16xf32, #tpu.memory_space<vmem>>) attributes {dimension_semantics = [#tpu.dimension_semantics<arbitrary>], iteration_bounds = array<i64: 64>, scalar_prefetch = 0 : i64, scratch_operands = 0 : i64, tpu.core_type = #tpu.core_type<tc>, window_params = [{transform_indices = @transform_0, window_bounds = array<i64: 5056, 16>}, {transform_indices = @transform_1, window_bounds = array<i64: 5056, 1>}, {transform_indices = @transform_2, window_bounds = array<i64: 5056, 16>}]} {
    %get3A = arith.constant 0 : index
    %get3A_0 = arith.constant 0 : index
    %get3A_1 = vector.load %arg1[%get3A, %get3A_0] : memref<5056x16xf32, #tpu.memory_space<vmem>>, vector<5056x16xf32>
    %get3A_2 = arith.constant 0 : index
    %get3A_3 = arith.constant 0 : index
    %get3A_4 = vector.load %arg2[%get3A_2, %get3A_3] : memref<5056x1xf32, #tpu.memory_space<vmem>>, vector<5056x1xf32>
    %mul3A = vector.broadcast %get3A_4 : vector<5056x1xf32> to vector<5056x16xf32>
    %mul3A_5 = arith.mulf %get3A_1, %mul3A : vector<5056x16xf32>
    %swap3A = arith.constant 0 : index
    %swap3A_6 = arith.constant 0 : index
    %swap3A_7 = vector.load %arg3[%swap3A, %swap3A_6] : memref<5056x16xf32, #tpu.memory_space<vmem>>, vector<5056x16xf32>
    tpu.vector_store %arg3[%swap3A, %swap3A_6], %mul3A_5 {strides = array<i32>} : memref<5056x16xf32, #tpu.memory_space<vmem>>, vector<5056x16xf32>,
    return
  }
  func.func @transform_0(%arg0: i32) -> (i32, i32) {
    %c0_i32 = arith.constant 0 : i32
    %c0_i32_0 = arith.constant 0 : i32
    return %arg0, %c0_i32 : i32, i32
  }
  func.func @transform_1(%arg0: i32) -> (i32, i32) {
    %c0_i32 = arith.constant 0 : i32
    %c0_i32_0 = arith.constant 0 : i32
    return %arg0, %c0_i32 : i32, i32
  }
  func.func @transform_2(%arg0: i32) -> (i32, i32) {
    %c0_i32 = arith.constant 0 : i32
    %c0_i32_0 = arith.constant 0 : i32
    return %arg0, %c0_i32 : i32, i32
  }
}

module attributes {stable_mosaic.version = 14 : i64} {
  func.func @body(%arg0: memref<2x10112x128xf32, #tpu.memory_space<vmem>>, %arg1: memref<2x10112x16xf32, #tpu.memory_space<vmem>>, %arg2: memref<10240xf32, #tpu.memory_space<vmem>>, %arg3: memref<16x128xf32, #tpu.memory_space<vmem>>, %arg4: memref<128x128xf32, #tpu.memory_space<vmem>>, %arg5: memref<128xf32, #tpu.memory_space<vmem>>, %arg6: memref<10000x128xf32, #tpu.memory_space<vmem>>) attributes {dimension_semantics = [], scalar_prefetch = 0 : i64, scratch_operands = 0 : i64, tpu.core_type = #tpu.core_type<tc>} {
    %get3A = arith.constant 0 : index
    %get3A_0 = arith.constant 0 : index
    %get3A_1 = arith.constant 0 : index
    %get3A_2 = vector.load %arg0[%get3A, %get3A_0, %get3A_1] : memref<2x10112x128xf32, #tpu.memory_space<vmem>>, vector<1x10000x128xf32>
    %get3A_3 = vector.shape_cast %get3A_2 : vector<1x10000x128xf32> to vector<10000x128xf32>
    %get3A_4 = arith.constant 1 : index
    %get3A_5 = arith.constant 0 : index
    %get3A_6 = arith.constant 0 : index
    %get3A_7 = vector.load %arg0[%get3A_4, %get3A_5, %get3A_6] : memref<2x10112x128xf32, #tpu.memory_space<vmem>>, vector<1x10000x128xf32>
    %get3A_8 = vector.shape_cast %get3A_7 : vector<1x10000x128xf32> to vector<10000x128xf32>
    %add3A = arith.addf %get3A_3, %get3A_8 : vector<10000x128xf32>
    %get3A_9 = arith.constant 0 : index
    %get3A_10 = arith.constant 0 : index
    %get3A_11 = arith.constant 0 : index
    %get3A_12 = vector.load %arg1[%get3A_9, %get3A_10, %get3A_11] : memref<2x10112x16xf32, #tpu.memory_space<vmem>>, vector<1x10000x16xf32>
    %get3A_13 = vector.shape_cast %get3A_12 : vector<1x10000x16xf32> to vector<10000x16xf32>
    %get3A_14 = arith.constant 1 : index
    %get3A_15 = arith.constant 0 : index
    %get3A_16 = arith.constant 0 : index
    %get3A_17 = vector.load %arg1[%get3A_14, %get3A_15, %get3A_16] : memref<2x10112x16xf32, #tpu.memory_space<vmem>>, vector<1x10000x16xf32>
    %get3A_18 = vector.shape_cast %get3A_17 : vector<1x10000x16xf32> to vector<10000x16xf32>
    %add3A_19 = arith.addf %get3A_13, %get3A_18 : vector<10000x16xf32>
    %get3A_20 = arith.constant 0 : index
    %get3A_21 = arith.constant 0 : index
    %get3A_22 = vector.load %arg4[%get3A_20, %get3A_21] : memref<128x128xf32, #tpu.memory_space<vmem>>, vector<128x128xf32>
    %get3A_23 = arith.constant 0 : index
    %get3A_24 = arith.constant 0 : index
    %get3A_25 = vector.load %arg3[%get3A_23, %get3A_24] : memref<16x128xf32, #tpu.memory_space<vmem>>, vector<16x128xf32>
    %dot_general3A = arith.constant dense<0.000000e+00> : vector<16x128xf32>
    %dot_general3A_26 = tpu.matmul %get3A_25, %get3A_22, %dot_general3A {dimension_numbers = #tpu.dot_dimension_numbers<[1], [0], [0], [1], [0, 0, 1, 1], [], []>, transpose_lhs_hint = false} : vector<16x128xf32>, vector<128x128xf32>, vector<16x128xf32> -> vector<16x128xf32>
    %dot_general3A_27 = arith.constant dense<0.000000e+00> : vector<10000x128xf32>
    %dot_general3A_28 = tpu.matmul %add3A, %get3A_22, %dot_general3A_27 {dimension_numbers = #tpu.dot_dimension_numbers<[1], [0], [0], [1], [0, 0, 1, 1], [], []>, transpose_lhs_hint = false} : vector<10000x128xf32>, vector<128x128xf32>, vector<10000x128xf32> -> vector<10000x128xf32>
    %dot_general3A_29 = arith.constant dense<0.000000e+00> : vector<10000x128xf32>
    %dot_general3A_30 = tpu.matmul %add3A_19, %dot_general3A_26, %dot_general3A_29 {dimension_numbers = #tpu.dot_dimension_numbers<[1], [0], [0], [1], [0, 0, 1, 1], [], []>, transpose_lhs_hint = false} : vector<10000x16xf32>, vector<16x128xf32>, vector<10000x128xf32> -> vector<10000x128xf32>
    %add3A_31 = arith.addf %dot_general3A_28, %dot_general3A_30 : vector<10000x128xf32>
    %get3A_32 = arith.constant 0 : index
    %get3A_33 = vector.load %arg2[%get3A_32] : memref<10240xf32, #tpu.memory_space<vmem>>, vector<10240xf32>
    %slice3A = vector.extract_strided_slice %get3A_33 {offsets = [0], sizes = [10000], strides = [1]} : vector<10240xf32> to vector<10000xf32>
    %broadcast_in_dim3A = vector.shape_cast %slice3A : vector<10000xf32> to vector<10000x1xf32>
    %mul3A = vector.broadcast %broadcast_in_dim3A : vector<10000x1xf32> to vector<10000x128xf32>
    %mul3A_34 = arith.mulf %add3A_31, %mul3A : vector<10000x128xf32>
    %get3A_35 = arith.constant 0 : index
    %get3A_36 = vector.load %arg5[%get3A_35] : memref<128xf32, #tpu.memory_space<vmem>>, vector<128xf32>
    %broadcast_in_dim3A_37 = vector.shape_cast %get3A_36 : vector<128xf32> to vector<1x128xf32>
    %add3A_38 = vector.broadcast %broadcast_in_dim3A_37 : vector<1x128xf32> to vector<10000x128xf32>
    %add3A_39 = arith.addf %mul3A_34, %add3A_38 : vector<10000x128xf32>
    %max3A = arith.constant 0.000000e+00 : f32
    %max3A_40 = vector.broadcast %max3A : f32 to vector<10000x128xf32>
    %max3A_41 = arith.maximumf %add3A_39, %max3A_40 : vector<10000x128xf32>
    %swap3A = arith.constant 0 : index
    %swap3A_42 = arith.constant 0 : index
    %swap3A_43 = vector.load %arg6[%swap3A, %swap3A_42] : memref<10000x128xf32, #tpu.memory_space<vmem>>, vector<10000x128xf32>
    tpu.vector_store %arg6[%swap3A, %swap3A_42], %max3A_41 {strides = array<i32>} : memref<10000x128xf32, #tpu.memory_space<vmem>>, vector<10000x128xf32>,
    return
  }
}

module attributes {stable_mosaic.version = 14 : i64} {
  func.func @body(%arg0: memref<4x2048x128xf32, #tpu.memory_space<vmem>>, %arg1: memref<1x128xf32, #tpu.memory_space<vmem>>) attributes {dimension_semantics = [], scalar_prefetch = 0 : i64, scratch_operands = 0 : i64, tpu.core_type = #tpu.core_type<tc>} {
    %get3A = arith.constant 0 : index
    %get3A_0 = arith.constant 0 : index
    %get3A_1 = arith.constant 0 : index
    %get3A_2 = vector.load %arg0[%get3A, %get3A_0, %get3A_1] : memref<4x2048x128xf32, #tpu.memory_space<vmem>>, vector<1x2048x128xf32>
    %get3A_3 = vector.shape_cast %get3A_2 : vector<1x2048x128xf32> to vector<2048x128xf32>
    %get3A_4 = arith.constant 1 : index
    %get3A_5 = arith.constant 0 : index
    %get3A_6 = arith.constant 0 : index
    %get3A_7 = vector.load %arg0[%get3A_4, %get3A_5, %get3A_6] : memref<4x2048x128xf32, #tpu.memory_space<vmem>>, vector<1x2048x128xf32>
    %get3A_8 = vector.shape_cast %get3A_7 : vector<1x2048x128xf32> to vector<2048x128xf32>
    %mul3A = arith.mulf %get3A_3, %get3A_8 : vector<2048x128xf32>
    %reduce_sum3A = arith.constant dense<0.000000e+00> : vector<2048xf32>
    %reduce_sum3A_9 = vector.multi_reduction <add>, %mul3A, %reduce_sum3A [1] : vector<2048x128xf32> to vector<2048xf32>
    %get3A_10 = arith.constant 2 : index
    %get3A_11 = arith.constant 0 : index
    %get3A_12 = arith.constant 0 : index
    %get3A_13 = vector.load %arg0[%get3A_10, %get3A_11, %get3A_12] : memref<4x2048x128xf32, #tpu.memory_space<vmem>>, vector<1x2048x128xf32>
    %get3A_14 = vector.shape_cast %get3A_13 : vector<1x2048x128xf32> to vector<2048x128xf32>
    %get3A_15 = arith.constant 3 : index
    %get3A_16 = arith.constant 0 : index
    %get3A_17 = arith.constant 0 : index
    %get3A_18 = vector.load %arg0[%get3A_15, %get3A_16, %get3A_17] : memref<4x2048x128xf32, #tpu.memory_space<vmem>>, vector<1x2048x128xf32>
    %get3A_19 = vector.shape_cast %get3A_18 : vector<1x2048x128xf32> to vector<2048x128xf32>
    %mul3A_20 = arith.mulf %get3A_14, %get3A_19 : vector<2048x128xf32>
    %reduce_sum3A_21 = arith.constant dense<0.000000e+00> : vector<2048xf32>
    %reduce_sum3A_22 = vector.multi_reduction <add>, %mul3A_20, %reduce_sum3A_21 [1] : vector<2048x128xf32> to vector<2048xf32>
    %neg3A = arith.constant 0.000000e+00 : f32
    %neg3A_23 = vector.broadcast %neg3A : f32 to vector<2048xf32>
    %neg3A_24 = arith.subf %neg3A_23, %reduce_sum3A_9 : vector<2048xf32>
    %max3A = arith.constant 0.000000e+00 : f32
    %max3A_25 = vector.broadcast %max3A : f32 to vector<2048xf32>
    %max3A_26 = arith.maximumf %neg3A_24, %max3A_25 : vector<2048xf32>
    %abs3A = math.absf %neg3A_24 : vector<2048xf32>
    %neg3A_27 = arith.constant 0.000000e+00 : f32
    %neg3A_28 = vector.broadcast %neg3A_27 : f32 to vector<2048xf32>
    %neg3A_29 = arith.subf %neg3A_28, %abs3A : vector<2048xf32>
    %exp3A = math.exp %neg3A_29 : vector<2048xf32>
    %log1p3A = math.log1p %exp3A : vector<2048xf32>
    %add3A = arith.addf %max3A_26, %log1p3A : vector<2048xf32>
    %reduce_sum3A_30 = vector.shape_cast %add3A : vector<2048xf32> to vector<1x2048xf32>
    %reduce_sum3A_31 = arith.constant dense<0.000000e+00> : vector<1xf32>
    %reduce_sum3A_32 = vector.multi_reduction <add>, %reduce_sum3A_30, %reduce_sum3A_31 [1] : vector<1x2048xf32> to vector<1xf32>
    %reduce_sum3A_33 = vector.shape_cast %reduce_sum3A_32 : vector<1xf32> to vector<1x1xf32>
    %reduce_sum3A_34 = vector.extract %reduce_sum3A_33[0, 0] : f32 from vector<1x1xf32>
    %div3A = arith.constant 2.048000e+03 : f32
    %div3A_35 = arith.divf %reduce_sum3A_34, %div3A : f32
    %max3A_36 = arith.constant 0.000000e+00 : f32
    %max3A_37 = vector.broadcast %max3A_36 : f32 to vector<2048xf32>
    %max3A_38 = arith.maximumf %reduce_sum3A_22, %max3A_37 : vector<2048xf32>
    %abs3A_39 = math.absf %reduce_sum3A_22 : vector<2048xf32>
    %neg3A_40 = arith.constant 0.000000e+00 : f32
    %neg3A_41 = vector.broadcast %neg3A_40 : f32 to vector<2048xf32>
    %neg3A_42 = arith.subf %neg3A_41, %abs3A_39 : vector<2048xf32>
    %exp3A_43 = math.exp %neg3A_42 : vector<2048xf32>
    %log1p3A_44 = math.log1p %exp3A_43 : vector<2048xf32>
    %add3A_45 = arith.addf %max3A_38, %log1p3A_44 : vector<2048xf32>
    %reduce_sum3A_46 = vector.shape_cast %add3A_45 : vector<2048xf32> to vector<1x2048xf32>
    %reduce_sum3A_47 = arith.constant dense<0.000000e+00> : vector<1xf32>
    %reduce_sum3A_48 = vector.multi_reduction <add>, %reduce_sum3A_46, %reduce_sum3A_47 [1] : vector<1x2048xf32> to vector<1xf32>
    %reduce_sum3A_49 = vector.shape_cast %reduce_sum3A_48 : vector<1xf32> to vector<1x1xf32>
    %reduce_sum3A_50 = vector.extract %reduce_sum3A_49[0, 0] : f32 from vector<1x1xf32>
    %div3A_51 = arith.constant 2.048000e+03 : f32
    %div3A_52 = arith.divf %reduce_sum3A_50, %div3A_51 : f32
    %add3A_53 = arith.addf %div3A_35, %div3A_52 : f32
    %broadcast_in_dim3A = vector.broadcast %add3A_53 : f32 to vector<1x128xf32>
    %swap3A = arith.constant 0 : index
    %swap3A_54 = arith.constant 0 : index
    %swap3A_55 = vector.load %arg1[%swap3A, %swap3A_54] : memref<1x128xf32, #tpu.memory_space<vmem>>, vector<1x128xf32>
    tpu.vector_store %arg1[%swap3A, %swap3A_54], %broadcast_in_dim3A {strides = array<i32>} : memref<1x128xf32, #tpu.memory_space<vmem>>, vector<1x128xf32>,
    return
  }
}

</mosaic_0001>

<sc_bundles>
// kernel: kernel.11.cloned.1.call-start
scs
__scs_entry_jumppad:
0x0: {  	(pc) =	sbr.rel $0x88, $3  }
0x1: {  	(tag) =	ssettag $0x0;
	lr =	simm.s32 $0x1  }
0x2: {  	[smem:$0x3F98] =	sst lr;
	_ =	strace $0xD0000000  }
0x3: {  	_ = 	snop  }
0x4: {  	_ = 	snop  }
0x5: {  	_ = 	snop  }
0x6: {  	_ = 	snop  }
0x7: {  	_ = 	snop  }
__scs_overlays_trampoline_lowered:
0x8: {  	[smem:$0x3FA7] =	sst s0  }
0x9: {  	[smem:$0x3FA8] =	sst s1  }
0xa: {  	[smem:$0x3FA9] =	sst s2  }
0xb: {  	[smem:$0x3FAA] =	sst s3  }
0xc: {  	[smem:$0x3FAB] =	sst s4  }
0xd: {  	[smem:$0x3FAC] =	sst s5  }
0xe: {  	[smem:$0x3FAD] =	sst s6  }
0xf: {  	[smem:$0x3FAE] =	sst s7  }
0x10: {  	[smem:$0x3FAF] =	sst s8  }
0x11: {  	[smem:$0x3FB0] =	sst s9;
	s0 =	simm.s32 @!p0 $0x0  }
0x12: {  	s1 =	sld [smem:$0x3F96];
	s0 =	simm.s32 @p0 $0x1  }
0x13: {  	[smem:$0x3FB1] =	sst s0;
	s0 =	simm.s32 @!p1 $0x0  }
0x14: {  	s2 =	sld [smem:$0x3F95];
	s0 =	simm.s32 @p1 $0x1  }
0x15: {  	[smem:$0x3FB2] =	sst s0;
	s0 =	simm.s32 @!p2 $0x0  }
0x16: {  	s3 =	sld [smem:$0x3FDB];
	s0 =	simm.s32 @p2 $0x1  }
0x17: {  	s4 =	simm.s32 $0x1BF5;
	[smem:$0x3FB4] =	sst s0  }
0x18: {  	s0 =	sld [smem:$0x3F97];
	_ =	swait.ge [sflag:s4], $0x0  }
0x19: {  	s7 =	sld [smem:$0x3F98]  }
0x1a: {  	s8 =	sadd.s32 $0xFFFFE003, lr  }
0x1b: {  	s9 =	sadd.s32 $0xFFFFFEF7, lr;
	s5 =	simm.s32 $0xFFFFFFFF;
	p2 =	slt.u32 s8, $0xFFFFF086  }
0x1c: {  	p1 =	slt.u32 s9, $0xF7A;
	s5 =	simm.s32 @!p2 $0x0  }
0x1d: {  	s5 =	simm.s32 @p1 $0x1;
	p0 =	seq.s32 s7, s2  }
0x1e: {  	s7 =	smul.u32 @!p0 $0xF7A, s2;
	p2 =	seq.s32 @!p0 s5, $0x0  }
0x1f: {  	s9 =	smul.u32 $0xF7A, s1;
	s8 =	simm.s32 @!p0 $0x1BF5;
	p2 =	por !p2, p0  }
0x20: {  	[sflag:s8] =	ssyncset.s32 @!p0 $0xFFFFF086;
	s6 =	sadd.s32 @!p0 s3, s7;
	s7 =	simm.s32 @!p0 $0x108  }
0x21: {  	s3 =	sadd.s32 s3, s9;
	s6 =	sadd.s32 @!p0 $0x88, s6;
	s7 =	simm.s32 @p2 $0x1082  }
0x22: {  	[simem:s7], [sflag:s8] =	dma.local @!p0 [hbm:s6], $0xF7A  }
0x23: {  	s9 =	sor.u32 $0xD0000000, s2;
	s6 =	simm.s32 $0x108;
	_ =	swait.ge @!p0 [sflag:s8], $0x0  }
0x24: {  	s3 =	sadd.s32 $0x88, s3;
	s6 =	simm.s32 @!p1 $0x1082;
	[sflag:s4] =	ssyncset.s32 $0xFFFFF086  }
0x25: {  	[simem:s6], [sflag:s4] =	dma.local [hbm:s3], $0xF7A  }
0x26: {  	[smem:$0x3F98] =	sst s1;
	(tag) =	ssettag s2;
	_ =	strace s9  }
0x27: {  	s1 =	sld [smem:$0x3FA8]  }
0x28: {  	s2 =	sld [smem:$0x3FA9]  }
0x29: {  	s4 =	sld [smem:$0x3FAB]  }
0x2a: {  	p0 =	seq.s32 s5, $0x0;
	s5 =	sld [smem:$0x3FAC]  }
0x2b: {  	s6 =	sld [smem:$0x3FAD]  }
0x2c: {  	s7 =	sld [smem:$0x3FAE]  }
0x2d: {  	s3 =	simm.s32 $0x108;
	s8 =	sld [smem:$0x3FAF]  }
0x2e: {  	s3 =	simm.s32 @!p0 $0x1082;
	s9 =	sld [smem:$0x3FB0]  }
0x2f: {  	lr =	sadd.s32 s0, s3;
	s0 =	sld [smem:$0x3FA7]  }
0x30: {  	s3 =	sld [smem:$0x3FAA]  }
0x31: {  	[smem:$0x3FB3] =	sst s10  }
0x32: {  	s10 =	sld [smem:$0x3FB1];
	_ =	sdelay $0x3  }
0x33: {  	p0 =	seq.s32 s10, $0x1;
	s10 =	sld [smem:$0x3FB3];
	_ =	sdelay $0x3  }
0x34: {  	[smem:$0x3FB3] =	sst s10  }
0x35: {  	s10 =	sld [smem:$0x3FB2];
	_ =	sdelay $0x3  }
0x36: {  	p1 =	seq.s32 s10, $0x1;
	s10 =	sld [smem:$0x3FB3];
	_ =	sdelay $0x3  }
0x37: {  	[smem:$0x3FB3] =	sst s10  }
0x38: {  	s10 =	sld [smem:$0x3FB4]  }
0x39: {  	_ = 	snop;
	(pc) =	sbr.ind lr, $3  }
0x3a: {  	_ = 	snop  }
0x3b: {  	_ = 	snop  }
0x3c: {  	p2 =	seq.s32 s10, $0x1;
	s10 =	sld [smem:$0x3FB3]  }
0x3d: {  	_ =	shalt  }
0x3e: {  	_ =	shalt  }
0x3f: {  	_ =	shalt  }
0x40: {  	_ =	shalt  }
0x41: {  	_ =	shalt  }
0x42: {  	_ =	shalt  }
0x43: {  	_ =	shalt  }
0x44: {  	_ =	shalt  }
0x45: {  	_ =	shalt  }
0x46: {  	_ =	shalt  }
0x47: {  	_ =	shalt  }
0x48: {  	_ =	shalt  }
0x49: {  	_ =	shalt  }
0x4a: {  	_ =	shalt  }
0x4b: {  	_ =	shalt  }
0x4c: {  	_ =	shalt  }
0x4d: {  	_ =	shalt  }
0x4e: {  	_ =	shalt  }
0x4f: {  	_ =	shalt  }
0x50: {  	_ =	shalt  }
0x51: {  	_ =	shalt  }
0x52: {  	_ =	shalt  }
0x53: {  	_ =	shalt  }
0x54: {  	_ =	shalt  }
0x55: {  	_ =	shalt  }
0x56: {  	_ =	shalt  }
0x57: {  	_ =	shalt  }
0x58: {  	_ =	shalt  }
0x59: {  	_ =	shalt  }
0x5a: {  	_ =	shalt  }
0x5b: {  	_ =	shalt  }
0x5c: {  	_ =	shalt  }
0x5d: {  	_ =	shalt  }
0x5e: {  	_ =	shalt  }
0x5f: {  	_ =	shalt  }
0x60: {  	_ =	shalt  }
0x61: {  	_ =	shalt  }
0x62: {  	_ =	shalt  }
0x63: {  	_ =	shalt  }
0x64: {  	_ =	shalt  }
0x65: {  	_ =	shalt  }
0x66: {  	_ =	shalt  }
0x67: {  	_ =	shalt  }
0x68: {  	_ =	shalt  }
0x69: {  	_ =	shalt  }
0x6a: {  	_ =	shalt  }
0x6b: {  	_ =	shalt  }
0x6c: {  	_ =	shalt  }
0x6d: {  	_ =	shalt  }
0x6e: {  	_ =	shalt  }
0x6f: {  	_ =	shalt  }
0x70: {  	_ =	shalt  }
0x71: {  	_ =	shalt  }
0x72: {  	_ =	shalt  }
0x73: {  	_ =	shalt  }
0x74: {  	_ =	shalt  }
0x75: {  	_ =	shalt  }
0x76: {  	_ =	shalt  }
0x77: {  	_ =	shalt  }
0x78: {  	_ =	shalt  }
0x79: {  	_ =	shalt  }
0x7a: {  	_ =	shalt  }
0x7b: {  	_ =	shalt  }
0x7c: {  	_ =	shalt  }
0x7d: {  	_ =	shalt  }
0x7e: {  	_ =	shalt  }
0x7f: {  	_ =	shalt  }
0x80: {  	_ =	shalt  }
0x81: {  	_ =	shalt  }
0x82: {  	_ =	shalt  }
0x83: {  	_ =	shalt  }
0x84: {  	_ =	shalt  }
0x85: {  	_ =	shalt  }
0x86: {  	_ =	shalt  }
0x87: {  	_ =	shalt  }
.Lfunc_end0:
.L_simem_size_0:
called_computation_lowered:
.L_overlay_start_0:
0x88: {  	s2 =	sld [smem:$0x3FD9]  }
0x89: {  	s3 =	sld [smem:$0x3FFE];
	_ =	sdelay $0x1  }
0x8a: {  	s1 =	srdreg.scid  }
0x8b: {  	s0 =	sand.u32 $0x1, s1  }
0x8c: {  	s17 =	sshll.u32 s0, $0xA;
	s2 =	sadd.s32 s3, s2  }
0x8d: {  	s2 =	sadd.s32 s2, s17  }
0x8e: {  	[smem:$0x3FBF] =	sst s2  }
0x8f: {  	_ = 	snop  }
0x90: {  	s2 =	sld [smem:$0x3FD0];
	(tm) =	ssettm $0x1  }
0x91: {  	s18 =	sld [smem:$0x3FFB];
	_ =	sdelay $0x3  }
0x92: {  	_ =	strace s18  }
0x93: {  	s3 =	sld [smem:$0x3FFC];
	_ =	sdelay $0x3  }
0x94: {  	_ =	strace s3  }
0x95: {  	s3 =	sld [smem:$0x3FFD];
	_ =	sdelay $0x3  }
0x96: {  	_ =	strace s3  }
0x97: {  	_ =	strace $0x8FFFFFFF  }
0x98: {  	s19 =	sld [smem:$0x3FDB];
	_ =	sdelay $0x1  }
0x99: {  	s4 =	simm.s32 $_scs_section_size  }
0x9a: {  	s5 =	simm.s32 $_size__tile_overlayer_lowered;
	s6 =	simm.s32 $_tile_overlayer_lowered  }
0x9b: {  	s22 =	simm.s32 $0x1BFF;
	s21 =	sshll.u32 s6, $0x1;
	s3 =	sadd.s32 s4, s19  }
0x9c: {  	s7 =	simm.s32 $0x0;
	s20 =	sshll.u32 s5, $0x1;
	s5 =	sadd.s32 s21, s3  }
0x9d: {  	[timem:s7], [sflag:s22] =	dma.local [hbm:s5], s20  }
0x9e: {  	_ =	swait.ge [sflag:s22], s20  }
0x9f: {  	s4 =	ssub.s32 $0x0, s20;
	[sflag:s22] =	ssyncset.done $0x0  }
0xa0: {  	[sflag:s22] =	ssyncadd.s32 s4;
	_ =	sdelay $0x1  }
0xa1: {  	s23 =	simm.s32 $0x1B8B  }
0xa2: {  	_ =	swait.ge [sflag:s23], $0x1  }
0xa3: {  	[sflag:s23] =	ssyncset.done $0x0  }
0xa4: {  	s25 =	simm.s32 $0x1B8E;
	s24 =	sld [smem:$0x3FFE];
	[sflag:s23] =	ssyncadd.s32 $0xFFFFFFFF  }
0xa5: {  	s26 =	simm.s32 $execute0_lowered;
	[smem:$0x3FD2] =	sst s25  }
0xa6: {  	s5 =	sshll.u32 s26, $0x1;
	_ =	strace $0x80000046;
	[dreg:$0x1] =	wrdreg $0xFFFFFFFF  }
0xa7: {  	s28 =	simm.s32 $_size_execute0_lowered;
	s3 =	sadd.s32 s3, s5;
	[dreg:$0x0] =	wrdreg $0x0  }
0xa8: {  	s5 =	sshll.u32 s28, $0x1;
	[dreg:$0x2] =	wrdreg s3  }
0xa9: {  	[dreg:$0x3] =	wrdreg s5  }
0xaa: {  	[dreg:$0x4] =	wrdreg $0xC0  }
0xab: {  	_ =	task [dreg:s7], $0x5FFFF  }
0xac: {  	[dreg:$0x1] =	wrdreg $0xFFFFFFFF  }
0xad: {  	[dreg:$0x0] =	wrdreg $0x60  }
0xae: {  	[dreg:$0x2] =	wrdreg s24  }
0xaf: {  	[dreg:$0x3] =	wrdreg s2  }
0xb0: {  	[dreg:$0x4] =	wrdreg $0x2D800  }
0xb1: {  	[dreg:$0x5] =	wrdreg $0x9  }
0xb2: {  	_ =	task.clear_ibuf [dreg:s7], $0x6FFFF;
	_ =	strace $0x90000046  }
0xb3: {  	s29 =	simm.s32 $0x9;
	_ =	strace $0x80000048  }
0xb4: {  	_ =	swait.ge [sflag:s29], $0x1  }
0xb5: {  	[sflag:s29] =	ssyncadd.s32 $0xFFFFFFFF  }
0xb6: {  	_ =	strace $0x90000048  }
0xb7: {  	_ =	sfence  }
0xb8: {  	s30 =	sld [smem:$0x0];
	_ =	sdelay $0x2  }
0xb9: {  	s31 =	sshll.u32 s1, $0xD;
	s1 =	sshrl.u32 s1, $0x2  }
0xba: {  	s3 =	sand.u32 $0x4000, s31;
	s1 =	sadd.s32 s1, s30  }
0xbb: {  	s0 =	sor.u32 s3, s0;
	s1 =	sshll.u32 s1, $0x11  }
0xbc: {  	s0 =	sor.u32 s1, s0  }
0xbd: {  	s0 =	sadd.s32 $0x8F2B, s0  }
0xbe: {  	[sflag:s0] =	ssyncadd.remote.s32 $0x1  }
0xbf: {  	_ =	sfence.sel $0xFFFF  }
0xc0: {  	[dreg:$0x0] =	wrdreg $0xFFFFFFFF;
	(pc) =	sbr.abs _section_cstart, $3  }
0xc1: {  	[dreg:$0x1] =	wrdreg $0xFFFFFFFF  }
0xc2: {  	_ =	task.clear_ibuf [dreg:s7], $0x2FFFF;
	_ =	strace $0x9FFFFFFF  }
0xc3: {  	(tm) =	ssettm $0x7FFFFFFF  }
tec
execute0_lowered:
.L_overlay_start_1:
0x0: {  	(tag) =	ssettag $0x1  }
0x1: {  	s6 =	rddreg [dreg:$0x0]  }
0x2: {  	s0 =	srdreg.scid;
	s2 =	rddreg [dreg:$0x1]  }
0x3: {  	s3 =	rddreg [dreg:$0x2];
	s4 =	simm.s32 $0x0;
	s12 =	simm.s32 $0x2880  }
0x4: {  	s13 =	simm.s32 $0x80;
	s14 =	simm.s32 $0x2B00;
	s15 =	simm.s32 $0x100  }
0x5: {  	s16 =	simm.s32 $0x0;
	s7 =	sand.u32 $0x1, s0;
	s0 =	stileid.u32  }
0x6: {  	[smem:$0x7FF] =	sst s4;
	s1 =	sshll.u32 s7, $0x4;
	s8 =	smul.u32 $0x500, s0  }
0x7: {  	s9 =	sshll.u32 s7, $0x7;
	s30 =	smul.u32 $0xA00, s0;
	s7 =	ssub.s32 $0x2, s7  }
0x8: {  	s5 =	sor.u32 s0, s1;
	s1 =	rddreg [dreg:$0x3];
	_ =	strace $0x80000047  }
0x9: {  	s31 =	sshrl.u32 s7, $0x1;
	s5 =	smul.u32 $0x500, s5;
	s8 =	sor.u32 s9, s8  }
0xa: {  	s9 =	sshrl.u32 s30, $0x2;
	s11 =	ssub.s32 s7, s31;
	s8 =	sshrl.u32 s8, $0x3  }
0xb: {  	s7 =	sadd.s32 s9, s3;
	s9 =	smax.u32 s11, $0x1;
	s11 =	simm.s32 $0x2800  }
0xc: {  	s10 =	sadd.s32 s5, s6;
	s5 =	sadd.s32 $0xE400, s6;
	s8 =	sadd.s32 s8, s6  }
0xd: {  	s6 =	sadd.s32 $0x4400, s10;
	s8 =	sadd.s32 $0xE600, s8;
	s10 =	simm.s32 $0x1  }
.LBB2_1:
0xe: {  	[tilespmem:s4], [sflag:$0x1] =	stream.linear.gather [hbm4b:s6+s4], $0x2780, $0x38;
	[tilespmem:$0x3000] =	vst v63  }
0xf: {  	_ =	swait.ge [sflag:s10], $0x2780  }
0x10: {  	[sflag:s10] =	ssyncset.done $0x0  }
0x11: {  	[sflag:s10] =	ssyncadd.s32 $0xFFFFD880  }
0x12: {  	[tilespmem:s11], [sflag:$0x1] =	stream.linear.gather [hbm4b:s2+s4], $0x80, $0x38;
	[tilespmem:$0x3000] =	vst v63  }
0x13: {  	_ =	swait.ge [sflag:s10], $0x80  }
0x14: {  	[sflag:s10] =	ssyncset.done $0x0  }
0x15: {  	[sflag:s10] =	ssyncadd.s32 $0xFFFFFF80  }
0x16: {  	[tilespmem:s12], [sflag:$0x1] =	stream.linear.gather [hbm4b:s5+s4], $0x280, $0x38;
	[tilespmem:$0x3000] =	vst v63  }
0x17: {  	_ =	swait.ge [sflag:s10], $0x280  }
0x18: {  	[sflag:s10] =	ssyncset.done $0x0  }
0x19: {  	[sflag:s10] =	ssyncadd.s32 $0xFFFFFD80  }
0x1a: {  	[spmem:s7] =	stream.linear.scatter [tilespmem:s12], [sflag:$0x1], $0x280, $0x38;
	[tilespmem:$0x3000] =	vst v63  }
0x1b: {  	_ =	swait.ge [sflag:s10], $0x280  }
0x1c: {  	[sflag:s10] =	ssyncset.done $0x0  }
0x1d: {  	[sflag:s10] =	ssyncadd.s32 $0xFFFFFD80  }
0x1e: {  	s17 =	simm.s32 $0x0;
	[bflag:$0x0] =	sbarrier.arrive $0xFFFF  }
0x1f: {  	[spmem:s3] =	stream.indirect.scatter.add.f32 [tilespmem:s11], [sflag:$0x1], $0x1, s17, s13, $0xb8;
	[tilespmem:$0x3000] =	vst v63  }
0x20: {  	_ =	swait.ge [sflag:s10], $0x80  }
0x21: {  	s17 =	simm.s32 $0x200;
	[sflag:s10] =	ssyncset.done $0x0  }
.LBB2_2:
0x22: {  	s18 =	sshra.s32 s17, $0x2;
	[sflag:s10] =	ssyncadd.s32 $0xFFFFFF80;
	p0 =	sne.s32 s17, $0x9C00  }
0x23: {  	[spmem:s3] =	stream.indirect.scatter.add.f32 [tilespmem:s11], [sflag:$0x1], $0x1, s18, s13, $0xb8;
	[tilespmem:$0x3000] =	vst v63  }
.Ltmp0:
0x24: {  	_ = 	snop;
	(pc) =	sbr.rel @p0 .LBB2_2-.Ltmp0, $4  }
0x25: {  	_ = 	snop  }
0x26: {  	s17 =	sadd.s32 $0x200, s17  }
0x27: {  	_ =	swait.ge [sflag:s10], $0x80  }
0x28: {  	[sflag:s10] =	ssyncset.done $0x0  }
0x29: {  	[sflag:s10] =	ssyncadd.s32 $0xFFFFFF80  }
0x2a: {  	[bflag:$0x0] =	sbarrier.arrive $0xFFFF  }
0x2b: {  	[tilespmem:s14], [sflag:$0x1] =	stream.linear.gather [spmem:s7], $0x280, $0x38;
	[tilespmem:$0x3000] =	vst v63  }
0x2c: {  	s16 =	sadd.s32 $0x1, s16;
	_ =	swait.ge [sflag:s10], $0x280  }
0x2d: {  	p0 =	sne.s32 s16, s9;
	[sflag:s10] =	ssyncset.done $0x0  }
.Ltmp1:
0x2e: {  	[sflag:s10] =	ssyncadd.s32 $0xFFFFFD80;
	(pc) =	sbr.rel @p0 .LBB2_1-.Ltmp1, $4  }
0x2f: {  	[hbm4b:s8+s13] =	stream.strided.scatter [tilespmem:s14], [sflag:$0x1], $0x280, s15, s13, $0x38;
	[tilespmem:$0x3000] =	vst v63  }
0x30: {  	_ =	swait.ge [sflag:s10], $0x280  }
0x31: {  	[sflag:s10] =	ssyncset.done $0x0  }
0x32: {  	[sflag:s10] =	ssyncadd.s32 $0xFFFFFD80  }
0x33: {  	_ =	sfence.sel $0x180000  }
0x34: {  	[bflag:$0x0] =	sbarrier.arrive $0xFFFF  }
0x35: {  	p0 =	sne.s32 s0, $0x0;
	_ =	strace $0x90000047  }
0x36: {  	s0 =	sadd.s32 @!p0 $0x100000, s1;
	[bflag:$0x2] =	sbarrier.arrive $0xFFFF  }
0x37: {  	[sflag:s0] =	ssyncadd.tile.s32 @!p0 $0x1;
	_ =	shalt  }
.Lfunc_end2:
_tile_overlayer_lowered:
.L_overlay_start_2:
0x38: {  	(tag) =	ssettag $0x2  }
0x39: {  	s0 =	rddreg [dreg:$0x0];
	s2 =	stileid.u32  }
0x3a: {  	s1 =	rddreg [dreg:$0x1];
	p0 =	sne.s32 s2, $0x0  }
0x3b: {  	s3 =	rddreg [dreg:$0x2];
	[bflag:$0x3] =	sbarrier.arrive $0xFFFF;
	s2 =	simm.s32 @!p0 $0x1C01  }
0x3c: {  	[timem:s3], [sflag:s2] =	dma.local @!p0 [hbm:s0], s1  }
0x3d: {  	s0 =	simm.s32 @!p0 $0x1  }
0x3e: {  	_ =	swait.ge @!p0 [sflag:s0], s1  }
0x3f: {  	s1 =	ssub.s32 @!p0 $0x0, s1;
	[sflag:s0] =	ssyncset.done @!p0 $0x0  }
0x40: {  	[sflag:s0] =	ssyncadd.s32 @!p0 s1  }
0x41: {  	[bflag:$0x3] =	sbarrier.arrive $0xFFFF  }
0x42: {  	_ =	shalt  }

// kernel: kernel.14.cloned.1.call-start
scs
__scs_entry_jumppad:
0x0: {  	(pc) =	sbr.rel $0x88, $3  }
0x1: {  	(tag) =	ssettag $0x0;
	lr =	simm.s32 $0x1  }
0x2: {  	[smem:$0x3F98] =	sst lr;
	_ =	strace $0xD0000000  }
0x3: {  	_ = 	snop  }
0x4: {  	_ = 	snop  }
0x5: {  	_ = 	snop  }
0x6: {  	_ = 	snop  }
0x7: {  	_ = 	snop  }
__scs_overlays_trampoline_lowered:
0x8: {  	[smem:$0x3FA7] =	sst s0  }
0x9: {  	[smem:$0x3FA8] =	sst s1  }
0xa: {  	[smem:$0x3FA9] =	sst s2  }
0xb: {  	[smem:$0x3FAA] =	sst s3  }
0xc: {  	[smem:$0x3FAB] =	sst s4  }
0xd: {  	[smem:$0x3FAC] =	sst s5  }
0xe: {  	[smem:$0x3FAD] =	sst s6  }
0xf: {  	[smem:$0x3FAE] =	sst s7  }
0x10: {  	[smem:$0x3FAF] =	sst s8  }
0x11: {  	[smem:$0x3FB0] =	sst s9;
	s0 =	simm.s32 @!p0 $0x0  }
0x12: {  	s1 =	sld [smem:$0x3F96];
	s0 =	simm.s32 @p0 $0x1  }
0x13: {  	[smem:$0x3FB1] =	sst s0;
	s0 =	simm.s32 @!p1 $0x0  }
0x14: {  	s2 =	sld [smem:$0x3F95];
	s0 =	simm.s32 @p1 $0x1  }
0x15: {  	[smem:$0x3FB2] =	sst s0;
	s0 =	simm.s32 @!p2 $0x0  }
0x16: {  	s3 =	sld [smem:$0x3FDB];
	s0 =	simm.s32 @p2 $0x1  }
0x17: {  	s4 =	simm.s32 $0x1BF5;
	[smem:$0x3FB4] =	sst s0  }
0x18: {  	s0 =	sld [smem:$0x3F97];
	_ =	swait.ge [sflag:s4], $0x0  }
0x19: {  	s7 =	sld [smem:$0x3F98]  }
0x1a: {  	s8 =	sadd.s32 $0xFFFFE003, lr  }
0x1b: {  	s9 =	sadd.s32 $0xFFFFFEF7, lr;
	s5 =	simm.s32 $0xFFFFFFFF;
	p2 =	slt.u32 s8, $0xFFFFF086  }
0x1c: {  	p1 =	slt.u32 s9, $0xF7A;
	s5 =	simm.s32 @!p2 $0x0  }
0x1d: {  	s5 =	simm.s32 @p1 $0x1;
	p0 =	seq.s32 s7, s2  }
0x1e: {  	s7 =	smul.u32 @!p0 $0xF7A, s2;
	p2 =	seq.s32 @!p0 s5, $0x0  }
0x1f: {  	s9 =	smul.u32 $0xF7A, s1;
	s8 =	simm.s32 @!p0 $0x1BF5;
	p2 =	por !p2, p0  }
0x20: {  	[sflag:s8] =	ssyncset.s32 @!p0 $0xFFFFF086;
	s6 =	sadd.s32 @!p0 s3, s7;
	s7 =	simm.s32 @!p0 $0x108  }
0x21: {  	s3 =	sadd.s32 s3, s9;
	s6 =	sadd.s32 @!p0 $0x88, s6;
	s7 =	simm.s32 @p2 $0x1082  }
0x22: {  	[simem:s7], [sflag:s8] =	dma.local @!p0 [hbm:s6], $0xF7A  }
0x23: {  	s9 =	sor.u32 $0xD0000000, s2;
	s6 =	simm.s32 $0x108;
	_ =	swait.ge @!p0 [sflag:s8], $0x0  }
0x24: {  	s3 =	sadd.s32 $0x88, s3;
	s6 =	simm.s32 @!p1 $0x1082;
	[sflag:s4] =	ssyncset.s32 $0xFFFFF086  }
0x25: {  	[simem:s6], [sflag:s4] =	dma.local [hbm:s3], $0xF7A  }
0x26: {  	[smem:$0x3F98] =	sst s1;
	(tag) =	ssettag s2;
	_ =	strace s9  }
0x27: {  	s1 =	sld [smem:$0x3FA8]  }
0x28: {  	s2 =	sld [smem:$0x3FA9]  }
0x29: {  	s4 =	sld [smem:$0x3FAB]  }
0x2a: {  	p0 =	seq.s32 s5, $0x0;
	s5 =	sld [smem:$0x3FAC]  }
0x2b: {  	s6 =	sld [smem:$0x3FAD]  }
0x2c: {  	s7 =	sld [smem:$0x3FAE]  }
0x2d: {  	s3 =	simm.s32 $0x108;
	s8 =	sld [smem:$0x3FAF]  }
0x2e: {  	s3 =	simm.s32 @!p0 $0x1082;
	s9 =	sld [smem:$0x3FB0]  }
0x2f: {  	lr =	sadd.s32 s0, s3;
	s0 =	sld [smem:$0x3FA7]  }
0x30: {  	s3 =	sld [smem:$0x3FAA]  }
0x31: {  	[smem:$0x3FB3] =	sst s10  }
0x32: {  	s10 =	sld [smem:$0x3FB1];
	_ =	sdelay $0x3  }
0x33: {  	p0 =	seq.s32 s10, $0x1;
	s10 =	sld [smem:$0x3FB3];
	_ =	sdelay $0x3  }
0x34: {  	[smem:$0x3FB3] =	sst s10  }
0x35: {  	s10 =	sld [smem:$0x3FB2];
	_ =	sdelay $0x3  }
0x36: {  	p1 =	seq.s32 s10, $0x1;
	s10 =	sld [smem:$0x3FB3];
	_ =	sdelay $0x3  }
0x37: {  	[smem:$0x3FB3] =	sst s10  }
0x38: {  	s10 =	sld [smem:$0x3FB4]  }
0x39: {  	_ = 	snop;
	(pc) =	sbr.ind lr, $3  }
0x3a: {  	_ = 	snop  }
0x3b: {  	_ = 	snop  }
0x3c: {  	p2 =	seq.s32 s10, $0x1;
	s10 =	sld [smem:$0x3FB3]  }
0x3d: {  	_ =	shalt  }
0x3e: {  	_ =	shalt  }
0x3f: {  	_ =	shalt  }
0x40: {  	_ =	shalt  }
0x41: {  	_ =	shalt  }
0x42: {  	_ =	shalt  }
0x43: {  	_ =	shalt  }
0x44: {  	_ =	shalt  }
0x45: {  	_ =	shalt  }
0x46: {  	_ =	shalt  }
0x47: {  	_ =	shalt  }
0x48: {  	_ =	shalt  }
0x49: {  	_ =	shalt  }
0x4a: {  	_ =	shalt  }
0x4b: {  	_ =	shalt  }
0x4c: {  	_ =	shalt  }
0x4d: {  	_ =	shalt  }
0x4e: {  	_ =	shalt  }
0x4f: {  	_ =	shalt  }
0x50: {  	_ =	shalt  }
0x51: {  	_ =	shalt  }
0x52: {  	_ =	shalt  }
0x53: {  	_ =	shalt  }
0x54: {  	_ =	shalt  }
0x55: {  	_ =	shalt  }
0x56: {  	_ =	shalt  }
0x57: {  	_ =	shalt  }
0x58: {  	_ =	shalt  }
0x59: {  	_ =	shalt  }
0x5a: {  	_ =	shalt  }
0x5b: {  	_ =	shalt  }
0x5c: {  	_ =	shalt  }
0x5d: {  	_ =	shalt  }
0x5e: {  	_ =	shalt  }
0x5f: {  	_ =	shalt  }
0x60: {  	_ =	shalt  }
0x61: {  	_ =	shalt  }
0x62: {  	_ =	shalt  }
0x63: {  	_ =	shalt  }
0x64: {  	_ =	shalt  }
0x65: {  	_ =	shalt  }
0x66: {  	_ =	shalt  }
0x67: {  	_ =	shalt  }
0x68: {  	_ =	shalt  }
0x69: {  	_ =	shalt  }
0x6a: {  	_ =	shalt  }
0x6b: {  	_ =	shalt  }
0x6c: {  	_ =	shalt  }
0x6d: {  	_ =	shalt  }
0x6e: {  	_ =	shalt  }
0x6f: {  	_ =	shalt  }
0x70: {  	_ =	shalt  }
0x71: {  	_ =	shalt  }
0x72: {  	_ =	shalt  }
0x73: {  	_ =	shalt  }
0x74: {  	_ =	shalt  }
0x75: {  	_ =	shalt  }
0x76: {  	_ =	shalt  }
0x77: {  	_ =	shalt  }
0x78: {  	_ =	shalt  }
0x79: {  	_ =	shalt  }
0x7a: {  	_ =	shalt  }
0x7b: {  	_ =	shalt  }
0x7c: {  	_ =	shalt  }
0x7d: {  	_ =	shalt  }
0x7e: {  	_ =	shalt  }
0x7f: {  	_ =	shalt  }
0x80: {  	_ =	shalt  }
0x81: {  	_ =	shalt  }
0x82: {  	_ =	shalt  }
0x83: {  	_ =	shalt  }
0x84: {  	_ =	shalt  }
0x85: {  	_ =	shalt  }
0x86: {  	_ =	shalt  }
0x87: {  	_ =	shalt  }
.Lfunc_end0:
.L_simem_size_0:
called_computation.1_lowered:
.L_overlay_start_0:
0x88: {  	s2 =	sld [smem:$0x3FD9]  }
0x89: {  	s3 =	sld [smem:$0x3FFE];
	_ =	sdelay $0x1  }
0x8a: {  	s1 =	srdreg.scid  }
0x8b: {  	s0 =	sand.u32 $0x1, s1  }
0x8c: {  	s16 =	sshll.u32 s0, $0xA;
	s2 =	sadd.s32 s3, s2  }
0x8d: {  	s2 =	sadd.s32 s2, s16  }
0x8e: {  	[smem:$0x3FBF] =	sst s2  }
0x8f: {  	_ = 	snop  }
0x90: {  	(tm) =	ssettm $0x1  }
0x91: {  	s17 =	sld [smem:$0x3FFB];
	_ =	sdelay $0x3  }
0x92: {  	_ =	strace s17  }
0x93: {  	s2 =	sld [smem:$0x3FFC];
	_ =	sdelay $0x3  }
0x94: {  	_ =	strace s2  }
0x95: {  	s2 =	sld [smem:$0x3FFD];
	_ =	sdelay $0x3  }
0x96: {  	_ =	strace s2  }
0x97: {  	_ =	strace $0x8FFFFFFF  }
0x98: {  	s18 =	sld [smem:$0x3FDB];
	_ =	sdelay $0x1  }
0x99: {  	s19 =	simm.s32 $_scs_section_size  }
0x9a: {  	s4 =	simm.s32 $_size__tile_overlayer_lowered;
	s5 =	simm.s32 $_tile_overlayer_lowered  }
0x9b: {  	s22 =	simm.s32 $0x1BFF;
	s21 =	sshll.u32 s5, $0x1;
	s2 =	sadd.s32 s19, s18  }
0x9c: {  	s6 =	simm.s32 $0x0;
	s20 =	sshll.u32 s4, $0x1;
	s4 =	sadd.s32 s21, s2  }
0x9d: {  	[timem:s6], [sflag:s22] =	dma.local [hbm:s4], s20  }
0x9e: {  	_ =	swait.ge [sflag:s22], s20  }
0x9f: {  	s3 =	ssub.s32 $0x0, s20;
	[sflag:s22] =	ssyncset.done $0x0  }
0xa0: {  	[sflag:s22] =	ssyncadd.s32 s3;
	_ =	sdelay $0x1  }
0xa1: {  	s23 =	simm.s32 $0x1B8B  }
0xa2: {  	_ =	swait.ge [sflag:s23], $0x1  }
0xa3: {  	[sflag:s23] =	ssyncset.done $0x0  }
0xa4: {  	s25 =	simm.s32 $0x1B8E;
	s24 =	sld [smem:$0x3FFE];
	[sflag:s23] =	ssyncadd.s32 $0xFFFFFFFF  }
0xa5: {  	s26 =	simm.s32 $execute0_lowered;
	[smem:$0x3FD2] =	sst s25  }
0xa6: {  	s4 =	sshll.u32 s26, $0x1;
	_ =	strace $0x80000049;
	[dreg:$0x1] =	wrdreg $0xFFFFFFFF  }
0xa7: {  	s28 =	simm.s32 $_size_execute0_lowered;
	s2 =	sadd.s32 s2, s4;
	[dreg:$0x0] =	wrdreg $0x0  }
0xa8: {  	s4 =	sshll.u32 s28, $0x1;
	[dreg:$0x2] =	wrdreg s2  }
0xa9: {  	[dreg:$0x3] =	wrdreg s4  }
0xaa: {  	[dreg:$0x4] =	wrdreg $0xC0  }
0xab: {  	_ =	task [dreg:s6], $0x5FFFF  }
0xac: {  	[dreg:$0x1] =	wrdreg $0xFFFFFFFF  }
0xad: {  	[dreg:$0x0] =	wrdreg $0x60  }
0xae: {  	[dreg:$0x2] =	wrdreg s24  }
0xaf: {  	[dreg:$0x3] =	wrdreg $0x78000  }
0xb0: {  	[dreg:$0x4] =	wrdreg $0xA  }
0xb1: {  	_ =	task.clear_ibuf [dreg:s6], $0x5FFFF;
	_ =	strace $0x90000049  }
0xb2: {  	s29 =	simm.s32 $0xA;
	_ =	strace $0x8000004B  }
0xb3: {  	_ =	swait.ge [sflag:s29], $0x1  }
0xb4: {  	[sflag:s29] =	ssyncadd.s32 $0xFFFFFFFF  }
0xb5: {  	_ =	strace $0x9000004B  }
0xb6: {  	_ =	sfence  }
0xb7: {  	s30 =	sld [smem:$0x0];
	_ =	sdelay $0x2  }
0xb8: {  	s31 =	sshll.u32 s1, $0xD;
	s1 =	sshrl.u32 s1, $0x2  }
0xb9: {  	s3 =	sand.u32 $0x4000, s31;
	s1 =	sadd.s32 s1, s30  }
0xba: {  	s0 =	sor.u32 s3, s0;
	s1 =	sshll.u32 s1, $0x11  }
0xbb: {  	s0 =	sor.u32 s1, s0  }
0xbc: {  	s0 =	sadd.s32 $0x8F2B, s0  }
0xbd: {  	[sflag:s0] =	ssyncadd.remote.s32 $0x1  }
0xbe: {  	_ =	sfence.sel $0xFFFF  }
0xbf: {  	[dreg:$0x0] =	wrdreg $0xFFFFFFFF;
	(pc) =	sbr.abs _section_cstart, $3  }
0xc0: {  	[dreg:$0x1] =	wrdreg $0xFFFFFFFF  }
0xc1: {  	_ =	task.clear_ibuf [dreg:s6], $0x2FFFF;
	_ =	strace $0x9FFFFFFF  }
0xc2: {  	(tm) =	ssettm $0x7FFFFFFF  }
0xc3: {  	_ =	shalt  }
tec
execute0_lowered:
.L_overlay_start_1:
0x0: {  	(tag) =	ssettag $0x1  }
0x1: {  	s5 =	rddreg [dreg:$0x0]  }
0x2: {  	s1 =	rddreg [dreg:$0x1];
	s2 =	simm.s32 $0x0  }
0x3: {  	[smem:$0x7FF] =	sst s2;
	s7 =	sadd.s32 $0xE400, s5  }
0x4: {  	s20 =	simm.s32 $0x2880;
	_ =	strace $0x8000004A;
	[dreg:$0x3] =	wrdreg s7  }
0x5: {  	s21 =	simm.s32 $0x100;
	[dreg:$0x6] =	wrdreg s20  }
0x6: {  	s22 =	simm.s32 $0x2900;
	[dreg:$0x7] =	wrdreg s21  }
0x7: {  	s23 =	simm.s32 $0x180;
	[dreg:$0x8] =	wrdreg s22  }
0x8: {  	s24 =	simm.s32 $0x2980;
	[dreg:$0x9] =	wrdreg s23  }
0x9: {  	s25 =	simm.s32 $0x200;
	[dreg:$0xa] =	wrdreg s24  }
0xa: {  	s26 =	simm.s32 $0x2A00;
	[dreg:$0xb] =	wrdreg s25  }
0xb: {  	s29 =	simm.s32 $0x280;
	[dreg:$0xc] =	wrdreg s26  }
0xc: {  	s30 =	simm.s32 $0x2A80;
	[dreg:$0xd] =	wrdreg s29  }
0xd: {  	s31 =	simm.s32 $0x300;
	[dreg:$0xe] =	wrdreg s30  }
0xe: {  	s8 =	simm.s32 $0x400;
	[dreg:$0xf] =	wrdreg s31  }
0xf: {  	s9 =	simm.s32 $0x2C00;
	[dreg:$0x13] =	wrdreg s8  }
0x10: {  	s10 =	simm.s32 $0x480;
	[dreg:$0x14] =	wrdreg s9  }
0x11: {  	s11 =	simm.s32 $0x2C80;
	[dreg:$0x15] =	wrdreg s10  }
0x12: {  	s12 =	simm.s32 $0x500;
	[dreg:$0x16] =	wrdreg s11  }
0x13: {  	s13 =	simm.s32 $0x2D00;
	[dreg:$0x17] =	wrdreg s12  }
0x14: {  	s14 =	simm.s32 $0x580;
	[dreg:$0x18] =	wrdreg s13  }
0x15: {  	s15 =	simm.s32 $0x2D80;
	[dreg:$0x19] =	wrdreg s14  }
0x16: {  	s16 =	simm.s32 $0x600;
	[dreg:$0x1a] =	wrdreg s15  }
0x17: {  	s17 =	simm.s32 $0x2E00;
	[dreg:$0x1b] =	wrdreg s16  }
0x18: {  	s18 =	simm.s32 $0x680;
	[dreg:$0x1c] =	wrdreg s17  }
0x19: {  	s19 =	simm.s32 $0x2E80;
	[dreg:$0x1d] =	wrdreg s18  }
0x1a: {  	s7 =	simm.s32 $0x2B80;
	[dreg:$0x1e] =	wrdreg s19  }
0x1b: {  	s20 =	simm.s32 $0x700;
	[dreg:$0x12] =	wrdreg s7  }
0x1c: {  	s21 =	simm.s32 $0x2F00;
	[dreg:$0x1f] =	wrdreg s20  }
0x1d: {  	s22 =	simm.s32 $0x780;
	[smem:$0x791] =	sst s21  }
0x1e: {  	s23 =	simm.s32 $0x2F80;
	[smem:$0x792] =	sst s22  }
0x1f: {  	s24 =	simm.s32 $0x800;
	[smem:$0x793] =	sst s23  }
0x20: {  	s25 =	simm.s32 $0x3000;
	[smem:$0x794] =	sst s24  }
0x21: {  	s26 =	simm.s32 $0x880;
	[smem:$0x795] =	sst s25  }
0x22: {  	s29 =	simm.s32 $0x3080;
	[smem:$0x796] =	sst s26  }
0x23: {  	s30 =	simm.s32 $0x900;
	[smem:$0x797] =	sst s29  }
0x24: {  	s31 =	simm.s32 $0x3100;
	[smem:$0x798] =	sst s30  }
0x25: {  	s8 =	simm.s32 $0x3200;
	[smem:$0x799] =	sst s31  }
0x26: {  	s9 =	simm.s32 $0xA80;
	[smem:$0x79D] =	sst s8  }
0x27: {  	s10 =	simm.s32 $0x3280;
	[smem:$0x79E] =	sst s9  }
0x28: {  	s11 =	simm.s32 $0xB00;
	[smem:$0x79F] =	sst s10  }
0x29: {  	s12 =	simm.s32 $0x3300;
	[smem:$0x7A0] =	sst s11  }
0x2a: {  	s13 =	simm.s32 $0xB80;
	[smem:$0x7A1] =	sst s12  }
0x2b: {  	s14 =	simm.s32 $0x3380;
	[smem:$0x7A2] =	sst s13  }
0x2c: {  	s15 =	simm.s32 $0xC00;
	[smem:$0x7A3] =	sst s14  }
0x2d: {  	s0 =	srdreg.scid;
	s16 =	simm.s32 $0x3400;
	[smem:$0x7A4] =	sst s15  }
0x2e: {  	s4 =	stileid.u32;
	s17 =	simm.s32 $0xC80;
	[smem:$0x7A5] =	sst s16  }
0x2f: {  	s3 =	sand.u32 $0x1, s0;
	s18 =	simm.s32 $0x3480;
	[smem:$0x7A6] =	sst s17  }
0x30: {  	s0 =	sshll.u32 s3, $0x4;
	s19 =	simm.s32 $0xD00;
	[smem:$0x7A7] =	sst s18  }
0x31: {  	s6 =	sor.u32 s4, s0;
	s0 =	simm.s32 $0x2B00;
	[smem:$0x7A8] =	sst s19  }
0x32: {  	s7 =	simm.s32 $0xA00;
	[dreg:$0x10] =	wrdreg s0  }
0x33: {  	s20 =	simm.s32 $0x3500;
	[smem:$0x79C] =	sst s7  }
0x34: {  	s21 =	simm.s32 $0xD80;
	[smem:$0x7A9] =	sst s20  }
0x35: {  	s22 =	simm.s32 $0x3580;
	[smem:$0x7AA] =	sst s21  }
0x36: {  	s23 =	simm.s32 $0xE00;
	[smem:$0x7AB] =	sst s22  }
0x37: {  	s24 =	simm.s32 $0x3600;
	[smem:$0x7AC] =	sst s23  }
0x38: {  	s25 =	simm.s32 $0xE80;
	[smem:$0x7AD] =	sst s24  }
0x39: {  	s26 =	simm.s32 $0x3680;
	[smem:$0x7AE] =	sst s25  }
0x3a: {  	s29 =	simm.s32 $0xF00;
	[smem:$0x7AF] =	sst s26  }
0x3b: {  	s30 =	simm.s32 $0x3700;
	[smem:$0x7B0] =	sst s29  }
0x3c: {  	s31 =	simm.s32 $0xF80;
	[smem:$0x7B1] =	sst s30  }
0x3d: {  	s8 =	simm.s32 $0x1080;
	[smem:$0x7B2] =	sst s31  }
0x3e: {  	s9 =	simm.s32 $0x3880;
	[smem:$0x7B6] =	sst s8  }
0x3f: {  	s10 =	simm.s32 $0x1100;
	[smem:$0x7B7] =	sst s9  }
0x40: {  	s11 =	simm.s32 $0x3900;
	[smem:$0x7B8] =	sst s10  }
0x41: {  	s12 =	simm.s32 $0x1180;
	[smem:$0x7B9] =	sst s11  }
0x42: {  	s13 =	simm.s32 $0x3980;
	[smem:$0x7BA] =	sst s12  }
0x43: {  	s14 =	simm.s32 $0x1200;
	[smem:$0x7BB] =	sst s13  }
0x44: {  	s15 =	simm.s32 $0x3A00;
	[smem:$0x7BC] =	sst s14  }
0x45: {  	s16 =	simm.s32 $0x1280;
	[smem:$0x7BD] =	sst s15  }
0x46: {  	s17 =	simm.s32 $0x3A80;
	[smem:$0x7BE] =	sst s16  }
0x47: {  	s18 =	simm.s32 $0x1300;
	[smem:$0x7BF] =	sst s17  }
0x48: {  	s19 =	simm.s32 $0x3B00;
	[smem:$0x7C0] =	sst s18  }
0x49: {  	s0 =	simm.s32 $0x980;
	[smem:$0x7C1] =	sst s19  }
0x4a: {  	s7 =	simm.s32 $0x3800;
	[smem:$0x79A] =	sst s0  }
0x4b: {  	s20 =	simm.s32 $0x1380;
	[smem:$0x7B5] =	sst s7  }
0x4c: {  	s21 =	simm.s32 $0x3B80;
	[smem:$0x7C2] =	sst s20  }
0x4d: {  	s22 =	simm.s32 $0x1400;
	[smem:$0x7C3] =	sst s21  }
0x4e: {  	s23 =	simm.s32 $0x3C00;
	[smem:$0x7C4] =	sst s22  }
0x4f: {  	s24 =	simm.s32 $0x1480;
	[smem:$0x7C5] =	sst s23  }
0x50: {  	s25 =	simm.s32 $0x3C80;
	[smem:$0x7C6] =	sst s24  }
0x51: {  	s26 =	simm.s32 $0x1500;
	[smem:$0x7C7] =	sst s25  }
0x52: {  	s29 =	simm.s32 $0x3D00;
	[smem:$0x7C8] =	sst s26  }
0x53: {  	s30 =	simm.s32 $0x1580;
	[smem:$0x7C9] =	sst s29  }
0x54: {  	s31 =	simm.s32 $0x3D80;
	[smem:$0x7CA] =	sst s30  }
0x55: {  	s8 =	simm.s32 $0x3E80;
	[smem:$0x7CB] =	sst s31  }
0x56: {  	s9 =	simm.s32 $0x1700;
	[smem:$0x7CF] =	sst s8  }
0x57: {  	s10 =	simm.s32 $0x3F00;
	[smem:$0x7D0] =	sst s9  }
0x58: {  	s11 =	simm.s32 $0x1780;
	[smem:$0x7D1] =	sst s10  }
0x59: {  	s12 =	simm.s32 $0x3F80;
	[smem:$0x7D2] =	sst s11  }
0x5a: {  	s13 =	simm.s32 $0x1800;
	[smem:$0x7D3] =	sst s12  }
0x5b: {  	s14 =	simm.s32 $0x4000;
	[smem:$0x7D4] =	sst s13  }
0x5c: {  	s15 =	simm.s32 $0x1880;
	[smem:$0x7D5] =	sst s14  }
0x5d: {  	s16 =	simm.s32 $0x4080;
	[smem:$0x7D6] =	sst s15  }
0x5e: {  	s17 =	simm.s32 $0x1900;
	[smem:$0x7D7] =	sst s16  }
0x5f: {  	s18 =	simm.s32 $0x4100;
	[smem:$0x7D8] =	sst s17  }
0x60: {  	s19 =	simm.s32 $0x1980;
	[smem:$0x7D9] =	sst s18  }
0x61: {  	s0 =	simm.s32 $0x3780;
	[smem:$0x7DA] =	sst s19  }
0x62: {  	s7 =	simm.s32 $0x1680;
	[smem:$0x7B3] =	sst s0  }
0x63: {  	s20 =	simm.s32 $0x4180;
	[smem:$0x7CE] =	sst s7  }
0x64: {  	s21 =	simm.s32 $0x1A00;
	[smem:$0x7DB] =	sst s20  }
0x65: {  	s22 =	simm.s32 $0x4200;
	[smem:$0x7DC] =	sst s21  }
0x66: {  	s23 =	simm.s32 $0x1A80;
	[smem:$0x7DD] =	sst s22  }
0x67: {  	s24 =	simm.s32 $0x4280;
	[smem:$0x7DE] =	sst s23  }
0x68: {  	s25 =	simm.s32 $0x1B00;
	[smem:$0x7DF] =	sst s24  }
0x69: {  	s26 =	simm.s32 $0x4300;
	[smem:$0x7E0] =	sst s25  }
0x6a: {  	s29 =	simm.s32 $0x1B80;
	[smem:$0x7E1] =	sst s26  }
0x6b: {  	s30 =	simm.s32 $0x4380;
	[smem:$0x7E2] =	sst s29  }
0x6c: {  	s31 =	simm.s32 $0x1C00;
	[smem:$0x7E3] =	sst s30  }
0x6d: {  	s8 =	simm.s32 $0x1D00;
	[smem:$0x7E4] =	sst s31  }
0x6e: {  	s9 =	simm.s32 $0x4500;
	[smem:$0x7E8] =	sst s8  }
0x6f: {  	s10 =	simm.s32 $0x1D80;
	[smem:$0x7E9] =	sst s9  }
0x70: {  	s11 =	simm.s32 $0x4580;
	[smem:$0x7EA] =	sst s10  }
0x71: {  	s12 =	simm.s32 $0x1E00;
	[smem:$0x7EB] =	sst s11  }
0x72: {  	s13 =	simm.s32 $0x4600;
	[smem:$0x7EC] =	sst s12  }
0x73: {  	s28 =	simm.s32 $0x4F00;
	s14 =	simm.s32 $0x1E80;
	[smem:$0x7ED] =	sst s13  }
0x74: {  	p0 =	sne.s32 s4, $0x0;
	s15 =	simm.s32 $0x4680;
	[smem:$0x7EE] =	sst s14  }
0x75: {  	s3 =	ssub.s32 $0x2, s3;
	s16 =	simm.s32 $0x1F00;
	[smem:$0x7EF] =	sst s15  }
0x76: {  	s6 =	smul.u32 $0x500, s6;
	s17 =	simm.s32 $0x4700;
	[smem:$0x7F0] =	sst s16  }
0x77: {  	s4 =	simm.s32 $0x2;
	s18 =	simm.s32 $0x1F80;
	[smem:$0x7F1] =	sst s17  }
0x78: {  	s19 =	simm.s32 $0x4780;
	s5 =	sadd.s32 s6, s5;
	[smem:$0x7F2] =	sst s18  }
0x79: {  	s0 =	simm.s32 $0x1600;
	s7 =	simm.s32 $0x4480;
	[smem:$0x7F3] =	sst s19  }
0x7a: {  	s20 =	simm.s32 $0x2000;
	s21 =	simm.s32 $0x4800;
	s22 =	sshrl.u32 s3, $0x1  }
0x7b: {  	s23 =	simm.s32 $0x2080;
	s24 =	simm.s32 $0x4880;
	[smem:$0x7CC] =	sst s0  }
0x7c: {  	s25 =	simm.s32 $0x2100;
	s26 =	simm.s32 $0x4900;
	[smem:$0x7E7] =	sst s7  }
0x7d: {  	s29 =	simm.s32 $0x2180;
	s30 =	simm.s32 $0x4980;
	[smem:$0x7F4] =	sst s20  }
0x7e: {  	s8 =	simm.s32 $0x2200;
	s31 =	simm.s32 $0x4A00;
	[smem:$0x7F5] =	sst s21  }
0x7f: {  	s9 =	simm.s32 $0x4A80;
	s10 =	simm.s32 $0x2300;
	[smem:$0x7F6] =	sst s23  }
0x80: {  	s11 =	simm.s32 $0x4B00;
	s12 =	simm.s32 $0x2380;
	[smem:$0x7F7] =	sst s24  }
0x81: {  	s13 =	simm.s32 $0x4B80;
	s14 =	simm.s32 $0x2400;
	[smem:$0x7F8] =	sst s25  }
0x82: {  	s15 =	simm.s32 $0x4C00;
	s16 =	simm.s32 $0x2480;
	[smem:$0x7F9] =	sst s26  }
0x83: {  	s17 =	simm.s32 $0x4C80;
	s18 =	simm.s32 $0x2500;
	[smem:$0x7FA] =	sst s29  }
0x84: {  	s19 =	simm.s32 $0x4D00;
	s6 =	sadd.s32 $0xF000, s5;
	[smem:$0x7FB] =	sst s30  }
0x85: {  	s5 =	sadd.s32 $0x40200, s5;
	s0 =	simm.s32 $0x4400;
	[smem:$0x7FC] =	sst s8  }
0x86: {  	s3 =	ssub.s32 s3, s22;
	s7 =	simm.s32 $0x1;
	[smem:$0x7FD] =	sst s31  }
0x87: {  	s8 =	simm.s32 $0x2280;
	s20 =	simm.s32 $0x2580;
	[dreg:$0x4] =	wrdreg s6  }
0x88: {  	s21 =	simm.s32 $0x4D80;
	s22 =	simm.s32 $0x2600;
	[dreg:$0x5] =	wrdreg s5  }
0x89: {  	s23 =	simm.s32 $0x4E00;
	s6 =	simm.s32 $0x380;
	[smem:$0x7E5] =	sst s0  }
0x8a: {  	s24 =	simm.s32 $0x2680;
	[dreg:$0x11] =	wrdreg s6;
	s6 =	simm.s32 $0x3180  }
0x8b: {  	s25 =	simm.s32 $0x4E80;
	[smem:$0x79B] =	sst s6;
	s6 =	simm.s32 $0x1000  }
0x8c: {  	s26 =	simm.s32 $0x2700;
	[smem:$0x7B4] =	sst s6;
	s6 =	simm.s32 $0x3E00  }
0x8d: {  	s3 =	smax.u32 s3, $0x1;
	[smem:$0x7CD] =	sst s6;
	s6 =	simm.s32 $0x1C80  }
0x8e: {  	s5 =	simm.s32 $0x80;
	[smem:$0x7E6] =	sst s6;
	s6 =	simm.s32 $0x2800  }
.LBB2_1:
0x8f: {  	s29 =	rddreg [dreg:$0x4]  }
0x90: {  	[tilespmem:s2], [sflag:$0x2] =	stream.linear.gather [hbm4b:s29+s2], $0x2780, $0x38;
	[tilespmem:$0x7A80] =	vst v63  }
0x91: {  	_ =	swait.ge [sflag:s4], $0x2780  }
0x92: {  	s30 =	simm.s32 @!p0 $0x0;
	[sflag:s4] =	ssyncset.done $0x0  }
0x93: {  	s31 =	simm.s32 @!p0 $0x5000;
	s29 =	rddreg [dreg:$0x3];
	[sflag:s4] =	ssyncadd.s32 $0xFFFFD880  }
0x94: {  	[tilespmem:s31], [sflag:$0x2] =	stream.linear.gather @!p0 [hbm4b:s29+s30], $0x2800, $0x38;
	[tilespmem:$0x7A80] =	vst v63  }
0x95: {  	s29 =	simm.s32 @!p0 $0x2  }
0x96: {  	_ =	swait.ge @!p0 [sflag:s29], $0x2800  }
0x97: {  	[sflag:s29] =	ssyncset.done @!p0 $0x0  }
0x98: {  	[sflag:s29] =	ssyncadd.s32 @!p0 $0xFFFFD800  }
0x99: {  	[spmem:s1] =	stream.linear.scatter @!p0 [tilespmem:s31], [sflag:$0x2], $0x2800, $0x38;
	[tilespmem:$0x7A80] =	vst v63  }
0x9a: {  	_ =	swait.ge @!p0 [sflag:s29], $0x2800  }
0x9b: {  	[sflag:s29] =	ssyncset.done @!p0 $0x0  }
0x9c: {  	[sflag:s29] =	ssyncadd.s32 @!p0 $0xFFFFD800  }
0x9d: {  	[bflag:$0x0] =	sbarrier.arrive $0xFFFF  }
0x9e: {  	s30 =	rddreg [dreg:$0x6]  }
0x9f: {  	[tilespmem:s6], [sflag:$0x1] =	stream.indirect.gather [spmem:s1], $0x1, s2, s5, $0xb8;
	[tilespmem:$0x7A80] =	vst v63  }
0xa0: {  	s29 =	rddreg [dreg:$0x7]  }
0xa1: {  	s31 =	rddreg [dreg:$0x9]  }
0xa2: {  	s0 =	rddreg [dreg:$0xa]  }
0xa3: {  	[tilespmem:s30], [sflag:$0x1] =	stream.indirect.gather [spmem:s1], $0x1, s5, s5, $0xb8;
	[tilespmem:$0x7A80] =	vst v63  }
0xa4: {  	s30 =	rddreg [dreg:$0x8]  }
0xa5: {  	[tilespmem:s30], [sflag:$0x1] =	stream.indirect.gather [spmem:s1], $0x1, s29, s5, $0xb8;
	[tilespmem:$0x7A80] =	vst v63  }
0xa6: {  	s29 =	rddreg [dreg:$0xc]  }
0xa7: {  	s30 =	rddreg [dreg:$0xd]  }
0xa8: {  	[tilespmem:s0], [sflag:$0x1] =	stream.indirect.gather [spmem:s1], $0x1, s31, s5, $0xb8;
	[tilespmem:$0x7A80] =	vst v63  }
0xa9: {  	s0 =	rddreg [dreg:$0xb]  }
0xaa: {  	s31 =	rddreg [dreg:$0xe]  }
0xab: {  	[tilespmem:s29], [sflag:$0x1] =	stream.indirect.gather [spmem:s1], $0x1, s0, s5, $0xb8;
	[tilespmem:$0x7A80] =	vst v63  }
0xac: {  	s0 =	rddreg [dreg:$0xf]  }
0xad: {  	s29 =	rddreg [dreg:$0x10]  }
0xae: {  	[tilespmem:s31], [sflag:$0x1] =	stream.indirect.gather [spmem:s1], $0x1, s30, s5, $0xb8;
	[tilespmem:$0x7A80] =	vst v63  }
0xaf: {  	s30 =	rddreg [dreg:$0x11]  }
0xb0: {  	[tilespmem:s29], [sflag:$0x1] =	stream.indirect.gather [spmem:s1], $0x1, s0, s5, $0xb8;
	[tilespmem:$0x7A80] =	vst v63  }
0xb1: {  	s31 =	rddreg [dreg:$0x12]  }
0xb2: {  	[tilespmem:s31], [sflag:$0x1] =	stream.indirect.gather [spmem:s1], $0x1, s30, s5, $0xb8;
	[tilespmem:$0x7A80] =	vst v63  }
0xb3: {  	_ =	swait.ge [sflag:s7], $0x80  }
0xb4: {  	[sflag:s7] =	ssyncset.done $0x0  }
0xb5: {  	[sflag:s7] =	ssyncadd.s32 $0xFFFFFF80  }
0xb6: {  	_ =	swait.ge [sflag:s7], $0x80  }
0xb7: {  	[sflag:s7] =	ssyncset.done $0x0  }
0xb8: {  	[sflag:s7] =	ssyncadd.s32 $0xFFFFFF80  }
0xb9: {  	_ =	swait.ge [sflag:s7], $0x80  }
0xba: {  	[sflag:s7] =	ssyncset.done $0x0  }
0xbb: {  	[sflag:s7] =	ssyncadd.s32 $0xFFFFFF80  }
0xbc: {  	_ =	swait.ge [sflag:s7], $0x80  }
0xbd: {  	[sflag:s7] =	ssyncset.done $0x0  }
0xbe: {  	[sflag:s7] =	ssyncadd.s32 $0xFFFFFF80  }
0xbf: {  	_ =	swait.ge [sflag:s7], $0x80  }
0xc0: {  	[sflag:s7] =	ssyncset.done $0x0  }
0xc1: {  	[sflag:s7] =	ssyncadd.s32 $0xFFFFFF80  }
0xc2: {  	_ =	swait.ge [sflag:s7], $0x80  }
0xc3: {  	[sflag:s7] =	ssyncset.done $0x0  }
0xc4: {  	[sflag:s7] =	ssyncadd.s32 $0xFFFFFF80  }
0xc5: {  	_ =	swait.ge [sflag:s7], $0x80  }
0xc6: {  	[sflag:s7] =	ssyncset.done $0x0  }
0xc7: {  	[sflag:s7] =	ssyncadd.s32 $0xFFFFFF80  }
0xc8: {  	_ =	swait.ge [sflag:s7], $0x80  }
0xc9: {  	s0 =	rddreg [dreg:$0x13]  }
0xca: {  	s29 =	rddreg [dreg:$0x14]  }
0xcb: {  	[sflag:s7] =	ssyncset.done $0x0;
	s30 =	rddreg [dreg:$0x15]  }
0xcc: {  	s31 =	rddreg [dreg:$0x16];
	[sflag:s7] =	ssyncadd.s32 $0xFFFFFF80  }
0xcd: {  	[tilespmem:s29], [sflag:$0x1] =	stream.indirect.gather [spmem:s1], $0x1, s0, s5, $0xb8;
	[tilespmem:$0x7A80] =	vst v63  }
0xce: {  	s0 =	rddreg [dreg:$0x17]  }
0xcf: {  	s29 =	rddreg [dreg:$0x18]  }
0xd0: {  	[tilespmem:s31], [sflag:$0x1] =	stream.indirect.gather [spmem:s1], $0x1, s30, s5, $0xb8;
	[tilespmem:$0x7A80] =	vst v63  }
0xd1: {  	s30 =	rddreg [dreg:$0x19]  }
0xd2: {  	s31 =	rddreg [dreg:$0x1a]  }
0xd3: {  	[tilespmem:s29], [sflag:$0x1] =	stream.indirect.gather [spmem:s1], $0x1, s0, s5, $0xb8;
	[tilespmem:$0x7A80] =	vst v63  }
0xd4: {  	s0 =	rddreg [dreg:$0x1b]  }
0xd5: {  	s29 =	rddreg [dreg:$0x1c]  }
0xd6: {  	[tilespmem:s31], [sflag:$0x1] =	stream.indirect.gather [spmem:s1], $0x1, s30, s5, $0xb8;
	[tilespmem:$0x7A80] =	vst v63  }
0xd7: {  	s30 =	rddreg [dreg:$0x1d]  }
0xd8: {  	s31 =	rddreg [dreg:$0x1e]  }
0xd9: {  	[tilespmem:s29], [sflag:$0x1] =	stream.indirect.gather [spmem:s1], $0x1, s0, s5, $0xb8;
	[tilespmem:$0x7A80] =	vst v63  }
0xda: {  	s0 =	rddreg [dreg:$0x1f]  }
0xdb: {  	s29 =	sld [smem:$0x791]  }
0xdc: {  	[tilespmem:s31], [sflag:$0x1] =	stream.indirect.gather [spmem:s1], $0x1, s30, s5, $0xb8;
	[tilespmem:$0x7A80] =	vst v63  }
0xdd: {  	s30 =	sld [smem:$0x792]  }
0xde: {  	s31 =	sld [smem:$0x793]  }
0xdf: {  	[tilespmem:s29], [sflag:$0x1] =	stream.indirect.gather [spmem:s1], $0x1, s0, s5, $0xb8;
	[tilespmem:$0x7A80] =	vst v63  }
0xe0: {  	_ = 	snop  }
0xe1: {  	[tilespmem:s31], [sflag:$0x1] =	stream.indirect.gather [spmem:s1], $0x1, s30, s5, $0xb8;
	[tilespmem:$0x7A80] =	vst v63  }
0xe2: {  	_ =	swait.ge [sflag:s7], $0x80  }
0xe3: {  	[sflag:s7] =	ssyncset.done $0x0  }
0xe4: {  	[sflag:s7] =	ssyncadd.s32 $0xFFFFFF80  }
0xe5: {  	_ =	swait.ge [sflag:s7], $0x80  }
0xe6: {  	[sflag:s7] =	ssyncset.done $0x0  }
0xe7: {  	[sflag:s7] =	ssyncadd.s32 $0xFFFFFF80  }
0xe8: {  	_ =	swait.ge [sflag:s7], $0x80  }
0xe9: {  	[sflag:s7] =	ssyncset.done $0x0  }
0xea: {  	[sflag:s7] =	ssyncadd.s32 $0xFFFFFF80  }
0xeb: {  	_ =	swait.ge [sflag:s7], $0x80  }
0xec: {  	[sflag:s7] =	ssyncset.done $0x0  }
0xed: {  	[sflag:s7] =	ssyncadd.s32 $0xFFFFFF80  }
0xee: {  	_ =	swait.ge [sflag:s7], $0x80  }
0xef: {  	[sflag:s7] =	ssyncset.done $0x0  }
0xf0: {  	[sflag:s7] =	ssyncadd.s32 $0xFFFFFF80  }
0xf1: {  	_ =	swait.ge [sflag:s7], $0x80  }
0xf2: {  	[sflag:s7] =	ssyncset.done $0x0  }
0xf3: {  	[sflag:s7] =	ssyncadd.s32 $0xFFFFFF80  }
0xf4: {  	_ =	swait.ge [sflag:s7], $0x80  }
0xf5: {  	[sflag:s7] =	ssyncset.done $0x0  }
0xf6: {  	[sflag:s7] =	ssyncadd.s32 $0xFFFFFF80  }
0xf7: {  	_ =	swait.ge [sflag:s7], $0x80  }
0xf8: {  	s0 =	sld [smem:$0x794]  }
0xf9: {  	s29 =	sld [smem:$0x795]  }
0xfa: {  	[sflag:s7] =	ssyncset.done $0x0;
	s30 =	sld [smem:$0x796]  }
0xfb: {  	s31 =	sld [smem:$0x797];
	[sflag:s7] =	ssyncadd.s32 $0xFFFFFF80  }
0xfc: {  	[tilespmem:s29], [sflag:$0x1] =	stream.indirect.gather [spmem:s1], $0x1, s0, s5, $0xb8;
	[tilespmem:$0x7A80] =	vst v63  }
0xfd: {  	s0 =	sld [smem:$0x798]  }
0xfe: {  	s29 =	sld [smem:$0x799]  }
0xff: {  	[tilespmem:s31], [sflag:$0x1] =	stream.indirect.gather [spmem:s1], $0x1, s30, s5, $0xb8;
	[tilespmem:$0x7A80] =	vst v63  }
0x100: {  	s30 =	sld [smem:$0x79A]  }
0x101: {  	s31 =	sld [smem:$0x79B]  }
0x102: {  	[tilespmem:s29], [sflag:$0x1] =	stream.indirect.gather [spmem:s1], $0x1, s0, s5, $0xb8;
	[tilespmem:$0x7A80] =	vst v63  }
0x103: {  	s0 =	sld [smem:$0x79C]  }
0x104: {  	s29 =	sld [smem:$0x79D]  }
0x105: {  	[tilespmem:s31], [sflag:$0x1] =	stream.indirect.gather [spmem:s1], $0x1, s30, s5, $0xb8;
	[tilespmem:$0x7A80] =	vst v63  }
0x106: {  	s30 =	sld [smem:$0x79E]  }
0x107: {  	s31 =	sld [smem:$0x79F]  }
0x108: {  	[tilespmem:s29], [sflag:$0x1] =	stream.indirect.gather [spmem:s1], $0x1, s0, s5, $0xb8;
	[tilespmem:$0x7A80] =	vst v63  }
0x109: {  	s0 =	sld [smem:$0x7A0]  }
0x10a: {  	s29 =	sld [smem:$0x7A1]  }
0x10b: {  	[tilespmem:s31], [sflag:$0x1] =	stream.indirect.gather [spmem:s1], $0x1, s30, s5, $0xb8;
	[tilespmem:$0x7A80] =	vst v63  }
0x10c: {  	s30 =	sld [smem:$0x7A2]  }
0x10d: {  	s31 =	sld [smem:$0x7A3]  }
0x10e: {  	[tilespmem:s29], [sflag:$0x1] =	stream.indirect.gather [spmem:s1], $0x1, s0, s5, $0xb8;
	[tilespmem:$0x7A80] =	vst v63  }
0x10f: {  	_ = 	snop  }
0x110: {  	[tilespmem:s31], [sflag:$0x1] =	stream.indirect.gather [spmem:s1], $0x1, s30, s5, $0xb8;
	[tilespmem:$0x7A80] =	vst v63  }
0x111: {  	_ =	swait.ge [sflag:s7], $0x80  }
0x112: {  	[sflag:s7] =	ssyncset.done $0x0  }
0x113: {  	[sflag:s7] =	ssyncadd.s32 $0xFFFFFF80  }
0x114: {  	_ =	swait.ge [sflag:s7], $0x80  }
0x115: {  	[sflag:s7] =	ssyncset.done $0x0  }
0x116: {  	[sflag:s7] =	ssyncadd.s32 $0xFFFFFF80  }
0x117: {  	_ =	swait.ge [sflag:s7], $0x80  }
0x118: {  	[sflag:s7] =	ssyncset.done $0x0  }
0x119: {  	[sflag:s7] =	ssyncadd.s32 $0xFFFFFF80  }
0x11a: {  	_ =	swait.ge [sflag:s7], $0x80  }
0x11b: {  	[sflag:s7] =	ssyncset.done $0x0  }
0x11c: {  	[sflag:s7] =	ssyncadd.s32 $0xFFFFFF80  }
0x11d: {  	_ =	swait.ge [sflag:s7], $0x80  }
0x11e: {  	[sflag:s7] =	ssyncset.done $0x0  }
0x11f: {  	[sflag:s7] =	ssyncadd.s32 $0xFFFFFF80  }
0x120: {  	_ =	swait.ge [sflag:s7], $0x80  }
0x121: {  	[sflag:s7] =	ssyncset.done $0x0  }
0x122: {  	[sflag:s7] =	ssyncadd.s32 $0xFFFFFF80  }
0x123: {  	_ =	swait.ge [sflag:s7], $0x80  }
0x124: {  	[sflag:s7] =	ssyncset.done $0x0  }
0x125: {  	[sflag:s7] =	ssyncadd.s32 $0xFFFFFF80  }
0x126: {  	_ =	swait.ge [sflag:s7], $0x80  }
0x127: {  	s0 =	sld [smem:$0x7A4]  }
0x128: {  	s29 =	sld [smem:$0x7A5]  }
0x129: {  	[sflag:s7] =	ssyncset.done $0x0;
	s30 =	sld [smem:$0x7A6]  }
0x12a: {  	s31 =	sld [smem:$0x7A7];
	[sflag:s7] =	ssyncadd.s32 $0xFFFFFF80  }
0x12b: {  	[tilespmem:s29], [sflag:$0x1] =	stream.indirect.gather [spmem:s1], $0x1, s0, s5, $0xb8;
	[tilespmem:$0x7A80] =	vst v63  }
0x12c: {  	s0 =	sld [smem:$0x7A8]  }
0x12d: {  	s29 =	sld [smem:$0x7A9]  }
0x12e: {  	[tilespmem:s31], [sflag:$0x1] =	stream.indirect.gather [spmem:s1], $0x1, s30, s5, $0xb8;
	[tilespmem:$0x7A80] =	vst v63  }
0x12f: {  	s30 =	sld [smem:$0x7AA]  }
0x130: {  	s31 =	sld [smem:$0x7AB]  }
0x131: {  	[tilespmem:s29], [sflag:$0x1] =	stream.indirect.gather [spmem:s1], $0x1, s0, s5, $0xb8;
	[tilespmem:$0x7A80] =	vst v63  }
0x132: {  	s0 =	sld [smem:$0x7AC]  }
0x133: {  	s29 =	sld [smem:$0x7AD]  }
0x134: {  	[tilespmem:s31], [sflag:$0x1] =	stream.indirect.gather [spmem:s1], $0x1, s30, s5, $0xb8;
	[tilespmem:$0x7A80] =	vst v63  }
0x135: {  	s30 =	sld [smem:$0x7AE]  }
0x136: {  	s31 =	sld [smem:$0x7AF]  }
0x137: {  	[tilespmem:s29], [sflag:$0x1] =	stream.indirect.gather [spmem:s1], $0x1, s0, s5, $0xb8;
	[tilespmem:$0x7A80] =	vst v63  }
0x138: {  	s0 =	sld [smem:$0x7B0]  }
0x139: {  	s29 =	sld [smem:$0x7B1]  }
0x13a: {  	[tilespmem:s31], [sflag:$0x1] =	stream.indirect.gather [spmem:s1], $0x1, s30, s5, $0xb8;
	[tilespmem:$0x7A80] =	vst v63  }
0x13b: {  	s30 =	sld [smem:$0x7B2]  }
0x13c: {  	s31 =	sld [smem:$0x7B3]  }
0x13d: {  	[tilespmem:s29], [sflag:$0x1] =	stream.indirect.gather [spmem:s1], $0x1, s0, s5, $0xb8;
	[tilespmem:$0x7A80] =	vst v63  }
0x13e: {  	_ = 	snop  }
0x13f: {  	[tilespmem:s31], [sflag:$0x1] =	stream.indirect.gather [spmem:s1], $0x1, s30, s5, $0xb8;
	[tilespmem:$0x7A80] =	vst v63  }
0x140: {  	_ =	swait.ge [sflag:s7], $0x80  }
0x141: {  	[sflag:s7] =	ssyncset.done $0x0  }
0x142: {  	[sflag:s7] =	ssyncadd.s32 $0xFFFFFF80  }
0x143: {  	_ =	swait.ge [sflag:s7], $0x80  }
0x144: {  	[sflag:s7] =	ssyncset.done $0x0  }
0x145: {  	[sflag:s7] =	ssyncadd.s32 $0xFFFFFF80  }
0x146: {  	_ =	swait.ge [sflag:s7], $0x80  }
0x147: {  	[sflag:s7] =	ssyncset.done $0x0  }
0x148: {  	[sflag:s7] =	ssyncadd.s32 $0xFFFFFF80  }
0x149: {  	_ =	swait.ge [sflag:s7], $0x80  }
0x14a: {  	[sflag:s7] =	ssyncset.done $0x0  }
0x14b: {  	[sflag:s7] =	ssyncadd.s32 $0xFFFFFF80  }
0x14c: {  	_ =	swait.ge [sflag:s7], $0x80  }
0x14d: {  	[sflag:s7] =	ssyncset.done $0x0  }
0x14e: {  	[sflag:s7] =	ssyncadd.s32 $0xFFFFFF80  }
0x14f: {  	_ =	swait.ge [sflag:s7], $0x80  }
0x150: {  	[sflag:s7] =	ssyncset.done $0x0  }
0x151: {  	[sflag:s7] =	ssyncadd.s32 $0xFFFFFF80  }
0x152: {  	_ =	swait.ge [sflag:s7], $0x80  }
0x153: {  	[sflag:s7] =	ssyncset.done $0x0  }
0x154: {  	[sflag:s7] =	ssyncadd.s32 $0xFFFFFF80  }
0x155: {  	_ =	swait.ge [sflag:s7], $0x80  }
0x156: {  	s0 =	sld [smem:$0x7B4]  }
0x157: {  	s29 =	sld [smem:$0x7B5]  }
0x158: {  	[sflag:s7] =	ssyncset.done $0x0;
	s30 =	sld [smem:$0x7B6]  }
0x159: {  	s31 =	sld [smem:$0x7B7];
	[sflag:s7] =	ssyncadd.s32 $0xFFFFFF80  }
0x15a: {  	[tilespmem:s29], [sflag:$0x1] =	stream.indirect.gather [spmem:s1], $0x1, s0, s5, $0xb8;
	[tilespmem:$0x7A80] =	vst v63  }
0x15b: {  	s0 =	sld [smem:$0x7B8]  }
0x15c: {  	s29 =	sld [smem:$0x7B9]  }
0x15d: {  	[tilespmem:s31], [sflag:$0x1] =	stream.indirect.gather [spmem:s1], $0x1, s30, s5, $0xb8;
	[tilespmem:$0x7A80] =	vst v63  }
0x15e: {  	s30 =	sld [smem:$0x7BA]  }
0x15f: {  	s31 =	sld [smem:$0x7BB]  }
0x160: {  	[tilespmem:s29], [sflag:$0x1] =	stream.indirect.gather [spmem:s1], $0x1, s0, s5, $0xb8;
	[tilespmem:$0x7A80] =	vst v63  }
0x161: {  	s0 =	sld [smem:$0x7BC]  }
0x162: {  	s29 =	sld [smem:$0x7BD]  }
0x163: {  	[tilespmem:s31], [sflag:$0x1] =	stream.indirect.gather [spmem:s1], $0x1, s30, s5, $0xb8;
	[tilespmem:$0x7A80] =	vst v63  }
0x164: {  	s30 =	sld [smem:$0x7BE]  }
0x165: {  	s31 =	sld [smem:$0x7BF]  }
0x166: {  	[tilespmem:s29], [sflag:$0x1] =	stream.indirect.gather [spmem:s1], $0x1, s0, s5, $0xb8;
	[tilespmem:$0x7A80] =	vst v63  }
0x167: {  	s0 =	sld [smem:$0x7C0]  }
0x168: {  	s29 =	sld [smem:$0x7C1]  }
0x169: {  	[tilespmem:s31], [sflag:$0x1] =	stream.indirect.gather [spmem:s1], $0x1, s30, s5, $0xb8;
	[tilespmem:$0x7A80] =	vst v63  }
0x16a: {  	s30 =	sld [smem:$0x7C2]  }
0x16b: {  	s31 =	sld [smem:$0x7C3]  }
0x16c: {  	[tilespmem:s29], [sflag:$0x1] =	stream.indirect.gather [spmem:s1], $0x1, s0, s5, $0xb8;
	[tilespmem:$0x7A80] =	vst v63  }
0x16d: {  	_ = 	snop  }
0x16e: {  	[tilespmem:s31], [sflag:$0x1] =	stream.indirect.gather [spmem:s1], $0x1, s30, s5, $0xb8;
	[tilespmem:$0x7A80] =	vst v63  }
0x16f: {  	_ =	swait.ge [sflag:s7], $0x80  }
0x170: {  	[sflag:s7] =	ssyncset.done $0x0  }
0x171: {  	[sflag:s7] =	ssyncadd.s32 $0xFFFFFF80  }
0x172: {  	_ =	swait.ge [sflag:s7], $0x80  }
0x173: {  	[sflag:s7] =	ssyncset.done $0x0  }
0x174: {  	[sflag:s7] =	ssyncadd.s32 $0xFFFFFF80  }
0x175: {  	_ =	swait.ge [sflag:s7], $0x80  }
0x176: {  	[sflag:s7] =	ssyncset.done $0x0  }
0x177: {  	[sflag:s7] =	ssyncadd.s32 $0xFFFFFF80  }
0x178: {  	_ =	swait.ge [sflag:s7], $0x80  }
0x179: {  	[sflag:s7] =	ssyncset.done $0x0  }
0x17a: {  	[sflag:s7] =	ssyncadd.s32 $0xFFFFFF80  }
0x17b: {  	_ =	swait.ge [sflag:s7], $0x80  }
0x17c: {  	[sflag:s7] =	ssyncset.done $0x0  }
0x17d: {  	[sflag:s7] =	ssyncadd.s32 $0xFFFFFF80  }
0x17e: {  	_ =	swait.ge [sflag:s7], $0x80  }
0x17f: {  	[sflag:s7] =	ssyncset.done $0x0  }
0x180: {  	[sflag:s7] =	ssyncadd.s32 $0xFFFFFF80  }
0x181: {  	_ =	swait.ge [sflag:s7], $0x80  }
0x182: {  	[sflag:s7] =	ssyncset.done $0x0  }
0x183: {  	[sflag:s7] =	ssyncadd.s32 $0xFFFFFF80  }
0x184: {  	_ =	swait.ge [sflag:s7], $0x80  }
0x185: {  	s0 =	sld [smem:$0x7C4]  }
0x186: {  	s29 =	sld [smem:$0x7C5]  }
0x187: {  	[sflag:s7] =	ssyncset.done $0x0;
	s30 =	sld [smem:$0x7C6]  }
0x188: {  	s31 =	sld [smem:$0x7C7];
	[sflag:s7] =	ssyncadd.s32 $0xFFFFFF80  }
0x189: {  	[tilespmem:s29], [sflag:$0x1] =	stream.indirect.gather [spmem:s1], $0x1, s0, s5, $0xb8;
	[tilespmem:$0x7A80] =	vst v63  }
0x18a: {  	s0 =	sld [smem:$0x7C8]  }
0x18b: {  	s29 =	sld [smem:$0x7C9]  }
0x18c: {  	[tilespmem:s31], [sflag:$0x1] =	stream.indirect.gather [spmem:s1], $0x1, s30, s5, $0xb8;
	[tilespmem:$0x7A80] =	vst v63  }
0x18d: {  	s30 =	sld [smem:$0x7CA]  }
0x18e: {  	s31 =	sld [smem:$0x7CB]  }
0x18f: {  	[tilespmem:s29], [sflag:$0x1] =	stream.indirect.gather [spmem:s1], $0x1, s0, s5, $0xb8;
	[tilespmem:$0x7A80] =	vst v63  }
0x190: {  	s0 =	sld [smem:$0x7CC]  }
0x191: {  	s29 =	sld [smem:$0x7CD]  }
0x192: {  	[tilespmem:s31], [sflag:$0x1] =	stream.indirect.gather [spmem:s1], $0x1, s30, s5, $0xb8;
	[tilespmem:$0x7A80] =	vst v63  }
0x193: {  	s30 =	sld [smem:$0x7CE]  }
0x194: {  	s31 =	sld [smem:$0x7CF]  }
0x195: {  	[tilespmem:s29], [sflag:$0x1] =	stream.indirect.gather [spmem:s1], $0x1, s0, s5, $0xb8;
	[tilespmem:$0x7A80] =	vst v63  }
0x196: {  	s0 =	sld [smem:$0x7D0]  }
0x197: {  	s29 =	sld [smem:$0x7D1]  }
0x198: {  	[tilespmem:s31], [sflag:$0x1] =	stream.indirect.gather [spmem:s1], $0x1, s30, s5, $0xb8;
	[tilespmem:$0x7A80] =	vst v63  }
0x199: {  	s30 =	sld [smem:$0x7D2]  }
0x19a: {  	s31 =	sld [smem:$0x7D3]  }
0x19b: {  	[tilespmem:s29], [sflag:$0x1] =	stream.indirect.gather [spmem:s1], $0x1, s0, s5, $0xb8;
	[tilespmem:$0x7A80] =	vst v63  }
0x19c: {  	_ = 	snop  }
0x19d: {  	[tilespmem:s31], [sflag:$0x1] =	stream.indirect.gather [spmem:s1], $0x1, s30, s5, $0xb8;
	[tilespmem:$0x7A80] =	vst v63  }
0x19e: {  	_ =	swait.ge [sflag:s7], $0x80  }
0x19f: {  	[sflag:s7] =	ssyncset.done $0x0  }
0x1a0: {  	[sflag:s7] =	ssyncadd.s32 $0xFFFFFF80  }
0x1a1: {  	_ =	swait.ge [sflag:s7], $0x80  }
0x1a2: {  	[sflag:s7] =	ssyncset.done $0x0  }
0x1a3: {  	[sflag:s7] =	ssyncadd.s32 $0xFFFFFF80  }
0x1a4: {  	_ =	swait.ge [sflag:s7], $0x80  }
0x1a5: {  	[sflag:s7] =	ssyncset.done $0x0  }
0x1a6: {  	[sflag:s7] =	ssyncadd.s32 $0xFFFFFF80  }
0x1a7: {  	_ =	swait.ge [sflag:s7], $0x80  }
0x1a8: {  	[sflag:s7] =	ssyncset.done $0x0  }
0x1a9: {  	[sflag:s7] =	ssyncadd.s32 $0xFFFFFF80  }
0x1aa: {  	_ =	swait.ge [sflag:s7], $0x80  }
0x1ab: {  	[sflag:s7] =	ssyncset.done $0x0  }
0x1ac: {  	[sflag:s7] =	ssyncadd.s32 $0xFFFFFF80  }
0x1ad: {  	_ =	swait.ge [sflag:s7], $0x80  }
0x1ae: {  	[sflag:s7] =	ssyncset.done $0x0  }
0x1af: {  	[sflag:s7] =	ssyncadd.s32 $0xFFFFFF80  }
0x1b0: {  	_ =	swait.ge [sflag:s7], $0x80  }
0x1b1: {  	[sflag:s7] =	ssyncset.done $0x0  }
0x1b2: {  	[sflag:s7] =	ssyncadd.s32 $0xFFFFFF80  }
0x1b3: {  	_ =	swait.ge [sflag:s7], $0x80  }
0x1b4: {  	s0 =	sld [smem:$0x7D4]  }
0x1b5: {  	s29 =	sld [smem:$0x7D5]  }
0x1b6: {  	[sflag:s7] =	ssyncset.done $0x0;
	s30 =	sld [smem:$0x7D6]  }
0x1b7: {  	s31 =	sld [smem:$0x7D7];
	[sflag:s7] =	ssyncadd.s32 $0xFFFFFF80  }
0x1b8: {  	[tilespmem:s29], [sflag:$0x1] =	stream.indirect.gather [spmem:s1], $0x1, s0, s5, $0xb8;
	[tilespmem:$0x7A80] =	vst v63  }
0x1b9: {  	s0 =	sld [smem:$0x7D8]  }
0x1ba: {  	s29 =	sld [smem:$0x7D9]  }
0x1bb: {  	[tilespmem:s31], [sflag:$0x1] =	stream.indirect.gather [spmem:s1], $0x1, s30, s5, $0xb8;
	[tilespmem:$0x7A80] =	vst v63  }
0x1bc: {  	s30 =	sld [smem:$0x7DA]  }
0x1bd: {  	s31 =	sld [smem:$0x7DB]  }
0x1be: {  	[tilespmem:s29], [sflag:$0x1] =	stream.indirect.gather [spmem:s1], $0x1, s0, s5, $0xb8;
	[tilespmem:$0x7A80] =	vst v63  }
0x1bf: {  	s0 =	sld [smem:$0x7DC]  }
0x1c0: {  	s29 =	sld [smem:$0x7DD]  }
0x1c1: {  	[tilespmem:s31], [sflag:$0x1] =	stream.indirect.gather [spmem:s1], $0x1, s30, s5, $0xb8;
	[tilespmem:$0x7A80] =	vst v63  }
0x1c2: {  	s30 =	sld [smem:$0x7DE]  }
0x1c3: {  	s31 =	sld [smem:$0x7DF]  }
0x1c4: {  	[tilespmem:s29], [sflag:$0x1] =	stream.indirect.gather [spmem:s1], $0x1, s0, s5, $0xb8;
	[tilespmem:$0x7A80] =	vst v63  }
0x1c5: {  	s0 =	sld [smem:$0x7E0]  }
0x1c6: {  	s29 =	sld [smem:$0x7E1]  }
0x1c7: {  	[tilespmem:s31], [sflag:$0x1] =	stream.indirect.gather [spmem:s1], $0x1, s30, s5, $0xb8;
	[tilespmem:$0x7A80] =	vst v63  }
0x1c8: {  	s30 =	sld [smem:$0x7E2]  }
0x1c9: {  	s31 =	sld [smem:$0x7E3]  }
0x1ca: {  	[tilespmem:s29], [sflag:$0x1] =	stream.indirect.gather [spmem:s1], $0x1, s0, s5, $0xb8;
	[tilespmem:$0x7A80] =	vst v63  }
0x1cb: {  	_ = 	snop  }
0x1cc: {  	[tilespmem:s31], [sflag:$0x1] =	stream.indirect.gather [spmem:s1], $0x1, s30, s5, $0xb8;
	[tilespmem:$0x7A80] =	vst v63  }
0x1cd: {  	_ =	swait.ge [sflag:s7], $0x80  }
0x1ce: {  	[sflag:s7] =	ssyncset.done $0x0  }
0x1cf: {  	[sflag:s7] =	ssyncadd.s32 $0xFFFFFF80  }
0x1d0: {  	_ =	swait.ge [sflag:s7], $0x80  }
0x1d1: {  	[sflag:s7] =	ssyncset.done $0x0  }
0x1d2: {  	[sflag:s7] =	ssyncadd.s32 $0xFFFFFF80  }
0x1d3: {  	_ =	swait.ge [sflag:s7], $0x80  }
0x1d4: {  	[sflag:s7] =	ssyncset.done $0x0  }
0x1d5: {  	[sflag:s7] =	ssyncadd.s32 $0xFFFFFF80  }
0x1d6: {  	_ =	swait.ge [sflag:s7], $0x80  }
0x1d7: {  	[sflag:s7] =	ssyncset.done $0x0  }
0x1d8: {  	[sflag:s7] =	ssyncadd.s32 $0xFFFFFF80  }
0x1d9: {  	_ =	swait.ge [sflag:s7], $0x80  }
0x1da: {  	[sflag:s7] =	ssyncset.done $0x0  }
0x1db: {  	[sflag:s7] =	ssyncadd.s32 $0xFFFFFF80  }
0x1dc: {  	_ =	swait.ge [sflag:s7], $0x80  }
0x1dd: {  	[sflag:s7] =	ssyncset.done $0x0  }
0x1de: {  	[sflag:s7] =	ssyncadd.s32 $0xFFFFFF80  }
0x1df: {  	_ =	swait.ge [sflag:s7], $0x80  }
0x1e0: {  	[sflag:s7] =	ssyncset.done $0x0  }
0x1e1: {  	[sflag:s7] =	ssyncadd.s32 $0xFFFFFF80  }
0x1e2: {  	_ =	swait.ge [sflag:s7], $0x80  }
0x1e3: {  	s0 =	sld [smem:$0x7E4]  }
0x1e4: {  	s29 =	sld [smem:$0x7E5]  }
0x1e5: {  	[sflag:s7] =	ssyncset.done $0x0;
	s30 =	sld [smem:$0x7E6]  }
0x1e6: {  	s31 =	sld [smem:$0x7E7];
	[sflag:s7] =	ssyncadd.s32 $0xFFFFFF80  }
0x1e7: {  	[tilespmem:s29], [sflag:$0x1] =	stream.indirect.gather [spmem:s1], $0x1, s0, s5, $0xb8;
	[tilespmem:$0x7A80] =	vst v63  }
0x1e8: {  	s0 =	sld [smem:$0x7E8]  }
0x1e9: {  	s29 =	sld [smem:$0x7E9]  }
0x1ea: {  	[tilespmem:s31], [sflag:$0x1] =	stream.indirect.gather [spmem:s1], $0x1, s30, s5, $0xb8;
	[tilespmem:$0x7A80] =	vst v63  }
0x1eb: {  	s30 =	sld [smem:$0x7EA]  }
0x1ec: {  	s31 =	sld [smem:$0x7EB]  }
0x1ed: {  	[tilespmem:s29], [sflag:$0x1] =	stream.indirect.gather [spmem:s1], $0x1, s0, s5, $0xb8;
	[tilespmem:$0x7A80] =	vst v63  }
0x1ee: {  	s0 =	sld [smem:$0x7EC]  }
0x1ef: {  	s29 =	sld [smem:$0x7ED]  }
0x1f0: {  	[tilespmem:s31], [sflag:$0x1] =	stream.indirect.gather [spmem:s1], $0x1, s30, s5, $0xb8;
	[tilespmem:$0x7A80] =	vst v63  }
0x1f1: {  	s30 =	sld [smem:$0x7EE]  }
0x1f2: {  	s31 =	sld [smem:$0x7EF]  }
0x1f3: {  	[tilespmem:s29], [sflag:$0x1] =	stream.indirect.gather [spmem:s1], $0x1, s0, s5, $0xb8;
	[tilespmem:$0x7A80] =	vst v63  }
0x1f4: {  	s0 =	sld [smem:$0x7F0]  }
0x1f5: {  	s29 =	sld [smem:$0x7F1]  }
0x1f6: {  	[tilespmem:s31], [sflag:$0x1] =	stream.indirect.gather [spmem:s1], $0x1, s30, s5, $0xb8;
	[tilespmem:$0x7A80] =	vst v63  }
0x1f7: {  	s30 =	sld [smem:$0x7F2]  }
0x1f8: {  	s31 =	sld [smem:$0x7F3]  }
0x1f9: {  	[tilespmem:s29], [sflag:$0x1] =	stream.indirect.gather [spmem:s1], $0x1, s0, s5, $0xb8;
	[tilespmem:$0x7A80] =	vst v63  }
0x1fa: {  	_ = 	snop  }
0x1fb: {  	[tilespmem:s31], [sflag:$0x1] =	stream.indirect.gather [spmem:s1], $0x1, s30, s5, $0xb8;
	[tilespmem:$0x7A80] =	vst v63  }
0x1fc: {  	_ =	swait.ge [sflag:s7], $0x80  }
0x1fd: {  	[sflag:s7] =	ssyncset.done $0x0  }
0x1fe: {  	[sflag:s7] =	ssyncadd.s32 $0xFFFFFF80  }
0x1ff: {  	_ =	swait.ge [sflag:s7], $0x80  }
0x200: {  	[sflag:s7] =	ssyncset.done $0x0  }
0x201: {  	[sflag:s7] =	ssyncadd.s32 $0xFFFFFF80  }
0x202: {  	_ =	swait.ge [sflag:s7], $0x80  }
0x203: {  	[sflag:s7] =	ssyncset.done $0x0  }
0x204: {  	[sflag:s7] =	ssyncadd.s32 $0xFFFFFF80  }
0x205: {  	_ =	swait.ge [sflag:s7], $0x80  }
0x206: {  	[sflag:s7] =	ssyncset.done $0x0  }
0x207: {  	[sflag:s7] =	ssyncadd.s32 $0xFFFFFF80  }
0x208: {  	_ =	swait.ge [sflag:s7], $0x80  }
0x209: {  	[sflag:s7] =	ssyncset.done $0x0  }
0x20a: {  	[sflag:s7] =	ssyncadd.s32 $0xFFFFFF80  }
0x20b: {  	_ =	swait.ge [sflag:s7], $0x80  }
0x20c: {  	[sflag:s7] =	ssyncset.done $0x0  }
0x20d: {  	[sflag:s7] =	ssyncadd.s32 $0xFFFFFF80  }
0x20e: {  	_ =	swait.ge [sflag:s7], $0x80  }
0x20f: {  	[sflag:s7] =	ssyncset.done $0x0  }
0x210: {  	[sflag:s7] =	ssyncadd.s32 $0xFFFFFF80  }
0x211: {  	_ =	swait.ge [sflag:s7], $0x80  }
0x212: {  	s31 =	sld [smem:$0x7F4]  }
0x213: {  	s30 =	sld [smem:$0x7F5]  }
0x214: {  	[sflag:s7] =	ssyncset.done $0x0;
	s0 =	sld [smem:$0x7F6]  }
0x215: {  	s29 =	sld [smem:$0x7F7];
	[sflag:s7] =	ssyncadd.s32 $0xFFFFFF80  }
0x216: {  	[tilespmem:s30], [sflag:$0x1] =	stream.indirect.gather [spmem:s1], $0x1, s31, s5, $0xb8;
	[tilespmem:$0x7A80] =	vst v63  }
0x217: {  	s30 =	sld [smem:$0x7F8]  }
0x218: {  	s31 =	sld [smem:$0x7F9]  }
0x219: {  	[tilespmem:s29], [sflag:$0x1] =	stream.indirect.gather [spmem:s1], $0x1, s0, s5, $0xb8;
	[tilespmem:$0x7A80] =	vst v63  }
0x21a: {  	s0 =	sld [smem:$0x7FA]  }
0x21b: {  	s29 =	sld [smem:$0x7FB]  }
0x21c: {  	[tilespmem:s31], [sflag:$0x1] =	stream.indirect.gather [spmem:s1], $0x1, s30, s5, $0xb8;
	[tilespmem:$0x7A80] =	vst v63  }
0x21d: {  	s30 =	sld [smem:$0x7FC]  }
0x21e: {  	s31 =	sld [smem:$0x7FD]  }
0x21f: {  	[tilespmem:s29], [sflag:$0x1] =	stream.indirect.gather [spmem:s1], $0x1, s0, s5, $0xb8;
	[tilespmem:$0x7A80] =	vst v63  }
0x220: {  	_ = 	snop  }
0x221: {  	[tilespmem:s31], [sflag:$0x1] =	stream.indirect.gather [spmem:s1], $0x1, s30, s5, $0xb8;
	[tilespmem:$0x7A80] =	vst v63  }
0x222: {  	_ = 	snop  }
0x223: {  	[tilespmem:s9], [sflag:$0x1] =	stream.indirect.gather [spmem:s1], $0x1, s8, s5, $0xb8;
	[tilespmem:$0x7A80] =	vst v63  }
0x224: {  	_ = 	snop  }
0x225: {  	[tilespmem:s11], [sflag:$0x1] =	stream.indirect.gather [spmem:s1], $0x1, s10, s5, $0xb8;
	[tilespmem:$0x7A80] =	vst v63  }
0x226: {  	_ = 	snop  }
0x227: {  	[tilespmem:s13], [sflag:$0x1] =	stream.indirect.gather [spmem:s1], $0x1, s12, s5, $0xb8;
	[tilespmem:$0x7A80] =	vst v63  }
0x228: {  	_ =	swait.ge [sflag:s7], $0x80  }
0x229: {  	[sflag:s7] =	ssyncset.done $0x0  }
0x22a: {  	[sflag:s7] =	ssyncadd.s32 $0xFFFFFF80  }
0x22b: {  	_ =	swait.ge [sflag:s7], $0x80  }
0x22c: {  	[sflag:s7] =	ssyncset.done $0x0  }
0x22d: {  	[sflag:s7] =	ssyncadd.s32 $0xFFFFFF80  }
0x22e: {  	_ =	swait.ge [sflag:s7], $0x80  }
0x22f: {  	[sflag:s7] =	ssyncset.done $0x0  }
0x230: {  	[sflag:s7] =	ssyncadd.s32 $0xFFFFFF80  }
0x231: {  	_ =	swait.ge [sflag:s7], $0x80  }
0x232: {  	[sflag:s7] =	ssyncset.done $0x0  }
0x233: {  	[sflag:s7] =	ssyncadd.s32 $0xFFFFFF80  }
0x234: {  	_ =	swait.ge [sflag:s7], $0x80  }
0x235: {  	[sflag:s7] =	ssyncset.done $0x0  }
0x236: {  	[sflag:s7] =	ssyncadd.s32 $0xFFFFFF80  }
0x237: {  	_ =	swait.ge [sflag:s7], $0x80  }
0x238: {  	[sflag:s7] =	ssyncset.done $0x0  }
0x239: {  	[sflag:s7] =	ssyncadd.s32 $0xFFFFFF80  }
0x23a: {  	_ =	swait.ge [sflag:s7], $0x80  }
0x23b: {  	[sflag:s7] =	ssyncset.done $0x0  }
0x23c: {  	[sflag:s7] =	ssyncadd.s32 $0xFFFFFF80  }
0x23d: {  	_ =	swait.ge [sflag:s7], $0x80  }
0x23e: {  	[sflag:s7] =	ssyncset.done $0x0  }
0x23f: {  	[sflag:s7] =	ssyncadd.s32 $0xFFFFFF80  }
0x240: {  	[tilespmem:s15], [sflag:$0x1] =	stream.indirect.gather [spmem:s1], $0x1, s14, s5, $0xb8;
	[tilespmem:$0x7A80] =	vst v63  }
0x241: {  	_ = 	snop  }
0x242: {  	[tilespmem:s17], [sflag:$0x1] =	stream.indirect.gather [spmem:s1], $0x1, s16, s5, $0xb8;
	[tilespmem:$0x7A80] =	vst v63  }
0x243: {  	_ = 	snop  }
0x244: {  	[tilespmem:s19], [sflag:$0x1] =	stream.indirect.gather [spmem:s1], $0x1, s18, s5, $0xb8;
	[tilespmem:$0x7A80] =	vst v63  }
0x245: {  	_ = 	snop  }
0x246: {  	[tilespmem:s21], [sflag:$0x1] =	stream.indirect.gather [spmem:s1], $0x1, s20, s5, $0xb8;
	[tilespmem:$0x7A80] =	vst v63  }
0x247: {  	_ = 	snop  }
0x248: {  	[tilespmem:s23], [sflag:$0x1] =	stream.indirect.gather [spmem:s1], $0x1, s22, s5, $0xb8;
	[tilespmem:$0x7A80] =	vst v63  }
0x249: {  	_ = 	snop  }
0x24a: {  	[tilespmem:s25], [sflag:$0x1] =	stream.indirect.gather [spmem:s1], $0x1, s24, s5, $0xb8;
	[tilespmem:$0x7A80] =	vst v63  }
0x24b: {  	_ = 	snop  }
0x24c: {  	[tilespmem:s28], [sflag:$0x1] =	stream.indirect.gather [spmem:s1], $0x1, s26, s5, $0xb8;
	[tilespmem:$0x7A80] =	vst v63  }
0x24d: {  	_ =	swait.ge [sflag:s7], $0x80  }
0x24e: {  	[sflag:s7] =	ssyncset.done $0x0  }
0x24f: {  	[sflag:s7] =	ssyncadd.s32 $0xFFFFFF80  }
0x250: {  	_ =	swait.ge [sflag:s7], $0x80  }
0x251: {  	[sflag:s7] =	ssyncset.done $0x0  }
0x252: {  	[sflag:s7] =	ssyncadd.s32 $0xFFFFFF80  }
0x253: {  	_ =	swait.ge [sflag:s7], $0x80  }
0x254: {  	[sflag:s7] =	ssyncset.done $0x0  }
0x255: {  	[sflag:s7] =	ssyncadd.s32 $0xFFFFFF80  }
0x256: {  	_ =	swait.ge [sflag:s7], $0x80  }
0x257: {  	[sflag:s7] =	ssyncset.done $0x0  }
0x258: {  	[sflag:s7] =	ssyncadd.s32 $0xFFFFFF80  }
0x259: {  	_ =	swait.ge [sflag:s7], $0x80  }
0x25a: {  	[sflag:s7] =	ssyncset.done $0x0  }
0x25b: {  	[sflag:s7] =	ssyncadd.s32 $0xFFFFFF80  }
0x25c: {  	_ =	swait.ge [sflag:s7], $0x80  }
0x25d: {  	[sflag:s7] =	ssyncset.done $0x0  }
0x25e: {  	[sflag:s7] =	ssyncadd.s32 $0xFFFFFF80  }
0x25f: {  	s3 =	sadd.s32 $0xFFFFFFFF, s3;
	_ =	swait.ge [sflag:s7], $0x80  }
0x260: {  	p1 =	sne.s32 s3, $0x0;
	[sflag:s7] =	ssyncset.done $0x0  }
.Ltmp0:
0x261: {  	s31 =	rddreg [dreg:$0x5];
	[sflag:s7] =	ssyncadd.s32 $0xFFFFFF80;
	(pc) =	sbr.rel @p1 .LBB2_1-.Ltmp0, $4  }
0x262: {  	[hbm4b:s31+s2] =	stream.linear.scatter [tilespmem:s6], [sflag:$0x2], $0x2780, $0x38;
	[tilespmem:$0x7A80] =	vst v63  }
0x263: {  	_ =	swait.ge [sflag:s4], $0x2780  }
0x264: {  	[sflag:s4] =	ssyncset.done $0x0  }
0x265: {  	[sflag:s4] =	ssyncadd.s32 $0xFFFFD880  }
0x266: {  	_ =	sfence.sel $0x180000  }
0x267: {  	[bflag:$0x0] =	sbarrier.arrive $0xFFFF  }
0x268: {  	_ =	strace $0x9000004A  }
0x269: {  	[bflag:$0x2] =	sbarrier.arrive $0xFFFF  }
0x26a: {  	s0 =	rddreg [dreg:$0x2]  }
0x26b: {  	s0 =	sadd.s32 @!p0 $0x100000, s0  }
0x26c: {  	[sflag:s0] =	ssyncadd.tile.s32 @!p0 $0x1;
	_ =	shalt  }
.Lfunc_end2:
_tile_overlayer_lowered:
.L_overlay_start_2:
0x26d: {  	(tag) =	ssettag $0x2  }
0x26e: {  	s0 =	rddreg [dreg:$0x0];
	s2 =	stileid.u32  }
0x26f: {  	s1 =	rddreg [dreg:$0x1];
	p0 =	sne.s32 s2, $0x0  }
0x270: {  	s3 =	rddreg [dreg:$0x2];
	[bflag:$0x3] =	sbarrier.arrive $0xFFFF;
	s2 =	simm.s32 @!p0 $0x1C02  }
0x271: {  	[timem:s3], [sflag:s2] =	dma.local @!p0 [hbm:s0], s1  }
0x272: {  	s0 =	simm.s32 @!p0 $0x2  }
0x273: {  	_ =	swait.ge @!p0 [sflag:s0], s1  }
0x274: {  	s1 =	ssub.s32 @!p0 $0x0, s1;
	[sflag:s0] =	ssyncset.done @!p0 $0x0  }
0x275: {  	[sflag:s0] =	ssyncadd.s32 @!p0 s1  }
0x276: {  	[bflag:$0x3] =	sbarrier.arrive $0xFFFF  }
0x277: {  	_ =	shalt  }

// kernel: kernel.17.cloned.1.call-start
scs
__scs_entry_jumppad:
0x0: {  	(pc) =	sbr.rel $0x88, $3  }
0x1: {  	(tag) =	ssettag $0x0;
	lr =	simm.s32 $0x1  }
0x2: {  	[smem:$0x3F98] =	sst lr;
	_ =	strace $0xD0000000  }
0x3: {  	_ = 	snop  }
0x4: {  	_ = 	snop  }
0x5: {  	_ = 	snop  }
0x6: {  	_ = 	snop  }
0x7: {  	_ = 	snop  }
__scs_overlays_trampoline_lowered:
0x8: {  	[smem:$0x3FA7] =	sst s0  }
0x9: {  	[smem:$0x3FA8] =	sst s1  }
0xa: {  	[smem:$0x3FA9] =	sst s2  }
0xb: {  	[smem:$0x3FAA] =	sst s3  }
0xc: {  	[smem:$0x3FAB] =	sst s4  }
0xd: {  	[smem:$0x3FAC] =	sst s5  }
0xe: {  	[smem:$0x3FAD] =	sst s6  }
0xf: {  	[smem:$0x3FAE] =	sst s7  }
0x10: {  	[smem:$0x3FAF] =	sst s8  }
0x11: {  	[smem:$0x3FB0] =	sst s9;
	s0 =	simm.s32 @!p0 $0x0  }
0x12: {  	s1 =	sld [smem:$0x3F96];
	s0 =	simm.s32 @p0 $0x1  }
0x13: {  	[smem:$0x3FB1] =	sst s0;
	s0 =	simm.s32 @!p1 $0x0  }
0x14: {  	s2 =	sld [smem:$0x3F95];
	s0 =	simm.s32 @p1 $0x1  }
0x15: {  	[smem:$0x3FB2] =	sst s0;
	s0 =	simm.s32 @!p2 $0x0  }
0x16: {  	s3 =	sld [smem:$0x3FDB];
	s0 =	simm.s32 @p2 $0x1  }
0x17: {  	s4 =	simm.s32 $0x1BF5;
	[smem:$0x3FB4] =	sst s0  }
0x18: {  	s0 =	sld [smem:$0x3F97];
	_ =	swait.ge [sflag:s4], $0x0  }
0x19: {  	s7 =	sld [smem:$0x3F98]  }
0x1a: {  	s8 =	sadd.s32 $0xFFFFE003, lr  }
0x1b: {  	s9 =	sadd.s32 $0xFFFFFEF7, lr;
	s5 =	simm.s32 $0xFFFFFFFF;
	p2 =	slt.u32 s8, $0xFFFFF086  }
0x1c: {  	p1 =	slt.u32 s9, $0xF7A;
	s5 =	simm.s32 @!p2 $0x0  }
0x1d: {  	s5 =	simm.s32 @p1 $0x1;
	p0 =	seq.s32 s7, s2  }
0x1e: {  	s7 =	smul.u32 @!p0 $0xF7A, s2;
	p2 =	seq.s32 @!p0 s5, $0x0  }
0x1f: {  	s9 =	smul.u32 $0xF7A, s1;
	s8 =	simm.s32 @!p0 $0x1BF5;
	p2 =	por !p2, p0  }
0x20: {  	[sflag:s8] =	ssyncset.s32 @!p0 $0xFFFFF086;
	s6 =	sadd.s32 @!p0 s3, s7;
	s7 =	simm.s32 @!p0 $0x108  }
0x21: {  	s3 =	sadd.s32 s3, s9;
	s6 =	sadd.s32 @!p0 $0x88, s6;
	s7 =	simm.s32 @p2 $0x1082  }
0x22: {  	[simem:s7], [sflag:s8] =	dma.local @!p0 [hbm:s6], $0xF7A  }
0x23: {  	s9 =	sor.u32 $0xD0000000, s2;
	s6 =	simm.s32 $0x108;
	_ =	swait.ge @!p0 [sflag:s8], $0x0  }
0x24: {  	s3 =	sadd.s32 $0x88, s3;
	s6 =	simm.s32 @!p1 $0x1082;
	[sflag:s4] =	ssyncset.s32 $0xFFFFF086  }
0x25: {  	[simem:s6], [sflag:s4] =	dma.local [hbm:s3], $0xF7A  }
0x26: {  	[smem:$0x3F98] =	sst s1;
	(tag) =	ssettag s2;
	_ =	strace s9  }
0x27: {  	s1 =	sld [smem:$0x3FA8]  }
0x28: {  	s2 =	sld [smem:$0x3FA9]  }
0x29: {  	s4 =	sld [smem:$0x3FAB]  }
0x2a: {  	p0 =	seq.s32 s5, $0x0;
	s5 =	sld [smem:$0x3FAC]  }
0x2b: {  	s6 =	sld [smem:$0x3FAD]  }
0x2c: {  	s7 =	sld [smem:$0x3FAE]  }
0x2d: {  	s3 =	simm.s32 $0x108;
	s8 =	sld [smem:$0x3FAF]  }
0x2e: {  	s3 =	simm.s32 @!p0 $0x1082;
	s9 =	sld [smem:$0x3FB0]  }
0x2f: {  	lr =	sadd.s32 s0, s3;
	s0 =	sld [smem:$0x3FA7]  }
0x30: {  	s3 =	sld [smem:$0x3FAA]  }
0x31: {  	[smem:$0x3FB3] =	sst s10  }
0x32: {  	s10 =	sld [smem:$0x3FB1];
	_ =	sdelay $0x3  }
0x33: {  	p0 =	seq.s32 s10, $0x1;
	s10 =	sld [smem:$0x3FB3];
	_ =	sdelay $0x3  }
0x34: {  	[smem:$0x3FB3] =	sst s10  }
0x35: {  	s10 =	sld [smem:$0x3FB2];
	_ =	sdelay $0x3  }
0x36: {  	p1 =	seq.s32 s10, $0x1;
	s10 =	sld [smem:$0x3FB3];
	_ =	sdelay $0x3  }
0x37: {  	[smem:$0x3FB3] =	sst s10  }
0x38: {  	s10 =	sld [smem:$0x3FB4]  }
0x39: {  	_ = 	snop;
	(pc) =	sbr.ind lr, $3  }
0x3a: {  	_ = 	snop  }
0x3b: {  	_ = 	snop  }
0x3c: {  	p2 =	seq.s32 s10, $0x1;
	s10 =	sld [smem:$0x3FB3]  }
0x3d: {  	_ =	shalt  }
0x3e: {  	_ =	shalt  }
0x3f: {  	_ =	shalt  }
0x40: {  	_ =	shalt  }
0x41: {  	_ =	shalt  }
0x42: {  	_ =	shalt  }
0x43: {  	_ =	shalt  }
0x44: {  	_ =	shalt  }
0x45: {  	_ =	shalt  }
0x46: {  	_ =	shalt  }
0x47: {  	_ =	shalt  }
0x48: {  	_ =	shalt  }
0x49: {  	_ =	shalt  }
0x4a: {  	_ =	shalt  }
0x4b: {  	_ =	shalt  }
0x4c: {  	_ =	shalt  }
0x4d: {  	_ =	shalt  }
0x4e: {  	_ =	shalt  }
0x4f: {  	_ =	shalt  }
0x50: {  	_ =	shalt  }
0x51: {  	_ =	shalt  }
0x52: {  	_ =	shalt  }
0x53: {  	_ =	shalt  }
0x54: {  	_ =	shalt  }
0x55: {  	_ =	shalt  }
0x56: {  	_ =	shalt  }
0x57: {  	_ =	shalt  }
0x58: {  	_ =	shalt  }
0x59: {  	_ =	shalt  }
0x5a: {  	_ =	shalt  }
0x5b: {  	_ =	shalt  }
0x5c: {  	_ =	shalt  }
0x5d: {  	_ =	shalt  }
0x5e: {  	_ =	shalt  }
0x5f: {  	_ =	shalt  }
0x60: {  	_ =	shalt  }
0x61: {  	_ =	shalt  }
0x62: {  	_ =	shalt  }
0x63: {  	_ =	shalt  }
0x64: {  	_ =	shalt  }
0x65: {  	_ =	shalt  }
0x66: {  	_ =	shalt  }
0x67: {  	_ =	shalt  }
0x68: {  	_ =	shalt  }
0x69: {  	_ =	shalt  }
0x6a: {  	_ =	shalt  }
0x6b: {  	_ =	shalt  }
0x6c: {  	_ =	shalt  }
0x6d: {  	_ =	shalt  }
0x6e: {  	_ =	shalt  }
0x6f: {  	_ =	shalt  }
0x70: {  	_ =	shalt  }
0x71: {  	_ =	shalt  }
0x72: {  	_ =	shalt  }
0x73: {  	_ =	shalt  }
0x74: {  	_ =	shalt  }
0x75: {  	_ =	shalt  }
0x76: {  	_ =	shalt  }
0x77: {  	_ =	shalt  }
0x78: {  	_ =	shalt  }
0x79: {  	_ =	shalt  }
0x7a: {  	_ =	shalt  }
0x7b: {  	_ =	shalt  }
0x7c: {  	_ =	shalt  }
0x7d: {  	_ =	shalt  }
0x7e: {  	_ =	shalt  }
0x7f: {  	_ =	shalt  }
0x80: {  	_ =	shalt  }
0x81: {  	_ =	shalt  }
0x82: {  	_ =	shalt  }
0x83: {  	_ =	shalt  }
0x84: {  	_ =	shalt  }
0x85: {  	_ =	shalt  }
0x86: {  	_ =	shalt  }
0x87: {  	_ =	shalt  }
.Lfunc_end0:
.L_simem_size_0:
called_computation.2_lowered:
.L_overlay_start_0:
0x88: {  	s2 =	sld [smem:$0x3FD9]  }
0x89: {  	s3 =	sld [smem:$0x3FFE];
	_ =	sdelay $0x1  }
0x8a: {  	s1 =	srdreg.scid  }
0x8b: {  	s0 =	sand.u32 $0x1, s1  }
0x8c: {  	s17 =	sshll.u32 s0, $0xA;
	s2 =	sadd.s32 s3, s2  }
0x8d: {  	s2 =	sadd.s32 s2, s17  }
0x8e: {  	[smem:$0x3FBF] =	sst s2  }
0x8f: {  	_ = 	snop  }
0x90: {  	(tm) =	ssettm $0x1  }
0x91: {  	s18 =	sld [smem:$0x3FFB];
	_ =	sdelay $0x3  }
0x92: {  	_ =	strace s18  }
0x93: {  	s2 =	sld [smem:$0x3FFC];
	_ =	sdelay $0x3  }
0x94: {  	_ =	strace s2  }
0x95: {  	s2 =	sld [smem:$0x3FFD];
	_ =	sdelay $0x3  }
0x96: {  	_ =	strace s2  }
0x97: {  	_ =	strace $0x8FFFFFFF  }
0x98: {  	s19 =	sld [smem:$0x3FDB];
	_ =	sdelay $0x1  }
0x99: {  	s20 =	simm.s32 $_scs_section_size  }
0x9a: {  	s4 =	simm.s32 $_size__tile_overlayer_lowered;
	s5 =	simm.s32 $_tile_overlayer_lowered  }
0x9b: {  	s6 =	simm.s32 $0x1BFF;
	s21 =	sshll.u32 s5, $0x1;
	s3 =	sadd.s32 s20, s19  }
0x9c: {  	s22 =	simm.s32 $0x0;
	s4 =	sshll.u32 s4, $0x1;
	s5 =	sadd.s32 s21, s3  }
0x9d: {  	[timem:s22], [sflag:s6] =	dma.local [hbm:s5], s4  }
0x9e: {  	_ =	swait.ge [sflag:s6], s4  }
0x9f: {  	s4 =	ssub.s32 $0x0, s4;
	[sflag:s6] =	ssyncset.done $0x0  }
0xa0: {  	[sflag:s6] =	ssyncadd.s32 s4;
	_ =	sdelay $0x1  }
0xa1: {  	s23 =	simm.s32 $0x1B8B  }
0xa2: {  	_ =	swait.ge [sflag:s23], $0x1  }
0xa3: {  	[sflag:s23] =	ssyncset.done $0x0  }
0xa4: {  	[sflag:s23] =	ssyncadd.s32 $0xFFFFFFFF  }
0xa5: {  	s4 =	sld [smem:$0x0]  }
0xa6: {  	s5 =	sand.u32 $0xFFFFFFFE, s1  }
0xa7: {  	p0 =	sne.s32 s1, s5  }
0xa8: {  	s5 =	sshll.u32 @p0 s5, $0xE  }
0xa9: {  	s5 =	sadd.s32 @p0 $0x11B8D, s5;
	s6 =	sshll.u32 @p0 s4, $0x11  }
0xaa: {  	s5 =	sor.u32 @p0 s6, s5  }
0xab: {  	[sflag:s5] =	ssyncadd.remote.s32 @p0 $0x1;
	_ =	sdelay $0x1  }
0xac: {  	s5 =	simm.s32 @p0 $0x1B8D  }
0xad: {  	_ =	swait.eq @p0 [sflag:s5], $0x1  }
0xae: {  	[sflag:s5] =	ssyncadd.s32 @p0 $0xFFFFFFFF  }
0xaf: {  	s6 =	sshll.u32 @!p0 s1, $0xE  }
0xb0: {  	s6 =	sor.u32 @!p0 $0x4000, s6;
	s5 =	simm.s32 @!p0 $0x1B8D  }
0xb1: {  	s4 =	sshll.u32 @!p0 s4, $0x11;
	s6 =	sadd.s32 @!p0 $0x11B8D, s6;
	_ =	swait.eq @!p0 [sflag:s5], $0x1  }
0xb2: {  	s4 =	sor.u32 @!p0 s4, s6;
	[sflag:s5] =	ssyncadd.s32 @!p0 $0xFFFFFFFF  }
0xb3: {  	s25 =	simm.s32 $0x1B8E;
	s24 =	sld [smem:$0x3FFE];
	[sflag:s4] =	ssyncadd.remote.s32 @!p0 $0x1  }
0xb4: {  	s26 =	simm.s32 $execute0_lowered;
	[smem:$0x3FD2] =	sst s25  }
0xb5: {  	s5 =	sshll.u32 s26, $0x1;
	_ =	strace $0x8000004C;
	[dreg:$0x1] =	wrdreg $0xFFFFFFFF  }
0xb6: {  	s28 =	simm.s32 $_size_execute0_lowered;
	s3 =	sadd.s32 s3, s5;
	[dreg:$0x0] =	wrdreg $0x0  }
0xb7: {  	s5 =	sshll.u32 s28, $0x1;
	[dreg:$0x2] =	wrdreg s3  }
0xb8: {  	[dreg:$0x3] =	wrdreg s5  }
0xb9: {  	[dreg:$0x4] =	wrdreg $0xC0  }
0xba: {  	_ =	task [dreg:s22], $0x5FFFF  }
0xbb: {  	[dreg:$0x1] =	wrdreg $0xFFFFFFFF  }
0xbc: {  	[dreg:$0x0] =	wrdreg $0x60  }
0xbd: {  	[dreg:$0x2] =	wrdreg s24  }
0xbe: {  	[dreg:$0x3] =	wrdreg $0x90000  }
0xbf: {  	[dreg:$0x4] =	wrdreg $0x9  }
0xc0: {  	_ =	task.clear_ibuf [dreg:s22], $0x5FFFF;
	_ =	strace $0x9000004C  }
0xc1: {  	s29 =	simm.s32 $0x9;
	_ =	strace $0x8000004E  }
0xc2: {  	_ =	swait.ge [sflag:s29], $0x1  }
0xc3: {  	[sflag:s29] =	ssyncadd.s32 $0xFFFFFFFF  }
0xc4: {  	_ =	strace $0x9000004E  }
0xc5: {  	_ =	sfence  }
0xc6: {  	s30 =	sld [smem:$0x0];
	_ =	sdelay $0x2  }
0xc7: {  	s31 =	sshll.u32 s1, $0xD;
	s1 =	sshrl.u32 s1, $0x2  }
0xc8: {  	s4 =	sand.u32 $0x4000, s31;
	s1 =	sadd.s32 s1, s30  }
0xc9: {  	s0 =	sor.u32 s4, s0;
	s1 =	sshll.u32 s1, $0x11  }
0xca: {  	s0 =	sor.u32 s1, s0  }
0xcb: {  	s0 =	sadd.s32 $0x8F2B, s0  }
0xcc: {  	[sflag:s0] =	ssyncadd.remote.s32 $0x1  }
0xcd: {  	_ =	sfence.sel $0xFFFF  }
0xce: {  	[dreg:$0x0] =	wrdreg $0xFFFFFFFF;
	(pc) =	sbr.abs _section_cstart, $3  }
0xcf: {  	[dreg:$0x1] =	wrdreg $0xFFFFFFFF  }
0xd0: {  	_ =	task.clear_ibuf [dreg:s22], $0x2FFFF;
	_ =	strace $0x9FFFFFFF  }
0xd1: {  	(tm) =	ssettm $0x7FFFFFFF  }
tec
execute0_lowered:
.L_overlay_start_1:
0x0: {  	(tag) =	ssettag $0x1  }
0x1: {  	s6 =	rddreg [dreg:$0x0]  }
0x2: {  	s0 =	srdreg.scid;
	s2 =	rddreg [dreg:$0x1]  }
0x3: {  	s3 =	simm.s32 $0x0;
	s14 =	simm.s32 $0x80;
	s15 =	simm.s32 $0x5000  }
0x4: {  	s16 =	simm.s32 $0x1;
	s5 =	sand.u32 $0x1, s0;
	s0 =	stileid.u32  }
0x5: {  	s17 =	simm.s32 $0x0;
	[smem:$0x7FF] =	sst s3;
	s8 =	smul.u32 $0x13C000, s5  }
0x6: {  	s4 =	sadd.s32 $0x19000, s6;
	s1 =	sshll.u32 s5, $0x4;
	s9 =	smul.u32 $0x13C00, s0  }
0x7: {  	s30 =	ssub.s32 $0x2, s5;
	s11 =	smul.u32 $0x4F000, s0;
	s5 =	sadd.s32 $0x4A200, s6  }
0x8: {  	s12 =	sshll.u32 s0, $0x6;
	s1 =	sor.u32 s0, s1;
	s10 =	sshrl.u32 s30, $0x1  }
0x9: {  	s12 =	sor.u32 $0x1C02, s12;
	s7 =	smul.u32 $0x500, s1;
	s1 =	rddreg [dreg:$0x2]  }
0xa: {  	_ =	strace $0x8000004D;
	s8 =	sadd.s32 s9, s8;
	s9 =	ssub.s32 s30, s10  }
0xb: {  	s31 =	sshrl.u32 s11, $0x2;
	s10 =	simm.s32 $0x2;
	s11 =	simm.s32 $0x2800  }
0xc: {  	s8 =	sshrl.u32 s8, $0x3;
	s13 =	sadd.s32 s31, s2;
	s9 =	smax.u32 s9, $0x1  }
0xd: {  	s7 =	sadd.s32 s7, s6;
	s8 =	sadd.s32 s8, s6;
	s13 =	sshrl.u32 s13, $0x3  }
0xe: {  	s6 =	sadd.s32 $0xF000, s7;
	s7 =	sadd.s32 $0x4400, s7;
	s8 =	sadd.s32 $0x4CA00, s8  }
.LBB2_1:
0xf: {  	[tilespmem:s3], [sflag:$0x2] =	stream.linear.gather [hbm4b:s6+s3], $0x2780, $0x38;
	[tilespmem:$0x1CC00] =	vst v63  }
0x10: {  	_ =	swait.ge [sflag:s10], $0x2780  }
0x11: {  	[sflag:s10] =	ssyncset.done $0x0  }
0x12: {  	[sflag:s10] =	ssyncadd.s32 $0xFFFFD880  }
0x13: {  	[tilespmem:s11], [sflag:$0x2] =	stream.linear.gather [hbm4b:s7+s3], $0x2780, $0x38;
	[tilespmem:$0x1CC00] =	vst v63  }
0x14: {  	_ =	swait.ge [sflag:s10], $0x2780  }
0x15: {  	[sflag:s10] =	ssyncset.done $0x0  }
0x16: {  	[sflag:s10] =	ssyncadd.s32 $0xFFFFD880  }
0x17: {  	[spmem:s13], [sflag:s12] =	dma.local [hbm:s5], $0x2780  }
0x18: {  	_ =	swait.ge [sflag:s10], $0x2780  }
0x19: {  	[sflag:s10] =	ssyncset.done $0x0  }
0x1a: {  	[sflag:s10] =	ssyncadd.s32 $0xFFFFD880  }
0x1b: {  	s18 =	simm.s32 $0x0;
	[bflag:$0x0] =	sbarrier.arrive $0xFFFF  }
0x1c: {  	[tilespmem:s15], [sflag:$0x1] =	stream.indirect.gather [hbm4b:s4+s14], $0x80, s18, s14, $0xb8;
	[tilespmem:$0x1CC00] =	vst v63  }
0x1d: {  	_ =	swait.ge [sflag:s16], $0x4000  }
0x1e: {  	[sflag:s16] =	ssyncset.done $0x0  }
0x1f: {  	s31 =	simm.s32 $0x2800;
	[sflag:s16] =	ssyncadd.s32 $0xFFFFC000  }
0x20: {  	[spmem:s2] =	stream.indirect.scatter.add.f32 [tilespmem:s15], [sflag:$0x2], $0x80, s31, s14, $0xb8;
	[tilespmem:$0x1CC00] =	vst v63  }
0x21: {  	_ =	swait.ge [sflag:s10], $0x4000  }
0x22: {  	s19 =	simm.s32 $0x400;
	s18 =	simm.s32 $0x200;
	[sflag:s10] =	ssyncset.done $0x0  }
.LBB2_2:
0x23: {  	s20 =	sshra.s32 s18, $0x2  }
0x24: {  	[sflag:s10] =	ssyncadd.s32 $0xFFFFC000;
	s18 =	smov.u32 s19;
	s21 =	sadd.s32 $0x200, s19  }
0x25: {  	[tilespmem:s15], [sflag:$0x1] =	stream.indirect.gather [hbm4b:s4+s14], $0x80, s20, s14, $0xb8;
	[tilespmem:$0x1CC00] =	vst v63  }
0x26: {  	p0 =	sne.s32 s19, $0x9C00;
	_ =	swait.ge [sflag:s16], $0x4000  }
.Ltmp0:
0x27: {  	[sflag:s16] =	ssyncset.done $0x0;
	(pc) =	sbr.rel @p0 .LBB2_2-.Ltmp0, $4  }
0x28: {  	s19 =	sadd.s32 $0x2800, s20;
	[sflag:s16] =	ssyncadd.s32 $0xFFFFC000  }
0x29: {  	[spmem:s2] =	stream.indirect.scatter.add.f32 [tilespmem:s15], [sflag:$0x2], $0x80, s19, s14, $0xb8;
	[tilespmem:$0x1CC00] =	vst v63  }
0x2a: {  	_ =	swait.ge [sflag:s10], $0x4000  }
0x2b: {  	s19 =	smov.u32 s21;
	[sflag:s10] =	ssyncset.done $0x0  }
0x2c: {  	s18 =	sshra.s32 s18, $0x2;
	[sflag:s10] =	ssyncadd.s32 $0xFFFFC000  }
0x2d: {  	[tilespmem:s15], [sflag:$0x1] =	stream.indirect.gather [hbm4b:s4+s14], $0x80, s18, s14, $0xb8;
	[tilespmem:$0x1CC00] =	vst v63  }
0x2e: {  	_ =	swait.ge [sflag:s16], $0x4000  }
0x2f: {  	[sflag:s16] =	ssyncset.done $0x0  }
0x30: {  	s18 =	sadd.s32 $0x2800, s18;
	[sflag:s16] =	ssyncadd.s32 $0xFFFFC000  }
0x31: {  	[spmem:s2] =	stream.indirect.scatter.add.f32 [tilespmem:s15], [sflag:$0x2], $0x80, s18, s14, $0xb8;
	[tilespmem:$0x1CC00] =	vst v63  }
0x32: {  	_ =	swait.ge [sflag:s10], $0x4000  }
0x33: {  	s17 =	sadd.s32 $0x1, s17;
	[sflag:s10] =	ssyncset.done $0x0  }
0x34: {  	p0 =	sne.s32 s17, s9;
	[sflag:s10] =	ssyncadd.s32 $0xFFFFC000  }
.Ltmp1:
0x35: {  	[bflag:$0x0] =	sbarrier.arrive $0xFFFF;
	(pc) =	sbr.rel @p0 .LBB2_1-.Ltmp1, $4  }
0x36: {  	[hbm:s8], [sflag:s12] =	dma.local [spmem:s13], $0x2780  }
0x37: {  	_ =	swait.ge [sflag:s10], $0x2780  }
0x38: {  	[sflag:s10] =	ssyncset.done $0x0  }
0x39: {  	[sflag:s10] =	ssyncadd.s32 $0xFFFFD880  }
0x3a: {  	_ =	sfence.sel $0x180000  }
0x3b: {  	[bflag:$0x0] =	sbarrier.arrive $0xFFFF  }
0x3c: {  	p0 =	sne.s32 s0, $0x0;
	_ =	strace $0x9000004D  }
0x3d: {  	s0 =	sadd.s32 @!p0 $0x100000, s1;
	[bflag:$0x2] =	sbarrier.arrive $0xFFFF  }
0x3e: {  	[sflag:s0] =	ssyncadd.tile.s32 @!p0 $0x1;
	_ =	shalt  }
.Lfunc_end2:
_tile_overlayer_lowered:
.L_overlay_start_2:
0x3f: {  	(tag) =	ssettag $0x2  }
0x40: {  	s0 =	rddreg [dreg:$0x0];
	s2 =	stileid.u32  }
0x41: {  	s1 =	rddreg [dreg:$0x1];
	p0 =	sne.s32 s2, $0x0  }
0x42: {  	s3 =	rddreg [dreg:$0x2];
	[bflag:$0x3] =	sbarrier.arrive $0xFFFF;
	s2 =	simm.s32 @!p0 $0x1C02  }
0x43: {  	[timem:s3], [sflag:s2] =	dma.local @!p0 [hbm:s0], s1  }
0x44: {  	s0 =	simm.s32 @!p0 $0x2  }
0x45: {  	_ =	swait.ge @!p0 [sflag:s0], s1  }
0x46: {  	s1 =	ssub.s32 @!p0 $0x0, s1;
	[sflag:s0] =	ssyncset.done @!p0 $0x0  }
0x47: {  	[sflag:s0] =	ssyncadd.s32 @!p0 s1  }
0x48: {  	[bflag:$0x3] =	sbarrier.arrive $0xFFFF  }
0x49: {  	_ =	shalt  }

// kernel: kernel.20.cloned.1.call-start
scs
__scs_entry_jumppad:
0x0: {  	(pc) =	sbr.rel $0x88, $3  }
0x1: {  	(tag) =	ssettag $0x0;
	lr =	simm.s32 $0x1  }
0x2: {  	[smem:$0x3F98] =	sst lr;
	_ =	strace $0xD0000000  }
0x3: {  	_ = 	snop  }
0x4: {  	_ = 	snop  }
0x5: {  	_ = 	snop  }
0x6: {  	_ = 	snop  }
0x7: {  	_ = 	snop  }
__scs_overlays_trampoline_lowered:
0x8: {  	[smem:$0x3FA7] =	sst s0  }
0x9: {  	[smem:$0x3FA8] =	sst s1  }
0xa: {  	[smem:$0x3FA9] =	sst s2  }
0xb: {  	[smem:$0x3FAA] =	sst s3  }
0xc: {  	[smem:$0x3FAB] =	sst s4  }
0xd: {  	[smem:$0x3FAC] =	sst s5  }
0xe: {  	[smem:$0x3FAD] =	sst s6  }
0xf: {  	[smem:$0x3FAE] =	sst s7  }
0x10: {  	[smem:$0x3FAF] =	sst s8  }
0x11: {  	[smem:$0x3FB0] =	sst s9;
	s0 =	simm.s32 @!p0 $0x0  }
0x12: {  	s1 =	sld [smem:$0x3F96];
	s0 =	simm.s32 @p0 $0x1  }
0x13: {  	[smem:$0x3FB1] =	sst s0;
	s0 =	simm.s32 @!p1 $0x0  }
0x14: {  	s2 =	sld [smem:$0x3F95];
	s0 =	simm.s32 @p1 $0x1  }
0x15: {  	[smem:$0x3FB2] =	sst s0;
	s0 =	simm.s32 @!p2 $0x0  }
0x16: {  	s3 =	sld [smem:$0x3FDB];
	s0 =	simm.s32 @p2 $0x1  }
0x17: {  	s4 =	simm.s32 $0x1BF5;
	[smem:$0x3FB4] =	sst s0  }
0x18: {  	s0 =	sld [smem:$0x3F97];
	_ =	swait.ge [sflag:s4], $0x0  }
0x19: {  	s7 =	sld [smem:$0x3F98]  }
0x1a: {  	s8 =	sadd.s32 $0xFFFFE003, lr  }
0x1b: {  	s9 =	sadd.s32 $0xFFFFFEF7, lr;
	s5 =	simm.s32 $0xFFFFFFFF;
	p2 =	slt.u32 s8, $0xFFFFF086  }
0x1c: {  	p1 =	slt.u32 s9, $0xF7A;
	s5 =	simm.s32 @!p2 $0x0  }
0x1d: {  	s5 =	simm.s32 @p1 $0x1;
	p0 =	seq.s32 s7, s2  }
0x1e: {  	s7 =	smul.u32 @!p0 $0xF7A, s2;
	p2 =	seq.s32 @!p0 s5, $0x0  }
0x1f: {  	s9 =	smul.u32 $0xF7A, s1;
	s8 =	simm.s32 @!p0 $0x1BF5;
	p2 =	por !p2, p0  }
0x20: {  	[sflag:s8] =	ssyncset.s32 @!p0 $0xFFFFF086;
	s6 =	sadd.s32 @!p0 s3, s7;
	s7 =	simm.s32 @!p0 $0x108  }
0x21: {  	s3 =	sadd.s32 s3, s9;
	s6 =	sadd.s32 @!p0 $0x88, s6;
	s7 =	simm.s32 @p2 $0x1082  }
0x22: {  	[simem:s7], [sflag:s8] =	dma.local @!p0 [hbm:s6], $0xF7A  }
0x23: {  	s9 =	sor.u32 $0xD0000000, s2;
	s6 =	simm.s32 $0x108;
	_ =	swait.ge @!p0 [sflag:s8], $0x0  }
0x24: {  	s3 =	sadd.s32 $0x88, s3;
	s6 =	simm.s32 @!p1 $0x1082;
	[sflag:s4] =	ssyncset.s32 $0xFFFFF086  }
0x25: {  	[simem:s6], [sflag:s4] =	dma.local [hbm:s3], $0xF7A  }
0x26: {  	[smem:$0x3F98] =	sst s1;
	(tag) =	ssettag s2;
	_ =	strace s9  }
0x27: {  	s1 =	sld [smem:$0x3FA8]  }
0x28: {  	s2 =	sld [smem:$0x3FA9]  }
0x29: {  	s4 =	sld [smem:$0x3FAB]  }
0x2a: {  	p0 =	seq.s32 s5, $0x0;
	s5 =	sld [smem:$0x3FAC]  }
0x2b: {  	s6 =	sld [smem:$0x3FAD]  }
0x2c: {  	s7 =	sld [smem:$0x3FAE]  }
0x2d: {  	s3 =	simm.s32 $0x108;
	s8 =	sld [smem:$0x3FAF]  }
0x2e: {  	s3 =	simm.s32 @!p0 $0x1082;
	s9 =	sld [smem:$0x3FB0]  }
0x2f: {  	lr =	sadd.s32 s0, s3;
	s0 =	sld [smem:$0x3FA7]  }
0x30: {  	s3 =	sld [smem:$0x3FAA]  }
0x31: {  	[smem:$0x3FB3] =	sst s10  }
0x32: {  	s10 =	sld [smem:$0x3FB1];
	_ =	sdelay $0x3  }
0x33: {  	p0 =	seq.s32 s10, $0x1;
	s10 =	sld [smem:$0x3FB3];
	_ =	sdelay $0x3  }
0x34: {  	[smem:$0x3FB3] =	sst s10  }
0x35: {  	s10 =	sld [smem:$0x3FB2];
	_ =	sdelay $0x3  }
0x36: {  	p1 =	seq.s32 s10, $0x1;
	s10 =	sld [smem:$0x3FB3];
	_ =	sdelay $0x3  }
0x37: {  	[smem:$0x3FB3] =	sst s10  }
0x38: {  	s10 =	sld [smem:$0x3FB4]  }
0x39: {  	_ = 	snop;
	(pc) =	sbr.ind lr, $3  }
0x3a: {  	_ = 	snop  }
0x3b: {  	_ = 	snop  }
0x3c: {  	p2 =	seq.s32 s10, $0x1;
	s10 =	sld [smem:$0x3FB3]  }
0x3d: {  	_ =	shalt  }
0x3e: {  	_ =	shalt  }
0x3f: {  	_ =	shalt  }
0x40: {  	_ =	shalt  }
0x41: {  	_ =	shalt  }
0x42: {  	_ =	shalt  }
0x43: {  	_ =	shalt  }
0x44: {  	_ =	shalt  }
0x45: {  	_ =	shalt  }
0x46: {  	_ =	shalt  }
0x47: {  	_ =	shalt  }
0x48: {  	_ =	shalt  }
0x49: {  	_ =	shalt  }
0x4a: {  	_ =	shalt  }
0x4b: {  	_ =	shalt  }
0x4c: {  	_ =	shalt  }
0x4d: {  	_ =	shalt  }
0x4e: {  	_ =	shalt  }
0x4f: {  	_ =	shalt  }
0x50: {  	_ =	shalt  }
0x51: {  	_ =	shalt  }
0x52: {  	_ =	shalt  }
0x53: {  	_ =	shalt  }
0x54: {  	_ =	shalt  }
0x55: {  	_ =	shalt  }
0x56: {  	_ =	shalt  }
0x57: {  	_ =	shalt  }
0x58: {  	_ =	shalt  }
0x59: {  	_ =	shalt  }
0x5a: {  	_ =	shalt  }
0x5b: {  	_ =	shalt  }
0x5c: {  	_ =	shalt  }
0x5d: {  	_ =	shalt  }
0x5e: {  	_ =	shalt  }
0x5f: {  	_ =	shalt  }
0x60: {  	_ =	shalt  }
0x61: {  	_ =	shalt  }
0x62: {  	_ =	shalt  }
0x63: {  	_ =	shalt  }
0x64: {  	_ =	shalt  }
0x65: {  	_ =	shalt  }
0x66: {  	_ =	shalt  }
0x67: {  	_ =	shalt  }
0x68: {  	_ =	shalt  }
0x69: {  	_ =	shalt  }
0x6a: {  	_ =	shalt  }
0x6b: {  	_ =	shalt  }
0x6c: {  	_ =	shalt  }
0x6d: {  	_ =	shalt  }
0x6e: {  	_ =	shalt  }
0x6f: {  	_ =	shalt  }
0x70: {  	_ =	shalt  }
0x71: {  	_ =	shalt  }
0x72: {  	_ =	shalt  }
0x73: {  	_ =	shalt  }
0x74: {  	_ =	shalt  }
0x75: {  	_ =	shalt  }
0x76: {  	_ =	shalt  }
0x77: {  	_ =	shalt  }
0x78: {  	_ =	shalt  }
0x79: {  	_ =	shalt  }
0x7a: {  	_ =	shalt  }
0x7b: {  	_ =	shalt  }
0x7c: {  	_ =	shalt  }
0x7d: {  	_ =	shalt  }
0x7e: {  	_ =	shalt  }
0x7f: {  	_ =	shalt  }
0x80: {  	_ =	shalt  }
0x81: {  	_ =	shalt  }
0x82: {  	_ =	shalt  }
0x83: {  	_ =	shalt  }
0x84: {  	_ =	shalt  }
0x85: {  	_ =	shalt  }
0x86: {  	_ =	shalt  }
0x87: {  	_ =	shalt  }
.Lfunc_end0:
.L_simem_size_0:
called_computation.3_lowered:
.L_overlay_start_0:
0x88: {  	s2 =	sld [smem:$0x3FD9]  }
0x89: {  	s3 =	sld [smem:$0x3FFE];
	_ =	sdelay $0x1  }
0x8a: {  	s1 =	srdreg.scid  }
0x8b: {  	s0 =	sand.u32 $0x1, s1  }
0x8c: {  	s17 =	sshll.u32 s0, $0xA;
	s2 =	sadd.s32 s3, s2  }
0x8d: {  	s2 =	sadd.s32 s2, s17  }
0x8e: {  	[smem:$0x3FBF] =	sst s2  }
0x8f: {  	_ = 	snop  }
0x90: {  	(tm) =	ssettm $0x1  }
0x91: {  	s18 =	sld [smem:$0x3FFB];
	_ =	sdelay $0x3  }
0x92: {  	_ =	strace s18  }
0x93: {  	s2 =	sld [smem:$0x3FFC];
	_ =	sdelay $0x3  }
0x94: {  	_ =	strace s2  }
0x95: {  	s2 =	sld [smem:$0x3FFD];
	_ =	sdelay $0x3  }
0x96: {  	_ =	strace s2  }
0x97: {  	_ =	strace $0x8FFFFFFF  }
0x98: {  	s19 =	sld [smem:$0x3FDB];
	_ =	sdelay $0x1  }
0x99: {  	s20 =	simm.s32 $_scs_section_size  }
0x9a: {  	s4 =	simm.s32 $_size__tile_overlayer_lowered;
	s5 =	simm.s32 $_tile_overlayer_lowered  }
0x9b: {  	s6 =	simm.s32 $0x1BFF;
	s21 =	sshll.u32 s5, $0x1;
	s3 =	sadd.s32 s20, s19  }
0x9c: {  	s22 =	simm.s32 $0x0;
	s4 =	sshll.u32 s4, $0x1;
	s5 =	sadd.s32 s21, s3  }
0x9d: {  	[timem:s22], [sflag:s6] =	dma.local [hbm:s5], s4  }
0x9e: {  	_ =	swait.ge [sflag:s6], s4  }
0x9f: {  	s4 =	ssub.s32 $0x0, s4;
	[sflag:s6] =	ssyncset.done $0x0  }
0xa0: {  	[sflag:s6] =	ssyncadd.s32 s4;
	_ =	sdelay $0x1  }
0xa1: {  	s23 =	simm.s32 $0x1B8B  }
0xa2: {  	_ =	swait.ge [sflag:s23], $0x1  }
0xa3: {  	[sflag:s23] =	ssyncset.done $0x0  }
0xa4: {  	[sflag:s23] =	ssyncadd.s32 $0xFFFFFFFF  }
0xa5: {  	s4 =	sld [smem:$0x0]  }
0xa6: {  	s5 =	sand.u32 $0xFFFFFFFE, s1  }
0xa7: {  	p0 =	sne.s32 s1, s5  }
0xa8: {  	s5 =	sshll.u32 @p0 s5, $0xE  }
0xa9: {  	s5 =	sadd.s32 @p0 $0x11B8D, s5;
	s6 =	sshll.u32 @p0 s4, $0x11  }
0xaa: {  	s5 =	sor.u32 @p0 s6, s5  }
0xab: {  	[sflag:s5] =	ssyncadd.remote.s32 @p0 $0x1;
	_ =	sdelay $0x1  }
0xac: {  	s5 =	simm.s32 @p0 $0x1B8D  }
0xad: {  	_ =	swait.eq @p0 [sflag:s5], $0x1  }
0xae: {  	[sflag:s5] =	ssyncadd.s32 @p0 $0xFFFFFFFF  }
0xaf: {  	s6 =	sshll.u32 @!p0 s1, $0xE  }
0xb0: {  	s6 =	sor.u32 @!p0 $0x4000, s6;
	s5 =	simm.s32 @!p0 $0x1B8D  }
0xb1: {  	s4 =	sshll.u32 @!p0 s4, $0x11;
	s6 =	sadd.s32 @!p0 $0x11B8D, s6;
	_ =	swait.eq @!p0 [sflag:s5], $0x1  }
0xb2: {  	s4 =	sor.u32 @!p0 s4, s6;
	[sflag:s5] =	ssyncadd.s32 @!p0 $0xFFFFFFFF  }
0xb3: {  	s25 =	simm.s32 $0x1B8E;
	s24 =	sld [smem:$0x3FFE];
	[sflag:s4] =	ssyncadd.remote.s32 @!p0 $0x1  }
0xb4: {  	s26 =	simm.s32 $execute0_lowered;
	[smem:$0x3FD2] =	sst s25  }
0xb5: {  	s5 =	sshll.u32 s26, $0x1;
	_ =	strace $0x8000004F;
	[dreg:$0x1] =	wrdreg $0xFFFFFFFF  }
0xb6: {  	s28 =	simm.s32 $_size_execute0_lowered;
	s3 =	sadd.s32 s3, s5;
	[dreg:$0x0] =	wrdreg $0x0  }
0xb7: {  	s5 =	sshll.u32 s28, $0x1;
	[dreg:$0x2] =	wrdreg s3  }
0xb8: {  	[dreg:$0x3] =	wrdreg s5  }
0xb9: {  	[dreg:$0x4] =	wrdreg $0xC0  }
0xba: {  	_ =	task [dreg:s22], $0x5FFFF  }
0xbb: {  	[dreg:$0x1] =	wrdreg $0xFFFFFFFF  }
0xbc: {  	[dreg:$0x0] =	wrdreg $0x60  }
0xbd: {  	[dreg:$0x2] =	wrdreg s24  }
0xbe: {  	[dreg:$0x3] =	wrdreg $0x68000  }
0xbf: {  	[dreg:$0x4] =	wrdreg $0xA  }
0xc0: {  	_ =	task.clear_ibuf [dreg:s22], $0x5FFFF;
	_ =	strace $0x9000004F  }
0xc1: {  	s29 =	simm.s32 $0xA;
	_ =	strace $0x80000051  }
0xc2: {  	_ =	swait.ge [sflag:s29], $0x1  }
0xc3: {  	[sflag:s29] =	ssyncadd.s32 $0xFFFFFFFF  }
0xc4: {  	_ =	strace $0x90000051  }
0xc5: {  	_ =	sfence  }
0xc6: {  	s30 =	sld [smem:$0x0];
	_ =	sdelay $0x2  }
0xc7: {  	s31 =	sshll.u32 s1, $0xD;
	s1 =	sshrl.u32 s1, $0x2  }
0xc8: {  	s4 =	sand.u32 $0x4000, s31;
	s1 =	sadd.s32 s1, s30  }
0xc9: {  	s0 =	sor.u32 s4, s0;
	s1 =	sshll.u32 s1, $0x11  }
0xca: {  	s0 =	sor.u32 s1, s0  }
0xcb: {  	s0 =	sadd.s32 $0x8F2B, s0  }
0xcc: {  	[sflag:s0] =	ssyncadd.remote.s32 $0x1  }
0xcd: {  	_ =	sfence.sel $0xFFFF  }
0xce: {  	[dreg:$0x0] =	wrdreg $0xFFFFFFFF;
	(pc) =	sbr.abs _section_cstart, $3  }
0xcf: {  	[dreg:$0x1] =	wrdreg $0xFFFFFFFF  }
0xd0: {  	_ =	task.clear_ibuf [dreg:s22], $0x2FFFF;
	_ =	strace $0x9FFFFFFF  }
0xd1: {  	(tm) =	ssettm $0x7FFFFFFF  }
tec
execute0_lowered:
.L_overlay_start_1:
0x0: {  	(tag) =	ssettag $0x1  }
0x1: {  	s0 =	srdreg.scid  }
0x2: {  	s6 =	rddreg [dreg:$0x0];
	s5 =	sand.u32 $0x1, s0  }
0x3: {  	s2 =	rddreg [dreg:$0x1];
	s4 =	smul.u32 $0x278000, s5  }
0x4: {  	s0 =	stileid.u32;
	s8 =	smul.u32 $0x13C000, s5  }
0x5: {  	s3 =	simm.s32 $0x0;
	s13 =	simm.s32 $0x80;
	s9 =	smul.u32 $0x13C00, s0  }
0x6: {  	s14 =	simm.s32 $0x0;
	[smem:$0x7FF] =	sst s3;
	s26 =	smul.u32 $0x4F000, s0  }
0x7: {  	s1 =	sshll.u32 s5, $0x4;
	s5 =	ssub.s32 $0x2, s5;
	s11 =	smul.u32 $0x27800, s0  }
0x8: {  	s31 =	sshll.u32 s0, $0x6;
	s1 =	sor.u32 s0, s1;
	s28 =	sshrl.u32 s5, $0x1  }
0x9: {  	s7 =	smul.u32 $0x500, s1;
	s1 =	rddreg [dreg:$0x2];
	_ =	strace $0x80000050  }
0xa: {  	s10 =	sadd.s32 s4, s6;
	s4 =	sadd.s32 $0x40200, s6;
	s8 =	sadd.s32 s9, s8  }
0xb: {  	s29 =	sshrl.u32 s26, $0x2;
	s9 =	simm.s32 $0x1;
	s8 =	sshrl.u32 s8, $0x3  }
0xc: {  	s12 =	sadd.s32 s29, s2;
	s30 =	sadd.s32 s11, s10;
	s10 =	sor.u32 $0x1C01, s31  }
0xd: {  	s7 =	sadd.s32 s7, s6;
	s6 =	sadd.s32 s8, s6;
	s8 =	ssub.s32 s5, s28  }
0xe: {  	s11 =	sshrl.u32 s12, $0x3;
	s12 =	simm.s32 $0x2800;
	s5 =	sadd.s32 $0x4400, s7  }
0xf: {  	s6 =	sadd.s32 $0x9BA00, s6;
	s7 =	smax.u32 s8, $0x1;
	s8 =	sadd.s32 $0xF5DA00, s30  }
.LBB2_1:
0x10: {  	[tilespmem:s3], [sflag:$0x1] =	stream.linear.gather [hbm4b:s5+s3], $0x2780, $0x38;
	[tilespmem:$0x8F80] =	vst v63  }
0x11: {  	_ =	swait.ge [sflag:s9], $0x2780  }
0x12: {  	[sflag:s9] =	ssyncset.done $0x0  }
0x13: {  	[sflag:s9] =	ssyncadd.s32 $0xFFFFD880  }
0x14: {  	[spmem:s11], [sflag:s10] =	dma.local [hbm:s4], $0x2780  }
0x15: {  	_ =	swait.ge [sflag:s9], $0x2780  }
0x16: {  	[sflag:s9] =	ssyncset.done $0x0  }
0x17: {  	[sflag:s9] =	ssyncadd.s32 $0xFFFFD880  }
0x18: {  	[bflag:$0x0] =	sbarrier.arrive $0xFFFF  }
0x19: {  	[tilespmem:s12], [sflag:$0x1] =	stream.linear.gather [hbm4b:s8+s3], $0x4000, $0x38;
	[tilespmem:$0x8F80] =	vst v63  }
0x1a: {  	_ =	swait.ge [sflag:s9], $0x4000  }
0x1b: {  	[sflag:s9] =	ssyncset.done $0x0  }
0x1c: {  	s15 =	simm.s32 $0x0;
	[sflag:s9] =	ssyncadd.s32 $0xFFFFC000  }
0x1d: {  	[spmem:s2] =	stream.indirect.scatter.add.f32 [tilespmem:s12], [sflag:$0x1], $0x10, s15, s13, $0xb8;
	[tilespmem:$0x8F80] =	vst v63  }
0x1e: {  	_ =	swait.ge [sflag:s9], $0x800  }
0x1f: {  	s16 =	smov.u32 s8;
	s15 =	simm.s32 $0x200;
	[sflag:s9] =	ssyncset.done $0x0  }
.LBB2_2:
0x20: {  	p0 =	sne.s32 s15, $0x9C00;
	[sflag:s9] =	ssyncadd.s32 $0xFFFFF800;
	s16 =	sadd.s32 $0x800, s16  }
0x21: {  	[tilespmem:s12], [sflag:$0x1] =	stream.linear.gather [hbm4b:s16+s3], $0x4000, $0x38;
	[tilespmem:$0x8F80] =	vst v63  }
0x22: {  	s17 =	smov.u32 s15;
	s15 =	sadd.s32 $0x200, s15;
	_ =	swait.ge [sflag:s9], $0x4000  }
.Ltmp0:
0x23: {  	[sflag:s9] =	ssyncset.done $0x0;
	(pc) =	sbr.rel @p0 .LBB2_2-.Ltmp0, $4  }
0x24: {  	s17 =	sshra.s32 s17, $0x2;
	[sflag:s9] =	ssyncadd.s32 $0xFFFFC000  }
0x25: {  	[spmem:s2] =	stream.indirect.scatter.add.f32 [tilespmem:s12], [sflag:$0x1], $0x10, s17, s13, $0xb8;
	[tilespmem:$0x8F80] =	vst v63  }
0x26: {  	_ =	swait.ge [sflag:s9], $0x800  }
0x27: {  	[sflag:s9] =	ssyncset.done $0x0  }
0x28: {  	s14 =	sadd.s32 $0x1, s14  }
0x29: {  	[sflag:s9] =	ssyncadd.s32 $0xFFFFF800;
	p0 =	sne.s32 s14, s7  }
.Ltmp1:
0x2a: {  	[bflag:$0x0] =	sbarrier.arrive $0xFFFF;
	(pc) =	sbr.rel @p0 .LBB2_1-.Ltmp1, $4  }
0x2b: {  	[hbm:s6], [sflag:s10] =	dma.local [spmem:s11], $0x2780  }
0x2c: {  	_ =	swait.ge [sflag:s9], $0x2780  }
0x2d: {  	[sflag:s9] =	ssyncset.done $0x0  }
0x2e: {  	[sflag:s9] =	ssyncadd.s32 $0xFFFFD880  }
0x2f: {  	_ =	sfence.sel $0x180000  }
0x30: {  	[bflag:$0x0] =	sbarrier.arrive $0xFFFF  }
0x31: {  	p0 =	sne.s32 s0, $0x0;
	_ =	strace $0x90000050  }
0x32: {  	s0 =	sadd.s32 @!p0 $0x100000, s1;
	[bflag:$0x2] =	sbarrier.arrive $0xFFFF  }
0x33: {  	[sflag:s0] =	ssyncadd.tile.s32 @!p0 $0x1;
	_ =	shalt  }
.Lfunc_end2:
_tile_overlayer_lowered:
.L_overlay_start_2:
0x34: {  	(tag) =	ssettag $0x2  }
0x35: {  	s0 =	rddreg [dreg:$0x0];
	s2 =	stileid.u32  }
0x36: {  	s1 =	rddreg [dreg:$0x1];
	p0 =	sne.s32 s2, $0x0  }
0x37: {  	s3 =	rddreg [dreg:$0x2];
	[bflag:$0x3] =	sbarrier.arrive $0xFFFF;
	s2 =	simm.s32 @!p0 $0x1C01  }
0x38: {  	[timem:s3], [sflag:s2] =	dma.local @!p0 [hbm:s0], s1  }
0x39: {  	s0 =	simm.s32 @!p0 $0x1  }
0x3a: {  	_ =	swait.ge @!p0 [sflag:s0], s1  }
0x3b: {  	s1 =	ssub.s32 @!p0 $0x0, s1;
	[sflag:s0] =	ssyncset.done @!p0 $0x0  }
0x3c: {  	[sflag:s0] =	ssyncadd.s32 @!p0 s1  }
0x3d: {  	[bflag:$0x3] =	sbarrier.arrive $0xFFFF  }
0x3e: {  	_ =	shalt  }

// kernel: kernel.23.cloned.1.call-start
scs
__scs_entry_jumppad:
0x0: {  	(pc) =	sbr.rel $0x88, $3  }
0x1: {  	(tag) =	ssettag $0x0;
	lr =	simm.s32 $0x1  }
0x2: {  	[smem:$0x3F98] =	sst lr;
	_ =	strace $0xD0000000  }
0x3: {  	_ = 	snop  }
0x4: {  	_ = 	snop  }
0x5: {  	_ = 	snop  }
0x6: {  	_ = 	snop  }
0x7: {  	_ = 	snop  }
__scs_overlays_trampoline_lowered:
0x8: {  	[smem:$0x3FA7] =	sst s0  }
0x9: {  	[smem:$0x3FA8] =	sst s1  }
0xa: {  	[smem:$0x3FA9] =	sst s2  }
0xb: {  	[smem:$0x3FAA] =	sst s3  }
0xc: {  	[smem:$0x3FAB] =	sst s4  }
0xd: {  	[smem:$0x3FAC] =	sst s5  }
0xe: {  	[smem:$0x3FAD] =	sst s6  }
0xf: {  	[smem:$0x3FAE] =	sst s7  }
0x10: {  	[smem:$0x3FAF] =	sst s8  }
0x11: {  	[smem:$0x3FB0] =	sst s9;
	s0 =	simm.s32 @!p0 $0x0  }
0x12: {  	s1 =	sld [smem:$0x3F96];
	s0 =	simm.s32 @p0 $0x1  }
0x13: {  	[smem:$0x3FB1] =	sst s0;
	s0 =	simm.s32 @!p1 $0x0  }
0x14: {  	s2 =	sld [smem:$0x3F95];
	s0 =	simm.s32 @p1 $0x1  }
0x15: {  	[smem:$0x3FB2] =	sst s0;
	s0 =	simm.s32 @!p2 $0x0  }
0x16: {  	s3 =	sld [smem:$0x3FDB];
	s0 =	simm.s32 @p2 $0x1  }
0x17: {  	s4 =	simm.s32 $0x1BF5;
	[smem:$0x3FB4] =	sst s0  }
0x18: {  	s0 =	sld [smem:$0x3F97];
	_ =	swait.ge [sflag:s4], $0x0  }
0x19: {  	s7 =	sld [smem:$0x3F98]  }
0x1a: {  	s8 =	sadd.s32 $0xFFFFE003, lr  }
0x1b: {  	s9 =	sadd.s32 $0xFFFFFEF7, lr;
	s5 =	simm.s32 $0xFFFFFFFF;
	p2 =	slt.u32 s8, $0xFFFFF086  }
0x1c: {  	p1 =	slt.u32 s9, $0xF7A;
	s5 =	simm.s32 @!p2 $0x0  }
0x1d: {  	s5 =	simm.s32 @p1 $0x1;
	p0 =	seq.s32 s7, s2  }
0x1e: {  	s7 =	smul.u32 @!p0 $0xF7A, s2;
	p2 =	seq.s32 @!p0 s5, $0x0  }
0x1f: {  	s9 =	smul.u32 $0xF7A, s1;
	s8 =	simm.s32 @!p0 $0x1BF5;
	p2 =	por !p2, p0  }
0x20: {  	[sflag:s8] =	ssyncset.s32 @!p0 $0xFFFFF086;
	s6 =	sadd.s32 @!p0 s3, s7;
	s7 =	simm.s32 @!p0 $0x108  }
0x21: {  	s3 =	sadd.s32 s3, s9;
	s6 =	sadd.s32 @!p0 $0x88, s6;
	s7 =	simm.s32 @p2 $0x1082  }
0x22: {  	[simem:s7], [sflag:s8] =	dma.local @!p0 [hbm:s6], $0xF7A  }
0x23: {  	s9 =	sor.u32 $0xD0000000, s2;
	s6 =	simm.s32 $0x108;
	_ =	swait.ge @!p0 [sflag:s8], $0x0  }
0x24: {  	s3 =	sadd.s32 $0x88, s3;
	s6 =	simm.s32 @!p1 $0x1082;
	[sflag:s4] =	ssyncset.s32 $0xFFFFF086  }
0x25: {  	[simem:s6], [sflag:s4] =	dma.local [hbm:s3], $0xF7A  }
0x26: {  	[smem:$0x3F98] =	sst s1;
	(tag) =	ssettag s2;
	_ =	strace s9  }
0x27: {  	s1 =	sld [smem:$0x3FA8]  }
0x28: {  	s2 =	sld [smem:$0x3FA9]  }
0x29: {  	s4 =	sld [smem:$0x3FAB]  }
0x2a: {  	p0 =	seq.s32 s5, $0x0;
	s5 =	sld [smem:$0x3FAC]  }
0x2b: {  	s6 =	sld [smem:$0x3FAD]  }
0x2c: {  	s7 =	sld [smem:$0x3FAE]  }
0x2d: {  	s3 =	simm.s32 $0x108;
	s8 =	sld [smem:$0x3FAF]  }
0x2e: {  	s3 =	simm.s32 @!p0 $0x1082;
	s9 =	sld [smem:$0x3FB0]  }
0x2f: {  	lr =	sadd.s32 s0, s3;
	s0 =	sld [smem:$0x3FA7]  }
0x30: {  	s3 =	sld [smem:$0x3FAA]  }
0x31: {  	[smem:$0x3FB3] =	sst s10  }
0x32: {  	s10 =	sld [smem:$0x3FB1];
	_ =	sdelay $0x3  }
0x33: {  	p0 =	seq.s32 s10, $0x1;
	s10 =	sld [smem:$0x3FB3];
	_ =	sdelay $0x3  }
0x34: {  	[smem:$0x3FB3] =	sst s10  }
0x35: {  	s10 =	sld [smem:$0x3FB2];
	_ =	sdelay $0x3  }
0x36: {  	p1 =	seq.s32 s10, $0x1;
	s10 =	sld [smem:$0x3FB3];
	_ =	sdelay $0x3  }
0x37: {  	[smem:$0x3FB3] =	sst s10  }
0x38: {  	s10 =	sld [smem:$0x3FB4]  }
0x39: {  	_ = 	snop;
	(pc) =	sbr.ind lr, $3  }
0x3a: {  	_ = 	snop  }
0x3b: {  	_ = 	snop  }
0x3c: {  	p2 =	seq.s32 s10, $0x1;
	s10 =	sld [smem:$0x3FB3]  }
0x3d: {  	_ =	shalt  }
0x3e: {  	_ =	shalt  }
0x3f: {  	_ =	shalt  }
0x40: {  	_ =	shalt  }
0x41: {  	_ =	shalt  }
0x42: {  	_ =	shalt  }
0x43: {  	_ =	shalt  }
0x44: {  	_ =	shalt  }
0x45: {  	_ =	shalt  }
0x46: {  	_ =	shalt  }
0x47: {  	_ =	shalt  }
0x48: {  	_ =	shalt  }
0x49: {  	_ =	shalt  }
0x4a: {  	_ =	shalt  }
0x4b: {  	_ =	shalt  }
0x4c: {  	_ =	shalt  }
0x4d: {  	_ =	shalt  }
0x4e: {  	_ =	shalt  }
0x4f: {  	_ =	shalt  }
0x50: {  	_ =	shalt  }
0x51: {  	_ =	shalt  }
0x52: {  	_ =	shalt  }
0x53: {  	_ =	shalt  }
0x54: {  	_ =	shalt  }
0x55: {  	_ =	shalt  }
0x56: {  	_ =	shalt  }
0x57: {  	_ =	shalt  }
0x58: {  	_ =	shalt  }
0x59: {  	_ =	shalt  }
0x5a: {  	_ =	shalt  }
0x5b: {  	_ =	shalt  }
0x5c: {  	_ =	shalt  }
0x5d: {  	_ =	shalt  }
0x5e: {  	_ =	shalt  }
0x5f: {  	_ =	shalt  }
0x60: {  	_ =	shalt  }
0x61: {  	_ =	shalt  }
0x62: {  	_ =	shalt  }
0x63: {  	_ =	shalt  }
0x64: {  	_ =	shalt  }
0x65: {  	_ =	shalt  }
0x66: {  	_ =	shalt  }
0x67: {  	_ =	shalt  }
0x68: {  	_ =	shalt  }
0x69: {  	_ =	shalt  }
0x6a: {  	_ =	shalt  }
0x6b: {  	_ =	shalt  }
0x6c: {  	_ =	shalt  }
0x6d: {  	_ =	shalt  }
0x6e: {  	_ =	shalt  }
0x6f: {  	_ =	shalt  }
0x70: {  	_ =	shalt  }
0x71: {  	_ =	shalt  }
0x72: {  	_ =	shalt  }
0x73: {  	_ =	shalt  }
0x74: {  	_ =	shalt  }
0x75: {  	_ =	shalt  }
0x76: {  	_ =	shalt  }
0x77: {  	_ =	shalt  }
0x78: {  	_ =	shalt  }
0x79: {  	_ =	shalt  }
0x7a: {  	_ =	shalt  }
0x7b: {  	_ =	shalt  }
0x7c: {  	_ =	shalt  }
0x7d: {  	_ =	shalt  }
0x7e: {  	_ =	shalt  }
0x7f: {  	_ =	shalt  }
0x80: {  	_ =	shalt  }
0x81: {  	_ =	shalt  }
0x82: {  	_ =	shalt  }
0x83: {  	_ =	shalt  }
0x84: {  	_ =	shalt  }
0x85: {  	_ =	shalt  }
0x86: {  	_ =	shalt  }
0x87: {  	_ =	shalt  }
.Lfunc_end0:
.L_simem_size_0:
called_computation.4_lowered:
.L_overlay_start_0:
0x88: {  	s2 =	sld [smem:$0x3FD9]  }
0x89: {  	s3 =	sld [smem:$0x3FFE];
	_ =	sdelay $0x1  }
0x8a: {  	s1 =	srdreg.scid  }
0x8b: {  	s0 =	sand.u32 $0x1, s1  }
0x8c: {  	s16 =	sshll.u32 s0, $0xA;
	s2 =	sadd.s32 s3, s2  }
0x8d: {  	s2 =	sadd.s32 s2, s16  }
0x8e: {  	[smem:$0x3FBF] =	sst s2  }
0x8f: {  	_ = 	snop  }
0x90: {  	(tm) =	ssettm $0x1  }
0x91: {  	s17 =	sld [smem:$0x3FFB];
	_ =	sdelay $0x3  }
0x92: {  	_ =	strace s17  }
0x93: {  	s2 =	sld [smem:$0x3FFC];
	_ =	sdelay $0x3  }
0x94: {  	_ =	strace s2  }
0x95: {  	s2 =	sld [smem:$0x3FFD];
	_ =	sdelay $0x3  }
0x96: {  	_ =	strace s2  }
0x97: {  	_ =	strace $0x8FFFFFFF  }
0x98: {  	s18 =	sld [smem:$0x3FDB];
	_ =	sdelay $0x1  }
0x99: {  	s19 =	simm.s32 $_scs_section_size  }
0x9a: {  	s4 =	simm.s32 $_size__tile_overlayer_lowered;
	s5 =	simm.s32 $_tile_overlayer_lowered  }
0x9b: {  	s22 =	simm.s32 $0x1BFF;
	s21 =	sshll.u32 s5, $0x1;
	s2 =	sadd.s32 s19, s18  }
0x9c: {  	s6 =	simm.s32 $0x0;
	s20 =	sshll.u32 s4, $0x1;
	s4 =	sadd.s32 s21, s2  }
0x9d: {  	[timem:s6], [sflag:s22] =	dma.local [hbm:s4], s20  }
0x9e: {  	_ =	swait.ge [sflag:s22], s20  }
0x9f: {  	s3 =	ssub.s32 $0x0, s20;
	[sflag:s22] =	ssyncset.done $0x0  }
0xa0: {  	[sflag:s22] =	ssyncadd.s32 s3;
	_ =	sdelay $0x1  }
0xa1: {  	s23 =	simm.s32 $0x1B8B  }
0xa2: {  	_ =	swait.ge [sflag:s23], $0x1  }
0xa3: {  	[sflag:s23] =	ssyncset.done $0x0  }
0xa4: {  	s25 =	simm.s32 $0x1B8E;
	s24 =	sld [smem:$0x3FFE];
	[sflag:s23] =	ssyncadd.s32 $0xFFFFFFFF  }
0xa5: {  	s26 =	simm.s32 $execute0_lowered;
	[smem:$0x3FD2] =	sst s25  }
0xa6: {  	s4 =	sshll.u32 s26, $0x1;
	_ =	strace $0x80000052;
	[dreg:$0x1] =	wrdreg $0xFFFFFFFF  }
0xa7: {  	s28 =	simm.s32 $_size_execute0_lowered;
	s2 =	sadd.s32 s2, s4;
	[dreg:$0x0] =	wrdreg $0x0  }
0xa8: {  	s4 =	sshll.u32 s28, $0x1;
	[dreg:$0x2] =	wrdreg s2  }
0xa9: {  	[dreg:$0x3] =	wrdreg s4  }
0xaa: {  	[dreg:$0x4] =	wrdreg $0xC0  }
0xab: {  	_ =	task [dreg:s6], $0x5FFFF  }
0xac: {  	[dreg:$0x1] =	wrdreg $0xFFFFFFFF  }
0xad: {  	[dreg:$0x0] =	wrdreg $0x60  }
0xae: {  	[dreg:$0x2] =	wrdreg s24  }
0xaf: {  	[dreg:$0x3] =	wrdreg $0x9  }
0xb0: {  	_ =	task.clear_ibuf [dreg:s6], $0x4FFFF;
	_ =	strace $0x90000052  }
0xb1: {  	s29 =	simm.s32 $0x9;
	_ =	strace $0x80000054  }
0xb2: {  	_ =	swait.ge [sflag:s29], $0x1  }
0xb3: {  	[sflag:s29] =	ssyncadd.s32 $0xFFFFFFFF  }
0xb4: {  	_ =	strace $0x90000054  }
0xb5: {  	_ =	sfence  }
0xb6: {  	s30 =	sld [smem:$0x0];
	_ =	sdelay $0x2  }
0xb7: {  	s31 =	sshll.u32 s1, $0xD;
	s1 =	sshrl.u32 s1, $0x2  }
0xb8: {  	s3 =	sand.u32 $0x4000, s31;
	s1 =	sadd.s32 s1, s30  }
0xb9: {  	s0 =	sor.u32 s3, s0;
	s1 =	sshll.u32 s1, $0x11  }
0xba: {  	s0 =	sor.u32 s1, s0  }
0xbb: {  	s0 =	sadd.s32 $0x8F2B, s0  }
0xbc: {  	[sflag:s0] =	ssyncadd.remote.s32 $0x1  }
0xbd: {  	_ =	sfence.sel $0xFFFF  }
0xbe: {  	[dreg:$0x0] =	wrdreg $0xFFFFFFFF;
	(pc) =	sbr.abs _section_cstart, $3  }
0xbf: {  	[dreg:$0x1] =	wrdreg $0xFFFFFFFF  }
0xc0: {  	_ =	task.clear_ibuf [dreg:s6], $0x2FFFF;
	_ =	strace $0x9FFFFFFF  }
0xc1: {  	(tm) =	ssettm $0x7FFFFFFF  }
tec
execute0_lowered:
.L_overlay_start_1:
0x0: {  	(tag) =	ssettag $0x1  }
0x1: {  	s0 =	srdreg.scid  }
0x2: {  	s15 =	sand.u32 $0x1, s0  }
0x3: {  	s0 =	stileid.u32;
	s1 =	sshll.u32 s15, $0x4  }
0x4: {  	s9 =	sor.u32 s0, s1  }
0x5: {  	s10 =	rddreg [dreg:$0x0];
	s2 =	sshll.u32 s0, $0x4;
	s1 =	sshll.u32 s9, $0x4  }
0x6: {  	s4 =	sand.u32 $0x70, s2;
	s2 =	simm.s32 $0x0;
	s3 =	sand.u32 $0x180, s1  }
0x7: {  	[smem:$0x7FF] =	sst s2;
	s3 =	sor.u32 s4, s3  }
0x8: {  	s1 =	rddreg [dreg:$0x1];
	s14 =	sadd.s32 s3, s10  }
0x9: {  	_ =	strace $0x80000053;
	s3 =	simm.s32 $0x2;
	s4 =	sadd.s32 $0x42A00, s14  }
0xa: {  	[tilespmem:s2], [sflag:$0x2] =	stream.linear.gather [hbm4b:s4+s2], $0x80, $0x38;
	[tilespmem:$0x2080] =	vst v63  }
0xb: {  	_ =	swait.ge [sflag:s3], $0x80  }
0xc: {  	s6 =	simm.s32 $0x40;
	s7 =	simm.s32 $0x80;
	[sflag:s3] =	ssyncset.done $0x0  }
0xd: {  	s8 =	simm.s32 $0x1;
	s5 =	sadd.s32 $0x4400, s10;
	[sflag:s3] =	ssyncadd.s32 $0xFFFFFF80  }
0xe: {  	[tilespmem:s7], [sflag:$0x1] =	stream.indirect.gather [hbm4b:s5+s6], $0x80, s2, s6, $0xb8;
	[tilespmem:$0x2080] =	vst v63  }
0xf: {  	s9 =	sshll.u32 s9, $0xA;
	_ =	swait.ge [sflag:s8], $0x2000  }
0x10: {  	s16 =	sadd.s32 s9, s10;
	[sflag:s8] =	ssyncset.done $0x0  }
0x11: {  	s9 =	sadd.s32 $0x43200, s16;
	[sflag:s8] =	ssyncadd.s32 $0xFFFFE000  }
0x12: {  	[hbm4b:s9+s2] =	stream.linear.scatter [tilespmem:s7], [sflag:$0x2], $0x2000, $0x38;
	[tilespmem:$0x2080] =	vst v63  }
0x13: {  	_ =	swait.ge [sflag:s3], $0x2000  }
0x14: {  	[sflag:s3] =	ssyncset.done $0x0  }
0x15: {  	s10 =	sadd.s32 $0x42C00, s14;
	[sflag:s3] =	ssyncadd.s32 $0xFFFFE000  }
0x16: {  	[tilespmem:s2], [sflag:$0x2] =	stream.linear.gather [hbm4b:s10+s2], $0x80, $0x38;
	[tilespmem:$0x2080] =	vst v63  }
0x17: {  	_ =	swait.ge [sflag:s3], $0x80  }
0x18: {  	[sflag:s3] =	ssyncset.done $0x0  }
0x19: {  	[sflag:s3] =	ssyncadd.s32 $0xFFFFFF80  }
0x1a: {  	[tilespmem:s7], [sflag:$0x1] =	stream.indirect.gather [hbm4b:s5+s6], $0x80, s2, s6, $0xb8;
	[tilespmem:$0x2080] =	vst v63  }
0x1b: {  	_ =	swait.ge [sflag:s8], $0x2000  }
0x1c: {  	[sflag:s8] =	ssyncset.done $0x0  }
0x1d: {  	s11 =	sadd.s32 $0x4B200, s16;
	[sflag:s8] =	ssyncadd.s32 $0xFFFFE000  }
0x1e: {  	[hbm4b:s11+s2] =	stream.linear.scatter [tilespmem:s7], [sflag:$0x2], $0x2000, $0x38;
	[tilespmem:$0x2080] =	vst v63  }
0x1f: {  	_ =	swait.ge [sflag:s3], $0x2000  }
0x20: {  	[sflag:s3] =	ssyncset.done $0x0  }
0x21: {  	s12 =	sadd.s32 $0x42E00, s14;
	[sflag:s3] =	ssyncadd.s32 $0xFFFFE000  }
0x22: {  	[tilespmem:s2], [sflag:$0x2] =	stream.linear.gather [hbm4b:s12+s2], $0x80, $0x38;
	[tilespmem:$0x2080] =	vst v63  }
0x23: {  	_ =	swait.ge [sflag:s3], $0x80  }
0x24: {  	[sflag:s3] =	ssyncset.done $0x0  }
0x25: {  	[sflag:s3] =	ssyncadd.s32 $0xFFFFFF80  }
0x26: {  	[tilespmem:s7], [sflag:$0x1] =	stream.indirect.gather [hbm4b:s5+s6], $0x80, s2, s6, $0xb8;
	[tilespmem:$0x2080] =	vst v63  }
0x27: {  	_ =	swait.ge [sflag:s8], $0x2000  }
0x28: {  	[sflag:s8] =	ssyncset.done $0x0  }
0x29: {  	s13 =	sadd.s32 $0x53200, s16;
	[sflag:s8] =	ssyncadd.s32 $0xFFFFE000  }
0x2a: {  	[hbm4b:s13+s2] =	stream.linear.scatter [tilespmem:s7], [sflag:$0x2], $0x2000, $0x38;
	[tilespmem:$0x2080] =	vst v63  }
0x2b: {  	_ =	swait.ge [sflag:s3], $0x2000  }
0x2c: {  	[sflag:s3] =	ssyncset.done $0x0  }
0x2d: {  	s15 =	ssub.s32 $0x2, s15;
	s14 =	sadd.s32 $0x43000, s14;
	[sflag:s3] =	ssyncadd.s32 $0xFFFFE000  }
0x2e: {  	[tilespmem:s2], [sflag:$0x2] =	stream.linear.gather [hbm4b:s14+s2], $0x80, $0x38;
	[tilespmem:$0x2080] =	vst v63  }
0x2f: {  	s17 =	sshrl.u32 s15, $0x1;
	_ =	swait.ge [sflag:s3], $0x80  }
0x30: {  	s17 =	ssub.s32 s15, s17;
	[sflag:s3] =	ssyncset.done $0x0  }
0x31: {  	s31 =	smax.u32 s17, $0x1;
	[sflag:s3] =	ssyncadd.s32 $0xFFFFFF80  }
0x32: {  	[tilespmem:s7], [sflag:$0x1] =	stream.indirect.gather [hbm4b:s5+s6], $0x80, s2, s6, $0xb8;
	[tilespmem:$0x2080] =	vst v63  }
0x33: {  	p0 =	sne.s32 s31, $0x1;
	_ =	swait.ge [sflag:s8], $0x2000  }
.Ltmp0:
0x34: {  	[sflag:s8] =	ssyncset.done $0x0;
	(pc) =	sbr.rel @!p0 .LBB2_2-.Ltmp0, $4  }
0x35: {  	s15 =	sadd.s32 $0x5B200, s16;
	[sflag:s8] =	ssyncadd.s32 $0xFFFFE000  }
0x36: {  	[hbm4b:s15+s2] =	stream.linear.scatter [tilespmem:s7], [sflag:$0x2], $0x2000, $0x38;
	[tilespmem:$0x2080] =	vst v63  }
0x37: {  	_ =	swait.ge [sflag:s3], $0x2000  }
0x38: {  	s16 =	sadd.s32 $0xFFFFFFFF, s31;
	[sflag:s3] =	ssyncset.done $0x0  }
.LBB2_1:
0x39: {  	p0 =	sne.s32 s16, $0x1;
	s16 =	sadd.s32 $0xFFFFFFFF, s16;
	[sflag:s3] =	ssyncadd.s32 $0xFFFFE000  }
0x3a: {  	[tilespmem:s2], [sflag:$0x2] =	stream.linear.gather [hbm4b:s4+s2], $0x80, $0x38;
	[tilespmem:$0x2080] =	vst v63  }
0x3b: {  	_ =	swait.ge [sflag:s3], $0x80  }
0x3c: {  	[sflag:s3] =	ssyncset.done $0x0  }
0x3d: {  	[sflag:s3] =	ssyncadd.s32 $0xFFFFFF80  }
0x3e: {  	[tilespmem:s7], [sflag:$0x1] =	stream.indirect.gather [hbm4b:s5+s6], $0x80, s2, s6, $0xb8;
	[tilespmem:$0x2080] =	vst v63  }
0x3f: {  	_ =	swait.ge [sflag:s8], $0x2000  }
0x40: {  	[sflag:s8] =	ssyncset.done $0x0  }
0x41: {  	[sflag:s8] =	ssyncadd.s32 $0xFFFFE000  }
0x42: {  	[hbm4b:s9+s2] =	stream.linear.scatter [tilespmem:s7], [sflag:$0x2], $0x2000, $0x38;
	[tilespmem:$0x2080] =	vst v63  }
0x43: {  	_ =	swait.ge [sflag:s3], $0x2000  }
0x44: {  	[sflag:s3] =	ssyncset.done $0x0  }
0x45: {  	[sflag:s3] =	ssyncadd.s32 $0xFFFFE000  }
0x46: {  	[tilespmem:s2], [sflag:$0x2] =	stream.linear.gather [hbm4b:s10+s2], $0x80, $0x38;
	[tilespmem:$0x2080] =	vst v63  }
0x47: {  	_ =	swait.ge [sflag:s3], $0x80  }
0x48: {  	[sflag:s3] =	ssyncset.done $0x0  }
0x49: {  	[sflag:s3] =	ssyncadd.s32 $0xFFFFFF80  }
0x4a: {  	[tilespmem:s7], [sflag:$0x1] =	stream.indirect.gather [hbm4b:s5+s6], $0x80, s2, s6, $0xb8;
	[tilespmem:$0x2080] =	vst v63  }
0x4b: {  	_ =	swait.ge [sflag:s8], $0x2000  }
0x4c: {  	[sflag:s8] =	ssyncset.done $0x0  }
0x4d: {  	[sflag:s8] =	ssyncadd.s32 $0xFFFFE000  }
0x4e: {  	[hbm4b:s11+s2] =	stream.linear.scatter [tilespmem:s7], [sflag:$0x2], $0x2000, $0x38;
	[tilespmem:$0x2080] =	vst v63  }
0x4f: {  	_ =	swait.ge [sflag:s3], $0x2000  }
0x50: {  	[sflag:s3] =	ssyncset.done $0x0  }
0x51: {  	[sflag:s3] =	ssyncadd.s32 $0xFFFFE000  }
0x52: {  	[tilespmem:s2], [sflag:$0x2] =	stream.linear.gather [hbm4b:s12+s2], $0x80, $0x38;
	[tilespmem:$0x2080] =	vst v63  }
0x53: {  	_ =	swait.ge [sflag:s3], $0x80  }
0x54: {  	[sflag:s3] =	ssyncset.done $0x0  }
0x55: {  	[sflag:s3] =	ssyncadd.s32 $0xFFFFFF80  }
0x56: {  	[tilespmem:s7], [sflag:$0x1] =	stream.indirect.gather [hbm4b:s5+s6], $0x80, s2, s6, $0xb8;
	[tilespmem:$0x2080] =	vst v63  }
0x57: {  	_ =	swait.ge [sflag:s8], $0x2000  }
0x58: {  	[sflag:s8] =	ssyncset.done $0x0  }
0x59: {  	[sflag:s8] =	ssyncadd.s32 $0xFFFFE000  }
0x5a: {  	[hbm4b:s13+s2] =	stream.linear.scatter [tilespmem:s7], [sflag:$0x2], $0x2000, $0x38;
	[tilespmem:$0x2080] =	vst v63  }
0x5b: {  	_ =	swait.ge [sflag:s3], $0x2000  }
0x5c: {  	[sflag:s3] =	ssyncset.done $0x0  }
0x5d: {  	[sflag:s3] =	ssyncadd.s32 $0xFFFFE000  }
0x5e: {  	[tilespmem:s2], [sflag:$0x2] =	stream.linear.gather [hbm4b:s14+s2], $0x80, $0x38;
	[tilespmem:$0x2080] =	vst v63  }
0x5f: {  	_ =	swait.ge [sflag:s3], $0x80  }
0x60: {  	[sflag:s3] =	ssyncset.done $0x0  }
0x61: {  	[sflag:s3] =	ssyncadd.s32 $0xFFFFFF80  }
0x62: {  	[tilespmem:s7], [sflag:$0x1] =	stream.indirect.gather [hbm4b:s5+s6], $0x80, s2, s6, $0xb8;
	[tilespmem:$0x2080] =	vst v63  }
0x63: {  	_ =	swait.ge [sflag:s8], $0x2000  }
.Ltmp1:
0x64: {  	[sflag:s8] =	ssyncset.done $0x0;
	(pc) =	sbr.rel @p0 .LBB2_1-.Ltmp1, $4  }
0x65: {  	[sflag:s8] =	ssyncadd.s32 $0xFFFFE000  }
0x66: {  	[hbm4b:s15+s2] =	stream.linear.scatter [tilespmem:s7], [sflag:$0x2], $0x2000, $0x38;
	[tilespmem:$0x2080] =	vst v63  }
0x67: {  	_ =	swait.ge [sflag:s3], $0x2000  }
0x68: {  	[sflag:s3] =	ssyncset.done $0x0  }
.LBB2_2:
0x69: {  	[sflag:s3] =	ssyncadd.s32 $0xFFFFE000  }
0x6a: {  	_ =	sfence.sel $0x180000  }
0x6b: {  	[bflag:$0x0] =	sbarrier.arrive $0xFFFF  }
0x6c: {  	p0 =	sne.s32 s0, $0x0;
	_ =	strace $0x90000053  }
0x6d: {  	s0 =	sadd.s32 @!p0 $0x100000, s1;
	[bflag:$0x2] =	sbarrier.arrive $0xFFFF  }
0x6e: {  	[sflag:s0] =	ssyncadd.tile.s32 @!p0 $0x1;
	_ =	shalt  }
.Lfunc_end2:
_tile_overlayer_lowered:
.L_overlay_start_2:
0x6f: {  	(tag) =	ssettag $0x2  }
0x70: {  	s0 =	rddreg [dreg:$0x0];
	s2 =	stileid.u32  }
0x71: {  	s1 =	rddreg [dreg:$0x1];
	p0 =	sne.s32 s2, $0x0  }
0x72: {  	s3 =	rddreg [dreg:$0x2];
	[bflag:$0x3] =	sbarrier.arrive $0xFFFF;
	s2 =	simm.s32 @!p0 $0x1C02  }
0x73: {  	[timem:s3], [sflag:s2] =	dma.local @!p0 [hbm:s0], s1  }
0x74: {  	s0 =	simm.s32 @!p0 $0x2  }
0x75: {  	_ =	swait.ge @!p0 [sflag:s0], s1  }
0x76: {  	s1 =	ssub.s32 @!p0 $0x0, s1;
	[sflag:s0] =	ssyncset.done @!p0 $0x0  }
0x77: {  	[sflag:s0] =	ssyncadd.s32 @!p0 s1  }
0x78: {  	[bflag:$0x3] =	sbarrier.arrive $0xFFFF  }
0x79: {  	_ =	shalt  }

</sc_bundles>
